<compile_context>
chip_gen: v7x
topology: tpu7x:2x2x1
jax: 0.10.2.dev20260603
libtpu: 0.0.44.dev20260713+nightly
codegen_flags: <defaults>
</compile_context>

<pallas_src>
import functools

import jax
import jax.numpy as jnp
from jax import lax
from jax.experimental import pallas as pl
from jax.experimental.pallas import tpu as pltpu
from jax.experimental.pallas import tpu_sc as plsc

N = 10000
E = 320000
D = 128
G = 64
NW = 32
EPW = E // NW
CH = 80
NCH = EPW // CH
RPT = N // 16
BLK = 2000
NBLK = N // BLK

def _sc_mesh():
    return plsc.VectorSubcoreMesh(core_axis_name="c", subcore_axis_name="s",
                                  num_cores=2, num_subcores=16)


@functools.cache
def _k2_kernel():
    return pl.kernel(
        _k2_body,
        out_type=jax.ShapeDtypeStruct((2, N, D), jnp.float32),
        mesh=_sc_mesh(),
        compiler_params=pltpu.CompilerParams(use_tc_tiling_on_sc=False, needs_layout_passes=False),
        scratch_types=[
            pltpu.VMEM((2, CH), jnp.int32),
            pltpu.VMEM((2, CH), jnp.int32),
            pltpu.VMEM((2 * CH,), jnp.float32),
            pltpu.VMEM((CH, D), jnp.float32),
            pltpu.VMEM((CH, D), jnp.float32),
            pltpu.VMEM((CH, D), jnp.float32),
            pltpu.VMEM((CH, D), jnp.float32),
            pltpu.VMEM_SHARED((N, D), jnp.float32),
        ] + [pltpu.SemaphoreType.DMA] * 10,
    )


def _k2(*args):
    return _k2_kernel()(*args)


def _k2_body(y_hbm, src_hbm, dst_hbm, ew_hbm, out_hbm,
             srcr, dstr, ewr, rb0, rb1, ob0, ob1, agg_sh,
             gs0, gs1, ss0, ss1, ps0, ps1, pd0, pd1, pe0, pe1):
    c = lax.axis_index("c")
    s = lax.axis_index("s")
    w = s * 2 + c

    z16 = jnp.zeros((16,), jnp.float32)

    def zrow(i, carry):
        for f in range(D // 16):
            rb0[i, pl.ds(f * 16, 16)] = z16
        return carry

    lax.fori_loop(0, 25, zrow, 0)
    for j in range(RPT // 25):
        pltpu.sync_copy(rb0.at[pl.ds(0, 25)],
                        agg_sh.at[pl.ds(s * RPT + j * 25, 25)])
    plsc.subcore_barrier()

    rbufs = (rb0, rb1)
    obufs = (ob0, ob1)
    gsems = (gs0, gs1)
    ssems = (ss0, ss1)
    srcsems = (ps0, ps1)
    dstsems = (pd0, pd1)
    ewsems = (pe0, pe1)

    for b in range(2):
        pltpu.async_copy(src_hbm.at[w, b], srcr.at[b], srcsems[b])
        pltpu.async_copy(dst_hbm.at[w, b], dstr.at[b], dstsems[b])
        pltpu.async_copy(ew_hbm.at[w, pl.ds(b * CH, CH)],
                         ewr.at[pl.ds(b * CH, CH)], ewsems[b])
    pltpu.make_async_copy(src_hbm.at[w, 0], srcr.at[0], srcsems[0]).wait()
    pltpu.async_copy(y_hbm.at[srcr.at[0]], rb0, gs0)

    def body(i, b):
        rb, ob = rbufs[b], obufs[b]
        pltpu.make_async_copy(y_hbm.at[srcr.at[b]], rb, gsems[b]).wait()
        @pl.when(i + 2 < NCH)
        def _():
            pltpu.async_copy(src_hbm.at[w, i + 2], srcr.at[b], srcsems[b])
        @pl.when(i + 1 < NCH)
        def _():
            pltpu.make_async_copy(src_hbm.at[w, i + 1], srcr.at[1 - b],
                                  srcsems[1 - b]).wait()
            pltpu.async_copy(y_hbm.at[srcr.at[1 - b]], rbufs[1 - b],
                             gsems[1 - b])
        @pl.when(i >= 2)
        def _():
            pltpu.make_async_copy(ob, agg_sh.at[dstr.at[b]], ssems[b]).wait()
            pltpu.async_copy(dst_hbm.at[w, i], dstr.at[b], dstsems[b])
        pltpu.make_async_copy(ew_hbm.at[w, pl.ds(b * CH, CH)],
                              ewr.at[pl.ds(b * CH, CH)], ewsems[b]).wait()

        def scale(e):
            idx = lax.broadcast(b * CH + e, (16,))
            wv = plsc.load_gather(ewr, [idx])
            for f in range(D // 16):
                ob[e, pl.ds(f * 16, 16)] = rb[e, pl.ds(f * 16, 16)] * wv

        plsc.parallel_loop(0, CH, 1, unroll=4)(scale)
        pltpu.make_async_copy(dst_hbm.at[w, i], dstr.at[b], dstsems[b]).wait()
        pltpu.async_copy(ob, agg_sh.at[dstr.at[b]], ssems[b], add=True)
        @pl.when(i + 2 < NCH)
        def _():
            pltpu.async_copy(ew_hbm.at[w, pl.ds((i + 2) * CH, CH)],
                             ewr.at[pl.ds(b * CH, CH)], ewsems[b])

    def outer(j, carry):
        for b in range(2):
            body(2 * j + b, b)
        return carry

    lax.fori_loop(0, NCH // 2, outer, 0)
    body(jnp.int32(NCH - 1), 0)
    pltpu.make_async_copy(ob1, agg_sh.at[dstr.at[1]], ssems[1]).wait()
    pltpu.make_async_copy(ob0, agg_sh.at[dstr.at[0]], ssems[0]).wait()
    plsc.subcore_barrier()
    pltpu.sync_copy(agg_sh.at[pl.ds(s * RPT, RPT)],
                    out_hbm.at[c, pl.ds(s * RPT, RPT)])


def _k3_body(a0_ref, a1_ref, b_ref, b1_ref, w1_ref, w2_ref, s_ref, cnt_ref):
    p = pl.program_id(0)
    oh = (b_ref[...] == lax.broadcasted_iota(jnp.int32, (1, G), 1)
          ).astype(jnp.float32)

    @pl.when(p == 0)
    def _():
        @pl.when(pl.program_id(1) == 0)
        def _():
            cnt_ref[...] = jnp.zeros_like(cnt_ref)

        cnt_ref[...] += jnp.sum(oh, axis=0, keepdims=True)

    @pl.when(p == 1)
    def _():
        n_each = lax.dot_general(oh, cnt_ref[...], (((1,), (1,)), ((), ())),
                                 preferred_element_type=jnp.float32,
                                 precision=lax.Precision.HIGHEST)
        ninv = 1.0 / jnp.maximum(n_each, 1.0)
        a = (a0_ref[...] + a1_ref[...]) * ninv
        h = jax.nn.sigmoid(
            lax.dot_general(a, w1_ref[...], (((1,), (1,)), ((), ())),
                            preferred_element_type=jnp.float32,
                            precision=lax.Precision.HIGHEST) + b1_ref[...])
        s_ref[...] = lax.dot_general(h, w2_ref[...], (((1,), (1,)), ((), ())),
                                     preferred_element_type=jnp.float32,
                                     precision=lax.Precision.HIGHEST)


def _k3(a0, a1, batch2d, b1r, w1, w2):
    return pl.pallas_call(
        _k3_body,
        grid=(2, NBLK),
        in_specs=[
            pl.BlockSpec((BLK, D), lambda p, j: (p * j, 0)),
            pl.BlockSpec((BLK, D), lambda p, j: (p * j, 0)),
            pl.BlockSpec((BLK, 1), lambda p, j: (j, 0)),
            pl.BlockSpec((1, D), lambda p, j: (0, 0)),
            pl.BlockSpec((D, D), lambda p, j: (0, 0)),
            pl.BlockSpec((1, D), lambda p, j: (0, 0)),
        ],
        out_specs=[
            pl.BlockSpec((BLK, 1), lambda p, j: (p * j, 0)),
            pl.BlockSpec((1, G), lambda p, j: (0, 0)),
        ],
        out_shape=[
            jax.ShapeDtypeStruct((N, 1), jnp.float32),
            jax.ShapeDtypeStruct((1, G), jnp.float32),
        ],
    )(a0, a1, batch2d, b1r, w1, w2)


@functools.cache
def _k4_kernel():
    return pl.kernel(
        _k4_body,
        out_type=jax.ShapeDtypeStruct((2, G), jnp.float32),
        mesh=_sc_mesh(),
        compiler_params=pltpu.CompilerParams(use_tc_tiling_on_sc=False, needs_layout_passes=False),
        scratch_types=[
            pltpu.VMEM((N,), jnp.float32),
            pltpu.VMEM((N,), jnp.int32),
            pltpu.VMEM((EPW,), jnp.int32),
            pltpu.VMEM((EPW,), jnp.int32),
            pltpu.VMEM((EPW,), jnp.float32),
            pltpu.VMEM((2, CH), jnp.float32),
            pltpu.VMEM((2, CH), jnp.int32),
            pltpu.VMEM_SHARED((G,), jnp.float32),
            pltpu.SemaphoreType.DMA,
            pltpu.SemaphoreType.DMA,
        ],
    )


def _k4(*args):
    return _k4_kernel()(*args)


def _k4_body(s_hbm, srcf_hbm, dstf_hbm, ew_hbm, batch_hbm, out_hbm,
             sb, bb, srcb, dstb, ewb, vb, gb, pp_sh, qs0, qs1):
    c = lax.axis_index("c")
    s = lax.axis_index("s")
    w = s * 2 + c
    pltpu.sync_copy(s_hbm, sb)
    pltpu.sync_copy(batch_hbm, bb)
    pltpu.sync_copy(srcf_hbm.at[w], srcb)
    pltpu.sync_copy(dstf_hbm.at[w], dstb)
    pltpu.sync_copy(ew_hbm.at[w], ewb)

    z16 = jnp.zeros((16,), jnp.float32)
    for g in range(G // 16):
        vb[0, pl.ds(g * 16, 16)] = z16

    @pl.when(s == 0)
    def _():
        pltpu.sync_copy(vb.at[0, pl.ds(0, G)], pp_sh)

    plsc.subcore_barrier()

    qsems = (qs0, qs1)

    def bins(i, p):
        @pl.when(i >= 2)
        def _():
            pltpu.make_async_copy(vb.at[p], pp_sh.at[gb.at[p]],
                                  qsems[p]).wait()
        def grp(g, carry2):
            o = i * CH + g * 16
            src16 = srcb[pl.ds(o, 16)]
            dst16 = dstb[pl.ds(o, 16)]
            sv = plsc.load_gather(sb, [src16])
            wv = ewb[pl.ds(o, 16)]
            vb[p, pl.ds(g * 16, 16)] = sv * wv
            gb[p, pl.ds(g * 16, 16)] = plsc.load_gather(bb, [dst16])
            return carry2

        lax.fori_loop(0, CH // 16, grp, 0)
        pltpu.async_copy(vb.at[p], pp_sh.at[gb.at[p]], qsems[p], add=True)

    def chunk(j, carry):
        for p in range(2):
            bins(2 * j + p, p)
        return carry

    lax.fori_loop(0, NCH // 2, chunk, 0)
    bins(jnp.int32(NCH - 1), 0)
    pltpu.make_async_copy(vb.at[1], pp_sh.at[gb.at[1]], qsems[1]).wait()
    pltpu.make_async_copy(vb.at[0], pp_sh.at[gb.at[0]], qsems[0]).wait()
    plsc.subcore_barrier()

    @pl.when(s == 0)
    def _():
        pltpu.sync_copy(pp_sh, out_hbm.at[c])


def _k5_body(pp_ref, cnt_ref, b2_ref, o_ref):
    acc = pp_ref[...]
    t = acc[0:1, :] + acc[1:2, :]
    cnt = cnt_ref[...]
    o_ref[...] = t / jnp.maximum(cnt * cnt, 1.0) + b2_ref[...]


def _k5(pp, cnt, b2r):
    return pl.pallas_call(
        _k5_body,
        out_shape=jax.ShapeDtypeStruct((1, G), jnp.float32),
    )(pp, cnt, b2r)


def kernel(x, edge_index, edge_weight, batch, W1, b1, W2, b2):
    src = edge_index[0].astype(jnp.int32)
    dst = edge_index[1].astype(jnp.int32)
    batch1d = batch.astype(jnp.int32)
    batch2d = batch1d.reshape(N, 1)
    src_r = src.reshape(NW, NCH, CH)
    dst_r = dst.reshape(NW, NCH, CH)
    srcf = src.reshape(NW, EPW)
    dstf = dst.reshape(NW, EPW)
    ew_r = edge_weight.reshape(NW, EPW)
    b1r = b1.reshape(1, D)
    b2r = b2.reshape(1, 1)

    agg2 = _k2(x, src_r, dst_r, ew_r)
    s, cnt = _k3(agg2[0], agg2[1], batch2d, b1r, W1, W2)
    pp = _k4(s.reshape(N), srcf, dstf, ew_r, batch1d)
    p = _k5(pp, cnt, b2r)
    return p.reshape(G, 1)

# --- scband reference (transcript-rebuilt; emitter-appended) ---
"""Pipeline reference for scband-mpnn-47699906789974 (READ-ONLY COPY).

The authoritative reference and input builder live on the scoring server;
editing this copy changes nothing except your own understanding.
"""

import jax, jax.numpy as jnp
import numpy as np

N_NODES = 10000
N_EDGES = 320000
D_IN = 128
D_HID = 128
N_GRAPHS = 64


def setup_inputs(seed: int = 0) -> dict:
    key = jax.random.key(seed)
    k1, k2, k3, k4, k5, k6, k7, k8 = jax.random.split(key, 8)
    x = jax.random.normal(k1, (N_NODES, D_IN), dtype=jnp.float32)
    edge_index = jax.random.randint(k2, (2, N_EDGES), 0, N_NODES, dtype=jnp.int64)
    edge_weight = jax.random.uniform(k3, (N_EDGES,), dtype=jnp.float32)
    batch = jnp.sort(jax.random.randint(k4, (N_NODES,), 0, N_GRAPHS, dtype=jnp.int64))
    # Learned params: layer1 Linear(128->128), layer2 Linear(128->1), xavier-ish init
    s1 = float(np.sqrt(6.0 / (D_IN + D_HID)))
    W1 = jax.random.uniform(k5, (D_HID, D_IN), minval=-s1, maxval=s1, dtype=jnp.float32)
    b1 = jnp.zeros((D_HID,), dtype=jnp.float32)
    s2 = float(np.sqrt(6.0 / (D_HID + 1)))
    W2 = jax.random.uniform(k6, (1, D_HID), minval=-s2, maxval=s2, dtype=jnp.float32)
    b2 = jnp.zeros((1,), dtype=jnp.float32)
    return {"x": x, "edge_index": edge_index, "edge_weight": edge_weight, "batch": batch,
            "W1": W1, "b1": b1, "W2": W2, "b2": b2}


def reference(x, edge_index, edge_weight, batch, W1, b1, W2, b2):
    N = x.shape[0]
    counts = jnp.bincount(batch, length=N_GRAPHS).astype(jnp.float32)
    n_each = counts[batch]  # nodes-per-graph gathered per node
    src = edge_index[0]
    dst = edge_index[1]

    def mpnn_layer(h, W, b):
        msg = h[src] * edge_weight[:, None]          # gather + scale (message)
        agg = jax.ops.segment_sum(msg, dst, num_segments=N)  # scatter-add (aggr='add')
        agg = agg / n_each[:, None]
        return agg @ W.T + b

    h = jax.nn.sigmoid(mpnn_layer(x, W1, b1))
    h = mpnn_layer(h, W2, b2)
    pooled = jax.ops.segment_sum(h, batch, num_segments=N_GRAPHS) / counts[:, None]  # global_mean_pool
    return pooled

if __name__ == "__main__":
    import jax
    _d = setup_inputs()
    print(jax.jit(kernel)(*tuple(_d.values())))

</pallas_src>

<mosaic_0001>
#map = affine_map<(d0, d1) -> (0)>
#map1 = affine_map<(d0, d1) -> (0, 0)>
module attributes {stable_mosaic.version = 14 : i64} {
  func.func @_k4_body(%arg0: i32, %arg1: i32, %arg2: memref<10000xf32, #tpu.memory_space<hbm>>, %arg3: memref<32x10000xi32, #tpu.memory_space<hbm>>, %arg4: memref<32x10000xi32, #tpu.memory_space<hbm>>, %arg5: memref<32x10000xf32, #tpu.memory_space<hbm>>, %arg6: memref<10000xi32, #tpu.memory_space<hbm>>, %arg7: memref<2x64xf32, #tpu.memory_space<hbm>>, %arg8: memref<10000xf32, #tpu.memory_space<vmem>>, %arg9: memref<10000xi32, #tpu.memory_space<vmem>>, %arg10: memref<10000xi32, #tpu.memory_space<vmem>>, %arg11: memref<10000xi32, #tpu.memory_space<vmem>>, %arg12: memref<10000xf32, #tpu.memory_space<vmem>>, %arg13: memref<2x80xf32, #tpu.memory_space<vmem>>, %arg14: memref<2x80xi32, #tpu.memory_space<vmem>>, %arg15: memref<64xf32, #tpu.memory_space<vmem_shared>>, %arg16: memref<!tpu.dma_semaphore, #tpu.memory_space<semaphore_mem>>, %arg17: memref<!tpu.dma_semaphore, #tpu.memory_space<semaphore_mem>>) attributes {dimension_semantics = [#tpu.dimension_semantics<core_parallel>, #tpu.dimension_semantics<subcore_parallel>], iteration_bounds = array<i64: 2, 16>, scalar_prefetch = 0 : i64, scratch_operands = 10 : i64, tpu.core_type = #tpu.core_type<sc_vector_subcore>, window_params = [{transform_indices = #map}, {transform_indices = #map1}, {transform_indices = #map1}, {transform_indices = #map1}, {transform_indices = #map}, {transform_indices = #map1}]} {
    %mul3A = arith.constant 2 : i32
    %mul3A_0 = arith.muli %arg1, %mul3A : i32
    %add3A = arith.addi %mul3A_0, %arg0 : i32
    "tpu.region"() ({
      %run_scoped3A = tpu.sem_alloc : memref<!tpu.dma_semaphore, #tpu.memory_space<semaphore_mem>>
      tpu.enqueue_dma source(%arg2 : memref<10000xf32, #tpu.memory_space<hbm>>) target(%arg8 : memref<10000xf32, #tpu.memory_space<vmem>>) target_semaphore(%run_scoped3A : memref<!tpu.dma_semaphore, #tpu.memory_space<semaphore_mem>>)
      tpu.wait_dma2 semaphore(%run_scoped3A : memref<!tpu.dma_semaphore, #tpu.memory_space<semaphore_mem>>) src(%arg2 : memref<10000xf32, #tpu.memory_space<hbm>>) dst(%arg8 : memref<10000xf32, #tpu.memory_space<vmem>>)
      tpu.yield
    }) : () -> ()
    "tpu.region"() ({
      %run_scoped3A = tpu.sem_alloc : memref<!tpu.dma_semaphore, #tpu.memory_space<semaphore_mem>>
      tpu.enqueue_dma source(%arg6 : memref<10000xi32, #tpu.memory_space<hbm>>) target(%arg9 : memref<10000xi32, #tpu.memory_space<vmem>>) target_semaphore(%run_scoped3A : memref<!tpu.dma_semaphore, #tpu.memory_space<semaphore_mem>>)
      tpu.wait_dma2 semaphore(%run_scoped3A : memref<!tpu.dma_semaphore, #tpu.memory_space<semaphore_mem>>) src(%arg6 : memref<10000xi32, #tpu.memory_space<hbm>>) dst(%arg9 : memref<10000xi32, #tpu.memory_space<vmem>>)
      tpu.yield
    }) : () -> ()
    "tpu.region"() ({
      %run_scoped3A = tpu.sem_alloc : memref<!tpu.dma_semaphore, #tpu.memory_space<semaphore_mem>>
      %dma_start3A_70 = arith.constant 0 : i32
      %dma_start3A_71 = tpu.memref_slice %arg3[%add3A, %dma_start3A_70] : memref<32x10000xi32, #tpu.memory_space<hbm>> -> memref<1x10000xi32, #tpu.memory_space<hbm>>
      %dma_start3A_72 = tpu.memref_squeeze %dma_start3A_71 : memref<1x10000xi32, #tpu.memory_space<hbm>> -> memref<10000xi32, #tpu.memory_space<hbm>>
      %dma_start3A_73 = arith.constant 0 : i32
      %dma_start3A_74 = tpu.memref_slice %arg3[%add3A, %dma_start3A_73] : memref<32x10000xi32, #tpu.memory_space<hbm>> -> memref<1x10000xi32, #tpu.memory_space<hbm>>
      %dma_start3A_75 = tpu.memref_squeeze %dma_start3A_74 : memref<1x10000xi32, #tpu.memory_space<hbm>> -> memref<10000xi32, #tpu.memory_space<hbm>>
      tpu.enqueue_dma source(%dma_start3A_75 : memref<10000xi32, #tpu.memory_space<hbm>>) target(%arg10 : memref<10000xi32, #tpu.memory_space<vmem>>) target_semaphore(%run_scoped3A : memref<!tpu.dma_semaphore, #tpu.memory_space<semaphore_mem>>)
      %dma_wait3A_76 = arith.constant 0 : i32
      %dma_wait3A_77 = tpu.memref_slice %arg3[%add3A, %dma_wait3A_76] : memref<32x10000xi32, #tpu.memory_space<hbm>> -> memref<1x10000xi32, #tpu.memory_space<hbm>>
      %dma_wait3A_78 = tpu.memref_squeeze %dma_wait3A_77 : memref<1x10000xi32, #tpu.memory_space<hbm>> -> memref<10000xi32, #tpu.memory_space<hbm>>
      %dma_wait3A_79 = arith.constant 0 : i32
      %dma_wait3A_80 = tpu.memref_slice %arg3[%add3A, %dma_wait3A_79] : memref<32x10000xi32, #tpu.memory_space<hbm>> -> memref<1x10000xi32, #tpu.memory_space<hbm>>
      %dma_wait3A_81 = tpu.memref_squeeze %dma_wait3A_80 : memref<1x10000xi32, #tpu.memory_space<hbm>> -> memref<10000xi32, #tpu.memory_space<hbm>>
      tpu.wait_dma2 semaphore(%run_scoped3A : memref<!tpu.dma_semaphore, #tpu.memory_space<semaphore_mem>>) src(%dma_wait3A_81 : memref<10000xi32, #tpu.memory_space<hbm>>) dst(%arg10 : memref<10000xi32, #tpu.memory_space<vmem>>)
      tpu.yield
    }) : () -> ()
    "tpu.region"() ({
      %run_scoped3A = tpu.sem_alloc : memref<!tpu.dma_semaphore, #tpu.memory_space<semaphore_mem>>
      %dma_start3A_70 = arith.constant 0 : i32
      %dma_start3A_71 = tpu.memref_slice %arg4[%add3A, %dma_start3A_70] : memref<32x10000xi32, #tpu.memory_space<hbm>> -> memref<1x10000xi32, #tpu.memory_space<hbm>>
      %dma_start3A_72 = tpu.memref_squeeze %dma_start3A_71 : memref<1x10000xi32, #tpu.memory_space<hbm>> -> memref<10000xi32, #tpu.memory_space<hbm>>
      %dma_start3A_73 = arith.constant 0 : i32
      %dma_start3A_74 = tpu.memref_slice %arg4[%add3A, %dma_start3A_73] : memref<32x10000xi32, #tpu.memory_space<hbm>> -> memref<1x10000xi32, #tpu.memory_space<hbm>>
      %dma_start3A_75 = tpu.memref_squeeze %dma_start3A_74 : memref<1x10000xi32, #tpu.memory_space<hbm>> -> memref<10000xi32, #tpu.memory_space<hbm>>
      tpu.enqueue_dma source(%dma_start3A_75 : memref<10000xi32, #tpu.memory_space<hbm>>) target(%arg11 : memref<10000xi32, #tpu.memory_space<vmem>>) target_semaphore(%run_scoped3A : memref<!tpu.dma_semaphore, #tpu.memory_space<semaphore_mem>>)
      %dma_wait3A_76 = arith.constant 0 : i32
      %dma_wait3A_77 = tpu.memref_slice %arg4[%add3A, %dma_wait3A_76] : memref<32x10000xi32, #tpu.memory_space<hbm>> -> memref<1x10000xi32, #tpu.memory_space<hbm>>
      %dma_wait3A_78 = tpu.memref_squeeze %dma_wait3A_77 : memref<1x10000xi32, #tpu.memory_space<hbm>> -> memref<10000xi32, #tpu.memory_space<hbm>>
      %dma_wait3A_79 = arith.constant 0 : i32
      %dma_wait3A_80 = tpu.memref_slice %arg4[%add3A, %dma_wait3A_79] : memref<32x10000xi32, #tpu.memory_space<hbm>> -> memref<1x10000xi32, #tpu.memory_space<hbm>>
      %dma_wait3A_81 = tpu.memref_squeeze %dma_wait3A_80 : memref<1x10000xi32, #tpu.memory_space<hbm>> -> memref<10000xi32, #tpu.memory_space<hbm>>
      tpu.wait_dma2 semaphore(%run_scoped3A : memref<!tpu.dma_semaphore, #tpu.memory_space<semaphore_mem>>) src(%dma_wait3A_81 : memref<10000xi32, #tpu.memory_space<hbm>>) dst(%arg11 : memref<10000xi32, #tpu.memory_space<vmem>>)
      tpu.yield
    }) : () -> ()
    "tpu.region"() ({
      %run_scoped3A = tpu.sem_alloc : memref<!tpu.dma_semaphore, #tpu.memory_space<semaphore_mem>>
      %dma_start3A_70 = arith.constant 0 : i32
      %dma_start3A_71 = tpu.memref_slice %arg5[%add3A, %dma_start3A_70] : memref<32x10000xf32, #tpu.memory_space<hbm>> -> memref<1x10000xf32, #tpu.memory_space<hbm>>
      %dma_start3A_72 = tpu.memref_squeeze %dma_start3A_71 : memref<1x10000xf32, #tpu.memory_space<hbm>> -> memref<10000xf32, #tpu.memory_space<hbm>>
      %dma_start3A_73 = arith.constant 0 : i32
      %dma_start3A_74 = tpu.memref_slice %arg5[%add3A, %dma_start3A_73] : memref<32x10000xf32, #tpu.memory_space<hbm>> -> memref<1x10000xf32, #tpu.memory_space<hbm>>
      %dma_start3A_75 = tpu.memref_squeeze %dma_start3A_74 : memref<1x10000xf32, #tpu.memory_space<hbm>> -> memref<10000xf32, #tpu.memory_space<hbm>>
      tpu.enqueue_dma source(%dma_start3A_75 : memref<10000xf32, #tpu.memory_space<hbm>>) target(%arg12 : memref<10000xf32, #tpu.memory_space<vmem>>) target_semaphore(%run_scoped3A : memref<!tpu.dma_semaphore, #tpu.memory_space<semaphore_mem>>)
      %dma_wait3A_76 = arith.constant 0 : i32
      %dma_wait3A_77 = tpu.memref_slice %arg5[%add3A, %dma_wait3A_76] : memref<32x10000xf32, #tpu.memory_space<hbm>> -> memref<1x10000xf32, #tpu.memory_space<hbm>>
      %dma_wait3A_78 = tpu.memref_squeeze %dma_wait3A_77 : memref<1x10000xf32, #tpu.memory_space<hbm>> -> memref<10000xf32, #tpu.memory_space<hbm>>
      %dma_wait3A_79 = arith.constant 0 : i32
      %dma_wait3A_80 = tpu.memref_slice %arg5[%add3A, %dma_wait3A_79] : memref<32x10000xf32, #tpu.memory_space<hbm>> -> memref<1x10000xf32, #tpu.memory_space<hbm>>
      %dma_wait3A_81 = tpu.memref_squeeze %dma_wait3A_80 : memref<1x10000xf32, #tpu.memory_space<hbm>> -> memref<10000xf32, #tpu.memory_space<hbm>>
      tpu.wait_dma2 semaphore(%run_scoped3A : memref<!tpu.dma_semaphore, #tpu.memory_space<semaphore_mem>>) src(%dma_wait3A_81 : memref<10000xf32, #tpu.memory_space<hbm>>) dst(%arg12 : memref<10000xf32, #tpu.memory_space<vmem>>)
      tpu.yield
    }) : () -> ()
    %broadcast_in_dim3A = arith.constant 0.000000e+00 : f32
    %broadcast_in_dim3A_1 = vector.broadcast %broadcast_in_dim3A : f32 to vector<16xf32>
    %swap3A = arith.constant 0 : i32
    %swap3A_2 = arith.index_cast %swap3A : i32 to index
    %swap3A_3 = arith.constant 0 : index
    %swap3A_4 = tpu.vector_load %arg13[%swap3A_2, %swap3A_3] {strides = array<i32>} : memref<2x80xf32, #tpu.memory_space<vmem>>, vector<16xf32>,
    tpu.vector_store %arg13[%swap3A_2, %swap3A_3], %broadcast_in_dim3A_1 {strides = array<i32>} : memref<2x80xf32, #tpu.memory_space<vmem>>, vector<16xf32>,
    %swap3A_5 = arith.constant 0 : i32
    %swap3A_6 = arith.index_cast %swap3A_5 : i32 to index
    %swap3A_7 = arith.constant 16 : index
    %swap3A_8 = tpu.vector_load %arg13[%swap3A_6, %swap3A_7] {strides = array<i32>} : memref<2x80xf32, #tpu.memory_space<vmem>>, vector<16xf32>,
    tpu.vector_store %arg13[%swap3A_6, %swap3A_7], %broadcast_in_dim3A_1 {strides = array<i32>} : memref<2x80xf32, #tpu.memory_space<vmem>>, vector<16xf32>,
    %swap3A_9 = arith.constant 0 : i32
    %swap3A_10 = arith.index_cast %swap3A_9 : i32 to index
    %swap3A_11 = arith.constant 32 : index
    %swap3A_12 = tpu.vector_load %arg13[%swap3A_10, %swap3A_11] {strides = array<i32>} : memref<2x80xf32, #tpu.memory_space<vmem>>, vector<16xf32>,
    tpu.vector_store %arg13[%swap3A_10, %swap3A_11], %broadcast_in_dim3A_1 {strides = array<i32>} : memref<2x80xf32, #tpu.memory_space<vmem>>, vector<16xf32>,
    %swap3A_13 = arith.constant 0 : i32
    %swap3A_14 = arith.index_cast %swap3A_13 : i32 to index
    %swap3A_15 = arith.constant 48 : index
    %swap3A_16 = tpu.vector_load %arg13[%swap3A_14, %swap3A_15] {strides = array<i32>} : memref<2x80xf32, #tpu.memory_space<vmem>>, vector<16xf32>,
    tpu.vector_store %arg13[%swap3A_14, %swap3A_15], %broadcast_in_dim3A_1 {strides = array<i32>} : memref<2x80xf32, #tpu.memory_space<vmem>>, vector<16xf32>,
    %eq3A = arith.constant 0 : i32
    %eq3A_17 = arith.cmpi eq, %arg1, %eq3A : i32
    %convert_element_type3A = arith.extui %eq3A_17 : i1 to i32
    %cond3A = arith.constant 0 : i32
    %cond3A_18 = arith.cmpi ne, %convert_element_type3A, %cond3A : i32
    scf.if %cond3A_18 {
      %run_scoped3A = arith.constant 0 : i32
      "tpu.region"() ({
        %run_scoped3A_70 = tpu.sem_alloc : memref<!tpu.dma_semaphore, #tpu.memory_space<semaphore_mem>>
        %dma_start3A_71 = arith.constant 0 : i32
        %dma_start3A_72 = tpu.memref_slice %arg13[%run_scoped3A, %dma_start3A_71] : memref<2x80xf32, #tpu.memory_space<vmem>> -> memref<1x64xf32, #tpu.memory_space<vmem>>
        %dma_start3A_73 = tpu.memref_squeeze %dma_start3A_72 : memref<1x64xf32, #tpu.memory_space<vmem>> -> memref<64xf32, #tpu.memory_space<vmem>>
        %dma_start3A_74 = arith.constant 0 : i32
        %dma_start3A_75 = tpu.memref_slice %arg13[%run_scoped3A, %dma_start3A_74] : memref<2x80xf32, #tpu.memory_space<vmem>> -> memref<1x64xf32, #tpu.memory_space<vmem>>
        %dma_start3A_76 = tpu.memref_squeeze %dma_start3A_75 : memref<1x64xf32, #tpu.memory_space<vmem>> -> memref<64xf32, #tpu.memory_space<vmem>>
        tpu.enqueue_dma source(%dma_start3A_76 : memref<64xf32, #tpu.memory_space<vmem>>) target(%arg15 : memref<64xf32, #tpu.memory_space<vmem_shared>>) target_semaphore(%run_scoped3A_70 : memref<!tpu.dma_semaphore, #tpu.memory_space<semaphore_mem>>)
        %dma_wait3A_77 = arith.constant 0 : i32
        %dma_wait3A_78 = tpu.memref_slice %arg13[%run_scoped3A, %dma_wait3A_77] : memref<2x80xf32, #tpu.memory_space<vmem>> -> memref<1x64xf32, #tpu.memory_space<vmem>>
        %dma_wait3A_79 = tpu.memref_squeeze %dma_wait3A_78 : memref<1x64xf32, #tpu.memory_space<vmem>> -> memref<64xf32, #tpu.memory_space<vmem>>
        %dma_wait3A_80 = arith.constant 0 : i32
        %dma_wait3A_81 = tpu.memref_slice %arg13[%run_scoped3A, %dma_wait3A_80] : memref<2x80xf32, #tpu.memory_space<vmem>> -> memref<1x64xf32, #tpu.memory_space<vmem>>
        %dma_wait3A_82 = tpu.memref_squeeze %dma_wait3A_81 : memref<1x64xf32, #tpu.memory_space<vmem>> -> memref<64xf32, #tpu.memory_space<vmem>>
        tpu.wait_dma2 semaphore(%run_scoped3A_70 : memref<!tpu.dma_semaphore, #tpu.memory_space<semaphore_mem>>) src(%dma_wait3A_82 : memref<64xf32, #tpu.memory_space<vmem>>) dst(%arg15 : memref<64xf32, #tpu.memory_space<vmem_shared>>)
        tpu.yield
      }) : () -> ()
    } else {
    }
    %barrier3A = arith.constant 0 : index
    tpu.barrier barrier_id(%barrier3A)
    %scan3A = arith.constant 0 : i32
    %scan3A_19 = arith.constant 0 : i32
    %scan3A_20 = arith.constant 62 : i32
    %scan3A_21 = arith.addi %scan3A_19, %scan3A_20 : i32
    %scan3A_22 = arith.constant 1 : i32
    scf.for %scan3A_70 = %scan3A_19 to %scan3A_21 step %scan3A_22  : i32 {
      %mul3A_71 = arith.constant 2 : i32
      %mul3A_72 = arith.muli %mul3A_71, %scan3A_70 : i32
      %add3A_73 = arith.constant 0 : i32
      %add3A_74 = arith.addi %mul3A_72, %add3A_73 : i32
      %ge3A_75 = arith.constant 2 : i32
      %ge3A_76 = arith.cmpi sge, %add3A_74, %ge3A_75 : i32
      %convert_element_type3A_77 = arith.extui %ge3A_76 : i1 to i32
      %cond3A_78 = arith.constant 0 : i32
      %cond3A_79 = arith.cmpi ne, %convert_element_type3A_77, %cond3A_78 : i32
      scf.if %cond3A_79 {
        %dma_wait3A_121 = arith.constant 0 : i32
        %dma_wait3A_122 = arith.constant 0 : i32
        %dma_wait3A_123 = arith.constant 0 : i32
        %dma_wait3A_124 = tpu.memref_slice %arg13[%dma_wait3A_121, %dma_wait3A_123] : memref<2x80xf32, #tpu.memory_space<vmem>> -> memref<1x80xf32, #tpu.memory_space<vmem>>
        %dma_wait3A_125 = tpu.memref_squeeze %dma_wait3A_124 : memref<1x80xf32, #tpu.memory_space<vmem>> -> memref<80xf32, #tpu.memory_space<vmem>>
        %dma_wait3A_126 = arith.constant 0 : i32
        %dma_wait3A_127 = tpu.memref_slice %arg14[%dma_wait3A_122, %dma_wait3A_126] : memref<2x80xi32, #tpu.memory_space<vmem>> -> memref<1x80xi32, #tpu.memory_space<vmem>>
        %dma_wait3A_128 = tpu.memref_squeeze %dma_wait3A_127 : memref<1x80xi32, #tpu.memory_space<vmem>> -> memref<80xi32, #tpu.memory_space<vmem>>
        %dma_wait3A_129 = arith.constant 0 : i32
        %dma_wait3A_130 = tpu.memref_slice %arg15[%dma_wait3A_129] : memref<64xf32, #tpu.memory_space<vmem_shared>> -> memref<64xf32, #tpu.memory_space<vmem_shared>>
        tpu.wait_indirect_dma semaphore(%arg16 : memref<!tpu.dma_semaphore, #tpu.memory_space<semaphore_mem>>) src(%dma_wait3A_125 : memref<80xf32, #tpu.memory_space<vmem>>) dst(%dma_wait3A_130 : memref<64xf32, #tpu.memory_space<vmem_shared>>)
      } else {
      }
      %scan3A_80 = arith.constant 0 : i32
      %scan3A_81 = arith.constant 0 : i32
      %scan3A_82 = arith.constant 5 : i32
      %scan3A_83 = arith.addi %scan3A_81, %scan3A_82 : i32
      %scan3A_84 = arith.constant 1 : i32
      scf.for %scan3A_121 = %scan3A_81 to %scan3A_83 step %scan3A_84  : i32 {
        %mul3A_122 = arith.constant 80 : i32
        %mul3A_123 = arith.muli %add3A_74, %mul3A_122 : i32
        %mul3A_124 = arith.constant 16 : i32
        %mul3A_125 = arith.muli %scan3A_121, %mul3A_124 : i32
        %add3A_126 = arith.addi %mul3A_123, %mul3A_125 : i32
        %get3A = arith.index_cast %add3A_126 : i32 to index
        %get3A_127 = tpu.vector_load %arg10[%get3A] {strides = array<i32>} : memref<10000xi32, #tpu.memory_space<vmem>>, vector<16xi32>,
        %get3A_128 = arith.index_cast %add3A_126 : i32 to index
        %get3A_129 = tpu.vector_load %arg11[%get3A_128] {strides = array<i32>} : memref<10000xi32, #tpu.memory_space<vmem>>, vector<16xi32>,
        %gather3A = tpu.vector_load_idx %arg8[%get3A_127] : memref<10000xf32, #tpu.memory_space<vmem>>[vector<16xi32>], vector<16xf32>,
        %get3A_130 = arith.index_cast %add3A_126 : i32 to index
        %get3A_131 = tpu.vector_load %arg12[%get3A_130] {strides = array<i32>} : memref<10000xf32, #tpu.memory_space<vmem>>, vector<16xf32>,
        %mul3A_132 = arith.mulf %gather3A, %get3A_131 : vector<16xf32>
        %mul3A_133 = arith.constant 16 : i32
        %mul3A_134 = arith.muli %scan3A_121, %mul3A_133 : i32
        %swap3A_135 = arith.constant 0 : i32
        %swap3A_136 = arith.index_cast %swap3A_135 : i32 to index
        %swap3A_137 = arith.index_cast %mul3A_134 : i32 to index
        %swap3A_138 = tpu.vector_load %arg13[%swap3A_136, %swap3A_137] {strides = array<i32>} : memref<2x80xf32, #tpu.memory_space<vmem>>, vector<16xf32>,
        tpu.vector_store %arg13[%swap3A_136, %swap3A_137], %mul3A_132 {strides = array<i32>} : memref<2x80xf32, #tpu.memory_space<vmem>>, vector<16xf32>,
        %gather3A_139 = tpu.vector_load_idx %arg9[%get3A_129] : memref<10000xi32, #tpu.memory_space<vmem>>[vector<16xi32>], vector<16xi32>,
        %mul3A_140 = arith.constant 16 : i32
        %mul3A_141 = arith.muli %scan3A_121, %mul3A_140 : i32
        %swap3A_142 = arith.constant 0 : i32
        %swap3A_143 = arith.index_cast %swap3A_142 : i32 to index
        %swap3A_144 = arith.index_cast %mul3A_141 : i32 to index
        %swap3A_145 = tpu.vector_load %arg14[%swap3A_143, %swap3A_144] {strides = array<i32>} : memref<2x80xi32, #tpu.memory_space<vmem>>, vector<16xi32>,
        tpu.vector_store %arg14[%swap3A_143, %swap3A_144], %gather3A_139 {strides = array<i32>} : memref<2x80xi32, #tpu.memory_space<vmem>>, vector<16xi32>,
      }
      %scan3A_85 = arith.constant 5 : i32
      %dma_start3A_86 = arith.constant 0 : i32
      %dma_start3A_87 = arith.constant 0 : i32
      %dma_start3A_88 = arith.constant 0 : i32
      %dma_start3A_89 = tpu.memref_slice %arg13[%dma_start3A_86, %dma_start3A_88] : memref<2x80xf32, #tpu.memory_space<vmem>> -> memref<1x80xf32, #tpu.memory_space<vmem>>
      %dma_start3A_90 = tpu.memref_squeeze %dma_start3A_89 : memref<1x80xf32, #tpu.memory_space<vmem>> -> memref<80xf32, #tpu.memory_space<vmem>>
      %dma_start3A_91 = arith.constant 0 : i32
      %dma_start3A_92 = tpu.memref_slice %arg14[%dma_start3A_87, %dma_start3A_91] : memref<2x80xi32, #tpu.memory_space<vmem>> -> memref<1x80xi32, #tpu.memory_space<vmem>>
      %dma_start3A_93 = tpu.memref_squeeze %dma_start3A_92 : memref<1x80xi32, #tpu.memory_space<vmem>> -> memref<80xi32, #tpu.memory_space<vmem>>
      %dma_start3A_94 = arith.constant 0 : i32
      %dma_start3A_95 = tpu.memref_slice %arg15[%dma_start3A_94] : memref<64xf32, #tpu.memory_space<vmem_shared>> -> memref<64xf32, #tpu.memory_space<vmem_shared>>
      tpu.enqueue_indirect_dma source(%dma_start3A_90 : memref<80xf32, #tpu.memory_space<vmem>>) target(%dma_start3A_95 : memref<64xf32, #tpu.memory_space<vmem_shared>>) offsets(%dma_start3A_93 : memref<80xi32, #tpu.memory_space<vmem>>) semaphore(%arg16 : memref<!tpu.dma_semaphore, #tpu.memory_space<semaphore_mem>>) {add = true}
      %mul3A_96 = arith.constant 2 : i32
      %mul3A_97 = arith.muli %mul3A_96, %scan3A_70 : i32
      %add3A_98 = arith.constant 1 : i32
      %add3A_99 = arith.addi %mul3A_97, %add3A_98 : i32
      %ge3A_100 = arith.constant 2 : i32
      %ge3A_101 = arith.cmpi sge, %add3A_99, %ge3A_100 : i32
      %convert_element_type3A_102 = arith.extui %ge3A_101 : i1 to i32
      %cond3A_103 = arith.constant 0 : i32
      %cond3A_104 = arith.cmpi ne, %convert_element_type3A_102, %cond3A_103 : i32
      scf.if %cond3A_104 {
        %dma_wait3A_121 = arith.constant 1 : i32
        %dma_wait3A_122 = arith.constant 1 : i32
        %dma_wait3A_123 = arith.constant 0 : i32
        %dma_wait3A_124 = tpu.memref_slice %arg13[%dma_wait3A_121, %dma_wait3A_123] : memref<2x80xf32, #tpu.memory_space<vmem>> -> memref<1x80xf32, #tpu.memory_space<vmem>>
        %dma_wait3A_125 = tpu.memref_squeeze %dma_wait3A_124 : memref<1x80xf32, #tpu.memory_space<vmem>> -> memref<80xf32, #tpu.memory_space<vmem>>
        %dma_wait3A_126 = arith.constant 0 : i32
        %dma_wait3A_127 = tpu.memref_slice %arg14[%dma_wait3A_122, %dma_wait3A_126] : memref<2x80xi32, #tpu.memory_space<vmem>> -> memref<1x80xi32, #tpu.memory_space<vmem>>
        %dma_wait3A_128 = tpu.memref_squeeze %dma_wait3A_127 : memref<1x80xi32, #tpu.memory_space<vmem>> -> memref<80xi32, #tpu.memory_space<vmem>>
        %dma_wait3A_129 = arith.constant 0 : i32
        %dma_wait3A_130 = tpu.memref_slice %arg15[%dma_wait3A_129] : memref<64xf32, #tpu.memory_space<vmem_shared>> -> memref<64xf32, #tpu.memory_space<vmem_shared>>
        tpu.wait_indirect_dma semaphore(%arg17 : memref<!tpu.dma_semaphore, #tpu.memory_space<semaphore_mem>>) src(%dma_wait3A_125 : memref<80xf32, #tpu.memory_space<vmem>>) dst(%dma_wait3A_130 : memref<64xf32, #tpu.memory_space<vmem_shared>>)
      } else {
      }
      %scan3A_105 = arith.constant 0 : i32
      %scan3A_106 = arith.constant 0 : i32
      %scan3A_107 = arith.constant 5 : i32
      %scan3A_108 = arith.addi %scan3A_106, %scan3A_107 : i32
      %scan3A_109 = arith.constant 1 : i32
      scf.for %scan3A_121 = %scan3A_106 to %scan3A_108 step %scan3A_109  : i32 {
        %mul3A_122 = arith.constant 80 : i32
        %mul3A_123 = arith.muli %add3A_99, %mul3A_122 : i32
        %mul3A_124 = arith.constant 16 : i32
        %mul3A_125 = arith.muli %scan3A_121, %mul3A_124 : i32
        %add3A_126 = arith.addi %mul3A_123, %mul3A_125 : i32
        %get3A = arith.index_cast %add3A_126 : i32 to index
        %get3A_127 = tpu.vector_load %arg10[%get3A] {strides = array<i32>} : memref<10000xi32, #tpu.memory_space<vmem>>, vector<16xi32>,
        %get3A_128 = arith.index_cast %add3A_126 : i32 to index
        %get3A_129 = tpu.vector_load %arg11[%get3A_128] {strides = array<i32>} : memref<10000xi32, #tpu.memory_space<vmem>>, vector<16xi32>,
        %gather3A = tpu.vector_load_idx %arg8[%get3A_127] : memref<10000xf32, #tpu.memory_space<vmem>>[vector<16xi32>], vector<16xf32>,
        %get3A_130 = arith.index_cast %add3A_126 : i32 to index
        %get3A_131 = tpu.vector_load %arg12[%get3A_130] {strides = array<i32>} : memref<10000xf32, #tpu.memory_space<vmem>>, vector<16xf32>,
        %mul3A_132 = arith.mulf %gather3A, %get3A_131 : vector<16xf32>
        %mul3A_133 = arith.constant 16 : i32
        %mul3A_134 = arith.muli %scan3A_121, %mul3A_133 : i32
        %swap3A_135 = arith.constant 1 : i32
        %swap3A_136 = arith.index_cast %swap3A_135 : i32 to index
        %swap3A_137 = arith.index_cast %mul3A_134 : i32 to index
        %swap3A_138 = tpu.vector_load %arg13[%swap3A_136, %swap3A_137] {strides = array<i32>} : memref<2x80xf32, #tpu.memory_space<vmem>>, vector<16xf32>,
        tpu.vector_store %arg13[%swap3A_136, %swap3A_137], %mul3A_132 {strides = array<i32>} : memref<2x80xf32, #tpu.memory_space<vmem>>, vector<16xf32>,
        %gather3A_139 = tpu.vector_load_idx %arg9[%get3A_129] : memref<10000xi32, #tpu.memory_space<vmem>>[vector<16xi32>], vector<16xi32>,
        %mul3A_140 = arith.constant 16 : i32
        %mul3A_141 = arith.muli %scan3A_121, %mul3A_140 : i32
        %swap3A_142 = arith.constant 1 : i32
        %swap3A_143 = arith.index_cast %swap3A_142 : i32 to index
        %swap3A_144 = arith.index_cast %mul3A_141 : i32 to index
        %swap3A_145 = tpu.vector_load %arg14[%swap3A_143, %swap3A_144] {strides = array<i32>} : memref<2x80xi32, #tpu.memory_space<vmem>>, vector<16xi32>,
        tpu.vector_store %arg14[%swap3A_143, %swap3A_144], %gather3A_139 {strides = array<i32>} : memref<2x80xi32, #tpu.memory_space<vmem>>, vector<16xi32>,
      }
      %scan3A_110 = arith.constant 5 : i32
      %dma_start3A_111 = arith.constant 1 : i32
      %dma_start3A_112 = arith.constant 1 : i32
      %dma_start3A_113 = arith.constant 0 : i32
      %dma_start3A_114 = tpu.memref_slice %arg13[%dma_start3A_111, %dma_start3A_113] : memref<2x80xf32, #tpu.memory_space<vmem>> -> memref<1x80xf32, #tpu.memory_space<vmem>>
      %dma_start3A_115 = tpu.memref_squeeze %dma_start3A_114 : memref<1x80xf32, #tpu.memory_space<vmem>> -> memref<80xf32, #tpu.memory_space<vmem>>
      %dma_start3A_116 = arith.constant 0 : i32
      %dma_start3A_117 = tpu.memref_slice %arg14[%dma_start3A_112, %dma_start3A_116] : memref<2x80xi32, #tpu.memory_space<vmem>> -> memref<1x80xi32, #tpu.memory_space<vmem>>
      %dma_start3A_118 = tpu.memref_squeeze %dma_start3A_117 : memref<1x80xi32, #tpu.memory_space<vmem>> -> memref<80xi32, #tpu.memory_space<vmem>>
      %dma_start3A_119 = arith.constant 0 : i32
      %dma_start3A_120 = tpu.memref_slice %arg15[%dma_start3A_119] : memref<64xf32, #tpu.memory_space<vmem_shared>> -> memref<64xf32, #tpu.memory_space<vmem_shared>>
      tpu.enqueue_indirect_dma source(%dma_start3A_115 : memref<80xf32, #tpu.memory_space<vmem>>) target(%dma_start3A_120 : memref<64xf32, #tpu.memory_space<vmem_shared>>) offsets(%dma_start3A_118 : memref<80xi32, #tpu.memory_space<vmem>>) semaphore(%arg17 : memref<!tpu.dma_semaphore, #tpu.memory_space<semaphore_mem>>) {add = true}
    }
    %scan3A_23 = arith.constant 62 : i32
    %ge3A = arith.constant 124 : i32
    %ge3A_24 = arith.constant 2 : i32
    %ge3A_25 = arith.cmpi sge, %ge3A, %ge3A_24 : i32
    %convert_element_type3A_26 = arith.extui %ge3A_25 : i1 to i32
    %cond3A_27 = arith.constant 0 : i32
    %cond3A_28 = arith.cmpi ne, %convert_element_type3A_26, %cond3A_27 : i32
    scf.if %cond3A_28 {
      %dma_wait3A_70 = arith.constant 0 : i32
      %dma_wait3A_71 = arith.constant 0 : i32
      %dma_wait3A_72 = arith.constant 0 : i32
      %dma_wait3A_73 = tpu.memref_slice %arg13[%dma_wait3A_70, %dma_wait3A_72] : memref<2x80xf32, #tpu.memory_space<vmem>> -> memref<1x80xf32, #tpu.memory_space<vmem>>
      %dma_wait3A_74 = tpu.memref_squeeze %dma_wait3A_73 : memref<1x80xf32, #tpu.memory_space<vmem>> -> memref<80xf32, #tpu.memory_space<vmem>>
      %dma_wait3A_75 = arith.constant 0 : i32
      %dma_wait3A_76 = tpu.memref_slice %arg14[%dma_wait3A_71, %dma_wait3A_75] : memref<2x80xi32, #tpu.memory_space<vmem>> -> memref<1x80xi32, #tpu.memory_space<vmem>>
      %dma_wait3A_77 = tpu.memref_squeeze %dma_wait3A_76 : memref<1x80xi32, #tpu.memory_space<vmem>> -> memref<80xi32, #tpu.memory_space<vmem>>
      %dma_wait3A_78 = arith.constant 0 : i32
      %dma_wait3A_79 = tpu.memref_slice %arg15[%dma_wait3A_78] : memref<64xf32, #tpu.memory_space<vmem_shared>> -> memref<64xf32, #tpu.memory_space<vmem_shared>>
      tpu.wait_indirect_dma semaphore(%arg16 : memref<!tpu.dma_semaphore, #tpu.memory_space<semaphore_mem>>) src(%dma_wait3A_74 : memref<80xf32, #tpu.memory_space<vmem>>) dst(%dma_wait3A_79 : memref<64xf32, #tpu.memory_space<vmem_shared>>)
    } else {
    }
    %scan3A_29 = arith.constant 0 : i32
    %scan3A_30 = arith.constant 124 : i32
    %scan3A_31 = arith.constant 0 : i32
    %scan3A_32 = arith.constant 5 : i32
    %scan3A_33 = arith.addi %scan3A_31, %scan3A_32 : i32
    %scan3A_34 = arith.constant 1 : i32
    scf.for %scan3A_70 = %scan3A_31 to %scan3A_33 step %scan3A_34  : i32 {
      %mul3A_71 = arith.constant 80 : i32
      %mul3A_72 = arith.muli %scan3A_30, %mul3A_71 : i32
      %mul3A_73 = arith.constant 16 : i32
      %mul3A_74 = arith.muli %scan3A_70, %mul3A_73 : i32
      %add3A_75 = arith.addi %mul3A_72, %mul3A_74 : i32
      %get3A = arith.index_cast %add3A_75 : i32 to index
      %get3A_76 = tpu.vector_load %arg10[%get3A] {strides = array<i32>} : memref<10000xi32, #tpu.memory_space<vmem>>, vector<16xi32>,
      %get3A_77 = arith.index_cast %add3A_75 : i32 to index
      %get3A_78 = tpu.vector_load %arg11[%get3A_77] {strides = array<i32>} : memref<10000xi32, #tpu.memory_space<vmem>>, vector<16xi32>,
      %gather3A = tpu.vector_load_idx %arg8[%get3A_76] : memref<10000xf32, #tpu.memory_space<vmem>>[vector<16xi32>], vector<16xf32>,
      %get3A_79 = arith.index_cast %add3A_75 : i32 to index
      %get3A_80 = tpu.vector_load %arg12[%get3A_79] {strides = array<i32>} : memref<10000xf32, #tpu.memory_space<vmem>>, vector<16xf32>,
      %mul3A_81 = arith.mulf %gather3A, %get3A_80 : vector<16xf32>
      %mul3A_82 = arith.constant 16 : i32
      %mul3A_83 = arith.muli %scan3A_70, %mul3A_82 : i32
      %swap3A_84 = arith.constant 0 : i32
      %swap3A_85 = arith.index_cast %swap3A_84 : i32 to index
      %swap3A_86 = arith.index_cast %mul3A_83 : i32 to index
      %swap3A_87 = tpu.vector_load %arg13[%swap3A_85, %swap3A_86] {strides = array<i32>} : memref<2x80xf32, #tpu.memory_space<vmem>>, vector<16xf32>,
      tpu.vector_store %arg13[%swap3A_85, %swap3A_86], %mul3A_81 {strides = array<i32>} : memref<2x80xf32, #tpu.memory_space<vmem>>, vector<16xf32>,
      %gather3A_88 = tpu.vector_load_idx %arg9[%get3A_78] : memref<10000xi32, #tpu.memory_space<vmem>>[vector<16xi32>], vector<16xi32>,
      %mul3A_89 = arith.constant 16 : i32
      %mul3A_90 = arith.muli %scan3A_70, %mul3A_89 : i32
      %swap3A_91 = arith.constant 0 : i32
      %swap3A_92 = arith.index_cast %swap3A_91 : i32 to index
      %swap3A_93 = arith.index_cast %mul3A_90 : i32 to index
      %swap3A_94 = tpu.vector_load %arg14[%swap3A_92, %swap3A_93] {strides = array<i32>} : memref<2x80xi32, #tpu.memory_space<vmem>>, vector<16xi32>,
      tpu.vector_store %arg14[%swap3A_92, %swap3A_93], %gather3A_88 {strides = array<i32>} : memref<2x80xi32, #tpu.memory_space<vmem>>, vector<16xi32>,
    }
    %scan3A_35 = arith.constant 5 : i32
    %dma_start3A = arith.constant 0 : i32
    %dma_start3A_36 = arith.constant 0 : i32
    %dma_start3A_37 = arith.constant 0 : i32
    %dma_start3A_38 = tpu.memref_slice %arg13[%dma_start3A, %dma_start3A_37] : memref<2x80xf32, #tpu.memory_space<vmem>> -> memref<1x80xf32, #tpu.memory_space<vmem>>
    %dma_start3A_39 = tpu.memref_squeeze %dma_start3A_38 : memref<1x80xf32, #tpu.memory_space<vmem>> -> memref<80xf32, #tpu.memory_space<vmem>>
    %dma_start3A_40 = arith.constant 0 : i32
    %dma_start3A_41 = tpu.memref_slice %arg14[%dma_start3A_36, %dma_start3A_40] : memref<2x80xi32, #tpu.memory_space<vmem>> -> memref<1x80xi32, #tpu.memory_space<vmem>>
    %dma_start3A_42 = tpu.memref_squeeze %dma_start3A_41 : memref<1x80xi32, #tpu.memory_space<vmem>> -> memref<80xi32, #tpu.memory_space<vmem>>
    %dma_start3A_43 = arith.constant 0 : i32
    %dma_start3A_44 = tpu.memref_slice %arg15[%dma_start3A_43] : memref<64xf32, #tpu.memory_space<vmem_shared>> -> memref<64xf32, #tpu.memory_space<vmem_shared>>
    tpu.enqueue_indirect_dma source(%dma_start3A_39 : memref<80xf32, #tpu.memory_space<vmem>>) target(%dma_start3A_44 : memref<64xf32, #tpu.memory_space<vmem_shared>>) offsets(%dma_start3A_42 : memref<80xi32, #tpu.memory_space<vmem>>) semaphore(%arg16 : memref<!tpu.dma_semaphore, #tpu.memory_space<semaphore_mem>>) {add = true}
    %dma_wait3A = arith.constant 1 : i32
    %dma_wait3A_45 = arith.constant 1 : i32
    %dma_wait3A_46 = arith.constant 0 : i32
    %dma_wait3A_47 = tpu.memref_slice %arg13[%dma_wait3A, %dma_wait3A_46] : memref<2x80xf32, #tpu.memory_space<vmem>> -> memref<1x80xf32, #tpu.memory_space<vmem>>
    %dma_wait3A_48 = tpu.memref_squeeze %dma_wait3A_47 : memref<1x80xf32, #tpu.memory_space<vmem>> -> memref<80xf32, #tpu.memory_space<vmem>>
    %dma_wait3A_49 = arith.constant 0 : i32
    %dma_wait3A_50 = tpu.memref_slice %arg14[%dma_wait3A_45, %dma_wait3A_49] : memref<2x80xi32, #tpu.memory_space<vmem>> -> memref<1x80xi32, #tpu.memory_space<vmem>>
    %dma_wait3A_51 = tpu.memref_squeeze %dma_wait3A_50 : memref<1x80xi32, #tpu.memory_space<vmem>> -> memref<80xi32, #tpu.memory_space<vmem>>
    %dma_wait3A_52 = arith.constant 0 : i32
    %dma_wait3A_53 = tpu.memref_slice %arg15[%dma_wait3A_52] : memref<64xf32, #tpu.memory_space<vmem_shared>> -> memref<64xf32, #tpu.memory_space<vmem_shared>>
    tpu.wait_indirect_dma semaphore(%arg17 : memref<!tpu.dma_semaphore, #tpu.memory_space<semaphore_mem>>) src(%dma_wait3A_48 : memref<80xf32, #tpu.memory_space<vmem>>) dst(%dma_wait3A_53 : memref<64xf32, #tpu.memory_space<vmem_shared>>)
    %dma_wait3A_54 = arith.constant 0 : i32
    %dma_wait3A_55 = arith.constant 0 : i32
    %dma_wait3A_56 = arith.constant 0 : i32
    %dma_wait3A_57 = tpu.memref_slice %arg13[%dma_wait3A_54, %dma_wait3A_56] : memref<2x80xf32, #tpu.memory_space<vmem>> -> memref<1x80xf32, #tpu.memory_space<vmem>>
    %dma_wait3A_58 = tpu.memref_squeeze %dma_wait3A_57 : memref<1x80xf32, #tpu.memory_space<vmem>> -> memref<80xf32, #tpu.memory_space<vmem>>
    %dma_wait3A_59 = arith.constant 0 : i32
    %dma_wait3A_60 = tpu.memref_slice %arg14[%dma_wait3A_55, %dma_wait3A_59] : memref<2x80xi32, #tpu.memory_space<vmem>> -> memref<1x80xi32, #tpu.memory_space<vmem>>
    %dma_wait3A_61 = tpu.memref_squeeze %dma_wait3A_60 : memref<1x80xi32, #tpu.memory_space<vmem>> -> memref<80xi32, #tpu.memory_space<vmem>>
    %dma_wait3A_62 = arith.constant 0 : i32
    %dma_wait3A_63 = tpu.memref_slice %arg15[%dma_wait3A_62] : memref<64xf32, #tpu.memory_space<vmem_shared>> -> memref<64xf32, #tpu.memory_space<vmem_shared>>
    tpu.wait_indirect_dma semaphore(%arg16 : memref<!tpu.dma_semaphore, #tpu.memory_space<semaphore_mem>>) src(%dma_wait3A_58 : memref<80xf32, #tpu.memory_space<vmem>>) dst(%dma_wait3A_63 : memref<64xf32, #tpu.memory_space<vmem_shared>>)
    %barrier3A_64 = arith.constant 0 : index
    tpu.barrier barrier_id(%barrier3A_64)
    %eq3A_65 = arith.constant 0 : i32
    %eq3A_66 = arith.cmpi eq, %arg1, %eq3A_65 : i32
    %convert_element_type3A_67 = arith.extui %eq3A_66 : i1 to i32
    %cond3A_68 = arith.constant 0 : i32
    %cond3A_69 = arith.cmpi ne, %convert_element_type3A_67, %cond3A_68 : i32
    scf.if %cond3A_69 {
      "tpu.region"() ({
        %run_scoped3A = tpu.sem_alloc : memref<!tpu.dma_semaphore, #tpu.memory_space<semaphore_mem>>
        %dma_start3A_70 = arith.constant 0 : i32
        %dma_start3A_71 = tpu.memref_slice %arg7[%arg0, %dma_start3A_70] : memref<2x64xf32, #tpu.memory_space<hbm>> -> memref<1x64xf32, #tpu.memory_space<hbm>>
        %dma_start3A_72 = tpu.memref_squeeze %dma_start3A_71 : memref<1x64xf32, #tpu.memory_space<hbm>> -> memref<64xf32, #tpu.memory_space<hbm>>
        tpu.enqueue_dma source(%arg15 : memref<64xf32, #tpu.memory_space<vmem_shared>>) target(%dma_start3A_72 : memref<64xf32, #tpu.memory_space<hbm>>) target_semaphore(%run_scoped3A : memref<!tpu.dma_semaphore, #tpu.memory_space<semaphore_mem>>)
        %dma_wait3A_73 = arith.constant 0 : i32
        %dma_wait3A_74 = tpu.memref_slice %arg7[%arg0, %dma_wait3A_73] : memref<2x64xf32, #tpu.memory_space<hbm>> -> memref<1x64xf32, #tpu.memory_space<hbm>>
        %dma_wait3A_75 = tpu.memref_squeeze %dma_wait3A_74 : memref<1x64xf32, #tpu.memory_space<hbm>> -> memref<64xf32, #tpu.memory_space<hbm>>
        tpu.wait_dma2 semaphore(%run_scoped3A : memref<!tpu.dma_semaphore, #tpu.memory_space<semaphore_mem>>) src(%arg15 : memref<64xf32, #tpu.memory_space<vmem_shared>>) dst(%dma_wait3A_75 : memref<64xf32, #tpu.memory_space<hbm>>)
        tpu.yield
      }) : () -> ()
    } else {
    }
    return
  }
}

#map = affine_map<(d0, d1) -> (0, 0)>
#map1 = affine_map<(d0, d1) -> (0, 0, 0)>
module attributes {stable_mosaic.version = 14 : i64} {
  func.func @_k2_body(%arg0: i32, %arg1: i32, %arg2: memref<10000x128xf32, #tpu.memory_space<hbm>>, %arg3: memref<32x125x80xi32, #tpu.memory_space<hbm>>, %arg4: memref<32x125x80xi32, #tpu.memory_space<hbm>>, %arg5: memref<32x10000xf32, #tpu.memory_space<hbm>>, %arg6: memref<2x10000x128xf32, #tpu.memory_space<hbm>>, %arg7: memref<2x80xi32, #tpu.memory_space<vmem>>, %arg8: memref<2x80xi32, #tpu.memory_space<vmem>>, %arg9: memref<160xf32, #tpu.memory_space<vmem>>, %arg10: memref<80x128xf32, #tpu.memory_space<vmem>>, %arg11: memref<80x128xf32, #tpu.memory_space<vmem>>, %arg12: memref<80x128xf32, #tpu.memory_space<vmem>>, %arg13: memref<80x128xf32, #tpu.memory_space<vmem>>, %arg14: memref<10000x128xf32, #tpu.memory_space<vmem_shared>>, %arg15: memref<!tpu.dma_semaphore, #tpu.memory_space<semaphore_mem>>, %arg16: memref<!tpu.dma_semaphore, #tpu.memory_space<semaphore_mem>>, %arg17: memref<!tpu.dma_semaphore, #tpu.memory_space<semaphore_mem>>, %arg18: memref<!tpu.dma_semaphore, #tpu.memory_space<semaphore_mem>>, %arg19: memref<!tpu.dma_semaphore, #tpu.memory_space<semaphore_mem>>, %arg20: memref<!tpu.dma_semaphore, #tpu.memory_space<semaphore_mem>>, %arg21: memref<!tpu.dma_semaphore, #tpu.memory_space<semaphore_mem>>, %arg22: memref<!tpu.dma_semaphore, #tpu.memory_space<semaphore_mem>>, %arg23: memref<!tpu.dma_semaphore, #tpu.memory_space<semaphore_mem>>, %arg24: memref<!tpu.dma_semaphore, #tpu.memory_space<semaphore_mem>>) attributes {dimension_semantics = [#tpu.dimension_semantics<core_parallel>, #tpu.dimension_semantics<subcore_parallel>], iteration_bounds = array<i64: 2, 16>, scalar_prefetch = 0 : i64, scratch_operands = 18 : i64, tpu.core_type = #tpu.core_type<sc_vector_subcore>, window_params = [{transform_indices = #map}, {transform_indices = #map1}, {transform_indices = #map1}, {transform_indices = #map}, {transform_indices = #map1}]} {
    %mul3A = arith.constant 2 : i32
    %mul3A_0 = arith.muli %arg1, %mul3A : i32
    %add3A = arith.addi %mul3A_0, %arg0 : i32
    %broadcast_in_dim3A = arith.constant 0.000000e+00 : f32
    %broadcast_in_dim3A_1 = vector.broadcast %broadcast_in_dim3A : f32 to vector<16xf32>
    %scan3A = arith.constant 0 : i32
    %scan3A_2 = arith.constant 0 : i32
    %scan3A_3 = arith.constant 25 : i32
    %scan3A_4 = arith.addi %scan3A_2, %scan3A_3 : i32
    %scan3A_5 = arith.constant 1 : i32
    scf.for %scan3A_297 = %scan3A_2 to %scan3A_4 step %scan3A_5  : i32 {
      %swap3A = arith.index_cast %scan3A_297 : i32 to index
      %swap3A_298 = arith.constant 0 : index
      %swap3A_299 = tpu.vector_load %arg10[%swap3A, %swap3A_298] {strides = array<i32>} : memref<80x128xf32, #tpu.memory_space<vmem>>, vector<16xf32>,
      tpu.vector_store %arg10[%swap3A, %swap3A_298], %broadcast_in_dim3A_1 {strides = array<i32>} : memref<80x128xf32, #tpu.memory_space<vmem>>, vector<16xf32>,
      %swap3A_300 = arith.index_cast %scan3A_297 : i32 to index
      %swap3A_301 = arith.constant 16 : index
      %swap3A_302 = tpu.vector_load %arg10[%swap3A_300, %swap3A_301] {strides = array<i32>} : memref<80x128xf32, #tpu.memory_space<vmem>>, vector<16xf32>,
      tpu.vector_store %arg10[%swap3A_300, %swap3A_301], %broadcast_in_dim3A_1 {strides = array<i32>} : memref<80x128xf32, #tpu.memory_space<vmem>>, vector<16xf32>,
      %swap3A_303 = arith.index_cast %scan3A_297 : i32 to index
      %swap3A_304 = arith.constant 32 : index
      %swap3A_305 = tpu.vector_load %arg10[%swap3A_303, %swap3A_304] {strides = array<i32>} : memref<80x128xf32, #tpu.memory_space<vmem>>, vector<16xf32>,
      tpu.vector_store %arg10[%swap3A_303, %swap3A_304], %broadcast_in_dim3A_1 {strides = array<i32>} : memref<80x128xf32, #tpu.memory_space<vmem>>, vector<16xf32>,
      %swap3A_306 = arith.index_cast %scan3A_297 : i32 to index
      %swap3A_307 = arith.constant 48 : index
      %swap3A_308 = tpu.vector_load %arg10[%swap3A_306, %swap3A_307] {strides = array<i32>} : memref<80x128xf32, #tpu.memory_space<vmem>>, vector<16xf32>,
      tpu.vector_store %arg10[%swap3A_306, %swap3A_307], %broadcast_in_dim3A_1 {strides = array<i32>} : memref<80x128xf32, #tpu.memory_space<vmem>>, vector<16xf32>,
      %swap3A_309 = arith.index_cast %scan3A_297 : i32 to index
      %swap3A_310 = arith.constant 64 : index
      %swap3A_311 = tpu.vector_load %arg10[%swap3A_309, %swap3A_310] {strides = array<i32>} : memref<80x128xf32, #tpu.memory_space<vmem>>, vector<16xf32>,
      tpu.vector_store %arg10[%swap3A_309, %swap3A_310], %broadcast_in_dim3A_1 {strides = array<i32>} : memref<80x128xf32, #tpu.memory_space<vmem>>, vector<16xf32>,
      %swap3A_312 = arith.index_cast %scan3A_297 : i32 to index
      %swap3A_313 = arith.constant 80 : index
      %swap3A_314 = tpu.vector_load %arg10[%swap3A_312, %swap3A_313] {strides = array<i32>} : memref<80x128xf32, #tpu.memory_space<vmem>>, vector<16xf32>,
      tpu.vector_store %arg10[%swap3A_312, %swap3A_313], %broadcast_in_dim3A_1 {strides = array<i32>} : memref<80x128xf32, #tpu.memory_space<vmem>>, vector<16xf32>,
      %swap3A_315 = arith.index_cast %scan3A_297 : i32 to index
      %swap3A_316 = arith.constant 96 : index
      %swap3A_317 = tpu.vector_load %arg10[%swap3A_315, %swap3A_316] {strides = array<i32>} : memref<80x128xf32, #tpu.memory_space<vmem>>, vector<16xf32>,
      tpu.vector_store %arg10[%swap3A_315, %swap3A_316], %broadcast_in_dim3A_1 {strides = array<i32>} : memref<80x128xf32, #tpu.memory_space<vmem>>, vector<16xf32>,
      %swap3A_318 = arith.index_cast %scan3A_297 : i32 to index
      %swap3A_319 = arith.constant 112 : index
      %swap3A_320 = tpu.vector_load %arg10[%swap3A_318, %swap3A_319] {strides = array<i32>} : memref<80x128xf32, #tpu.memory_space<vmem>>, vector<16xf32>,
      tpu.vector_store %arg10[%swap3A_318, %swap3A_319], %broadcast_in_dim3A_1 {strides = array<i32>} : memref<80x128xf32, #tpu.memory_space<vmem>>, vector<16xf32>,
    }
    %scan3A_6 = arith.constant 25 : i32
    %mul3A_7 = arith.constant 625 : i32
    %mul3A_8 = arith.muli %arg1, %mul3A_7 : i32
    %add3A_9 = arith.constant 0 : i32
    %add3A_10 = arith.addi %mul3A_8, %add3A_9 : i32
    "tpu.region"() ({
      %run_scoped3A = tpu.sem_alloc : memref<!tpu.dma_semaphore, #tpu.memory_space<semaphore_mem>>
      %dma_start3A_297 = arith.constant 0 : i32
      %dma_start3A_298 = arith.constant 0 : i32
      %dma_start3A_299 = tpu.memref_slice %arg10[%dma_start3A_297, %dma_start3A_298] : memref<80x128xf32, #tpu.memory_space<vmem>> -> memref<25x128xf32, #tpu.memory_space<vmem>>
      %dma_start3A_300 = arith.constant 0 : i32
      %dma_start3A_301 = tpu.memref_slice %arg14[%add3A_10, %dma_start3A_300] : memref<10000x128xf32, #tpu.memory_space<vmem_shared>> -> memref<25x128xf32, #tpu.memory_space<vmem_shared>>
      %dma_start3A_302 = arith.constant 0 : i32
      %dma_start3A_303 = tpu.memref_slice %arg14[%add3A_10, %dma_start3A_302] : memref<10000x128xf32, #tpu.memory_space<vmem_shared>> -> memref<25x128xf32, #tpu.memory_space<vmem_shared>>
      %dma_start3A_304 = arith.constant 0 : i32
      %dma_start3A_305 = arith.constant 0 : i32
      %dma_start3A_306 = tpu.memref_slice %arg10[%dma_start3A_304, %dma_start3A_305] : memref<80x128xf32, #tpu.memory_space<vmem>> -> memref<25x128xf32, #tpu.memory_space<vmem>>
      tpu.enqueue_dma source(%dma_start3A_306 : memref<25x128xf32, #tpu.memory_space<vmem>>) target(%dma_start3A_303 : memref<25x128xf32, #tpu.memory_space<vmem_shared>>) target_semaphore(%run_scoped3A : memref<!tpu.dma_semaphore, #tpu.memory_space<semaphore_mem>>)
      %dma_wait3A_307 = arith.constant 0 : i32
      %dma_wait3A_308 = arith.constant 0 : i32
      %dma_wait3A_309 = tpu.memref_slice %arg10[%dma_wait3A_307, %dma_wait3A_308] : memref<80x128xf32, #tpu.memory_space<vmem>> -> memref<25x128xf32, #tpu.memory_space<vmem>>
      %dma_wait3A_310 = arith.constant 0 : i32
      %dma_wait3A_311 = tpu.memref_slice %arg14[%add3A_10, %dma_wait3A_310] : memref<10000x128xf32, #tpu.memory_space<vmem_shared>> -> memref<25x128xf32, #tpu.memory_space<vmem_shared>>
      %dma_wait3A_312 = arith.constant 0 : i32
      %dma_wait3A_313 = tpu.memref_slice %arg14[%add3A_10, %dma_wait3A_312] : memref<10000x128xf32, #tpu.memory_space<vmem_shared>> -> memref<25x128xf32, #tpu.memory_space<vmem_shared>>
      %dma_wait3A_314 = arith.constant 0 : i32
      %dma_wait3A_315 = arith.constant 0 : i32
      %dma_wait3A_316 = tpu.memref_slice %arg10[%dma_wait3A_314, %dma_wait3A_315] : memref<80x128xf32, #tpu.memory_space<vmem>> -> memref<25x128xf32, #tpu.memory_space<vmem>>
      tpu.wait_dma2 semaphore(%run_scoped3A : memref<!tpu.dma_semaphore, #tpu.memory_space<semaphore_mem>>) src(%dma_wait3A_316 : memref<25x128xf32, #tpu.memory_space<vmem>>) dst(%dma_wait3A_313 : memref<25x128xf32, #tpu.memory_space<vmem_shared>>)
      tpu.yield
    }) : () -> ()
    %mul3A_11 = arith.constant 625 : i32
    %mul3A_12 = arith.muli %arg1, %mul3A_11 : i32
    %add3A_13 = arith.constant 25 : i32
    %add3A_14 = arith.addi %mul3A_12, %add3A_13 : i32
    "tpu.region"() ({
      %run_scoped3A = tpu.sem_alloc : memref<!tpu.dma_semaphore, #tpu.memory_space<semaphore_mem>>
      %dma_start3A_297 = arith.constant 0 : i32
      %dma_start3A_298 = arith.constant 0 : i32
      %dma_start3A_299 = tpu.memref_slice %arg10[%dma_start3A_297, %dma_start3A_298] : memref<80x128xf32, #tpu.memory_space<vmem>> -> memref<25x128xf32, #tpu.memory_space<vmem>>
      %dma_start3A_300 = arith.constant 0 : i32
      %dma_start3A_301 = tpu.memref_slice %arg14[%add3A_14, %dma_start3A_300] : memref<10000x128xf32, #tpu.memory_space<vmem_shared>> -> memref<25x128xf32, #tpu.memory_space<vmem_shared>>
      %dma_start3A_302 = arith.constant 0 : i32
      %dma_start3A_303 = tpu.memref_slice %arg14[%add3A_14, %dma_start3A_302] : memref<10000x128xf32, #tpu.memory_space<vmem_shared>> -> memref<25x128xf32, #tpu.memory_space<vmem_shared>>
      %dma_start3A_304 = arith.constant 0 : i32
      %dma_start3A_305 = arith.constant 0 : i32
      %dma_start3A_306 = tpu.memref_slice %arg10[%dma_start3A_304, %dma_start3A_305] : memref<80x128xf32, #tpu.memory_space<vmem>> -> memref<25x128xf32, #tpu.memory_space<vmem>>
      tpu.enqueue_dma source(%dma_start3A_306 : memref<25x128xf32, #tpu.memory_space<vmem>>) target(%dma_start3A_303 : memref<25x128xf32, #tpu.memory_space<vmem_shared>>) target_semaphore(%run_scoped3A : memref<!tpu.dma_semaphore, #tpu.memory_space<semaphore_mem>>)
      %dma_wait3A_307 = arith.constant 0 : i32
      %dma_wait3A_308 = arith.constant 0 : i32
      %dma_wait3A_309 = tpu.memref_slice %arg10[%dma_wait3A_307, %dma_wait3A_308] : memref<80x128xf32, #tpu.memory_space<vmem>> -> memref<25x128xf32, #tpu.memory_space<vmem>>
      %dma_wait3A_310 = arith.constant 0 : i32
      %dma_wait3A_311 = tpu.memref_slice %arg14[%add3A_14, %dma_wait3A_310] : memref<10000x128xf32, #tpu.memory_space<vmem_shared>> -> memref<25x128xf32, #tpu.memory_space<vmem_shared>>
      %dma_wait3A_312 = arith.constant 0 : i32
      %dma_wait3A_313 = tpu.memref_slice %arg14[%add3A_14, %dma_wait3A_312] : memref<10000x128xf32, #tpu.memory_space<vmem_shared>> -> memref<25x128xf32, #tpu.memory_space<vmem_shared>>
      %dma_wait3A_314 = arith.constant 0 : i32
      %dma_wait3A_315 = arith.constant 0 : i32
      %dma_wait3A_316 = tpu.memref_slice %arg10[%dma_wait3A_314, %dma_wait3A_315] : memref<80x128xf32, #tpu.memory_space<vmem>> -> memref<25x128xf32, #tpu.memory_space<vmem>>
      tpu.wait_dma2 semaphore(%run_scoped3A : memref<!tpu.dma_semaphore, #tpu.memory_space<semaphore_mem>>) src(%dma_wait3A_316 : memref<25x128xf32, #tpu.memory_space<vmem>>) dst(%dma_wait3A_313 : memref<25x128xf32, #tpu.memory_space<vmem_shared>>)
      tpu.yield
    }) : () -> ()
    %mul3A_15 = arith.constant 625 : i32
    %mul3A_16 = arith.muli %arg1, %mul3A_15 : i32
    %add3A_17 = arith.constant 50 : i32
    %add3A_18 = arith.addi %mul3A_16, %add3A_17 : i32
    "tpu.region"() ({
      %run_scoped3A = tpu.sem_alloc : memref<!tpu.dma_semaphore, #tpu.memory_space<semaphore_mem>>
      %dma_start3A_297 = arith.constant 0 : i32
      %dma_start3A_298 = arith.constant 0 : i32
      %dma_start3A_299 = tpu.memref_slice %arg10[%dma_start3A_297, %dma_start3A_298] : memref<80x128xf32, #tpu.memory_space<vmem>> -> memref<25x128xf32, #tpu.memory_space<vmem>>
      %dma_start3A_300 = arith.constant 0 : i32
      %dma_start3A_301 = tpu.memref_slice %arg14[%add3A_18, %dma_start3A_300] : memref<10000x128xf32, #tpu.memory_space<vmem_shared>> -> memref<25x128xf32, #tpu.memory_space<vmem_shared>>
      %dma_start3A_302 = arith.constant 0 : i32
      %dma_start3A_303 = tpu.memref_slice %arg14[%add3A_18, %dma_start3A_302] : memref<10000x128xf32, #tpu.memory_space<vmem_shared>> -> memref<25x128xf32, #tpu.memory_space<vmem_shared>>
      %dma_start3A_304 = arith.constant 0 : i32
      %dma_start3A_305 = arith.constant 0 : i32
      %dma_start3A_306 = tpu.memref_slice %arg10[%dma_start3A_304, %dma_start3A_305] : memref<80x128xf32, #tpu.memory_space<vmem>> -> memref<25x128xf32, #tpu.memory_space<vmem>>
      tpu.enqueue_dma source(%dma_start3A_306 : memref<25x128xf32, #tpu.memory_space<vmem>>) target(%dma_start3A_303 : memref<25x128xf32, #tpu.memory_space<vmem_shared>>) target_semaphore(%run_scoped3A : memref<!tpu.dma_semaphore, #tpu.memory_space<semaphore_mem>>)
      %dma_wait3A_307 = arith.constant 0 : i32
      %dma_wait3A_308 = arith.constant 0 : i32
      %dma_wait3A_309 = tpu.memref_slice %arg10[%dma_wait3A_307, %dma_wait3A_308] : memref<80x128xf32, #tpu.memory_space<vmem>> -> memref<25x128xf32, #tpu.memory_space<vmem>>
      %dma_wait3A_310 = arith.constant 0 : i32
      %dma_wait3A_311 = tpu.memref_slice %arg14[%add3A_18, %dma_wait3A_310] : memref<10000x128xf32, #tpu.memory_space<vmem_shared>> -> memref<25x128xf32, #tpu.memory_space<vmem_shared>>
      %dma_wait3A_312 = arith.constant 0 : i32
      %dma_wait3A_313 = tpu.memref_slice %arg14[%add3A_18, %dma_wait3A_312] : memref<10000x128xf32, #tpu.memory_space<vmem_shared>> -> memref<25x128xf32, #tpu.memory_space<vmem_shared>>
      %dma_wait3A_314 = arith.constant 0 : i32
      %dma_wait3A_315 = arith.constant 0 : i32
      %dma_wait3A_316 = tpu.memref_slice %arg10[%dma_wait3A_314, %dma_wait3A_315] : memref<80x128xf32, #tpu.memory_space<vmem>> -> memref<25x128xf32, #tpu.memory_space<vmem>>
      tpu.wait_dma2 semaphore(%run_scoped3A : memref<!tpu.dma_semaphore, #tpu.memory_space<semaphore_mem>>) src(%dma_wait3A_316 : memref<25x128xf32, #tpu.memory_space<vmem>>) dst(%dma_wait3A_313 : memref<25x128xf32, #tpu.memory_space<vmem_shared>>)
      tpu.yield
    }) : () -> ()
    %mul3A_19 = arith.constant 625 : i32
    %mul3A_20 = arith.muli %arg1, %mul3A_19 : i32
    %add3A_21 = arith.constant 75 : i32
    %add3A_22 = arith.addi %mul3A_20, %add3A_21 : i32
    "tpu.region"() ({
      %run_scoped3A = tpu.sem_alloc : memref<!tpu.dma_semaphore, #tpu.memory_space<semaphore_mem>>
      %dma_start3A_297 = arith.constant 0 : i32
      %dma_start3A_298 = arith.constant 0 : i32
      %dma_start3A_299 = tpu.memref_slice %arg10[%dma_start3A_297, %dma_start3A_298] : memref<80x128xf32, #tpu.memory_space<vmem>> -> memref<25x128xf32, #tpu.memory_space<vmem>>
      %dma_start3A_300 = arith.constant 0 : i32
      %dma_start3A_301 = tpu.memref_slice %arg14[%add3A_22, %dma_start3A_300] : memref<10000x128xf32, #tpu.memory_space<vmem_shared>> -> memref<25x128xf32, #tpu.memory_space<vmem_shared>>
      %dma_start3A_302 = arith.constant 0 : i32
      %dma_start3A_303 = tpu.memref_slice %arg14[%add3A_22, %dma_start3A_302] : memref<10000x128xf32, #tpu.memory_space<vmem_shared>> -> memref<25x128xf32, #tpu.memory_space<vmem_shared>>
      %dma_start3A_304 = arith.constant 0 : i32
      %dma_start3A_305 = arith.constant 0 : i32
      %dma_start3A_306 = tpu.memref_slice %arg10[%dma_start3A_304, %dma_start3A_305] : memref<80x128xf32, #tpu.memory_space<vmem>> -> memref<25x128xf32, #tpu.memory_space<vmem>>
      tpu.enqueue_dma source(%dma_start3A_306 : memref<25x128xf32, #tpu.memory_space<vmem>>) target(%dma_start3A_303 : memref<25x128xf32, #tpu.memory_space<vmem_shared>>) target_semaphore(%run_scoped3A : memref<!tpu.dma_semaphore, #tpu.memory_space<semaphore_mem>>)
      %dma_wait3A_307 = arith.constant 0 : i32
      %dma_wait3A_308 = arith.constant 0 : i32
      %dma_wait3A_309 = tpu.memref_slice %arg10[%dma_wait3A_307, %dma_wait3A_308] : memref<80x128xf32, #tpu.memory_space<vmem>> -> memref<25x128xf32, #tpu.memory_space<vmem>>
      %dma_wait3A_310 = arith.constant 0 : i32
      %dma_wait3A_311 = tpu.memref_slice %arg14[%add3A_22, %dma_wait3A_310] : memref<10000x128xf32, #tpu.memory_space<vmem_shared>> -> memref<25x128xf32, #tpu.memory_space<vmem_shared>>
      %dma_wait3A_312 = arith.constant 0 : i32
      %dma_wait3A_313 = tpu.memref_slice %arg14[%add3A_22, %dma_wait3A_312] : memref<10000x128xf32, #tpu.memory_space<vmem_shared>> -> memref<25x128xf32, #tpu.memory_space<vmem_shared>>
      %dma_wait3A_314 = arith.constant 0 : i32
      %dma_wait3A_315 = arith.constant 0 : i32
      %dma_wait3A_316 = tpu.memref_slice %arg10[%dma_wait3A_314, %dma_wait3A_315] : memref<80x128xf32, #tpu.memory_space<vmem>> -> memref<25x128xf32, #tpu.memory_space<vmem>>
      tpu.wait_dma2 semaphore(%run_scoped3A : memref<!tpu.dma_semaphore, #tpu.memory_space<semaphore_mem>>) src(%dma_wait3A_316 : memref<25x128xf32, #tpu.memory_space<vmem>>) dst(%dma_wait3A_313 : memref<25x128xf32, #tpu.memory_space<vmem_shared>>)
      tpu.yield
    }) : () -> ()
    %mul3A_23 = arith.constant 625 : i32
    %mul3A_24 = arith.muli %arg1, %mul3A_23 : i32
    %add3A_25 = arith.constant 100 : i32
    %add3A_26 = arith.addi %mul3A_24, %add3A_25 : i32
    "tpu.region"() ({
      %run_scoped3A = tpu.sem_alloc : memref<!tpu.dma_semaphore, #tpu.memory_space<semaphore_mem>>
      %dma_start3A_297 = arith.constant 0 : i32
      %dma_start3A_298 = arith.constant 0 : i32
      %dma_start3A_299 = tpu.memref_slice %arg10[%dma_start3A_297, %dma_start3A_298] : memref<80x128xf32, #tpu.memory_space<vmem>> -> memref<25x128xf32, #tpu.memory_space<vmem>>
      %dma_start3A_300 = arith.constant 0 : i32
      %dma_start3A_301 = tpu.memref_slice %arg14[%add3A_26, %dma_start3A_300] : memref<10000x128xf32, #tpu.memory_space<vmem_shared>> -> memref<25x128xf32, #tpu.memory_space<vmem_shared>>
      %dma_start3A_302 = arith.constant 0 : i32
      %dma_start3A_303 = tpu.memref_slice %arg14[%add3A_26, %dma_start3A_302] : memref<10000x128xf32, #tpu.memory_space<vmem_shared>> -> memref<25x128xf32, #tpu.memory_space<vmem_shared>>
      %dma_start3A_304 = arith.constant 0 : i32
      %dma_start3A_305 = arith.constant 0 : i32
      %dma_start3A_306 = tpu.memref_slice %arg10[%dma_start3A_304, %dma_start3A_305] : memref<80x128xf32, #tpu.memory_space<vmem>> -> memref<25x128xf32, #tpu.memory_space<vmem>>
      tpu.enqueue_dma source(%dma_start3A_306 : memref<25x128xf32, #tpu.memory_space<vmem>>) target(%dma_start3A_303 : memref<25x128xf32, #tpu.memory_space<vmem_shared>>) target_semaphore(%run_scoped3A : memref<!tpu.dma_semaphore, #tpu.memory_space<semaphore_mem>>)
      %dma_wait3A_307 = arith.constant 0 : i32
      %dma_wait3A_308 = arith.constant 0 : i32
      %dma_wait3A_309 = tpu.memref_slice %arg10[%dma_wait3A_307, %dma_wait3A_308] : memref<80x128xf32, #tpu.memory_space<vmem>> -> memref<25x128xf32, #tpu.memory_space<vmem>>
      %dma_wait3A_310 = arith.constant 0 : i32
      %dma_wait3A_311 = tpu.memref_slice %arg14[%add3A_26, %dma_wait3A_310] : memref<10000x128xf32, #tpu.memory_space<vmem_shared>> -> memref<25x128xf32, #tpu.memory_space<vmem_shared>>
      %dma_wait3A_312 = arith.constant 0 : i32
      %dma_wait3A_313 = tpu.memref_slice %arg14[%add3A_26, %dma_wait3A_312] : memref<10000x128xf32, #tpu.memory_space<vmem_shared>> -> memref<25x128xf32, #tpu.memory_space<vmem_shared>>
      %dma_wait3A_314 = arith.constant 0 : i32
      %dma_wait3A_315 = arith.constant 0 : i32
      %dma_wait3A_316 = tpu.memref_slice %arg10[%dma_wait3A_314, %dma_wait3A_315] : memref<80x128xf32, #tpu.memory_space<vmem>> -> memref<25x128xf32, #tpu.memory_space<vmem>>
      tpu.wait_dma2 semaphore(%run_scoped3A : memref<!tpu.dma_semaphore, #tpu.memory_space<semaphore_mem>>) src(%dma_wait3A_316 : memref<25x128xf32, #tpu.memory_space<vmem>>) dst(%dma_wait3A_313 : memref<25x128xf32, #tpu.memory_space<vmem_shared>>)
      tpu.yield
    }) : () -> ()
    %mul3A_27 = arith.constant 625 : i32
    %mul3A_28 = arith.muli %arg1, %mul3A_27 : i32
    %add3A_29 = arith.constant 125 : i32
    %add3A_30 = arith.addi %mul3A_28, %add3A_29 : i32
    "tpu.region"() ({
      %run_scoped3A = tpu.sem_alloc : memref<!tpu.dma_semaphore, #tpu.memory_space<semaphore_mem>>
      %dma_start3A_297 = arith.constant 0 : i32
      %dma_start3A_298 = arith.constant 0 : i32
      %dma_start3A_299 = tpu.memref_slice %arg10[%dma_start3A_297, %dma_start3A_298] : memref<80x128xf32, #tpu.memory_space<vmem>> -> memref<25x128xf32, #tpu.memory_space<vmem>>
      %dma_start3A_300 = arith.constant 0 : i32
      %dma_start3A_301 = tpu.memref_slice %arg14[%add3A_30, %dma_start3A_300] : memref<10000x128xf32, #tpu.memory_space<vmem_shared>> -> memref<25x128xf32, #tpu.memory_space<vmem_shared>>
      %dma_start3A_302 = arith.constant 0 : i32
      %dma_start3A_303 = tpu.memref_slice %arg14[%add3A_30, %dma_start3A_302] : memref<10000x128xf32, #tpu.memory_space<vmem_shared>> -> memref<25x128xf32, #tpu.memory_space<vmem_shared>>
      %dma_start3A_304 = arith.constant 0 : i32
      %dma_start3A_305 = arith.constant 0 : i32
      %dma_start3A_306 = tpu.memref_slice %arg10[%dma_start3A_304, %dma_start3A_305] : memref<80x128xf32, #tpu.memory_space<vmem>> -> memref<25x128xf32, #tpu.memory_space<vmem>>
      tpu.enqueue_dma source(%dma_start3A_306 : memref<25x128xf32, #tpu.memory_space<vmem>>) target(%dma_start3A_303 : memref<25x128xf32, #tpu.memory_space<vmem_shared>>) target_semaphore(%run_scoped3A : memref<!tpu.dma_semaphore, #tpu.memory_space<semaphore_mem>>)
      %dma_wait3A_307 = arith.constant 0 : i32
      %dma_wait3A_308 = arith.constant 0 : i32
      %dma_wait3A_309 = tpu.memref_slice %arg10[%dma_wait3A_307, %dma_wait3A_308] : memref<80x128xf32, #tpu.memory_space<vmem>> -> memref<25x128xf32, #tpu.memory_space<vmem>>
      %dma_wait3A_310 = arith.constant 0 : i32
      %dma_wait3A_311 = tpu.memref_slice %arg14[%add3A_30, %dma_wait3A_310] : memref<10000x128xf32, #tpu.memory_space<vmem_shared>> -> memref<25x128xf32, #tpu.memory_space<vmem_shared>>
      %dma_wait3A_312 = arith.constant 0 : i32
      %dma_wait3A_313 = tpu.memref_slice %arg14[%add3A_30, %dma_wait3A_312] : memref<10000x128xf32, #tpu.memory_space<vmem_shared>> -> memref<25x128xf32, #tpu.memory_space<vmem_shared>>
      %dma_wait3A_314 = arith.constant 0 : i32
      %dma_wait3A_315 = arith.constant 0 : i32
      %dma_wait3A_316 = tpu.memref_slice %arg10[%dma_wait3A_314, %dma_wait3A_315] : memref<80x128xf32, #tpu.memory_space<vmem>> -> memref<25x128xf32, #tpu.memory_space<vmem>>
      tpu.wait_dma2 semaphore(%run_scoped3A : memref<!tpu.dma_semaphore, #tpu.memory_space<semaphore_mem>>) src(%dma_wait3A_316 : memref<25x128xf32, #tpu.memory_space<vmem>>) dst(%dma_wait3A_313 : memref<25x128xf32, #tpu.memory_space<vmem_shared>>)
      tpu.yield
    }) : () -> ()
    %mul3A_31 = arith.constant 625 : i32
    %mul3A_32 = arith.muli %arg1, %mul3A_31 : i32
    %add3A_33 = arith.constant 150 : i32
    %add3A_34 = arith.addi %mul3A_32, %add3A_33 : i32
    "tpu.region"() ({
      %run_scoped3A = tpu.sem_alloc : memref<!tpu.dma_semaphore, #tpu.memory_space<semaphore_mem>>
      %dma_start3A_297 = arith.constant 0 : i32
      %dma_start3A_298 = arith.constant 0 : i32
      %dma_start3A_299 = tpu.memref_slice %arg10[%dma_start3A_297, %dma_start3A_298] : memref<80x128xf32, #tpu.memory_space<vmem>> -> memref<25x128xf32, #tpu.memory_space<vmem>>
      %dma_start3A_300 = arith.constant 0 : i32
      %dma_start3A_301 = tpu.memref_slice %arg14[%add3A_34, %dma_start3A_300] : memref<10000x128xf32, #tpu.memory_space<vmem_shared>> -> memref<25x128xf32, #tpu.memory_space<vmem_shared>>
      %dma_start3A_302 = arith.constant 0 : i32
      %dma_start3A_303 = tpu.memref_slice %arg14[%add3A_34, %dma_start3A_302] : memref<10000x128xf32, #tpu.memory_space<vmem_shared>> -> memref<25x128xf32, #tpu.memory_space<vmem_shared>>
      %dma_start3A_304 = arith.constant 0 : i32
      %dma_start3A_305 = arith.constant 0 : i32
      %dma_start3A_306 = tpu.memref_slice %arg10[%dma_start3A_304, %dma_start3A_305] : memref<80x128xf32, #tpu.memory_space<vmem>> -> memref<25x128xf32, #tpu.memory_space<vmem>>
      tpu.enqueue_dma source(%dma_start3A_306 : memref<25x128xf32, #tpu.memory_space<vmem>>) target(%dma_start3A_303 : memref<25x128xf32, #tpu.memory_space<vmem_shared>>) target_semaphore(%run_scoped3A : memref<!tpu.dma_semaphore, #tpu.memory_space<semaphore_mem>>)
      %dma_wait3A_307 = arith.constant 0 : i32
      %dma_wait3A_308 = arith.constant 0 : i32
      %dma_wait3A_309 = tpu.memref_slice %arg10[%dma_wait3A_307, %dma_wait3A_308] : memref<80x128xf32, #tpu.memory_space<vmem>> -> memref<25x128xf32, #tpu.memory_space<vmem>>
      %dma_wait3A_310 = arith.constant 0 : i32
      %dma_wait3A_311 = tpu.memref_slice %arg14[%add3A_34, %dma_wait3A_310] : memref<10000x128xf32, #tpu.memory_space<vmem_shared>> -> memref<25x128xf32, #tpu.memory_space<vmem_shared>>
      %dma_wait3A_312 = arith.constant 0 : i32
      %dma_wait3A_313 = tpu.memref_slice %arg14[%add3A_34, %dma_wait3A_312] : memref<10000x128xf32, #tpu.memory_space<vmem_shared>> -> memref<25x128xf32, #tpu.memory_space<vmem_shared>>
      %dma_wait3A_314 = arith.constant 0 : i32
      %dma_wait3A_315 = arith.constant 0 : i32
      %dma_wait3A_316 = tpu.memref_slice %arg10[%dma_wait3A_314, %dma_wait3A_315] : memref<80x128xf32, #tpu.memory_space<vmem>> -> memref<25x128xf32, #tpu.memory_space<vmem>>
      tpu.wait_dma2 semaphore(%run_scoped3A : memref<!tpu.dma_semaphore, #tpu.memory_space<semaphore_mem>>) src(%dma_wait3A_316 : memref<25x128xf32, #tpu.memory_space<vmem>>) dst(%dma_wait3A_313 : memref<25x128xf32, #tpu.memory_space<vmem_shared>>)
      tpu.yield
    }) : () -> ()
    %mul3A_35 = arith.constant 625 : i32
    %mul3A_36 = arith.muli %arg1, %mul3A_35 : i32
    %add3A_37 = arith.constant 175 : i32
    %add3A_38 = arith.addi %mul3A_36, %add3A_37 : i32
    "tpu.region"() ({
      %run_scoped3A = tpu.sem_alloc : memref<!tpu.dma_semaphore, #tpu.memory_space<semaphore_mem>>
      %dma_start3A_297 = arith.constant 0 : i32
      %dma_start3A_298 = arith.constant 0 : i32
      %dma_start3A_299 = tpu.memref_slice %arg10[%dma_start3A_297, %dma_start3A_298] : memref<80x128xf32, #tpu.memory_space<vmem>> -> memref<25x128xf32, #tpu.memory_space<vmem>>
      %dma_start3A_300 = arith.constant 0 : i32
      %dma_start3A_301 = tpu.memref_slice %arg14[%add3A_38, %dma_start3A_300] : memref<10000x128xf32, #tpu.memory_space<vmem_shared>> -> memref<25x128xf32, #tpu.memory_space<vmem_shared>>
      %dma_start3A_302 = arith.constant 0 : i32
      %dma_start3A_303 = tpu.memref_slice %arg14[%add3A_38, %dma_start3A_302] : memref<10000x128xf32, #tpu.memory_space<vmem_shared>> -> memref<25x128xf32, #tpu.memory_space<vmem_shared>>
      %dma_start3A_304 = arith.constant 0 : i32
      %dma_start3A_305 = arith.constant 0 : i32
      %dma_start3A_306 = tpu.memref_slice %arg10[%dma_start3A_304, %dma_start3A_305] : memref<80x128xf32, #tpu.memory_space<vmem>> -> memref<25x128xf32, #tpu.memory_space<vmem>>
      tpu.enqueue_dma source(%dma_start3A_306 : memref<25x128xf32, #tpu.memory_space<vmem>>) target(%dma_start3A_303 : memref<25x128xf32, #tpu.memory_space<vmem_shared>>) target_semaphore(%run_scoped3A : memref<!tpu.dma_semaphore, #tpu.memory_space<semaphore_mem>>)
      %dma_wait3A_307 = arith.constant 0 : i32
      %dma_wait3A_308 = arith.constant 0 : i32
      %dma_wait3A_309 = tpu.memref_slice %arg10[%dma_wait3A_307, %dma_wait3A_308] : memref<80x128xf32, #tpu.memory_space<vmem>> -> memref<25x128xf32, #tpu.memory_space<vmem>>
      %dma_wait3A_310 = arith.constant 0 : i32
      %dma_wait3A_311 = tpu.memref_slice %arg14[%add3A_38, %dma_wait3A_310] : memref<10000x128xf32, #tpu.memory_space<vmem_shared>> -> memref<25x128xf32, #tpu.memory_space<vmem_shared>>
      %dma_wait3A_312 = arith.constant 0 : i32
      %dma_wait3A_313 = tpu.memref_slice %arg14[%add3A_38, %dma_wait3A_312] : memref<10000x128xf32, #tpu.memory_space<vmem_shared>> -> memref<25x128xf32, #tpu.memory_space<vmem_shared>>
      %dma_wait3A_314 = arith.constant 0 : i32
      %dma_wait3A_315 = arith.constant 0 : i32
      %dma_wait3A_316 = tpu.memref_slice %arg10[%dma_wait3A_314, %dma_wait3A_315] : memref<80x128xf32, #tpu.memory_space<vmem>> -> memref<25x128xf32, #tpu.memory_space<vmem>>
      tpu.wait_dma2 semaphore(%run_scoped3A : memref<!tpu.dma_semaphore, #tpu.memory_space<semaphore_mem>>) src(%dma_wait3A_316 : memref<25x128xf32, #tpu.memory_space<vmem>>) dst(%dma_wait3A_313 : memref<25x128xf32, #tpu.memory_space<vmem_shared>>)
      tpu.yield
    }) : () -> ()
    %mul3A_39 = arith.constant 625 : i32
    %mul3A_40 = arith.muli %arg1, %mul3A_39 : i32
    %add3A_41 = arith.constant 200 : i32
    %add3A_42 = arith.addi %mul3A_40, %add3A_41 : i32
    "tpu.region"() ({
      %run_scoped3A = tpu.sem_alloc : memref<!tpu.dma_semaphore, #tpu.memory_space<semaphore_mem>>
      %dma_start3A_297 = arith.constant 0 : i32
      %dma_start3A_298 = arith.constant 0 : i32
      %dma_start3A_299 = tpu.memref_slice %arg10[%dma_start3A_297, %dma_start3A_298] : memref<80x128xf32, #tpu.memory_space<vmem>> -> memref<25x128xf32, #tpu.memory_space<vmem>>
      %dma_start3A_300 = arith.constant 0 : i32
      %dma_start3A_301 = tpu.memref_slice %arg14[%add3A_42, %dma_start3A_300] : memref<10000x128xf32, #tpu.memory_space<vmem_shared>> -> memref<25x128xf32, #tpu.memory_space<vmem_shared>>
      %dma_start3A_302 = arith.constant 0 : i32
      %dma_start3A_303 = tpu.memref_slice %arg14[%add3A_42, %dma_start3A_302] : memref<10000x128xf32, #tpu.memory_space<vmem_shared>> -> memref<25x128xf32, #tpu.memory_space<vmem_shared>>
      %dma_start3A_304 = arith.constant 0 : i32
      %dma_start3A_305 = arith.constant 0 : i32
      %dma_start3A_306 = tpu.memref_slice %arg10[%dma_start3A_304, %dma_start3A_305] : memref<80x128xf32, #tpu.memory_space<vmem>> -> memref<25x128xf32, #tpu.memory_space<vmem>>
      tpu.enqueue_dma source(%dma_start3A_306 : memref<25x128xf32, #tpu.memory_space<vmem>>) target(%dma_start3A_303 : memref<25x128xf32, #tpu.memory_space<vmem_shared>>) target_semaphore(%run_scoped3A : memref<!tpu.dma_semaphore, #tpu.memory_space<semaphore_mem>>)
      %dma_wait3A_307 = arith.constant 0 : i32
      %dma_wait3A_308 = arith.constant 0 : i32
      %dma_wait3A_309 = tpu.memref_slice %arg10[%dma_wait3A_307, %dma_wait3A_308] : memref<80x128xf32, #tpu.memory_space<vmem>> -> memref<25x128xf32, #tpu.memory_space<vmem>>
      %dma_wait3A_310 = arith.constant 0 : i32
      %dma_wait3A_311 = tpu.memref_slice %arg14[%add3A_42, %dma_wait3A_310] : memref<10000x128xf32, #tpu.memory_space<vmem_shared>> -> memref<25x128xf32, #tpu.memory_space<vmem_shared>>
      %dma_wait3A_312 = arith.constant 0 : i32
      %dma_wait3A_313 = tpu.memref_slice %arg14[%add3A_42, %dma_wait3A_312] : memref<10000x128xf32, #tpu.memory_space<vmem_shared>> -> memref<25x128xf32, #tpu.memory_space<vmem_shared>>
      %dma_wait3A_314 = arith.constant 0 : i32
      %dma_wait3A_315 = arith.constant 0 : i32
      %dma_wait3A_316 = tpu.memref_slice %arg10[%dma_wait3A_314, %dma_wait3A_315] : memref<80x128xf32, #tpu.memory_space<vmem>> -> memref<25x128xf32, #tpu.memory_space<vmem>>
      tpu.wait_dma2 semaphore(%run_scoped3A : memref<!tpu.dma_semaphore, #tpu.memory_space<semaphore_mem>>) src(%dma_wait3A_316 : memref<25x128xf32, #tpu.memory_space<vmem>>) dst(%dma_wait3A_313 : memref<25x128xf32, #tpu.memory_space<vmem_shared>>)
      tpu.yield
    }) : () -> ()
    %mul3A_43 = arith.constant 625 : i32
    %mul3A_44 = arith.muli %arg1, %mul3A_43 : i32
    %add3A_45 = arith.constant 225 : i32
    %add3A_46 = arith.addi %mul3A_44, %add3A_45 : i32
    "tpu.region"() ({
      %run_scoped3A = tpu.sem_alloc : memref<!tpu.dma_semaphore, #tpu.memory_space<semaphore_mem>>
      %dma_start3A_297 = arith.constant 0 : i32
      %dma_start3A_298 = arith.constant 0 : i32
      %dma_start3A_299 = tpu.memref_slice %arg10[%dma_start3A_297, %dma_start3A_298] : memref<80x128xf32, #tpu.memory_space<vmem>> -> memref<25x128xf32, #tpu.memory_space<vmem>>
      %dma_start3A_300 = arith.constant 0 : i32
      %dma_start3A_301 = tpu.memref_slice %arg14[%add3A_46, %dma_start3A_300] : memref<10000x128xf32, #tpu.memory_space<vmem_shared>> -> memref<25x128xf32, #tpu.memory_space<vmem_shared>>
      %dma_start3A_302 = arith.constant 0 : i32
      %dma_start3A_303 = tpu.memref_slice %arg14[%add3A_46, %dma_start3A_302] : memref<10000x128xf32, #tpu.memory_space<vmem_shared>> -> memref<25x128xf32, #tpu.memory_space<vmem_shared>>
      %dma_start3A_304 = arith.constant 0 : i32
      %dma_start3A_305 = arith.constant 0 : i32
      %dma_start3A_306 = tpu.memref_slice %arg10[%dma_start3A_304, %dma_start3A_305] : memref<80x128xf32, #tpu.memory_space<vmem>> -> memref<25x128xf32, #tpu.memory_space<vmem>>
      tpu.enqueue_dma source(%dma_start3A_306 : memref<25x128xf32, #tpu.memory_space<vmem>>) target(%dma_start3A_303 : memref<25x128xf32, #tpu.memory_space<vmem_shared>>) target_semaphore(%run_scoped3A : memref<!tpu.dma_semaphore, #tpu.memory_space<semaphore_mem>>)
      %dma_wait3A_307 = arith.constant 0 : i32
      %dma_wait3A_308 = arith.constant 0 : i32
      %dma_wait3A_309 = tpu.memref_slice %arg10[%dma_wait3A_307, %dma_wait3A_308] : memref<80x128xf32, #tpu.memory_space<vmem>> -> memref<25x128xf32, #tpu.memory_space<vmem>>
      %dma_wait3A_310 = arith.constant 0 : i32
      %dma_wait3A_311 = tpu.memref_slice %arg14[%add3A_46, %dma_wait3A_310] : memref<10000x128xf32, #tpu.memory_space<vmem_shared>> -> memref<25x128xf32, #tpu.memory_space<vmem_shared>>
      %dma_wait3A_312 = arith.constant 0 : i32
      %dma_wait3A_313 = tpu.memref_slice %arg14[%add3A_46, %dma_wait3A_312] : memref<10000x128xf32, #tpu.memory_space<vmem_shared>> -> memref<25x128xf32, #tpu.memory_space<vmem_shared>>
      %dma_wait3A_314 = arith.constant 0 : i32
      %dma_wait3A_315 = arith.constant 0 : i32
      %dma_wait3A_316 = tpu.memref_slice %arg10[%dma_wait3A_314, %dma_wait3A_315] : memref<80x128xf32, #tpu.memory_space<vmem>> -> memref<25x128xf32, #tpu.memory_space<vmem>>
      tpu.wait_dma2 semaphore(%run_scoped3A : memref<!tpu.dma_semaphore, #tpu.memory_space<semaphore_mem>>) src(%dma_wait3A_316 : memref<25x128xf32, #tpu.memory_space<vmem>>) dst(%dma_wait3A_313 : memref<25x128xf32, #tpu.memory_space<vmem_shared>>)
      tpu.yield
    }) : () -> ()
    %mul3A_47 = arith.constant 625 : i32
    %mul3A_48 = arith.muli %arg1, %mul3A_47 : i32
    %add3A_49 = arith.constant 250 : i32
    %add3A_50 = arith.addi %mul3A_48, %add3A_49 : i32
    "tpu.region"() ({
      %run_scoped3A = tpu.sem_alloc : memref<!tpu.dma_semaphore, #tpu.memory_space<semaphore_mem>>
      %dma_start3A_297 = arith.constant 0 : i32
      %dma_start3A_298 = arith.constant 0 : i32
      %dma_start3A_299 = tpu.memref_slice %arg10[%dma_start3A_297, %dma_start3A_298] : memref<80x128xf32, #tpu.memory_space<vmem>> -> memref<25x128xf32, #tpu.memory_space<vmem>>
      %dma_start3A_300 = arith.constant 0 : i32
      %dma_start3A_301 = tpu.memref_slice %arg14[%add3A_50, %dma_start3A_300] : memref<10000x128xf32, #tpu.memory_space<vmem_shared>> -> memref<25x128xf32, #tpu.memory_space<vmem_shared>>
      %dma_start3A_302 = arith.constant 0 : i32
      %dma_start3A_303 = tpu.memref_slice %arg14[%add3A_50, %dma_start3A_302] : memref<10000x128xf32, #tpu.memory_space<vmem_shared>> -> memref<25x128xf32, #tpu.memory_space<vmem_shared>>
      %dma_start3A_304 = arith.constant 0 : i32
      %dma_start3A_305 = arith.constant 0 : i32
      %dma_start3A_306 = tpu.memref_slice %arg10[%dma_start3A_304, %dma_start3A_305] : memref<80x128xf32, #tpu.memory_space<vmem>> -> memref<25x128xf32, #tpu.memory_space<vmem>>
      tpu.enqueue_dma source(%dma_start3A_306 : memref<25x128xf32, #tpu.memory_space<vmem>>) target(%dma_start3A_303 : memref<25x128xf32, #tpu.memory_space<vmem_shared>>) target_semaphore(%run_scoped3A : memref<!tpu.dma_semaphore, #tpu.memory_space<semaphore_mem>>)
      %dma_wait3A_307 = arith.constant 0 : i32
      %dma_wait3A_308 = arith.constant 0 : i32
      %dma_wait3A_309 = tpu.memref_slice %arg10[%dma_wait3A_307, %dma_wait3A_308] : memref<80x128xf32, #tpu.memory_space<vmem>> -> memref<25x128xf32, #tpu.memory_space<vmem>>
      %dma_wait3A_310 = arith.constant 0 : i32
      %dma_wait3A_311 = tpu.memref_slice %arg14[%add3A_50, %dma_wait3A_310] : memref<10000x128xf32, #tpu.memory_space<vmem_shared>> -> memref<25x128xf32, #tpu.memory_space<vmem_shared>>
      %dma_wait3A_312 = arith.constant 0 : i32
      %dma_wait3A_313 = tpu.memref_slice %arg14[%add3A_50, %dma_wait3A_312] : memref<10000x128xf32, #tpu.memory_space<vmem_shared>> -> memref<25x128xf32, #tpu.memory_space<vmem_shared>>
      %dma_wait3A_314 = arith.constant 0 : i32
      %dma_wait3A_315 = arith.constant 0 : i32
      %dma_wait3A_316 = tpu.memref_slice %arg10[%dma_wait3A_314, %dma_wait3A_315] : memref<80x128xf32, #tpu.memory_space<vmem>> -> memref<25x128xf32, #tpu.memory_space<vmem>>
      tpu.wait_dma2 semaphore(%run_scoped3A : memref<!tpu.dma_semaphore, #tpu.memory_space<semaphore_mem>>) src(%dma_wait3A_316 : memref<25x128xf32, #tpu.memory_space<vmem>>) dst(%dma_wait3A_313 : memref<25x128xf32, #tpu.memory_space<vmem_shared>>)
      tpu.yield
    }) : () -> ()
    %mul3A_51 = arith.constant 625 : i32
    %mul3A_52 = arith.muli %arg1, %mul3A_51 : i32
    %add3A_53 = arith.constant 275 : i32
    %add3A_54 = arith.addi %mul3A_52, %add3A_53 : i32
    "tpu.region"() ({
      %run_scoped3A = tpu.sem_alloc : memref<!tpu.dma_semaphore, #tpu.memory_space<semaphore_mem>>
      %dma_start3A_297 = arith.constant 0 : i32
      %dma_start3A_298 = arith.constant 0 : i32
      %dma_start3A_299 = tpu.memref_slice %arg10[%dma_start3A_297, %dma_start3A_298] : memref<80x128xf32, #tpu.memory_space<vmem>> -> memref<25x128xf32, #tpu.memory_space<vmem>>
      %dma_start3A_300 = arith.constant 0 : i32
      %dma_start3A_301 = tpu.memref_slice %arg14[%add3A_54, %dma_start3A_300] : memref<10000x128xf32, #tpu.memory_space<vmem_shared>> -> memref<25x128xf32, #tpu.memory_space<vmem_shared>>
      %dma_start3A_302 = arith.constant 0 : i32
      %dma_start3A_303 = tpu.memref_slice %arg14[%add3A_54, %dma_start3A_302] : memref<10000x128xf32, #tpu.memory_space<vmem_shared>> -> memref<25x128xf32, #tpu.memory_space<vmem_shared>>
      %dma_start3A_304 = arith.constant 0 : i32
      %dma_start3A_305 = arith.constant 0 : i32
      %dma_start3A_306 = tpu.memref_slice %arg10[%dma_start3A_304, %dma_start3A_305] : memref<80x128xf32, #tpu.memory_space<vmem>> -> memref<25x128xf32, #tpu.memory_space<vmem>>
      tpu.enqueue_dma source(%dma_start3A_306 : memref<25x128xf32, #tpu.memory_space<vmem>>) target(%dma_start3A_303 : memref<25x128xf32, #tpu.memory_space<vmem_shared>>) target_semaphore(%run_scoped3A : memref<!tpu.dma_semaphore, #tpu.memory_space<semaphore_mem>>)
      %dma_wait3A_307 = arith.constant 0 : i32
      %dma_wait3A_308 = arith.constant 0 : i32
      %dma_wait3A_309 = tpu.memref_slice %arg10[%dma_wait3A_307, %dma_wait3A_308] : memref<80x128xf32, #tpu.memory_space<vmem>> -> memref<25x128xf32, #tpu.memory_space<vmem>>
      %dma_wait3A_310 = arith.constant 0 : i32
      %dma_wait3A_311 = tpu.memref_slice %arg14[%add3A_54, %dma_wait3A_310] : memref<10000x128xf32, #tpu.memory_space<vmem_shared>> -> memref<25x128xf32, #tpu.memory_space<vmem_shared>>
      %dma_wait3A_312 = arith.constant 0 : i32
      %dma_wait3A_313 = tpu.memref_slice %arg14[%add3A_54, %dma_wait3A_312] : memref<10000x128xf32, #tpu.memory_space<vmem_shared>> -> memref<25x128xf32, #tpu.memory_space<vmem_shared>>
      %dma_wait3A_314 = arith.constant 0 : i32
      %dma_wait3A_315 = arith.constant 0 : i32
      %dma_wait3A_316 = tpu.memref_slice %arg10[%dma_wait3A_314, %dma_wait3A_315] : memref<80x128xf32, #tpu.memory_space<vmem>> -> memref<25x128xf32, #tpu.memory_space<vmem>>
      tpu.wait_dma2 semaphore(%run_scoped3A : memref<!tpu.dma_semaphore, #tpu.memory_space<semaphore_mem>>) src(%dma_wait3A_316 : memref<25x128xf32, #tpu.memory_space<vmem>>) dst(%dma_wait3A_313 : memref<25x128xf32, #tpu.memory_space<vmem_shared>>)
      tpu.yield
    }) : () -> ()
    %mul3A_55 = arith.constant 625 : i32
    %mul3A_56 = arith.muli %arg1, %mul3A_55 : i32
    %add3A_57 = arith.constant 300 : i32
    %add3A_58 = arith.addi %mul3A_56, %add3A_57 : i32
    "tpu.region"() ({
      %run_scoped3A = tpu.sem_alloc : memref<!tpu.dma_semaphore, #tpu.memory_space<semaphore_mem>>
      %dma_start3A_297 = arith.constant 0 : i32
      %dma_start3A_298 = arith.constant 0 : i32
      %dma_start3A_299 = tpu.memref_slice %arg10[%dma_start3A_297, %dma_start3A_298] : memref<80x128xf32, #tpu.memory_space<vmem>> -> memref<25x128xf32, #tpu.memory_space<vmem>>
      %dma_start3A_300 = arith.constant 0 : i32
      %dma_start3A_301 = tpu.memref_slice %arg14[%add3A_58, %dma_start3A_300] : memref<10000x128xf32, #tpu.memory_space<vmem_shared>> -> memref<25x128xf32, #tpu.memory_space<vmem_shared>>
      %dma_start3A_302 = arith.constant 0 : i32
      %dma_start3A_303 = tpu.memref_slice %arg14[%add3A_58, %dma_start3A_302] : memref<10000x128xf32, #tpu.memory_space<vmem_shared>> -> memref<25x128xf32, #tpu.memory_space<vmem_shared>>
      %dma_start3A_304 = arith.constant 0 : i32
      %dma_start3A_305 = arith.constant 0 : i32
      %dma_start3A_306 = tpu.memref_slice %arg10[%dma_start3A_304, %dma_start3A_305] : memref<80x128xf32, #tpu.memory_space<vmem>> -> memref<25x128xf32, #tpu.memory_space<vmem>>
      tpu.enqueue_dma source(%dma_start3A_306 : memref<25x128xf32, #tpu.memory_space<vmem>>) target(%dma_start3A_303 : memref<25x128xf32, #tpu.memory_space<vmem_shared>>) target_semaphore(%run_scoped3A : memref<!tpu.dma_semaphore, #tpu.memory_space<semaphore_mem>>)
      %dma_wait3A_307 = arith.constant 0 : i32
      %dma_wait3A_308 = arith.constant 0 : i32
      %dma_wait3A_309 = tpu.memref_slice %arg10[%dma_wait3A_307, %dma_wait3A_308] : memref<80x128xf32, #tpu.memory_space<vmem>> -> memref<25x128xf32, #tpu.memory_space<vmem>>
      %dma_wait3A_310 = arith.constant 0 : i32
      %dma_wait3A_311 = tpu.memref_slice %arg14[%add3A_58, %dma_wait3A_310] : memref<10000x128xf32, #tpu.memory_space<vmem_shared>> -> memref<25x128xf32, #tpu.memory_space<vmem_shared>>
      %dma_wait3A_312 = arith.constant 0 : i32
      %dma_wait3A_313 = tpu.memref_slice %arg14[%add3A_58, %dma_wait3A_312] : memref<10000x128xf32, #tpu.memory_space<vmem_shared>> -> memref<25x128xf32, #tpu.memory_space<vmem_shared>>
      %dma_wait3A_314 = arith.constant 0 : i32
      %dma_wait3A_315 = arith.constant 0 : i32
      %dma_wait3A_316 = tpu.memref_slice %arg10[%dma_wait3A_314, %dma_wait3A_315] : memref<80x128xf32, #tpu.memory_space<vmem>> -> memref<25x128xf32, #tpu.memory_space<vmem>>
      tpu.wait_dma2 semaphore(%run_scoped3A : memref<!tpu.dma_semaphore, #tpu.memory_space<semaphore_mem>>) src(%dma_wait3A_316 : memref<25x128xf32, #tpu.memory_space<vmem>>) dst(%dma_wait3A_313 : memref<25x128xf32, #tpu.memory_space<vmem_shared>>)
      tpu.yield
    }) : () -> ()
    %mul3A_59 = arith.constant 625 : i32
    %mul3A_60 = arith.muli %arg1, %mul3A_59 : i32
    %add3A_61 = arith.constant 325 : i32
    %add3A_62 = arith.addi %mul3A_60, %add3A_61 : i32
    "tpu.region"() ({
      %run_scoped3A = tpu.sem_alloc : memref<!tpu.dma_semaphore, #tpu.memory_space<semaphore_mem>>
      %dma_start3A_297 = arith.constant 0 : i32
      %dma_start3A_298 = arith.constant 0 : i32
      %dma_start3A_299 = tpu.memref_slice %arg10[%dma_start3A_297, %dma_start3A_298] : memref<80x128xf32, #tpu.memory_space<vmem>> -> memref<25x128xf32, #tpu.memory_space<vmem>>
      %dma_start3A_300 = arith.constant 0 : i32
      %dma_start3A_301 = tpu.memref_slice %arg14[%add3A_62, %dma_start3A_300] : memref<10000x128xf32, #tpu.memory_space<vmem_shared>> -> memref<25x128xf32, #tpu.memory_space<vmem_shared>>
      %dma_start3A_302 = arith.constant 0 : i32
      %dma_start3A_303 = tpu.memref_slice %arg14[%add3A_62, %dma_start3A_302] : memref<10000x128xf32, #tpu.memory_space<vmem_shared>> -> memref<25x128xf32, #tpu.memory_space<vmem_shared>>
      %dma_start3A_304 = arith.constant 0 : i32
      %dma_start3A_305 = arith.constant 0 : i32
      %dma_start3A_306 = tpu.memref_slice %arg10[%dma_start3A_304, %dma_start3A_305] : memref<80x128xf32, #tpu.memory_space<vmem>> -> memref<25x128xf32, #tpu.memory_space<vmem>>
      tpu.enqueue_dma source(%dma_start3A_306 : memref<25x128xf32, #tpu.memory_space<vmem>>) target(%dma_start3A_303 : memref<25x128xf32, #tpu.memory_space<vmem_shared>>) target_semaphore(%run_scoped3A : memref<!tpu.dma_semaphore, #tpu.memory_space<semaphore_mem>>)
      %dma_wait3A_307 = arith.constant 0 : i32
      %dma_wait3A_308 = arith.constant 0 : i32
      %dma_wait3A_309 = tpu.memref_slice %arg10[%dma_wait3A_307, %dma_wait3A_308] : memref<80x128xf32, #tpu.memory_space<vmem>> -> memref<25x128xf32, #tpu.memory_space<vmem>>
      %dma_wait3A_310 = arith.constant 0 : i32
      %dma_wait3A_311 = tpu.memref_slice %arg14[%add3A_62, %dma_wait3A_310] : memref<10000x128xf32, #tpu.memory_space<vmem_shared>> -> memref<25x128xf32, #tpu.memory_space<vmem_shared>>
      %dma_wait3A_312 = arith.constant 0 : i32
      %dma_wait3A_313 = tpu.memref_slice %arg14[%add3A_62, %dma_wait3A_312] : memref<10000x128xf32, #tpu.memory_space<vmem_shared>> -> memref<25x128xf32, #tpu.memory_space<vmem_shared>>
      %dma_wait3A_314 = arith.constant 0 : i32
      %dma_wait3A_315 = arith.constant 0 : i32
      %dma_wait3A_316 = tpu.memref_slice %arg10[%dma_wait3A_314, %dma_wait3A_315] : memref<80x128xf32, #tpu.memory_space<vmem>> -> memref<25x128xf32, #tpu.memory_space<vmem>>
      tpu.wait_dma2 semaphore(%run_scoped3A : memref<!tpu.dma_semaphore, #tpu.memory_space<semaphore_mem>>) src(%dma_wait3A_316 : memref<25x128xf32, #tpu.memory_space<vmem>>) dst(%dma_wait3A_313 : memref<25x128xf32, #tpu.memory_space<vmem_shared>>)
      tpu.yield
    }) : () -> ()
    %mul3A_63 = arith.constant 625 : i32
    %mul3A_64 = arith.muli %arg1, %mul3A_63 : i32
    %add3A_65 = arith.constant 350 : i32
    %add3A_66 = arith.addi %mul3A_64, %add3A_65 : i32
    "tpu.region"() ({
      %run_scoped3A = tpu.sem_alloc : memref<!tpu.dma_semaphore, #tpu.memory_space<semaphore_mem>>
      %dma_start3A_297 = arith.constant 0 : i32
      %dma_start3A_298 = arith.constant 0 : i32
      %dma_start3A_299 = tpu.memref_slice %arg10[%dma_start3A_297, %dma_start3A_298] : memref<80x128xf32, #tpu.memory_space<vmem>> -> memref<25x128xf32, #tpu.memory_space<vmem>>
      %dma_start3A_300 = arith.constant 0 : i32
      %dma_start3A_301 = tpu.memref_slice %arg14[%add3A_66, %dma_start3A_300] : memref<10000x128xf32, #tpu.memory_space<vmem_shared>> -> memref<25x128xf32, #tpu.memory_space<vmem_shared>>
      %dma_start3A_302 = arith.constant 0 : i32
      %dma_start3A_303 = tpu.memref_slice %arg14[%add3A_66, %dma_start3A_302] : memref<10000x128xf32, #tpu.memory_space<vmem_shared>> -> memref<25x128xf32, #tpu.memory_space<vmem_shared>>
      %dma_start3A_304 = arith.constant 0 : i32
      %dma_start3A_305 = arith.constant 0 : i32
      %dma_start3A_306 = tpu.memref_slice %arg10[%dma_start3A_304, %dma_start3A_305] : memref<80x128xf32, #tpu.memory_space<vmem>> -> memref<25x128xf32, #tpu.memory_space<vmem>>
      tpu.enqueue_dma source(%dma_start3A_306 : memref<25x128xf32, #tpu.memory_space<vmem>>) target(%dma_start3A_303 : memref<25x128xf32, #tpu.memory_space<vmem_shared>>) target_semaphore(%run_scoped3A : memref<!tpu.dma_semaphore, #tpu.memory_space<semaphore_mem>>)
      %dma_wait3A_307 = arith.constant 0 : i32
      %dma_wait3A_308 = arith.constant 0 : i32
      %dma_wait3A_309 = tpu.memref_slice %arg10[%dma_wait3A_307, %dma_wait3A_308] : memref<80x128xf32, #tpu.memory_space<vmem>> -> memref<25x128xf32, #tpu.memory_space<vmem>>
      %dma_wait3A_310 = arith.constant 0 : i32
      %dma_wait3A_311 = tpu.memref_slice %arg14[%add3A_66, %dma_wait3A_310] : memref<10000x128xf32, #tpu.memory_space<vmem_shared>> -> memref<25x128xf32, #tpu.memory_space<vmem_shared>>
      %dma_wait3A_312 = arith.constant 0 : i32
      %dma_wait3A_313 = tpu.memref_slice %arg14[%add3A_66, %dma_wait3A_312] : memref<10000x128xf32, #tpu.memory_space<vmem_shared>> -> memref<25x128xf32, #tpu.memory_space<vmem_shared>>
      %dma_wait3A_314 = arith.constant 0 : i32
      %dma_wait3A_315 = arith.constant 0 : i32
      %dma_wait3A_316 = tpu.memref_slice %arg10[%dma_wait3A_314, %dma_wait3A_315] : memref<80x128xf32, #tpu.memory_space<vmem>> -> memref<25x128xf32, #tpu.memory_space<vmem>>
      tpu.wait_dma2 semaphore(%run_scoped3A : memref<!tpu.dma_semaphore, #tpu.memory_space<semaphore_mem>>) src(%dma_wait3A_316 : memref<25x128xf32, #tpu.memory_space<vmem>>) dst(%dma_wait3A_313 : memref<25x128xf32, #tpu.memory_space<vmem_shared>>)
      tpu.yield
    }) : () -> ()
    %mul3A_67 = arith.constant 625 : i32
    %mul3A_68 = arith.muli %arg1, %mul3A_67 : i32
    %add3A_69 = arith.constant 375 : i32
    %add3A_70 = arith.addi %mul3A_68, %add3A_69 : i32
    "tpu.region"() ({
      %run_scoped3A = tpu.sem_alloc : memref<!tpu.dma_semaphore, #tpu.memory_space<semaphore_mem>>
      %dma_start3A_297 = arith.constant 0 : i32
      %dma_start3A_298 = arith.constant 0 : i32
      %dma_start3A_299 = tpu.memref_slice %arg10[%dma_start3A_297, %dma_start3A_298] : memref<80x128xf32, #tpu.memory_space<vmem>> -> memref<25x128xf32, #tpu.memory_space<vmem>>
      %dma_start3A_300 = arith.constant 0 : i32
      %dma_start3A_301 = tpu.memref_slice %arg14[%add3A_70, %dma_start3A_300] : memref<10000x128xf32, #tpu.memory_space<vmem_shared>> -> memref<25x128xf32, #tpu.memory_space<vmem_shared>>
      %dma_start3A_302 = arith.constant 0 : i32
      %dma_start3A_303 = tpu.memref_slice %arg14[%add3A_70, %dma_start3A_302] : memref<10000x128xf32, #tpu.memory_space<vmem_shared>> -> memref<25x128xf32, #tpu.memory_space<vmem_shared>>
      %dma_start3A_304 = arith.constant 0 : i32
      %dma_start3A_305 = arith.constant 0 : i32
      %dma_start3A_306 = tpu.memref_slice %arg10[%dma_start3A_304, %dma_start3A_305] : memref<80x128xf32, #tpu.memory_space<vmem>> -> memref<25x128xf32, #tpu.memory_space<vmem>>
      tpu.enqueue_dma source(%dma_start3A_306 : memref<25x128xf32, #tpu.memory_space<vmem>>) target(%dma_start3A_303 : memref<25x128xf32, #tpu.memory_space<vmem_shared>>) target_semaphore(%run_scoped3A : memref<!tpu.dma_semaphore, #tpu.memory_space<semaphore_mem>>)
      %dma_wait3A_307 = arith.constant 0 : i32
      %dma_wait3A_308 = arith.constant 0 : i32
      %dma_wait3A_309 = tpu.memref_slice %arg10[%dma_wait3A_307, %dma_wait3A_308] : memref<80x128xf32, #tpu.memory_space<vmem>> -> memref<25x128xf32, #tpu.memory_space<vmem>>
      %dma_wait3A_310 = arith.constant 0 : i32
      %dma_wait3A_311 = tpu.memref_slice %arg14[%add3A_70, %dma_wait3A_310] : memref<10000x128xf32, #tpu.memory_space<vmem_shared>> -> memref<25x128xf32, #tpu.memory_space<vmem_shared>>
      %dma_wait3A_312 = arith.constant 0 : i32
      %dma_wait3A_313 = tpu.memref_slice %arg14[%add3A_70, %dma_wait3A_312] : memref<10000x128xf32, #tpu.memory_space<vmem_shared>> -> memref<25x128xf32, #tpu.memory_space<vmem_shared>>
      %dma_wait3A_314 = arith.constant 0 : i32
      %dma_wait3A_315 = arith.constant 0 : i32
      %dma_wait3A_316 = tpu.memref_slice %arg10[%dma_wait3A_314, %dma_wait3A_315] : memref<80x128xf32, #tpu.memory_space<vmem>> -> memref<25x128xf32, #tpu.memory_space<vmem>>
      tpu.wait_dma2 semaphore(%run_scoped3A : memref<!tpu.dma_semaphore, #tpu.memory_space<semaphore_mem>>) src(%dma_wait3A_316 : memref<25x128xf32, #tpu.memory_space<vmem>>) dst(%dma_wait3A_313 : memref<25x128xf32, #tpu.memory_space<vmem_shared>>)
      tpu.yield
    }) : () -> ()
    %mul3A_71 = arith.constant 625 : i32
    %mul3A_72 = arith.muli %arg1, %mul3A_71 : i32
    %add3A_73 = arith.constant 400 : i32
    %add3A_74 = arith.addi %mul3A_72, %add3A_73 : i32
    "tpu.region"() ({
      %run_scoped3A = tpu.sem_alloc : memref<!tpu.dma_semaphore, #tpu.memory_space<semaphore_mem>>
      %dma_start3A_297 = arith.constant 0 : i32
      %dma_start3A_298 = arith.constant 0 : i32
      %dma_start3A_299 = tpu.memref_slice %arg10[%dma_start3A_297, %dma_start3A_298] : memref<80x128xf32, #tpu.memory_space<vmem>> -> memref<25x128xf32, #tpu.memory_space<vmem>>
      %dma_start3A_300 = arith.constant 0 : i32
      %dma_start3A_301 = tpu.memref_slice %arg14[%add3A_74, %dma_start3A_300] : memref<10000x128xf32, #tpu.memory_space<vmem_shared>> -> memref<25x128xf32, #tpu.memory_space<vmem_shared>>
      %dma_start3A_302 = arith.constant 0 : i32
      %dma_start3A_303 = tpu.memref_slice %arg14[%add3A_74, %dma_start3A_302] : memref<10000x128xf32, #tpu.memory_space<vmem_shared>> -> memref<25x128xf32, #tpu.memory_space<vmem_shared>>
      %dma_start3A_304 = arith.constant 0 : i32
      %dma_start3A_305 = arith.constant 0 : i32
      %dma_start3A_306 = tpu.memref_slice %arg10[%dma_start3A_304, %dma_start3A_305] : memref<80x128xf32, #tpu.memory_space<vmem>> -> memref<25x128xf32, #tpu.memory_space<vmem>>
      tpu.enqueue_dma source(%dma_start3A_306 : memref<25x128xf32, #tpu.memory_space<vmem>>) target(%dma_start3A_303 : memref<25x128xf32, #tpu.memory_space<vmem_shared>>) target_semaphore(%run_scoped3A : memref<!tpu.dma_semaphore, #tpu.memory_space<semaphore_mem>>)
      %dma_wait3A_307 = arith.constant 0 : i32
      %dma_wait3A_308 = arith.constant 0 : i32
      %dma_wait3A_309 = tpu.memref_slice %arg10[%dma_wait3A_307, %dma_wait3A_308] : memref<80x128xf32, #tpu.memory_space<vmem>> -> memref<25x128xf32, #tpu.memory_space<vmem>>
      %dma_wait3A_310 = arith.constant 0 : i32
      %dma_wait3A_311 = tpu.memref_slice %arg14[%add3A_74, %dma_wait3A_310] : memref<10000x128xf32, #tpu.memory_space<vmem_shared>> -> memref<25x128xf32, #tpu.memory_space<vmem_shared>>
      %dma_wait3A_312 = arith.constant 0 : i32
      %dma_wait3A_313 = tpu.memref_slice %arg14[%add3A_74, %dma_wait3A_312] : memref<10000x128xf32, #tpu.memory_space<vmem_shared>> -> memref<25x128xf32, #tpu.memory_space<vmem_shared>>
      %dma_wait3A_314 = arith.constant 0 : i32
      %dma_wait3A_315 = arith.constant 0 : i32
      %dma_wait3A_316 = tpu.memref_slice %arg10[%dma_wait3A_314, %dma_wait3A_315] : memref<80x128xf32, #tpu.memory_space<vmem>> -> memref<25x128xf32, #tpu.memory_space<vmem>>
      tpu.wait_dma2 semaphore(%run_scoped3A : memref<!tpu.dma_semaphore, #tpu.memory_space<semaphore_mem>>) src(%dma_wait3A_316 : memref<25x128xf32, #tpu.memory_space<vmem>>) dst(%dma_wait3A_313 : memref<25x128xf32, #tpu.memory_space<vmem_shared>>)
      tpu.yield
    }) : () -> ()
    %mul3A_75 = arith.constant 625 : i32
    %mul3A_76 = arith.muli %arg1, %mul3A_75 : i32
    %add3A_77 = arith.constant 425 : i32
    %add3A_78 = arith.addi %mul3A_76, %add3A_77 : i32
    "tpu.region"() ({
      %run_scoped3A = tpu.sem_alloc : memref<!tpu.dma_semaphore, #tpu.memory_space<semaphore_mem>>
      %dma_start3A_297 = arith.constant 0 : i32
      %dma_start3A_298 = arith.constant 0 : i32
      %dma_start3A_299 = tpu.memref_slice %arg10[%dma_start3A_297, %dma_start3A_298] : memref<80x128xf32, #tpu.memory_space<vmem>> -> memref<25x128xf32, #tpu.memory_space<vmem>>
      %dma_start3A_300 = arith.constant 0 : i32
      %dma_start3A_301 = tpu.memref_slice %arg14[%add3A_78, %dma_start3A_300] : memref<10000x128xf32, #tpu.memory_space<vmem_shared>> -> memref<25x128xf32, #tpu.memory_space<vmem_shared>>
      %dma_start3A_302 = arith.constant 0 : i32
      %dma_start3A_303 = tpu.memref_slice %arg14[%add3A_78, %dma_start3A_302] : memref<10000x128xf32, #tpu.memory_space<vmem_shared>> -> memref<25x128xf32, #tpu.memory_space<vmem_shared>>
      %dma_start3A_304 = arith.constant 0 : i32
      %dma_start3A_305 = arith.constant 0 : i32
      %dma_start3A_306 = tpu.memref_slice %arg10[%dma_start3A_304, %dma_start3A_305] : memref<80x128xf32, #tpu.memory_space<vmem>> -> memref<25x128xf32, #tpu.memory_space<vmem>>
      tpu.enqueue_dma source(%dma_start3A_306 : memref<25x128xf32, #tpu.memory_space<vmem>>) target(%dma_start3A_303 : memref<25x128xf32, #tpu.memory_space<vmem_shared>>) target_semaphore(%run_scoped3A : memref<!tpu.dma_semaphore, #tpu.memory_space<semaphore_mem>>)
      %dma_wait3A_307 = arith.constant 0 : i32
      %dma_wait3A_308 = arith.constant 0 : i32
      %dma_wait3A_309 = tpu.memref_slice %arg10[%dma_wait3A_307, %dma_wait3A_308] : memref<80x128xf32, #tpu.memory_space<vmem>> -> memref<25x128xf32, #tpu.memory_space<vmem>>
      %dma_wait3A_310 = arith.constant 0 : i32
      %dma_wait3A_311 = tpu.memref_slice %arg14[%add3A_78, %dma_wait3A_310] : memref<10000x128xf32, #tpu.memory_space<vmem_shared>> -> memref<25x128xf32, #tpu.memory_space<vmem_shared>>
      %dma_wait3A_312 = arith.constant 0 : i32
      %dma_wait3A_313 = tpu.memref_slice %arg14[%add3A_78, %dma_wait3A_312] : memref<10000x128xf32, #tpu.memory_space<vmem_shared>> -> memref<25x128xf32, #tpu.memory_space<vmem_shared>>
      %dma_wait3A_314 = arith.constant 0 : i32
      %dma_wait3A_315 = arith.constant 0 : i32
      %dma_wait3A_316 = tpu.memref_slice %arg10[%dma_wait3A_314, %dma_wait3A_315] : memref<80x128xf32, #tpu.memory_space<vmem>> -> memref<25x128xf32, #tpu.memory_space<vmem>>
      tpu.wait_dma2 semaphore(%run_scoped3A : memref<!tpu.dma_semaphore, #tpu.memory_space<semaphore_mem>>) src(%dma_wait3A_316 : memref<25x128xf32, #tpu.memory_space<vmem>>) dst(%dma_wait3A_313 : memref<25x128xf32, #tpu.memory_space<vmem_shared>>)
      tpu.yield
    }) : () -> ()
    %mul3A_79 = arith.constant 625 : i32
    %mul3A_80 = arith.muli %arg1, %mul3A_79 : i32
    %add3A_81 = arith.constant 450 : i32
    %add3A_82 = arith.addi %mul3A_80, %add3A_81 : i32
    "tpu.region"() ({
      %run_scoped3A = tpu.sem_alloc : memref<!tpu.dma_semaphore, #tpu.memory_space<semaphore_mem>>
      %dma_start3A_297 = arith.constant 0 : i32
      %dma_start3A_298 = arith.constant 0 : i32
      %dma_start3A_299 = tpu.memref_slice %arg10[%dma_start3A_297, %dma_start3A_298] : memref<80x128xf32, #tpu.memory_space<vmem>> -> memref<25x128xf32, #tpu.memory_space<vmem>>
      %dma_start3A_300 = arith.constant 0 : i32
      %dma_start3A_301 = tpu.memref_slice %arg14[%add3A_82, %dma_start3A_300] : memref<10000x128xf32, #tpu.memory_space<vmem_shared>> -> memref<25x128xf32, #tpu.memory_space<vmem_shared>>
      %dma_start3A_302 = arith.constant 0 : i32
      %dma_start3A_303 = tpu.memref_slice %arg14[%add3A_82, %dma_start3A_302] : memref<10000x128xf32, #tpu.memory_space<vmem_shared>> -> memref<25x128xf32, #tpu.memory_space<vmem_shared>>
      %dma_start3A_304 = arith.constant 0 : i32
      %dma_start3A_305 = arith.constant 0 : i32
      %dma_start3A_306 = tpu.memref_slice %arg10[%dma_start3A_304, %dma_start3A_305] : memref<80x128xf32, #tpu.memory_space<vmem>> -> memref<25x128xf32, #tpu.memory_space<vmem>>
      tpu.enqueue_dma source(%dma_start3A_306 : memref<25x128xf32, #tpu.memory_space<vmem>>) target(%dma_start3A_303 : memref<25x128xf32, #tpu.memory_space<vmem_shared>>) target_semaphore(%run_scoped3A : memref<!tpu.dma_semaphore, #tpu.memory_space<semaphore_mem>>)
      %dma_wait3A_307 = arith.constant 0 : i32
      %dma_wait3A_308 = arith.constant 0 : i32
      %dma_wait3A_309 = tpu.memref_slice %arg10[%dma_wait3A_307, %dma_wait3A_308] : memref<80x128xf32, #tpu.memory_space<vmem>> -> memref<25x128xf32, #tpu.memory_space<vmem>>
      %dma_wait3A_310 = arith.constant 0 : i32
      %dma_wait3A_311 = tpu.memref_slice %arg14[%add3A_82, %dma_wait3A_310] : memref<10000x128xf32, #tpu.memory_space<vmem_shared>> -> memref<25x128xf32, #tpu.memory_space<vmem_shared>>
      %dma_wait3A_312 = arith.constant 0 : i32
      %dma_wait3A_313 = tpu.memref_slice %arg14[%add3A_82, %dma_wait3A_312] : memref<10000x128xf32, #tpu.memory_space<vmem_shared>> -> memref<25x128xf32, #tpu.memory_space<vmem_shared>>
      %dma_wait3A_314 = arith.constant 0 : i32
      %dma_wait3A_315 = arith.constant 0 : i32
      %dma_wait3A_316 = tpu.memref_slice %arg10[%dma_wait3A_314, %dma_wait3A_315] : memref<80x128xf32, #tpu.memory_space<vmem>> -> memref<25x128xf32, #tpu.memory_space<vmem>>
      tpu.wait_dma2 semaphore(%run_scoped3A : memref<!tpu.dma_semaphore, #tpu.memory_space<semaphore_mem>>) src(%dma_wait3A_316 : memref<25x128xf32, #tpu.memory_space<vmem>>) dst(%dma_wait3A_313 : memref<25x128xf32, #tpu.memory_space<vmem_shared>>)
      tpu.yield
    }) : () -> ()
    %mul3A_83 = arith.constant 625 : i32
    %mul3A_84 = arith.muli %arg1, %mul3A_83 : i32
    %add3A_85 = arith.constant 475 : i32
    %add3A_86 = arith.addi %mul3A_84, %add3A_85 : i32
    "tpu.region"() ({
      %run_scoped3A = tpu.sem_alloc : memref<!tpu.dma_semaphore, #tpu.memory_space<semaphore_mem>>
      %dma_start3A_297 = arith.constant 0 : i32
      %dma_start3A_298 = arith.constant 0 : i32
      %dma_start3A_299 = tpu.memref_slice %arg10[%dma_start3A_297, %dma_start3A_298] : memref<80x128xf32, #tpu.memory_space<vmem>> -> memref<25x128xf32, #tpu.memory_space<vmem>>
      %dma_start3A_300 = arith.constant 0 : i32
      %dma_start3A_301 = tpu.memref_slice %arg14[%add3A_86, %dma_start3A_300] : memref<10000x128xf32, #tpu.memory_space<vmem_shared>> -> memref<25x128xf32, #tpu.memory_space<vmem_shared>>
      %dma_start3A_302 = arith.constant 0 : i32
      %dma_start3A_303 = tpu.memref_slice %arg14[%add3A_86, %dma_start3A_302] : memref<10000x128xf32, #tpu.memory_space<vmem_shared>> -> memref<25x128xf32, #tpu.memory_space<vmem_shared>>
      %dma_start3A_304 = arith.constant 0 : i32
      %dma_start3A_305 = arith.constant 0 : i32
      %dma_start3A_306 = tpu.memref_slice %arg10[%dma_start3A_304, %dma_start3A_305] : memref<80x128xf32, #tpu.memory_space<vmem>> -> memref<25x128xf32, #tpu.memory_space<vmem>>
      tpu.enqueue_dma source(%dma_start3A_306 : memref<25x128xf32, #tpu.memory_space<vmem>>) target(%dma_start3A_303 : memref<25x128xf32, #tpu.memory_space<vmem_shared>>) target_semaphore(%run_scoped3A : memref<!tpu.dma_semaphore, #tpu.memory_space<semaphore_mem>>)
      %dma_wait3A_307 = arith.constant 0 : i32
      %dma_wait3A_308 = arith.constant 0 : i32
      %dma_wait3A_309 = tpu.memref_slice %arg10[%dma_wait3A_307, %dma_wait3A_308] : memref<80x128xf32, #tpu.memory_space<vmem>> -> memref<25x128xf32, #tpu.memory_space<vmem>>
      %dma_wait3A_310 = arith.constant 0 : i32
      %dma_wait3A_311 = tpu.memref_slice %arg14[%add3A_86, %dma_wait3A_310] : memref<10000x128xf32, #tpu.memory_space<vmem_shared>> -> memref<25x128xf32, #tpu.memory_space<vmem_shared>>
      %dma_wait3A_312 = arith.constant 0 : i32
      %dma_wait3A_313 = tpu.memref_slice %arg14[%add3A_86, %dma_wait3A_312] : memref<10000x128xf32, #tpu.memory_space<vmem_shared>> -> memref<25x128xf32, #tpu.memory_space<vmem_shared>>
      %dma_wait3A_314 = arith.constant 0 : i32
      %dma_wait3A_315 = arith.constant 0 : i32
      %dma_wait3A_316 = tpu.memref_slice %arg10[%dma_wait3A_314, %dma_wait3A_315] : memref<80x128xf32, #tpu.memory_space<vmem>> -> memref<25x128xf32, #tpu.memory_space<vmem>>
      tpu.wait_dma2 semaphore(%run_scoped3A : memref<!tpu.dma_semaphore, #tpu.memory_space<semaphore_mem>>) src(%dma_wait3A_316 : memref<25x128xf32, #tpu.memory_space<vmem>>) dst(%dma_wait3A_313 : memref<25x128xf32, #tpu.memory_space<vmem_shared>>)
      tpu.yield
    }) : () -> ()
    %mul3A_87 = arith.constant 625 : i32
    %mul3A_88 = arith.muli %arg1, %mul3A_87 : i32
    %add3A_89 = arith.constant 500 : i32
    %add3A_90 = arith.addi %mul3A_88, %add3A_89 : i32
    "tpu.region"() ({
      %run_scoped3A = tpu.sem_alloc : memref<!tpu.dma_semaphore, #tpu.memory_space<semaphore_mem>>
      %dma_start3A_297 = arith.constant 0 : i32
      %dma_start3A_298 = arith.constant 0 : i32
      %dma_start3A_299 = tpu.memref_slice %arg10[%dma_start3A_297, %dma_start3A_298] : memref<80x128xf32, #tpu.memory_space<vmem>> -> memref<25x128xf32, #tpu.memory_space<vmem>>
      %dma_start3A_300 = arith.constant 0 : i32
      %dma_start3A_301 = tpu.memref_slice %arg14[%add3A_90, %dma_start3A_300] : memref<10000x128xf32, #tpu.memory_space<vmem_shared>> -> memref<25x128xf32, #tpu.memory_space<vmem_shared>>
      %dma_start3A_302 = arith.constant 0 : i32
      %dma_start3A_303 = tpu.memref_slice %arg14[%add3A_90, %dma_start3A_302] : memref<10000x128xf32, #tpu.memory_space<vmem_shared>> -> memref<25x128xf32, #tpu.memory_space<vmem_shared>>
      %dma_start3A_304 = arith.constant 0 : i32
      %dma_start3A_305 = arith.constant 0 : i32
      %dma_start3A_306 = tpu.memref_slice %arg10[%dma_start3A_304, %dma_start3A_305] : memref<80x128xf32, #tpu.memory_space<vmem>> -> memref<25x128xf32, #tpu.memory_space<vmem>>
      tpu.enqueue_dma source(%dma_start3A_306 : memref<25x128xf32, #tpu.memory_space<vmem>>) target(%dma_start3A_303 : memref<25x128xf32, #tpu.memory_space<vmem_shared>>) target_semaphore(%run_scoped3A : memref<!tpu.dma_semaphore, #tpu.memory_space<semaphore_mem>>)
      %dma_wait3A_307 = arith.constant 0 : i32
      %dma_wait3A_308 = arith.constant 0 : i32
      %dma_wait3A_309 = tpu.memref_slice %arg10[%dma_wait3A_307, %dma_wait3A_308] : memref<80x128xf32, #tpu.memory_space<vmem>> -> memref<25x128xf32, #tpu.memory_space<vmem>>
      %dma_wait3A_310 = arith.constant 0 : i32
      %dma_wait3A_311 = tpu.memref_slice %arg14[%add3A_90, %dma_wait3A_310] : memref<10000x128xf32, #tpu.memory_space<vmem_shared>> -> memref<25x128xf32, #tpu.memory_space<vmem_shared>>
      %dma_wait3A_312 = arith.constant 0 : i32
      %dma_wait3A_313 = tpu.memref_slice %arg14[%add3A_90, %dma_wait3A_312] : memref<10000x128xf32, #tpu.memory_space<vmem_shared>> -> memref<25x128xf32, #tpu.memory_space<vmem_shared>>
      %dma_wait3A_314 = arith.constant 0 : i32
      %dma_wait3A_315 = arith.constant 0 : i32
      %dma_wait3A_316 = tpu.memref_slice %arg10[%dma_wait3A_314, %dma_wait3A_315] : memref<80x128xf32, #tpu.memory_space<vmem>> -> memref<25x128xf32, #tpu.memory_space<vmem>>
      tpu.wait_dma2 semaphore(%run_scoped3A : memref<!tpu.dma_semaphore, #tpu.memory_space<semaphore_mem>>) src(%dma_wait3A_316 : memref<25x128xf32, #tpu.memory_space<vmem>>) dst(%dma_wait3A_313 : memref<25x128xf32, #tpu.memory_space<vmem_shared>>)
      tpu.yield
    }) : () -> ()
    %mul3A_91 = arith.constant 625 : i32
    %mul3A_92 = arith.muli %arg1, %mul3A_91 : i32
    %add3A_93 = arith.constant 525 : i32
    %add3A_94 = arith.addi %mul3A_92, %add3A_93 : i32
    "tpu.region"() ({
      %run_scoped3A = tpu.sem_alloc : memref<!tpu.dma_semaphore, #tpu.memory_space<semaphore_mem>>
      %dma_start3A_297 = arith.constant 0 : i32
      %dma_start3A_298 = arith.constant 0 : i32
      %dma_start3A_299 = tpu.memref_slice %arg10[%dma_start3A_297, %dma_start3A_298] : memref<80x128xf32, #tpu.memory_space<vmem>> -> memref<25x128xf32, #tpu.memory_space<vmem>>
      %dma_start3A_300 = arith.constant 0 : i32
      %dma_start3A_301 = tpu.memref_slice %arg14[%add3A_94, %dma_start3A_300] : memref<10000x128xf32, #tpu.memory_space<vmem_shared>> -> memref<25x128xf32, #tpu.memory_space<vmem_shared>>
      %dma_start3A_302 = arith.constant 0 : i32
      %dma_start3A_303 = tpu.memref_slice %arg14[%add3A_94, %dma_start3A_302] : memref<10000x128xf32, #tpu.memory_space<vmem_shared>> -> memref<25x128xf32, #tpu.memory_space<vmem_shared>>
      %dma_start3A_304 = arith.constant 0 : i32
      %dma_start3A_305 = arith.constant 0 : i32
      %dma_start3A_306 = tpu.memref_slice %arg10[%dma_start3A_304, %dma_start3A_305] : memref<80x128xf32, #tpu.memory_space<vmem>> -> memref<25x128xf32, #tpu.memory_space<vmem>>
      tpu.enqueue_dma source(%dma_start3A_306 : memref<25x128xf32, #tpu.memory_space<vmem>>) target(%dma_start3A_303 : memref<25x128xf32, #tpu.memory_space<vmem_shared>>) target_semaphore(%run_scoped3A : memref<!tpu.dma_semaphore, #tpu.memory_space<semaphore_mem>>)
      %dma_wait3A_307 = arith.constant 0 : i32
      %dma_wait3A_308 = arith.constant 0 : i32
      %dma_wait3A_309 = tpu.memref_slice %arg10[%dma_wait3A_307, %dma_wait3A_308] : memref<80x128xf32, #tpu.memory_space<vmem>> -> memref<25x128xf32, #tpu.memory_space<vmem>>
      %dma_wait3A_310 = arith.constant 0 : i32
      %dma_wait3A_311 = tpu.memref_slice %arg14[%add3A_94, %dma_wait3A_310] : memref<10000x128xf32, #tpu.memory_space<vmem_shared>> -> memref<25x128xf32, #tpu.memory_space<vmem_shared>>
      %dma_wait3A_312 = arith.constant 0 : i32
      %dma_wait3A_313 = tpu.memref_slice %arg14[%add3A_94, %dma_wait3A_312] : memref<10000x128xf32, #tpu.memory_space<vmem_shared>> -> memref<25x128xf32, #tpu.memory_space<vmem_shared>>
      %dma_wait3A_314 = arith.constant 0 : i32
      %dma_wait3A_315 = arith.constant 0 : i32
      %dma_wait3A_316 = tpu.memref_slice %arg10[%dma_wait3A_314, %dma_wait3A_315] : memref<80x128xf32, #tpu.memory_space<vmem>> -> memref<25x128xf32, #tpu.memory_space<vmem>>
      tpu.wait_dma2 semaphore(%run_scoped3A : memref<!tpu.dma_semaphore, #tpu.memory_space<semaphore_mem>>) src(%dma_wait3A_316 : memref<25x128xf32, #tpu.memory_space<vmem>>) dst(%dma_wait3A_313 : memref<25x128xf32, #tpu.memory_space<vmem_shared>>)
      tpu.yield
    }) : () -> ()
    %mul3A_95 = arith.constant 625 : i32
    %mul3A_96 = arith.muli %arg1, %mul3A_95 : i32
    %add3A_97 = arith.constant 550 : i32
    %add3A_98 = arith.addi %mul3A_96, %add3A_97 : i32
    "tpu.region"() ({
      %run_scoped3A = tpu.sem_alloc : memref<!tpu.dma_semaphore, #tpu.memory_space<semaphore_mem>>
      %dma_start3A_297 = arith.constant 0 : i32
      %dma_start3A_298 = arith.constant 0 : i32
      %dma_start3A_299 = tpu.memref_slice %arg10[%dma_start3A_297, %dma_start3A_298] : memref<80x128xf32, #tpu.memory_space<vmem>> -> memref<25x128xf32, #tpu.memory_space<vmem>>
      %dma_start3A_300 = arith.constant 0 : i32
      %dma_start3A_301 = tpu.memref_slice %arg14[%add3A_98, %dma_start3A_300] : memref<10000x128xf32, #tpu.memory_space<vmem_shared>> -> memref<25x128xf32, #tpu.memory_space<vmem_shared>>
      %dma_start3A_302 = arith.constant 0 : i32
      %dma_start3A_303 = tpu.memref_slice %arg14[%add3A_98, %dma_start3A_302] : memref<10000x128xf32, #tpu.memory_space<vmem_shared>> -> memref<25x128xf32, #tpu.memory_space<vmem_shared>>
      %dma_start3A_304 = arith.constant 0 : i32
      %dma_start3A_305 = arith.constant 0 : i32
      %dma_start3A_306 = tpu.memref_slice %arg10[%dma_start3A_304, %dma_start3A_305] : memref<80x128xf32, #tpu.memory_space<vmem>> -> memref<25x128xf32, #tpu.memory_space<vmem>>
      tpu.enqueue_dma source(%dma_start3A_306 : memref<25x128xf32, #tpu.memory_space<vmem>>) target(%dma_start3A_303 : memref<25x128xf32, #tpu.memory_space<vmem_shared>>) target_semaphore(%run_scoped3A : memref<!tpu.dma_semaphore, #tpu.memory_space<semaphore_mem>>)
      %dma_wait3A_307 = arith.constant 0 : i32
      %dma_wait3A_308 = arith.constant 0 : i32
      %dma_wait3A_309 = tpu.memref_slice %arg10[%dma_wait3A_307, %dma_wait3A_308] : memref<80x128xf32, #tpu.memory_space<vmem>> -> memref<25x128xf32, #tpu.memory_space<vmem>>
      %dma_wait3A_310 = arith.constant 0 : i32
      %dma_wait3A_311 = tpu.memref_slice %arg14[%add3A_98, %dma_wait3A_310] : memref<10000x128xf32, #tpu.memory_space<vmem_shared>> -> memref<25x128xf32, #tpu.memory_space<vmem_shared>>
      %dma_wait3A_312 = arith.constant 0 : i32
      %dma_wait3A_313 = tpu.memref_slice %arg14[%add3A_98, %dma_wait3A_312] : memref<10000x128xf32, #tpu.memory_space<vmem_shared>> -> memref<25x128xf32, #tpu.memory_space<vmem_shared>>
      %dma_wait3A_314 = arith.constant 0 : i32
      %dma_wait3A_315 = arith.constant 0 : i32
      %dma_wait3A_316 = tpu.memref_slice %arg10[%dma_wait3A_314, %dma_wait3A_315] : memref<80x128xf32, #tpu.memory_space<vmem>> -> memref<25x128xf32, #tpu.memory_space<vmem>>
      tpu.wait_dma2 semaphore(%run_scoped3A : memref<!tpu.dma_semaphore, #tpu.memory_space<semaphore_mem>>) src(%dma_wait3A_316 : memref<25x128xf32, #tpu.memory_space<vmem>>) dst(%dma_wait3A_313 : memref<25x128xf32, #tpu.memory_space<vmem_shared>>)
      tpu.yield
    }) : () -> ()
    %mul3A_99 = arith.constant 625 : i32
    %mul3A_100 = arith.muli %arg1, %mul3A_99 : i32
    %add3A_101 = arith.constant 575 : i32
    %add3A_102 = arith.addi %mul3A_100, %add3A_101 : i32
    "tpu.region"() ({
      %run_scoped3A = tpu.sem_alloc : memref<!tpu.dma_semaphore, #tpu.memory_space<semaphore_mem>>
      %dma_start3A_297 = arith.constant 0 : i32
      %dma_start3A_298 = arith.constant 0 : i32
      %dma_start3A_299 = tpu.memref_slice %arg10[%dma_start3A_297, %dma_start3A_298] : memref<80x128xf32, #tpu.memory_space<vmem>> -> memref<25x128xf32, #tpu.memory_space<vmem>>
      %dma_start3A_300 = arith.constant 0 : i32
      %dma_start3A_301 = tpu.memref_slice %arg14[%add3A_102, %dma_start3A_300] : memref<10000x128xf32, #tpu.memory_space<vmem_shared>> -> memref<25x128xf32, #tpu.memory_space<vmem_shared>>
      %dma_start3A_302 = arith.constant 0 : i32
      %dma_start3A_303 = tpu.memref_slice %arg14[%add3A_102, %dma_start3A_302] : memref<10000x128xf32, #tpu.memory_space<vmem_shared>> -> memref<25x128xf32, #tpu.memory_space<vmem_shared>>
      %dma_start3A_304 = arith.constant 0 : i32
      %dma_start3A_305 = arith.constant 0 : i32
      %dma_start3A_306 = tpu.memref_slice %arg10[%dma_start3A_304, %dma_start3A_305] : memref<80x128xf32, #tpu.memory_space<vmem>> -> memref<25x128xf32, #tpu.memory_space<vmem>>
      tpu.enqueue_dma source(%dma_start3A_306 : memref<25x128xf32, #tpu.memory_space<vmem>>) target(%dma_start3A_303 : memref<25x128xf32, #tpu.memory_space<vmem_shared>>) target_semaphore(%run_scoped3A : memref<!tpu.dma_semaphore, #tpu.memory_space<semaphore_mem>>)
      %dma_wait3A_307 = arith.constant 0 : i32
      %dma_wait3A_308 = arith.constant 0 : i32
      %dma_wait3A_309 = tpu.memref_slice %arg10[%dma_wait3A_307, %dma_wait3A_308] : memref<80x128xf32, #tpu.memory_space<vmem>> -> memref<25x128xf32, #tpu.memory_space<vmem>>
      %dma_wait3A_310 = arith.constant 0 : i32
      %dma_wait3A_311 = tpu.memref_slice %arg14[%add3A_102, %dma_wait3A_310] : memref<10000x128xf32, #tpu.memory_space<vmem_shared>> -> memref<25x128xf32, #tpu.memory_space<vmem_shared>>
      %dma_wait3A_312 = arith.constant 0 : i32
      %dma_wait3A_313 = tpu.memref_slice %arg14[%add3A_102, %dma_wait3A_312] : memref<10000x128xf32, #tpu.memory_space<vmem_shared>> -> memref<25x128xf32, #tpu.memory_space<vmem_shared>>
      %dma_wait3A_314 = arith.constant 0 : i32
      %dma_wait3A_315 = arith.constant 0 : i32
      %dma_wait3A_316 = tpu.memref_slice %arg10[%dma_wait3A_314, %dma_wait3A_315] : memref<80x128xf32, #tpu.memory_space<vmem>> -> memref<25x128xf32, #tpu.memory_space<vmem>>
      tpu.wait_dma2 semaphore(%run_scoped3A : memref<!tpu.dma_semaphore, #tpu.memory_space<semaphore_mem>>) src(%dma_wait3A_316 : memref<25x128xf32, #tpu.memory_space<vmem>>) dst(%dma_wait3A_313 : memref<25x128xf32, #tpu.memory_space<vmem_shared>>)
      tpu.yield
    }) : () -> ()
    %mul3A_103 = arith.constant 625 : i32
    %mul3A_104 = arith.muli %arg1, %mul3A_103 : i32
    %add3A_105 = arith.constant 600 : i32
    %add3A_106 = arith.addi %mul3A_104, %add3A_105 : i32
    "tpu.region"() ({
      %run_scoped3A = tpu.sem_alloc : memref<!tpu.dma_semaphore, #tpu.memory_space<semaphore_mem>>
      %dma_start3A_297 = arith.constant 0 : i32
      %dma_start3A_298 = arith.constant 0 : i32
      %dma_start3A_299 = tpu.memref_slice %arg10[%dma_start3A_297, %dma_start3A_298] : memref<80x128xf32, #tpu.memory_space<vmem>> -> memref<25x128xf32, #tpu.memory_space<vmem>>
      %dma_start3A_300 = arith.constant 0 : i32
      %dma_start3A_301 = tpu.memref_slice %arg14[%add3A_106, %dma_start3A_300] : memref<10000x128xf32, #tpu.memory_space<vmem_shared>> -> memref<25x128xf32, #tpu.memory_space<vmem_shared>>
      %dma_start3A_302 = arith.constant 0 : i32
      %dma_start3A_303 = tpu.memref_slice %arg14[%add3A_106, %dma_start3A_302] : memref<10000x128xf32, #tpu.memory_space<vmem_shared>> -> memref<25x128xf32, #tpu.memory_space<vmem_shared>>
      %dma_start3A_304 = arith.constant 0 : i32
      %dma_start3A_305 = arith.constant 0 : i32
      %dma_start3A_306 = tpu.memref_slice %arg10[%dma_start3A_304, %dma_start3A_305] : memref<80x128xf32, #tpu.memory_space<vmem>> -> memref<25x128xf32, #tpu.memory_space<vmem>>
      tpu.enqueue_dma source(%dma_start3A_306 : memref<25x128xf32, #tpu.memory_space<vmem>>) target(%dma_start3A_303 : memref<25x128xf32, #tpu.memory_space<vmem_shared>>) target_semaphore(%run_scoped3A : memref<!tpu.dma_semaphore, #tpu.memory_space<semaphore_mem>>)
      %dma_wait3A_307 = arith.constant 0 : i32
      %dma_wait3A_308 = arith.constant 0 : i32
      %dma_wait3A_309 = tpu.memref_slice %arg10[%dma_wait3A_307, %dma_wait3A_308] : memref<80x128xf32, #tpu.memory_space<vmem>> -> memref<25x128xf32, #tpu.memory_space<vmem>>
      %dma_wait3A_310 = arith.constant 0 : i32
      %dma_wait3A_311 = tpu.memref_slice %arg14[%add3A_106, %dma_wait3A_310] : memref<10000x128xf32, #tpu.memory_space<vmem_shared>> -> memref<25x128xf32, #tpu.memory_space<vmem_shared>>
      %dma_wait3A_312 = arith.constant 0 : i32
      %dma_wait3A_313 = tpu.memref_slice %arg14[%add3A_106, %dma_wait3A_312] : memref<10000x128xf32, #tpu.memory_space<vmem_shared>> -> memref<25x128xf32, #tpu.memory_space<vmem_shared>>
      %dma_wait3A_314 = arith.constant 0 : i32
      %dma_wait3A_315 = arith.constant 0 : i32
      %dma_wait3A_316 = tpu.memref_slice %arg10[%dma_wait3A_314, %dma_wait3A_315] : memref<80x128xf32, #tpu.memory_space<vmem>> -> memref<25x128xf32, #tpu.memory_space<vmem>>
      tpu.wait_dma2 semaphore(%run_scoped3A : memref<!tpu.dma_semaphore, #tpu.memory_space<semaphore_mem>>) src(%dma_wait3A_316 : memref<25x128xf32, #tpu.memory_space<vmem>>) dst(%dma_wait3A_313 : memref<25x128xf32, #tpu.memory_space<vmem_shared>>)
      tpu.yield
    }) : () -> ()
    %barrier3A = arith.constant 0 : index
    tpu.barrier barrier_id(%barrier3A)
    %dma_start3A = arith.constant 0 : i32
    %dma_start3A_107 = arith.constant 0 : i32
    %dma_start3A_108 = arith.constant 0 : i32
    %dma_start3A_109 = tpu.memref_slice %arg7[%dma_start3A_107, %dma_start3A_108] : memref<2x80xi32, #tpu.memory_space<vmem>> -> memref<1x80xi32, #tpu.memory_space<vmem>>
    %dma_start3A_110 = tpu.memref_squeeze %dma_start3A_109 : memref<1x80xi32, #tpu.memory_space<vmem>> -> memref<80xi32, #tpu.memory_space<vmem>>
    %dma_start3A_111 = arith.constant 0 : i32
    %dma_start3A_112 = tpu.memref_slice %arg3[%add3A, %dma_start3A, %dma_start3A_111] : memref<32x125x80xi32, #tpu.memory_space<hbm>> -> memref<1x1x80xi32, #tpu.memory_space<hbm>>
    %dma_start3A_113 = tpu.memref_squeeze %dma_start3A_112 : memref<1x1x80xi32, #tpu.memory_space<hbm>> -> memref<80xi32, #tpu.memory_space<hbm>>
    %dma_start3A_114 = arith.constant 0 : i32
    %dma_start3A_115 = tpu.memref_slice %arg7[%dma_start3A_107, %dma_start3A_114] : memref<2x80xi32, #tpu.memory_space<vmem>> -> memref<1x80xi32, #tpu.memory_space<vmem>>
    %dma_start3A_116 = tpu.memref_squeeze %dma_start3A_115 : memref<1x80xi32, #tpu.memory_space<vmem>> -> memref<80xi32, #tpu.memory_space<vmem>>
    %dma_start3A_117 = arith.constant 0 : i32
    %dma_start3A_118 = tpu.memref_slice %arg3[%add3A, %dma_start3A, %dma_start3A_117] : memref<32x125x80xi32, #tpu.memory_space<hbm>> -> memref<1x1x80xi32, #tpu.memory_space<hbm>>
    %dma_start3A_119 = tpu.memref_squeeze %dma_start3A_118 : memref<1x1x80xi32, #tpu.memory_space<hbm>> -> memref<80xi32, #tpu.memory_space<hbm>>
    tpu.enqueue_dma source(%dma_start3A_119 : memref<80xi32, #tpu.memory_space<hbm>>) target(%dma_start3A_116 : memref<80xi32, #tpu.memory_space<vmem>>) target_semaphore(%arg19 : memref<!tpu.dma_semaphore, #tpu.memory_space<semaphore_mem>>)
    %dma_start3A_120 = arith.constant 0 : i32
    %dma_start3A_121 = arith.constant 0 : i32
    %dma_start3A_122 = arith.constant 0 : i32
    %dma_start3A_123 = tpu.memref_slice %arg8[%dma_start3A_121, %dma_start3A_122] : memref<2x80xi32, #tpu.memory_space<vmem>> -> memref<1x80xi32, #tpu.memory_space<vmem>>
    %dma_start3A_124 = tpu.memref_squeeze %dma_start3A_123 : memref<1x80xi32, #tpu.memory_space<vmem>> -> memref<80xi32, #tpu.memory_space<vmem>>
    %dma_start3A_125 = arith.constant 0 : i32
    %dma_start3A_126 = tpu.memref_slice %arg4[%add3A, %dma_start3A_120, %dma_start3A_125] : memref<32x125x80xi32, #tpu.memory_space<hbm>> -> memref<1x1x80xi32, #tpu.memory_space<hbm>>
    %dma_start3A_127 = tpu.memref_squeeze %dma_start3A_126 : memref<1x1x80xi32, #tpu.memory_space<hbm>> -> memref<80xi32, #tpu.memory_space<hbm>>
    %dma_start3A_128 = arith.constant 0 : i32
    %dma_start3A_129 = tpu.memref_slice %arg8[%dma_start3A_121, %dma_start3A_128] : memref<2x80xi32, #tpu.memory_space<vmem>> -> memref<1x80xi32, #tpu.memory_space<vmem>>
    %dma_start3A_130 = tpu.memref_squeeze %dma_start3A_129 : memref<1x80xi32, #tpu.memory_space<vmem>> -> memref<80xi32, #tpu.memory_space<vmem>>
    %dma_start3A_131 = arith.constant 0 : i32
    %dma_start3A_132 = tpu.memref_slice %arg4[%add3A, %dma_start3A_120, %dma_start3A_131] : memref<32x125x80xi32, #tpu.memory_space<hbm>> -> memref<1x1x80xi32, #tpu.memory_space<hbm>>
    %dma_start3A_133 = tpu.memref_squeeze %dma_start3A_132 : memref<1x1x80xi32, #tpu.memory_space<hbm>> -> memref<80xi32, #tpu.memory_space<hbm>>
    tpu.enqueue_dma source(%dma_start3A_133 : memref<80xi32, #tpu.memory_space<hbm>>) target(%dma_start3A_130 : memref<80xi32, #tpu.memory_space<vmem>>) target_semaphore(%arg21 : memref<!tpu.dma_semaphore, #tpu.memory_space<semaphore_mem>>)
    %dma_start3A_134 = arith.constant 0 : i32
    %dma_start3A_135 = tpu.memref_slice %arg9[%dma_start3A_134] : memref<160xf32, #tpu.memory_space<vmem>> -> memref<80xf32, #tpu.memory_space<vmem>>
    %dma_start3A_136 = arith.constant 0 : i32
    %dma_start3A_137 = tpu.memref_slice %arg5[%add3A, %dma_start3A_136] : memref<32x10000xf32, #tpu.memory_space<hbm>> -> memref<1x80xf32, #tpu.memory_space<hbm>>
    %dma_start3A_138 = tpu.memref_squeeze %dma_start3A_137 : memref<1x80xf32, #tpu.memory_space<hbm>> -> memref<80xf32, #tpu.memory_space<hbm>>
    %dma_start3A_139 = arith.constant 0 : i32
    %dma_start3A_140 = tpu.memref_slice %arg9[%dma_start3A_139] : memref<160xf32, #tpu.memory_space<vmem>> -> memref<80xf32, #tpu.memory_space<vmem>>
    %dma_start3A_141 = arith.constant 0 : i32
    %dma_start3A_142 = tpu.memref_slice %arg5[%add3A, %dma_start3A_141] : memref<32x10000xf32, #tpu.memory_space<hbm>> -> memref<1x80xf32, #tpu.memory_space<hbm>>
    %dma_start3A_143 = tpu.memref_squeeze %dma_start3A_142 : memref<1x80xf32, #tpu.memory_space<hbm>> -> memref<80xf32, #tpu.memory_space<hbm>>
    tpu.enqueue_dma source(%dma_start3A_143 : memref<80xf32, #tpu.memory_space<hbm>>) target(%dma_start3A_140 : memref<80xf32, #tpu.memory_space<vmem>>) target_semaphore(%arg23 : memref<!tpu.dma_semaphore, #tpu.memory_space<semaphore_mem>>)
    %dma_start3A_144 = arith.constant 1 : i32
    %dma_start3A_145 = arith.constant 1 : i32
    %dma_start3A_146 = arith.constant 0 : i32
    %dma_start3A_147 = tpu.memref_slice %arg7[%dma_start3A_145, %dma_start3A_146] : memref<2x80xi32, #tpu.memory_space<vmem>> -> memref<1x80xi32, #tpu.memory_space<vmem>>
    %dma_start3A_148 = tpu.memref_squeeze %dma_start3A_147 : memref<1x80xi32, #tpu.memory_space<vmem>> -> memref<80xi32, #tpu.memory_space<vmem>>
    %dma_start3A_149 = arith.constant 0 : i32
    %dma_start3A_150 = tpu.memref_slice %arg3[%add3A, %dma_start3A_144, %dma_start3A_149] : memref<32x125x80xi32, #tpu.memory_space<hbm>> -> memref<1x1x80xi32, #tpu.memory_space<hbm>>
    %dma_start3A_151 = tpu.memref_squeeze %dma_start3A_150 : memref<1x1x80xi32, #tpu.memory_space<hbm>> -> memref<80xi32, #tpu.memory_space<hbm>>
    %dma_start3A_152 = arith.constant 0 : i32
    %dma_start3A_153 = tpu.memref_slice %arg7[%dma_start3A_145, %dma_start3A_152] : memref<2x80xi32, #tpu.memory_space<vmem>> -> memref<1x80xi32, #tpu.memory_space<vmem>>
    %dma_start3A_154 = tpu.memref_squeeze %dma_start3A_153 : memref<1x80xi32, #tpu.memory_space<vmem>> -> memref<80xi32, #tpu.memory_space<vmem>>
    %dma_start3A_155 = arith.constant 0 : i32
    %dma_start3A_156 = tpu.memref_slice %arg3[%add3A, %dma_start3A_144, %dma_start3A_155] : memref<32x125x80xi32, #tpu.memory_space<hbm>> -> memref<1x1x80xi32, #tpu.memory_space<hbm>>
    %dma_start3A_157 = tpu.memref_squeeze %dma_start3A_156 : memref<1x1x80xi32, #tpu.memory_space<hbm>> -> memref<80xi32, #tpu.memory_space<hbm>>
    tpu.enqueue_dma source(%dma_start3A_157 : memref<80xi32, #tpu.memory_space<hbm>>) target(%dma_start3A_154 : memref<80xi32, #tpu.memory_space<vmem>>) target_semaphore(%arg20 : memref<!tpu.dma_semaphore, #tpu.memory_space<semaphore_mem>>)
    %dma_start3A_158 = arith.constant 1 : i32
    %dma_start3A_159 = arith.constant 1 : i32
    %dma_start3A_160 = arith.constant 0 : i32
    %dma_start3A_161 = tpu.memref_slice %arg8[%dma_start3A_159, %dma_start3A_160] : memref<2x80xi32, #tpu.memory_space<vmem>> -> memref<1x80xi32, #tpu.memory_space<vmem>>
    %dma_start3A_162 = tpu.memref_squeeze %dma_start3A_161 : memref<1x80xi32, #tpu.memory_space<vmem>> -> memref<80xi32, #tpu.memory_space<vmem>>
    %dma_start3A_163 = arith.constant 0 : i32
    %dma_start3A_164 = tpu.memref_slice %arg4[%add3A, %dma_start3A_158, %dma_start3A_163] : memref<32x125x80xi32, #tpu.memory_space<hbm>> -> memref<1x1x80xi32, #tpu.memory_space<hbm>>
    %dma_start3A_165 = tpu.memref_squeeze %dma_start3A_164 : memref<1x1x80xi32, #tpu.memory_space<hbm>> -> memref<80xi32, #tpu.memory_space<hbm>>
    %dma_start3A_166 = arith.constant 0 : i32
    %dma_start3A_167 = tpu.memref_slice %arg8[%dma_start3A_159, %dma_start3A_166] : memref<2x80xi32, #tpu.memory_space<vmem>> -> memref<1x80xi32, #tpu.memory_space<vmem>>
    %dma_start3A_168 = tpu.memref_squeeze %dma_start3A_167 : memref<1x80xi32, #tpu.memory_space<vmem>> -> memref<80xi32, #tpu.memory_space<vmem>>
    %dma_start3A_169 = arith.constant 0 : i32
    %dma_start3A_170 = tpu.memref_slice %arg4[%add3A, %dma_start3A_158, %dma_start3A_169] : memref<32x125x80xi32, #tpu.memory_space<hbm>> -> memref<1x1x80xi32, #tpu.memory_space<hbm>>
    %dma_start3A_171 = tpu.memref_squeeze %dma_start3A_170 : memref<1x1x80xi32, #tpu.memory_space<hbm>> -> memref<80xi32, #tpu.memory_space<hbm>>
    tpu.enqueue_dma source(%dma_start3A_171 : memref<80xi32, #tpu.memory_space<hbm>>) target(%dma_start3A_168 : memref<80xi32, #tpu.memory_space<vmem>>) target_semaphore(%arg22 : memref<!tpu.dma_semaphore, #tpu.memory_space<semaphore_mem>>)
    %dma_start3A_172 = arith.constant 80 : i32
    %dma_start3A_173 = tpu.memref_slice %arg9[%dma_start3A_172] : memref<160xf32, #tpu.memory_space<vmem>> -> memref<80xf32, #tpu.memory_space<vmem>>
    %dma_start3A_174 = arith.constant 80 : i32
    %dma_start3A_175 = tpu.memref_slice %arg5[%add3A, %dma_start3A_174] : memref<32x10000xf32, #tpu.memory_space<hbm>> -> memref<1x80xf32, #tpu.memory_space<hbm>>
    %dma_start3A_176 = tpu.memref_squeeze %dma_start3A_175 : memref<1x80xf32, #tpu.memory_space<hbm>> -> memref<80xf32, #tpu.memory_space<hbm>>
    %dma_start3A_177 = arith.constant 80 : i32
    %dma_start3A_178 = tpu.memref_slice %arg9[%dma_start3A_177] : memref<160xf32, #tpu.memory_space<vmem>> -> memref<80xf32, #tpu.memory_space<vmem>>
    %dma_start3A_179 = arith.constant 80 : i32
    %dma_start3A_180 = tpu.memref_slice %arg5[%add3A, %dma_start3A_179] : memref<32x10000xf32, #tpu.memory_space<hbm>> -> memref<1x80xf32, #tpu.memory_space<hbm>>
    %dma_start3A_181 = tpu.memref_squeeze %dma_start3A_180 : memref<1x80xf32, #tpu.memory_space<hbm>> -> memref<80xf32, #tpu.memory_space<hbm>>
    tpu.enqueue_dma source(%dma_start3A_181 : memref<80xf32, #tpu.memory_space<hbm>>) target(%dma_start3A_178 : memref<80xf32, #tpu.memory_space<vmem>>) target_semaphore(%arg24 : memref<!tpu.dma_semaphore, #tpu.memory_space<semaphore_mem>>)
    %dma_wait3A = arith.constant 0 : i32
    %dma_wait3A_182 = arith.constant 0 : i32
    %dma_wait3A_183 = arith.constant 0 : i32
    %dma_wait3A_184 = tpu.memref_slice %arg7[%dma_wait3A_182, %dma_wait3A_183] : memref<2x80xi32, #tpu.memory_space<vmem>> -> memref<1x80xi32, #tpu.memory_space<vmem>>
    %dma_wait3A_185 = tpu.memref_squeeze %dma_wait3A_184 : memref<1x80xi32, #tpu.memory_space<vmem>> -> memref<80xi32, #tpu.memory_space<vmem>>
    %dma_wait3A_186 = arith.constant 0 : i32
    %dma_wait3A_187 = tpu.memref_slice %arg3[%add3A, %dma_wait3A, %dma_wait3A_186] : memref<32x125x80xi32, #tpu.memory_space<hbm>> -> memref<1x1x80xi32, #tpu.memory_space<hbm>>
    %dma_wait3A_188 = tpu.memref_squeeze %dma_wait3A_187 : memref<1x1x80xi32, #tpu.memory_space<hbm>> -> memref<80xi32, #tpu.memory_space<hbm>>
    %dma_wait3A_189 = arith.constant 0 : i32
    %dma_wait3A_190 = tpu.memref_slice %arg7[%dma_wait3A_182, %dma_wait3A_189] : memref<2x80xi32, #tpu.memory_space<vmem>> -> memref<1x80xi32, #tpu.memory_space<vmem>>
    %dma_wait3A_191 = tpu.memref_squeeze %dma_wait3A_190 : memref<1x80xi32, #tpu.memory_space<vmem>> -> memref<80xi32, #tpu.memory_space<vmem>>
    %dma_wait3A_192 = arith.constant 0 : i32
    %dma_wait3A_193 = tpu.memref_slice %arg3[%add3A, %dma_wait3A, %dma_wait3A_192] : memref<32x125x80xi32, #tpu.memory_space<hbm>> -> memref<1x1x80xi32, #tpu.memory_space<hbm>>
    %dma_wait3A_194 = tpu.memref_squeeze %dma_wait3A_193 : memref<1x1x80xi32, #tpu.memory_space<hbm>> -> memref<80xi32, #tpu.memory_space<hbm>>
    tpu.wait_dma2 semaphore(%arg19 : memref<!tpu.dma_semaphore, #tpu.memory_space<semaphore_mem>>) src(%dma_wait3A_194 : memref<80xi32, #tpu.memory_space<hbm>>) dst(%dma_wait3A_191 : memref<80xi32, #tpu.memory_space<vmem>>)
    %dma_start3A_195 = arith.constant 0 : i32
    %dma_start3A_196 = arith.constant 0 : i32
    %dma_start3A_197 = tpu.memref_slice %arg7[%dma_start3A_195, %dma_start3A_196] : memref<2x80xi32, #tpu.memory_space<vmem>> -> memref<1x80xi32, #tpu.memory_space<vmem>>
    %dma_start3A_198 = tpu.memref_squeeze %dma_start3A_197 : memref<1x80xi32, #tpu.memory_space<vmem>> -> memref<80xi32, #tpu.memory_space<vmem>>
    %dma_start3A_199 = arith.constant 0 : i32
    %dma_start3A_200 = arith.constant 0 : i32
    %dma_start3A_201 = tpu.memref_slice %arg2[%dma_start3A_199, %dma_start3A_200] : memref<10000x128xf32, #tpu.memory_space<hbm>> -> memref<10000x128xf32, #tpu.memory_space<hbm>>
    tpu.enqueue_indirect_dma source(%dma_start3A_201 : memref<10000x128xf32, #tpu.memory_space<hbm>>) target(%arg10 : memref<80x128xf32, #tpu.memory_space<vmem>>) offsets(%dma_start3A_198 : memref<80xi32, #tpu.memory_space<vmem>>) semaphore(%arg15 : memref<!tpu.dma_semaphore, #tpu.memory_space<semaphore_mem>>)
    %scan3A_202 = arith.constant 0 : i32
    %scan3A_203 = arith.constant 0 : i32
    %scan3A_204 = arith.constant 62 : i32
    %scan3A_205 = arith.addi %scan3A_203, %scan3A_204 : i32
    %scan3A_206 = arith.constant 1 : i32
    scf.for %scan3A_297 = %scan3A_203 to %scan3A_205 step %scan3A_206  : i32 {
      %mul3A_298 = arith.constant 2 : i32
      %mul3A_299 = arith.muli %mul3A_298, %scan3A_297 : i32
      %add3A_300 = arith.constant 0 : i32
      %add3A_301 = arith.addi %mul3A_299, %add3A_300 : i32
      %dma_wait3A_302 = arith.constant 0 : i32
      %dma_wait3A_303 = arith.constant 0 : i32
      %dma_wait3A_304 = tpu.memref_slice %arg7[%dma_wait3A_302, %dma_wait3A_303] : memref<2x80xi32, #tpu.memory_space<vmem>> -> memref<1x80xi32, #tpu.memory_space<vmem>>
      %dma_wait3A_305 = tpu.memref_squeeze %dma_wait3A_304 : memref<1x80xi32, #tpu.memory_space<vmem>> -> memref<80xi32, #tpu.memory_space<vmem>>
      %dma_wait3A_306 = arith.constant 0 : i32
      %dma_wait3A_307 = arith.constant 0 : i32
      %dma_wait3A_308 = tpu.memref_slice %arg2[%dma_wait3A_306, %dma_wait3A_307] : memref<10000x128xf32, #tpu.memory_space<hbm>> -> memref<10000x128xf32, #tpu.memory_space<hbm>>
      tpu.wait_indirect_dma semaphore(%arg15 : memref<!tpu.dma_semaphore, #tpu.memory_space<semaphore_mem>>) src(%dma_wait3A_308 : memref<10000x128xf32, #tpu.memory_space<hbm>>) dst(%arg10 : memref<80x128xf32, #tpu.memory_space<vmem>>)
      %add3A_309 = arith.constant 2 : i32
      %add3A_310 = arith.addi %add3A_301, %add3A_309 : i32
      %lt3A_311 = arith.constant 125 : i32
      %lt3A_312 = arith.cmpi slt, %add3A_310, %lt3A_311 : i32
      %convert_element_type3A_313 = arith.extui %lt3A_312 : i1 to i32
      %cond3A_314 = arith.constant 0 : i32
      %cond3A_315 = arith.cmpi ne, %convert_element_type3A_313, %cond3A_314 : i32
      scf.if %cond3A_315 {
        %add3A_438 = arith.constant 2 : i32
        %add3A_439 = arith.addi %add3A_301, %add3A_438 : i32
        %dma_start3A_440 = arith.constant 0 : i32
        %dma_start3A_441 = arith.constant 0 : i32
        %dma_start3A_442 = tpu.memref_slice %arg7[%dma_start3A_440, %dma_start3A_441] : memref<2x80xi32, #tpu.memory_space<vmem>> -> memref<1x80xi32, #tpu.memory_space<vmem>>
        %dma_start3A_443 = tpu.memref_squeeze %dma_start3A_442 : memref<1x80xi32, #tpu.memory_space<vmem>> -> memref<80xi32, #tpu.memory_space<vmem>>
        %dma_start3A_444 = arith.constant 0 : i32
        %dma_start3A_445 = tpu.memref_slice %arg3[%add3A, %add3A_439, %dma_start3A_444] : memref<32x125x80xi32, #tpu.memory_space<hbm>> -> memref<1x1x80xi32, #tpu.memory_space<hbm>>
        %dma_start3A_446 = tpu.memref_squeeze %dma_start3A_445 : memref<1x1x80xi32, #tpu.memory_space<hbm>> -> memref<80xi32, #tpu.memory_space<hbm>>
        %dma_start3A_447 = arith.constant 0 : i32
        %dma_start3A_448 = tpu.memref_slice %arg7[%dma_start3A_440, %dma_start3A_447] : memref<2x80xi32, #tpu.memory_space<vmem>> -> memref<1x80xi32, #tpu.memory_space<vmem>>
        %dma_start3A_449 = tpu.memref_squeeze %dma_start3A_448 : memref<1x80xi32, #tpu.memory_space<vmem>> -> memref<80xi32, #tpu.memory_space<vmem>>
        %dma_start3A_450 = arith.constant 0 : i32
        %dma_start3A_451 = tpu.memref_slice %arg3[%add3A, %add3A_439, %dma_start3A_450] : memref<32x125x80xi32, #tpu.memory_space<hbm>> -> memref<1x1x80xi32, #tpu.memory_space<hbm>>
        %dma_start3A_452 = tpu.memref_squeeze %dma_start3A_451 : memref<1x1x80xi32, #tpu.memory_space<hbm>> -> memref<80xi32, #tpu.memory_space<hbm>>
        tpu.enqueue_dma source(%dma_start3A_452 : memref<80xi32, #tpu.memory_space<hbm>>) target(%dma_start3A_449 : memref<80xi32, #tpu.memory_space<vmem>>) target_semaphore(%arg19 : memref<!tpu.dma_semaphore, #tpu.memory_space<semaphore_mem>>)
      } else {
      }
      %add3A_316 = arith.constant 1 : i32
      %add3A_317 = arith.addi %add3A_301, %add3A_316 : i32
      %lt3A_318 = arith.constant 125 : i32
      %lt3A_319 = arith.cmpi slt, %add3A_317, %lt3A_318 : i32
      %convert_element_type3A_320 = arith.extui %lt3A_319 : i1 to i32
      %cond3A_321 = arith.constant 0 : i32
      %cond3A_322 = arith.cmpi ne, %convert_element_type3A_320, %cond3A_321 : i32
      scf.if %cond3A_322 {
        %add3A_438 = arith.constant 1 : i32
        %add3A_439 = arith.addi %add3A_301, %add3A_438 : i32
        %dma_wait3A_440 = arith.constant 1 : i32
        %dma_wait3A_441 = arith.constant 0 : i32
        %dma_wait3A_442 = tpu.memref_slice %arg7[%dma_wait3A_440, %dma_wait3A_441] : memref<2x80xi32, #tpu.memory_space<vmem>> -> memref<1x80xi32, #tpu.memory_space<vmem>>
        %dma_wait3A_443 = tpu.memref_squeeze %dma_wait3A_442 : memref<1x80xi32, #tpu.memory_space<vmem>> -> memref<80xi32, #tpu.memory_space<vmem>>
        %dma_wait3A_444 = arith.constant 0 : i32
        %dma_wait3A_445 = tpu.memref_slice %arg3[%add3A, %add3A_439, %dma_wait3A_444] : memref<32x125x80xi32, #tpu.memory_space<hbm>> -> memref<1x1x80xi32, #tpu.memory_space<hbm>>
        %dma_wait3A_446 = tpu.memref_squeeze %dma_wait3A_445 : memref<1x1x80xi32, #tpu.memory_space<hbm>> -> memref<80xi32, #tpu.memory_space<hbm>>
        %dma_wait3A_447 = arith.constant 0 : i32
        %dma_wait3A_448 = tpu.memref_slice %arg7[%dma_wait3A_440, %dma_wait3A_447] : memref<2x80xi32, #tpu.memory_space<vmem>> -> memref<1x80xi32, #tpu.memory_space<vmem>>
        %dma_wait3A_449 = tpu.memref_squeeze %dma_wait3A_448 : memref<1x80xi32, #tpu.memory_space<vmem>> -> memref<80xi32, #tpu.memory_space<vmem>>
        %dma_wait3A_450 = arith.constant 0 : i32
        %dma_wait3A_451 = tpu.memref_slice %arg3[%add3A, %add3A_439, %dma_wait3A_450] : memref<32x125x80xi32, #tpu.memory_space<hbm>> -> memref<1x1x80xi32, #tpu.memory_space<hbm>>
        %dma_wait3A_452 = tpu.memref_squeeze %dma_wait3A_451 : memref<1x1x80xi32, #tpu.memory_space<hbm>> -> memref<80xi32, #tpu.memory_space<hbm>>
        tpu.wait_dma2 semaphore(%arg20 : memref<!tpu.dma_semaphore, #tpu.memory_space<semaphore_mem>>) src(%dma_wait3A_452 : memref<80xi32, #tpu.memory_space<hbm>>) dst(%dma_wait3A_449 : memref<80xi32, #tpu.memory_space<vmem>>)
        %dma_start3A_453 = arith.constant 1 : i32
        %dma_start3A_454 = arith.constant 0 : i32
        %dma_start3A_455 = tpu.memref_slice %arg7[%dma_start3A_453, %dma_start3A_454] : memref<2x80xi32, #tpu.memory_space<vmem>> -> memref<1x80xi32, #tpu.memory_space<vmem>>
        %dma_start3A_456 = tpu.memref_squeeze %dma_start3A_455 : memref<1x80xi32, #tpu.memory_space<vmem>> -> memref<80xi32, #tpu.memory_space<vmem>>
        %dma_start3A_457 = arith.constant 0 : i32
        %dma_start3A_458 = arith.constant 0 : i32
        %dma_start3A_459 = tpu.memref_slice %arg2[%dma_start3A_457, %dma_start3A_458] : memref<10000x128xf32, #tpu.memory_space<hbm>> -> memref<10000x128xf32, #tpu.memory_space<hbm>>
        tpu.enqueue_indirect_dma source(%dma_start3A_459 : memref<10000x128xf32, #tpu.memory_space<hbm>>) target(%arg11 : memref<80x128xf32, #tpu.memory_space<vmem>>) offsets(%dma_start3A_456 : memref<80xi32, #tpu.memory_space<vmem>>) semaphore(%arg16 : memref<!tpu.dma_semaphore, #tpu.memory_space<semaphore_mem>>)
      } else {
      }
      %ge3A_323 = arith.constant 2 : i32
      %ge3A_324 = arith.cmpi sge, %add3A_301, %ge3A_323 : i32
      %convert_element_type3A_325 = arith.extui %ge3A_324 : i1 to i32
      %cond3A_326 = arith.constant 0 : i32
      %cond3A_327 = arith.cmpi ne, %convert_element_type3A_325, %cond3A_326 : i32
      scf.if %cond3A_327 {
        %dma_wait3A_438 = arith.constant 0 : i32
        %dma_wait3A_439 = arith.constant 0 : i32
        %dma_wait3A_440 = tpu.memref_slice %arg8[%dma_wait3A_438, %dma_wait3A_439] : memref<2x80xi32, #tpu.memory_space<vmem>> -> memref<1x80xi32, #tpu.memory_space<vmem>>
        %dma_wait3A_441 = tpu.memref_squeeze %dma_wait3A_440 : memref<1x80xi32, #tpu.memory_space<vmem>> -> memref<80xi32, #tpu.memory_space<vmem>>
        %dma_wait3A_442 = arith.constant 0 : i32
        %dma_wait3A_443 = arith.constant 0 : i32
        %dma_wait3A_444 = tpu.memref_slice %arg14[%dma_wait3A_442, %dma_wait3A_443] : memref<10000x128xf32, #tpu.memory_space<vmem_shared>> -> memref<10000x128xf32, #tpu.memory_space<vmem_shared>>
        tpu.wait_indirect_dma semaphore(%arg17 : memref<!tpu.dma_semaphore, #tpu.memory_space<semaphore_mem>>) src(%arg12 : memref<80x128xf32, #tpu.memory_space<vmem>>) dst(%dma_wait3A_444 : memref<10000x128xf32, #tpu.memory_space<vmem_shared>>)
        %dma_start3A_445 = arith.constant 0 : i32
        %dma_start3A_446 = arith.constant 0 : i32
        %dma_start3A_447 = tpu.memref_slice %arg8[%dma_start3A_445, %dma_start3A_446] : memref<2x80xi32, #tpu.memory_space<vmem>> -> memref<1x80xi32, #tpu.memory_space<vmem>>
        %dma_start3A_448 = tpu.memref_squeeze %dma_start3A_447 : memref<1x80xi32, #tpu.memory_space<vmem>> -> memref<80xi32, #tpu.memory_space<vmem>>
        %dma_start3A_449 = arith.constant 0 : i32
        %dma_start3A_450 = tpu.memref_slice %arg4[%add3A, %add3A_301, %dma_start3A_449] : memref<32x125x80xi32, #tpu.memory_space<hbm>> -> memref<1x1x80xi32, #tpu.memory_space<hbm>>
        %dma_start3A_451 = tpu.memref_squeeze %dma_start3A_450 : memref<1x1x80xi32, #tpu.memory_space<hbm>> -> memref<80xi32, #tpu.memory_space<hbm>>
        %dma_start3A_452 = arith.constant 0 : i32
        %dma_start3A_453 = tpu.memref_slice %arg8[%dma_start3A_445, %dma_start3A_452] : memref<2x80xi32, #tpu.memory_space<vmem>> -> memref<1x80xi32, #tpu.memory_space<vmem>>
        %dma_start3A_454 = tpu.memref_squeeze %dma_start3A_453 : memref<1x80xi32, #tpu.memory_space<vmem>> -> memref<80xi32, #tpu.memory_space<vmem>>
        %dma_start3A_455 = arith.constant 0 : i32
        %dma_start3A_456 = tpu.memref_slice %arg4[%add3A, %add3A_301, %dma_start3A_455] : memref<32x125x80xi32, #tpu.memory_space<hbm>> -> memref<1x1x80xi32, #tpu.memory_space<hbm>>
        %dma_start3A_457 = tpu.memref_squeeze %dma_start3A_456 : memref<1x1x80xi32, #tpu.memory_space<hbm>> -> memref<80xi32, #tpu.memory_space<hbm>>
        tpu.enqueue_dma source(%dma_start3A_457 : memref<80xi32, #tpu.memory_space<hbm>>) target(%dma_start3A_454 : memref<80xi32, #tpu.memory_space<vmem>>) target_semaphore(%arg21 : memref<!tpu.dma_semaphore, #tpu.memory_space<semaphore_mem>>)
      } else {
      }
      %dma_wait3A_328 = arith.constant 0 : i32
      %dma_wait3A_329 = tpu.memref_slice %arg9[%dma_wait3A_328] : memref<160xf32, #tpu.memory_space<vmem>> -> memref<80xf32, #tpu.memory_space<vmem>>
      %dma_wait3A_330 = arith.constant 0 : i32
      %dma_wait3A_331 = tpu.memref_slice %arg5[%add3A, %dma_wait3A_330] : memref<32x10000xf32, #tpu.memory_space<hbm>> -> memref<1x80xf32, #tpu.memory_space<hbm>>
      %dma_wait3A_332 = tpu.memref_squeeze %dma_wait3A_331 : memref<1x80xf32, #tpu.memory_space<hbm>> -> memref<80xf32, #tpu.memory_space<hbm>>
      %dma_wait3A_333 = arith.constant 0 : i32
      %dma_wait3A_334 = tpu.memref_slice %arg9[%dma_wait3A_333] : memref<160xf32, #tpu.memory_space<vmem>> -> memref<80xf32, #tpu.memory_space<vmem>>
      %dma_wait3A_335 = arith.constant 0 : i32
      %dma_wait3A_336 = tpu.memref_slice %arg5[%add3A, %dma_wait3A_335] : memref<32x10000xf32, #tpu.memory_space<hbm>> -> memref<1x80xf32, #tpu.memory_space<hbm>>
      %dma_wait3A_337 = tpu.memref_squeeze %dma_wait3A_336 : memref<1x80xf32, #tpu.memory_space<hbm>> -> memref<80xf32, #tpu.memory_space<hbm>>
      tpu.wait_dma2 semaphore(%arg23 : memref<!tpu.dma_semaphore, #tpu.memory_space<semaphore_mem>>) src(%dma_wait3A_337 : memref<80xf32, #tpu.memory_space<hbm>>) dst(%dma_wait3A_334 : memref<80xf32, #tpu.memory_space<vmem>>)
      %parallel_loop3A_338 = arith.constant 0 : i32
      %parallel_loop3A_339 = arith.constant 80 : i32
      %parallel_loop3A_340 = arith.constant 1 : i32
      scf.for %parallel_loop3A_438 = %parallel_loop3A_338 to %parallel_loop3A_339 step %parallel_loop3A_340  : i32 {
        %parallel_loop3A_439 = arith.constant 0 : i32
        %parallel_loop3A_440 = arith.addi %parallel_loop3A_439, %parallel_loop3A_438 : i32
        %parallel_loop3A_441 = vector.broadcast %parallel_loop3A_440 : i32 to vector<16xi32>
        %parallel_loop3A_442 = tpu.vector_load_idx %arg9[%parallel_loop3A_441] : memref<160xf32, #tpu.memory_space<vmem>>[vector<16xi32>], vector<16xf32>,
        %parallel_loop3A_443 = arith.index_cast %parallel_loop3A_438 : i32 to index
        %parallel_loop3A_444 = arith.constant 0 : index
        %parallel_loop3A_445 = tpu.vector_load %arg10[%parallel_loop3A_443, %parallel_loop3A_444] {strides = array<i32>} : memref<80x128xf32, #tpu.memory_space<vmem>>, vector<16xf32>,
        %parallel_loop3A_446 = arith.mulf %parallel_loop3A_445, %parallel_loop3A_442 : vector<16xf32>
        %parallel_loop3A_447 = arith.index_cast %parallel_loop3A_438 : i32 to index
        %parallel_loop3A_448 = arith.constant 0 : index
        %parallel_loop3A_449 = tpu.vector_load %arg12[%parallel_loop3A_447, %parallel_loop3A_448] {strides = array<i32>} : memref<80x128xf32, #tpu.memory_space<vmem>>, vector<16xf32>,
        tpu.vector_store %arg12[%parallel_loop3A_447, %parallel_loop3A_448], %parallel_loop3A_446 {strides = array<i32>} : memref<80x128xf32, #tpu.memory_space<vmem>>, vector<16xf32>,
        %parallel_loop3A_450 = arith.index_cast %parallel_loop3A_438 : i32 to index
        %parallel_loop3A_451 = arith.constant 16 : index
        %parallel_loop3A_452 = tpu.vector_load %arg10[%parallel_loop3A_450, %parallel_loop3A_451] {strides = array<i32>} : memref<80x128xf32, #tpu.memory_space<vmem>>, vector<16xf32>,
        %parallel_loop3A_453 = arith.mulf %parallel_loop3A_452, %parallel_loop3A_442 : vector<16xf32>
        %parallel_loop3A_454 = arith.index_cast %parallel_loop3A_438 : i32 to index
        %parallel_loop3A_455 = arith.constant 16 : index
        %parallel_loop3A_456 = tpu.vector_load %arg12[%parallel_loop3A_454, %parallel_loop3A_455] {strides = array<i32>} : memref<80x128xf32, #tpu.memory_space<vmem>>, vector<16xf32>,
        tpu.vector_store %arg12[%parallel_loop3A_454, %parallel_loop3A_455], %parallel_loop3A_453 {strides = array<i32>} : memref<80x128xf32, #tpu.memory_space<vmem>>, vector<16xf32>,
        %parallel_loop3A_457 = arith.index_cast %parallel_loop3A_438 : i32 to index
        %parallel_loop3A_458 = arith.constant 32 : index
        %parallel_loop3A_459 = tpu.vector_load %arg10[%parallel_loop3A_457, %parallel_loop3A_458] {strides = array<i32>} : memref<80x128xf32, #tpu.memory_space<vmem>>, vector<16xf32>,
        %parallel_loop3A_460 = arith.mulf %parallel_loop3A_459, %parallel_loop3A_442 : vector<16xf32>
        %parallel_loop3A_461 = arith.index_cast %parallel_loop3A_438 : i32 to index
        %parallel_loop3A_462 = arith.constant 32 : index
        %parallel_loop3A_463 = tpu.vector_load %arg12[%parallel_loop3A_461, %parallel_loop3A_462] {strides = array<i32>} : memref<80x128xf32, #tpu.memory_space<vmem>>, vector<16xf32>,
        tpu.vector_store %arg12[%parallel_loop3A_461, %parallel_loop3A_462], %parallel_loop3A_460 {strides = array<i32>} : memref<80x128xf32, #tpu.memory_space<vmem>>, vector<16xf32>,
        %parallel_loop3A_464 = arith.index_cast %parallel_loop3A_438 : i32 to index
        %parallel_loop3A_465 = arith.constant 48 : index
        %parallel_loop3A_466 = tpu.vector_load %arg10[%parallel_loop3A_464, %parallel_loop3A_465] {strides = array<i32>} : memref<80x128xf32, #tpu.memory_space<vmem>>, vector<16xf32>,
        %parallel_loop3A_467 = arith.mulf %parallel_loop3A_466, %parallel_loop3A_442 : vector<16xf32>
        %parallel_loop3A_468 = arith.index_cast %parallel_loop3A_438 : i32 to index
        %parallel_loop3A_469 = arith.constant 48 : index
        %parallel_loop3A_470 = tpu.vector_load %arg12[%parallel_loop3A_468, %parallel_loop3A_469] {strides = array<i32>} : memref<80x128xf32, #tpu.memory_space<vmem>>, vector<16xf32>,
        tpu.vector_store %arg12[%parallel_loop3A_468, %parallel_loop3A_469], %parallel_loop3A_467 {strides = array<i32>} : memref<80x128xf32, #tpu.memory_space<vmem>>, vector<16xf32>,
        %parallel_loop3A_471 = arith.index_cast %parallel_loop3A_438 : i32 to index
        %parallel_loop3A_472 = arith.constant 64 : index
        %parallel_loop3A_473 = tpu.vector_load %arg10[%parallel_loop3A_471, %parallel_loop3A_472] {strides = array<i32>} : memref<80x128xf32, #tpu.memory_space<vmem>>, vector<16xf32>,
        %parallel_loop3A_474 = arith.mulf %parallel_loop3A_473, %parallel_loop3A_442 : vector<16xf32>
        %parallel_loop3A_475 = arith.index_cast %parallel_loop3A_438 : i32 to index
        %parallel_loop3A_476 = arith.constant 64 : index
        %parallel_loop3A_477 = tpu.vector_load %arg12[%parallel_loop3A_475, %parallel_loop3A_476] {strides = array<i32>} : memref<80x128xf32, #tpu.memory_space<vmem>>, vector<16xf32>,
        tpu.vector_store %arg12[%parallel_loop3A_475, %parallel_loop3A_476], %parallel_loop3A_474 {strides = array<i32>} : memref<80x128xf32, #tpu.memory_space<vmem>>, vector<16xf32>,
        %parallel_loop3A_478 = arith.index_cast %parallel_loop3A_438 : i32 to index
        %parallel_loop3A_479 = arith.constant 80 : index
        %parallel_loop3A_480 = tpu.vector_load %arg10[%parallel_loop3A_478, %parallel_loop3A_479] {strides = array<i32>} : memref<80x128xf32, #tpu.memory_space<vmem>>, vector<16xf32>,
        %parallel_loop3A_481 = arith.mulf %parallel_loop3A_480, %parallel_loop3A_442 : vector<16xf32>
        %parallel_loop3A_482 = arith.index_cast %parallel_loop3A_438 : i32 to index
        %parallel_loop3A_483 = arith.constant 80 : index
        %parallel_loop3A_484 = tpu.vector_load %arg12[%parallel_loop3A_482, %parallel_loop3A_483] {strides = array<i32>} : memref<80x128xf32, #tpu.memory_space<vmem>>, vector<16xf32>,
        tpu.vector_store %arg12[%parallel_loop3A_482, %parallel_loop3A_483], %parallel_loop3A_481 {strides = array<i32>} : memref<80x128xf32, #tpu.memory_space<vmem>>, vector<16xf32>,
        %parallel_loop3A_485 = arith.index_cast %parallel_loop3A_438 : i32 to index
        %parallel_loop3A_486 = arith.constant 96 : index
        %parallel_loop3A_487 = tpu.vector_load %arg10[%parallel_loop3A_485, %parallel_loop3A_486] {strides = array<i32>} : memref<80x128xf32, #tpu.memory_space<vmem>>, vector<16xf32>,
        %parallel_loop3A_488 = arith.mulf %parallel_loop3A_487, %parallel_loop3A_442 : vector<16xf32>
        %parallel_loop3A_489 = arith.index_cast %parallel_loop3A_438 : i32 to index
        %parallel_loop3A_490 = arith.constant 96 : index
        %parallel_loop3A_491 = tpu.vector_load %arg12[%parallel_loop3A_489, %parallel_loop3A_490] {strides = array<i32>} : memref<80x128xf32, #tpu.memory_space<vmem>>, vector<16xf32>,
        tpu.vector_store %arg12[%parallel_loop3A_489, %parallel_loop3A_490], %parallel_loop3A_488 {strides = array<i32>} : memref<80x128xf32, #tpu.memory_space<vmem>>, vector<16xf32>,
        %parallel_loop3A_492 = arith.index_cast %parallel_loop3A_438 : i32 to index
        %parallel_loop3A_493 = arith.constant 112 : index
        %parallel_loop3A_494 = tpu.vector_load %arg10[%parallel_loop3A_492, %parallel_loop3A_493] {strides = array<i32>} : memref<80x128xf32, #tpu.memory_space<vmem>>, vector<16xf32>,
        %parallel_loop3A_495 = arith.mulf %parallel_loop3A_494, %parallel_loop3A_442 : vector<16xf32>
        %parallel_loop3A_496 = arith.index_cast %parallel_loop3A_438 : i32 to index
        %parallel_loop3A_497 = arith.constant 112 : index
        %parallel_loop3A_498 = tpu.vector_load %arg12[%parallel_loop3A_496, %parallel_loop3A_497] {strides = array<i32>} : memref<80x128xf32, #tpu.memory_space<vmem>>, vector<16xf32>,
        tpu.vector_store %arg12[%parallel_loop3A_496, %parallel_loop3A_497], %parallel_loop3A_495 {strides = array<i32>} : memref<80x128xf32, #tpu.memory_space<vmem>>, vector<16xf32>,
      } {sc.loop_unroll_factor = 4 : i64, sc.parallel_access}
      %dma_wait3A_341 = arith.constant 0 : i32
      %dma_wait3A_342 = arith.constant 0 : i32
      %dma_wait3A_343 = tpu.memref_slice %arg8[%dma_wait3A_341, %dma_wait3A_342] : memref<2x80xi32, #tpu.memory_space<vmem>> -> memref<1x80xi32, #tpu.memory_space<vmem>>
      %dma_wait3A_344 = tpu.memref_squeeze %dma_wait3A_343 : memref<1x80xi32, #tpu.memory_space<vmem>> -> memref<80xi32, #tpu.memory_space<vmem>>
      %dma_wait3A_345 = arith.constant 0 : i32
      %dma_wait3A_346 = tpu.memref_slice %arg4[%add3A, %add3A_301, %dma_wait3A_345] : memref<32x125x80xi32, #tpu.memory_space<hbm>> -> memref<1x1x80xi32, #tpu.memory_space<hbm>>
      %dma_wait3A_347 = tpu.memref_squeeze %dma_wait3A_346 : memref<1x1x80xi32, #tpu.memory_space<hbm>> -> memref<80xi32, #tpu.memory_space<hbm>>
      %dma_wait3A_348 = arith.constant 0 : i32
      %dma_wait3A_349 = tpu.memref_slice %arg8[%dma_wait3A_341, %dma_wait3A_348] : memref<2x80xi32, #tpu.memory_space<vmem>> -> memref<1x80xi32, #tpu.memory_space<vmem>>
      %dma_wait3A_350 = tpu.memref_squeeze %dma_wait3A_349 : memref<1x80xi32, #tpu.memory_space<vmem>> -> memref<80xi32, #tpu.memory_space<vmem>>
      %dma_wait3A_351 = arith.constant 0 : i32
      %dma_wait3A_352 = tpu.memref_slice %arg4[%add3A, %add3A_301, %dma_wait3A_351] : memref<32x125x80xi32, #tpu.memory_space<hbm>> -> memref<1x1x80xi32, #tpu.memory_space<hbm>>
      %dma_wait3A_353 = tpu.memref_squeeze %dma_wait3A_352 : memref<1x1x80xi32, #tpu.memory_space<hbm>> -> memref<80xi32, #tpu.memory_space<hbm>>
      tpu.wait_dma2 semaphore(%arg21 : memref<!tpu.dma_semaphore, #tpu.memory_space<semaphore_mem>>) src(%dma_wait3A_353 : memref<80xi32, #tpu.memory_space<hbm>>) dst(%dma_wait3A_350 : memref<80xi32, #tpu.memory_space<vmem>>)
      %dma_start3A_354 = arith.constant 0 : i32
      %dma_start3A_355 = arith.constant 0 : i32
      %dma_start3A_356 = tpu.memref_slice %arg8[%dma_start3A_354, %dma_start3A_355] : memref<2x80xi32, #tpu.memory_space<vmem>> -> memref<1x80xi32, #tpu.memory_space<vmem>>
      %dma_start3A_357 = tpu.memref_squeeze %dma_start3A_356 : memref<1x80xi32, #tpu.memory_space<vmem>> -> memref<80xi32, #tpu.memory_space<vmem>>
      %dma_start3A_358 = arith.constant 0 : i32
      %dma_start3A_359 = arith.constant 0 : i32
      %dma_start3A_360 = tpu.memref_slice %arg14[%dma_start3A_358, %dma_start3A_359] : memref<10000x128xf32, #tpu.memory_space<vmem_shared>> -> memref<10000x128xf32, #tpu.memory_space<vmem_shared>>
      tpu.enqueue_indirect_dma source(%arg12 : memref<80x128xf32, #tpu.memory_space<vmem>>) target(%dma_start3A_360 : memref<10000x128xf32, #tpu.memory_space<vmem_shared>>) offsets(%dma_start3A_357 : memref<80xi32, #tpu.memory_space<vmem>>) semaphore(%arg17 : memref<!tpu.dma_semaphore, #tpu.memory_space<semaphore_mem>>) {add = true}
      %add3A_361 = arith.constant 2 : i32
      %add3A_362 = arith.addi %add3A_301, %add3A_361 : i32
      %lt3A_363 = arith.constant 125 : i32
      %lt3A_364 = arith.cmpi slt, %add3A_362, %lt3A_363 : i32
      %convert_element_type3A_365 = arith.extui %lt3A_364 : i1 to i32
      %cond3A_366 = arith.constant 0 : i32
      %cond3A_367 = arith.cmpi ne, %convert_element_type3A_365, %cond3A_366 : i32
      scf.if %cond3A_367 {
        %add3A_438 = arith.constant 2 : i32
        %add3A_439 = arith.addi %add3A_301, %add3A_438 : i32
        %mul3A_440 = arith.constant 80 : i32
        %mul3A_441 = arith.muli %add3A_439, %mul3A_440 : i32
        %dma_start3A_442 = arith.constant 0 : i32
        %dma_start3A_443 = tpu.memref_slice %arg9[%dma_start3A_442] : memref<160xf32, #tpu.memory_space<vmem>> -> memref<80xf32, #tpu.memory_space<vmem>>
        %dma_start3A_444 = tpu.memref_slice %arg5[%add3A, %mul3A_441] : memref<32x10000xf32, #tpu.memory_space<hbm>> -> memref<1x80xf32, #tpu.memory_space<hbm>>
        %dma_start3A_445 = tpu.memref_squeeze %dma_start3A_444 : memref<1x80xf32, #tpu.memory_space<hbm>> -> memref<80xf32, #tpu.memory_space<hbm>>
        %dma_start3A_446 = arith.constant 0 : i32
        %dma_start3A_447 = tpu.memref_slice %arg9[%dma_start3A_446] : memref<160xf32, #tpu.memory_space<vmem>> -> memref<80xf32, #tpu.memory_space<vmem>>
        %dma_start3A_448 = tpu.memref_slice %arg5[%add3A, %mul3A_441] : memref<32x10000xf32, #tpu.memory_space<hbm>> -> memref<1x80xf32, #tpu.memory_space<hbm>>
        %dma_start3A_449 = tpu.memref_squeeze %dma_start3A_448 : memref<1x80xf32, #tpu.memory_space<hbm>> -> memref<80xf32, #tpu.memory_space<hbm>>
        tpu.enqueue_dma source(%dma_start3A_449 : memref<80xf32, #tpu.memory_space<hbm>>) target(%dma_start3A_447 : memref<80xf32, #tpu.memory_space<vmem>>) target_semaphore(%arg23 : memref<!tpu.dma_semaphore, #tpu.memory_space<semaphore_mem>>)
      } else {
      }
      %mul3A_368 = arith.constant 2 : i32
      %mul3A_369 = arith.muli %mul3A_368, %scan3A_297 : i32
      %add3A_370 = arith.constant 1 : i32
      %add3A_371 = arith.addi %mul3A_369, %add3A_370 : i32
      %dma_wait3A_372 = arith.constant 1 : i32
      %dma_wait3A_373 = arith.constant 0 : i32
      %dma_wait3A_374 = tpu.memref_slice %arg7[%dma_wait3A_372, %dma_wait3A_373] : memref<2x80xi32, #tpu.memory_space<vmem>> -> memref<1x80xi32, #tpu.memory_space<vmem>>
      %dma_wait3A_375 = tpu.memref_squeeze %dma_wait3A_374 : memref<1x80xi32, #tpu.memory_space<vmem>> -> memref<80xi32, #tpu.memory_space<vmem>>
      %dma_wait3A_376 = arith.constant 0 : i32
      %dma_wait3A_377 = arith.constant 0 : i32
      %dma_wait3A_378 = tpu.memref_slice %arg2[%dma_wait3A_376, %dma_wait3A_377] : memref<10000x128xf32, #tpu.memory_space<hbm>> -> memref<10000x128xf32, #tpu.memory_space<hbm>>
      tpu.wait_indirect_dma semaphore(%arg16 : memref<!tpu.dma_semaphore, #tpu.memory_space<semaphore_mem>>) src(%dma_wait3A_378 : memref<10000x128xf32, #tpu.memory_space<hbm>>) dst(%arg11 : memref<80x128xf32, #tpu.memory_space<vmem>>)
      %add3A_379 = arith.constant 2 : i32
      %add3A_380 = arith.addi %add3A_371, %add3A_379 : i32
      %lt3A_381 = arith.constant 125 : i32
      %lt3A_382 = arith.cmpi slt, %add3A_380, %lt3A_381 : i32
      %convert_element_type3A_383 = arith.extui %lt3A_382 : i1 to i32
      %cond3A_384 = arith.constant 0 : i32
      %cond3A_385 = arith.cmpi ne, %convert_element_type3A_383, %cond3A_384 : i32
      scf.if %cond3A_385 {
        %add3A_438 = arith.constant 2 : i32
        %add3A_439 = arith.addi %add3A_371, %add3A_438 : i32
        %dma_start3A_440 = arith.constant 1 : i32
        %dma_start3A_441 = arith.constant 0 : i32
        %dma_start3A_442 = tpu.memref_slice %arg7[%dma_start3A_440, %dma_start3A_441] : memref<2x80xi32, #tpu.memory_space<vmem>> -> memref<1x80xi32, #tpu.memory_space<vmem>>
        %dma_start3A_443 = tpu.memref_squeeze %dma_start3A_442 : memref<1x80xi32, #tpu.memory_space<vmem>> -> memref<80xi32, #tpu.memory_space<vmem>>
        %dma_start3A_444 = arith.constant 0 : i32
        %dma_start3A_445 = tpu.memref_slice %arg3[%add3A, %add3A_439, %dma_start3A_444] : memref<32x125x80xi32, #tpu.memory_space<hbm>> -> memref<1x1x80xi32, #tpu.memory_space<hbm>>
        %dma_start3A_446 = tpu.memref_squeeze %dma_start3A_445 : memref<1x1x80xi32, #tpu.memory_space<hbm>> -> memref<80xi32, #tpu.memory_space<hbm>>
        %dma_start3A_447 = arith.constant 0 : i32
        %dma_start3A_448 = tpu.memref_slice %arg7[%dma_start3A_440, %dma_start3A_447] : memref<2x80xi32, #tpu.memory_space<vmem>> -> memref<1x80xi32, #tpu.memory_space<vmem>>
        %dma_start3A_449 = tpu.memref_squeeze %dma_start3A_448 : memref<1x80xi32, #tpu.memory_space<vmem>> -> memref<80xi32, #tpu.memory_space<vmem>>
        %dma_start3A_450 = arith.constant 0 : i32
        %dma_start3A_451 = tpu.memref_slice %arg3[%add3A, %add3A_439, %dma_start3A_450] : memref<32x125x80xi32, #tpu.memory_space<hbm>> -> memref<1x1x80xi32, #tpu.memory_space<hbm>>
        %dma_start3A_452 = tpu.memref_squeeze %dma_start3A_451 : memref<1x1x80xi32, #tpu.memory_space<hbm>> -> memref<80xi32, #tpu.memory_space<hbm>>
        tpu.enqueue_dma source(%dma_start3A_452 : memref<80xi32, #tpu.memory_space<hbm>>) target(%dma_start3A_449 : memref<80xi32, #tpu.memory_space<vmem>>) target_semaphore(%arg20 : memref<!tpu.dma_semaphore, #tpu.memory_space<semaphore_mem>>)
      } else {
      }
      %add3A_386 = arith.constant 1 : i32
      %add3A_387 = arith.addi %add3A_371, %add3A_386 : i32
      %lt3A_388 = arith.constant 125 : i32
      %lt3A_389 = arith.cmpi slt, %add3A_387, %lt3A_388 : i32
      %convert_element_type3A_390 = arith.extui %lt3A_389 : i1 to i32
      %cond3A_391 = arith.constant 0 : i32
      %cond3A_392 = arith.cmpi ne, %convert_element_type3A_390, %cond3A_391 : i32
      scf.if %cond3A_392 {
        %add3A_438 = arith.constant 1 : i32
        %add3A_439 = arith.addi %add3A_371, %add3A_438 : i32
        %dma_wait3A_440 = arith.constant 0 : i32
        %dma_wait3A_441 = arith.constant 0 : i32
        %dma_wait3A_442 = tpu.memref_slice %arg7[%dma_wait3A_440, %dma_wait3A_441] : memref<2x80xi32, #tpu.memory_space<vmem>> -> memref<1x80xi32, #tpu.memory_space<vmem>>
        %dma_wait3A_443 = tpu.memref_squeeze %dma_wait3A_442 : memref<1x80xi32, #tpu.memory_space<vmem>> -> memref<80xi32, #tpu.memory_space<vmem>>
        %dma_wait3A_444 = arith.constant 0 : i32
        %dma_wait3A_445 = tpu.memref_slice %arg3[%add3A, %add3A_439, %dma_wait3A_444] : memref<32x125x80xi32, #tpu.memory_space<hbm>> -> memref<1x1x80xi32, #tpu.memory_space<hbm>>
        %dma_wait3A_446 = tpu.memref_squeeze %dma_wait3A_445 : memref<1x1x80xi32, #tpu.memory_space<hbm>> -> memref<80xi32, #tpu.memory_space<hbm>>
        %dma_wait3A_447 = arith.constant 0 : i32
        %dma_wait3A_448 = tpu.memref_slice %arg7[%dma_wait3A_440, %dma_wait3A_447] : memref<2x80xi32, #tpu.memory_space<vmem>> -> memref<1x80xi32, #tpu.memory_space<vmem>>
        %dma_wait3A_449 = tpu.memref_squeeze %dma_wait3A_448 : memref<1x80xi32, #tpu.memory_space<vmem>> -> memref<80xi32, #tpu.memory_space<vmem>>
        %dma_wait3A_450 = arith.constant 0 : i32
        %dma_wait3A_451 = tpu.memref_slice %arg3[%add3A, %add3A_439, %dma_wait3A_450] : memref<32x125x80xi32, #tpu.memory_space<hbm>> -> memref<1x1x80xi32, #tpu.memory_space<hbm>>
        %dma_wait3A_452 = tpu.memref_squeeze %dma_wait3A_451 : memref<1x1x80xi32, #tpu.memory_space<hbm>> -> memref<80xi32, #tpu.memory_space<hbm>>
        tpu.wait_dma2 semaphore(%arg19 : memref<!tpu.dma_semaphore, #tpu.memory_space<semaphore_mem>>) src(%dma_wait3A_452 : memref<80xi32, #tpu.memory_space<hbm>>) dst(%dma_wait3A_449 : memref<80xi32, #tpu.memory_space<vmem>>)
        %dma_start3A_453 = arith.constant 0 : i32
        %dma_start3A_454 = arith.constant 0 : i32
        %dma_start3A_455 = tpu.memref_slice %arg7[%dma_start3A_453, %dma_start3A_454] : memref<2x80xi32, #tpu.memory_space<vmem>> -> memref<1x80xi32, #tpu.memory_space<vmem>>
        %dma_start3A_456 = tpu.memref_squeeze %dma_start3A_455 : memref<1x80xi32, #tpu.memory_space<vmem>> -> memref<80xi32, #tpu.memory_space<vmem>>
        %dma_start3A_457 = arith.constant 0 : i32
        %dma_start3A_458 = arith.constant 0 : i32
        %dma_start3A_459 = tpu.memref_slice %arg2[%dma_start3A_457, %dma_start3A_458] : memref<10000x128xf32, #tpu.memory_space<hbm>> -> memref<10000x128xf32, #tpu.memory_space<hbm>>
        tpu.enqueue_indirect_dma source(%dma_start3A_459 : memref<10000x128xf32, #tpu.memory_space<hbm>>) target(%arg10 : memref<80x128xf32, #tpu.memory_space<vmem>>) offsets(%dma_start3A_456 : memref<80xi32, #tpu.memory_space<vmem>>) semaphore(%arg15 : memref<!tpu.dma_semaphore, #tpu.memory_space<semaphore_mem>>)
      } else {
      }
      %ge3A_393 = arith.constant 2 : i32
      %ge3A_394 = arith.cmpi sge, %add3A_371, %ge3A_393 : i32
      %convert_element_type3A_395 = arith.extui %ge3A_394 : i1 to i32
      %cond3A_396 = arith.constant 0 : i32
      %cond3A_397 = arith.cmpi ne, %convert_element_type3A_395, %cond3A_396 : i32
      scf.if %cond3A_397 {
        %dma_wait3A_438 = arith.constant 1 : i32
        %dma_wait3A_439 = arith.constant 0 : i32
        %dma_wait3A_440 = tpu.memref_slice %arg8[%dma_wait3A_438, %dma_wait3A_439] : memref<2x80xi32, #tpu.memory_space<vmem>> -> memref<1x80xi32, #tpu.memory_space<vmem>>
        %dma_wait3A_441 = tpu.memref_squeeze %dma_wait3A_440 : memref<1x80xi32, #tpu.memory_space<vmem>> -> memref<80xi32, #tpu.memory_space<vmem>>
        %dma_wait3A_442 = arith.constant 0 : i32
        %dma_wait3A_443 = arith.constant 0 : i32
        %dma_wait3A_444 = tpu.memref_slice %arg14[%dma_wait3A_442, %dma_wait3A_443] : memref<10000x128xf32, #tpu.memory_space<vmem_shared>> -> memref<10000x128xf32, #tpu.memory_space<vmem_shared>>
        tpu.wait_indirect_dma semaphore(%arg18 : memref<!tpu.dma_semaphore, #tpu.memory_space<semaphore_mem>>) src(%arg13 : memref<80x128xf32, #tpu.memory_space<vmem>>) dst(%dma_wait3A_444 : memref<10000x128xf32, #tpu.memory_space<vmem_shared>>)
        %dma_start3A_445 = arith.constant 1 : i32
        %dma_start3A_446 = arith.constant 0 : i32
        %dma_start3A_447 = tpu.memref_slice %arg8[%dma_start3A_445, %dma_start3A_446] : memref<2x80xi32, #tpu.memory_space<vmem>> -> memref<1x80xi32, #tpu.memory_space<vmem>>
        %dma_start3A_448 = tpu.memref_squeeze %dma_start3A_447 : memref<1x80xi32, #tpu.memory_space<vmem>> -> memref<80xi32, #tpu.memory_space<vmem>>
        %dma_start3A_449 = arith.constant 0 : i32
        %dma_start3A_450 = tpu.memref_slice %arg4[%add3A, %add3A_371, %dma_start3A_449] : memref<32x125x80xi32, #tpu.memory_space<hbm>> -> memref<1x1x80xi32, #tpu.memory_space<hbm>>
        %dma_start3A_451 = tpu.memref_squeeze %dma_start3A_450 : memref<1x1x80xi32, #tpu.memory_space<hbm>> -> memref<80xi32, #tpu.memory_space<hbm>>
        %dma_start3A_452 = arith.constant 0 : i32
        %dma_start3A_453 = tpu.memref_slice %arg8[%dma_start3A_445, %dma_start3A_452] : memref<2x80xi32, #tpu.memory_space<vmem>> -> memref<1x80xi32, #tpu.memory_space<vmem>>
        %dma_start3A_454 = tpu.memref_squeeze %dma_start3A_453 : memref<1x80xi32, #tpu.memory_space<vmem>> -> memref<80xi32, #tpu.memory_space<vmem>>
        %dma_start3A_455 = arith.constant 0 : i32
        %dma_start3A_456 = tpu.memref_slice %arg4[%add3A, %add3A_371, %dma_start3A_455] : memref<32x125x80xi32, #tpu.memory_space<hbm>> -> memref<1x1x80xi32, #tpu.memory_space<hbm>>
        %dma_start3A_457 = tpu.memref_squeeze %dma_start3A_456 : memref<1x1x80xi32, #tpu.memory_space<hbm>> -> memref<80xi32, #tpu.memory_space<hbm>>
        tpu.enqueue_dma source(%dma_start3A_457 : memref<80xi32, #tpu.memory_space<hbm>>) target(%dma_start3A_454 : memref<80xi32, #tpu.memory_space<vmem>>) target_semaphore(%arg22 : memref<!tpu.dma_semaphore, #tpu.memory_space<semaphore_mem>>)
      } else {
      }
      %dma_wait3A_398 = arith.constant 80 : i32
      %dma_wait3A_399 = tpu.memref_slice %arg9[%dma_wait3A_398] : memref<160xf32, #tpu.memory_space<vmem>> -> memref<80xf32, #tpu.memory_space<vmem>>
      %dma_wait3A_400 = arith.constant 80 : i32
      %dma_wait3A_401 = tpu.memref_slice %arg5[%add3A, %dma_wait3A_400] : memref<32x10000xf32, #tpu.memory_space<hbm>> -> memref<1x80xf32, #tpu.memory_space<hbm>>
      %dma_wait3A_402 = tpu.memref_squeeze %dma_wait3A_401 : memref<1x80xf32, #tpu.memory_space<hbm>> -> memref<80xf32, #tpu.memory_space<hbm>>
      %dma_wait3A_403 = arith.constant 80 : i32
      %dma_wait3A_404 = tpu.memref_slice %arg9[%dma_wait3A_403] : memref<160xf32, #tpu.memory_space<vmem>> -> memref<80xf32, #tpu.memory_space<vmem>>
      %dma_wait3A_405 = arith.constant 80 : i32
      %dma_wait3A_406 = tpu.memref_slice %arg5[%add3A, %dma_wait3A_405] : memref<32x10000xf32, #tpu.memory_space<hbm>> -> memref<1x80xf32, #tpu.memory_space<hbm>>
      %dma_wait3A_407 = tpu.memref_squeeze %dma_wait3A_406 : memref<1x80xf32, #tpu.memory_space<hbm>> -> memref<80xf32, #tpu.memory_space<hbm>>
      tpu.wait_dma2 semaphore(%arg24 : memref<!tpu.dma_semaphore, #tpu.memory_space<semaphore_mem>>) src(%dma_wait3A_407 : memref<80xf32, #tpu.memory_space<hbm>>) dst(%dma_wait3A_404 : memref<80xf32, #tpu.memory_space<vmem>>)
      %parallel_loop3A_408 = arith.constant 0 : i32
      %parallel_loop3A_409 = arith.constant 80 : i32
      %parallel_loop3A_410 = arith.constant 1 : i32
      scf.for %parallel_loop3A_438 = %parallel_loop3A_408 to %parallel_loop3A_409 step %parallel_loop3A_410  : i32 {
        %parallel_loop3A_439 = arith.constant 80 : i32
        %parallel_loop3A_440 = arith.addi %parallel_loop3A_439, %parallel_loop3A_438 : i32
        %parallel_loop3A_441 = vector.broadcast %parallel_loop3A_440 : i32 to vector<16xi32>
        %parallel_loop3A_442 = tpu.vector_load_idx %arg9[%parallel_loop3A_441] : memref<160xf32, #tpu.memory_space<vmem>>[vector<16xi32>], vector<16xf32>,
        %parallel_loop3A_443 = arith.index_cast %parallel_loop3A_438 : i32 to index
        %parallel_loop3A_444 = arith.constant 0 : index
        %parallel_loop3A_445 = tpu.vector_load %arg11[%parallel_loop3A_443, %parallel_loop3A_444] {strides = array<i32>} : memref<80x128xf32, #tpu.memory_space<vmem>>, vector<16xf32>,
        %parallel_loop3A_446 = arith.mulf %parallel_loop3A_445, %parallel_loop3A_442 : vector<16xf32>
        %parallel_loop3A_447 = arith.index_cast %parallel_loop3A_438 : i32 to index
        %parallel_loop3A_448 = arith.constant 0 : index
        %parallel_loop3A_449 = tpu.vector_load %arg13[%parallel_loop3A_447, %parallel_loop3A_448] {strides = array<i32>} : memref<80x128xf32, #tpu.memory_space<vmem>>, vector<16xf32>,
        tpu.vector_store %arg13[%parallel_loop3A_447, %parallel_loop3A_448], %parallel_loop3A_446 {strides = array<i32>} : memref<80x128xf32, #tpu.memory_space<vmem>>, vector<16xf32>,
        %parallel_loop3A_450 = arith.index_cast %parallel_loop3A_438 : i32 to index
        %parallel_loop3A_451 = arith.constant 16 : index
        %parallel_loop3A_452 = tpu.vector_load %arg11[%parallel_loop3A_450, %parallel_loop3A_451] {strides = array<i32>} : memref<80x128xf32, #tpu.memory_space<vmem>>, vector<16xf32>,
        %parallel_loop3A_453 = arith.mulf %parallel_loop3A_452, %parallel_loop3A_442 : vector<16xf32>
        %parallel_loop3A_454 = arith.index_cast %parallel_loop3A_438 : i32 to index
        %parallel_loop3A_455 = arith.constant 16 : index
        %parallel_loop3A_456 = tpu.vector_load %arg13[%parallel_loop3A_454, %parallel_loop3A_455] {strides = array<i32>} : memref<80x128xf32, #tpu.memory_space<vmem>>, vector<16xf32>,
        tpu.vector_store %arg13[%parallel_loop3A_454, %parallel_loop3A_455], %parallel_loop3A_453 {strides = array<i32>} : memref<80x128xf32, #tpu.memory_space<vmem>>, vector<16xf32>,
        %parallel_loop3A_457 = arith.index_cast %parallel_loop3A_438 : i32 to index
        %parallel_loop3A_458 = arith.constant 32 : index
        %parallel_loop3A_459 = tpu.vector_load %arg11[%parallel_loop3A_457, %parallel_loop3A_458] {strides = array<i32>} : memref<80x128xf32, #tpu.memory_space<vmem>>, vector<16xf32>,
        %parallel_loop3A_460 = arith.mulf %parallel_loop3A_459, %parallel_loop3A_442 : vector<16xf32>
        %parallel_loop3A_461 = arith.index_cast %parallel_loop3A_438 : i32 to index
        %parallel_loop3A_462 = arith.constant 32 : index
        %parallel_loop3A_463 = tpu.vector_load %arg13[%parallel_loop3A_461, %parallel_loop3A_462] {strides = array<i32>} : memref<80x128xf32, #tpu.memory_space<vmem>>, vector<16xf32>,
        tpu.vector_store %arg13[%parallel_loop3A_461, %parallel_loop3A_462], %parallel_loop3A_460 {strides = array<i32>} : memref<80x128xf32, #tpu.memory_space<vmem>>, vector<16xf32>,
        %parallel_loop3A_464 = arith.index_cast %parallel_loop3A_438 : i32 to index
        %parallel_loop3A_465 = arith.constant 48 : index
        %parallel_loop3A_466 = tpu.vector_load %arg11[%parallel_loop3A_464, %parallel_loop3A_465] {strides = array<i32>} : memref<80x128xf32, #tpu.memory_space<vmem>>, vector<16xf32>,
        %parallel_loop3A_467 = arith.mulf %parallel_loop3A_466, %parallel_loop3A_442 : vector<16xf32>
        %parallel_loop3A_468 = arith.index_cast %parallel_loop3A_438 : i32 to index
        %parallel_loop3A_469 = arith.constant 48 : index
        %parallel_loop3A_470 = tpu.vector_load %arg13[%parallel_loop3A_468, %parallel_loop3A_469] {strides = array<i32>} : memref<80x128xf32, #tpu.memory_space<vmem>>, vector<16xf32>,
        tpu.vector_store %arg13[%parallel_loop3A_468, %parallel_loop3A_469], %parallel_loop3A_467 {strides = array<i32>} : memref<80x128xf32, #tpu.memory_space<vmem>>, vector<16xf32>,
        %parallel_loop3A_471 = arith.index_cast %parallel_loop3A_438 : i32 to index
        %parallel_loop3A_472 = arith.constant 64 : index
        %parallel_loop3A_473 = tpu.vector_load %arg11[%parallel_loop3A_471, %parallel_loop3A_472] {strides = array<i32>} : memref<80x128xf32, #tpu.memory_space<vmem>>, vector<16xf32>,
        %parallel_loop3A_474 = arith.mulf %parallel_loop3A_473, %parallel_loop3A_442 : vector<16xf32>
        %parallel_loop3A_475 = arith.index_cast %parallel_loop3A_438 : i32 to index
        %parallel_loop3A_476 = arith.constant 64 : index
        %parallel_loop3A_477 = tpu.vector_load %arg13[%parallel_loop3A_475, %parallel_loop3A_476] {strides = array<i32>} : memref<80x128xf32, #tpu.memory_space<vmem>>, vector<16xf32>,
        tpu.vector_store %arg13[%parallel_loop3A_475, %parallel_loop3A_476], %parallel_loop3A_474 {strides = array<i32>} : memref<80x128xf32, #tpu.memory_space<vmem>>, vector<16xf32>,
        %parallel_loop3A_478 = arith.index_cast %parallel_loop3A_438 : i32 to index
        %parallel_loop3A_479 = arith.constant 80 : index
        %parallel_loop3A_480 = tpu.vector_load %arg11[%parallel_loop3A_478, %parallel_loop3A_479] {strides = array<i32>} : memref<80x128xf32, #tpu.memory_space<vmem>>, vector<16xf32>,
        %parallel_loop3A_481 = arith.mulf %parallel_loop3A_480, %parallel_loop3A_442 : vector<16xf32>
        %parallel_loop3A_482 = arith.index_cast %parallel_loop3A_438 : i32 to index
        %parallel_loop3A_483 = arith.constant 80 : index
        %parallel_loop3A_484 = tpu.vector_load %arg13[%parallel_loop3A_482, %parallel_loop3A_483] {strides = array<i32>} : memref<80x128xf32, #tpu.memory_space<vmem>>, vector<16xf32>,
        tpu.vector_store %arg13[%parallel_loop3A_482, %parallel_loop3A_483], %parallel_loop3A_481 {strides = array<i32>} : memref<80x128xf32, #tpu.memory_space<vmem>>, vector<16xf32>,
        %parallel_loop3A_485 = arith.index_cast %parallel_loop3A_438 : i32 to index
        %parallel_loop3A_486 = arith.constant 96 : index
        %parallel_loop3A_487 = tpu.vector_load %arg11[%parallel_loop3A_485, %parallel_loop3A_486] {strides = array<i32>} : memref<80x128xf32, #tpu.memory_space<vmem>>, vector<16xf32>,
        %parallel_loop3A_488 = arith.mulf %parallel_loop3A_487, %parallel_loop3A_442 : vector<16xf32>
        %parallel_loop3A_489 = arith.index_cast %parallel_loop3A_438 : i32 to index
        %parallel_loop3A_490 = arith.constant 96 : index
        %parallel_loop3A_491 = tpu.vector_load %arg13[%parallel_loop3A_489, %parallel_loop3A_490] {strides = array<i32>} : memref<80x128xf32, #tpu.memory_space<vmem>>, vector<16xf32>,
        tpu.vector_store %arg13[%parallel_loop3A_489, %parallel_loop3A_490], %parallel_loop3A_488 {strides = array<i32>} : memref<80x128xf32, #tpu.memory_space<vmem>>, vector<16xf32>,
        %parallel_loop3A_492 = arith.index_cast %parallel_loop3A_438 : i32 to index
        %parallel_loop3A_493 = arith.constant 112 : index
        %parallel_loop3A_494 = tpu.vector_load %arg11[%parallel_loop3A_492, %parallel_loop3A_493] {strides = array<i32>} : memref<80x128xf32, #tpu.memory_space<vmem>>, vector<16xf32>,
        %parallel_loop3A_495 = arith.mulf %parallel_loop3A_494, %parallel_loop3A_442 : vector<16xf32>
        %parallel_loop3A_496 = arith.index_cast %parallel_loop3A_438 : i32 to index
        %parallel_loop3A_497 = arith.constant 112 : index
        %parallel_loop3A_498 = tpu.vector_load %arg13[%parallel_loop3A_496, %parallel_loop3A_497] {strides = array<i32>} : memref<80x128xf32, #tpu.memory_space<vmem>>, vector<16xf32>,
        tpu.vector_store %arg13[%parallel_loop3A_496, %parallel_loop3A_497], %parallel_loop3A_495 {strides = array<i32>} : memref<80x128xf32, #tpu.memory_space<vmem>>, vector<16xf32>,
      } {sc.loop_unroll_factor = 4 : i64, sc.parallel_access}
      %dma_wait3A_411 = arith.constant 1 : i32
      %dma_wait3A_412 = arith.constant 0 : i32
      %dma_wait3A_413 = tpu.memref_slice %arg8[%dma_wait3A_411, %dma_wait3A_412] : memref<2x80xi32, #tpu.memory_space<vmem>> -> memref<1x80xi32, #tpu.memory_space<vmem>>
      %dma_wait3A_414 = tpu.memref_squeeze %dma_wait3A_413 : memref<1x80xi32, #tpu.memory_space<vmem>> -> memref<80xi32, #tpu.memory_space<vmem>>
      %dma_wait3A_415 = arith.constant 0 : i32
      %dma_wait3A_416 = tpu.memref_slice %arg4[%add3A, %add3A_371, %dma_wait3A_415] : memref<32x125x80xi32, #tpu.memory_space<hbm>> -> memref<1x1x80xi32, #tpu.memory_space<hbm>>
      %dma_wait3A_417 = tpu.memref_squeeze %dma_wait3A_416 : memref<1x1x80xi32, #tpu.memory_space<hbm>> -> memref<80xi32, #tpu.memory_space<hbm>>
      %dma_wait3A_418 = arith.constant 0 : i32
      %dma_wait3A_419 = tpu.memref_slice %arg8[%dma_wait3A_411, %dma_wait3A_418] : memref<2x80xi32, #tpu.memory_space<vmem>> -> memref<1x80xi32, #tpu.memory_space<vmem>>
      %dma_wait3A_420 = tpu.memref_squeeze %dma_wait3A_419 : memref<1x80xi32, #tpu.memory_space<vmem>> -> memref<80xi32, #tpu.memory_space<vmem>>
      %dma_wait3A_421 = arith.constant 0 : i32
      %dma_wait3A_422 = tpu.memref_slice %arg4[%add3A, %add3A_371, %dma_wait3A_421] : memref<32x125x80xi32, #tpu.memory_space<hbm>> -> memref<1x1x80xi32, #tpu.memory_space<hbm>>
      %dma_wait3A_423 = tpu.memref_squeeze %dma_wait3A_422 : memref<1x1x80xi32, #tpu.memory_space<hbm>> -> memref<80xi32, #tpu.memory_space<hbm>>
      tpu.wait_dma2 semaphore(%arg22 : memref<!tpu.dma_semaphore, #tpu.memory_space<semaphore_mem>>) src(%dma_wait3A_423 : memref<80xi32, #tpu.memory_space<hbm>>) dst(%dma_wait3A_420 : memref<80xi32, #tpu.memory_space<vmem>>)
      %dma_start3A_424 = arith.constant 1 : i32
      %dma_start3A_425 = arith.constant 0 : i32
      %dma_start3A_426 = tpu.memref_slice %arg8[%dma_start3A_424, %dma_start3A_425] : memref<2x80xi32, #tpu.memory_space<vmem>> -> memref<1x80xi32, #tpu.memory_space<vmem>>
      %dma_start3A_427 = tpu.memref_squeeze %dma_start3A_426 : memref<1x80xi32, #tpu.memory_space<vmem>> -> memref<80xi32, #tpu.memory_space<vmem>>
      %dma_start3A_428 = arith.constant 0 : i32
      %dma_start3A_429 = arith.constant 0 : i32
      %dma_start3A_430 = tpu.memref_slice %arg14[%dma_start3A_428, %dma_start3A_429] : memref<10000x128xf32, #tpu.memory_space<vmem_shared>> -> memref<10000x128xf32, #tpu.memory_space<vmem_shared>>
      tpu.enqueue_indirect_dma source(%arg13 : memref<80x128xf32, #tpu.memory_space<vmem>>) target(%dma_start3A_430 : memref<10000x128xf32, #tpu.memory_space<vmem_shared>>) offsets(%dma_start3A_427 : memref<80xi32, #tpu.memory_space<vmem>>) semaphore(%arg18 : memref<!tpu.dma_semaphore, #tpu.memory_space<semaphore_mem>>) {add = true}
      %add3A_431 = arith.constant 2 : i32
      %add3A_432 = arith.addi %add3A_371, %add3A_431 : i32
      %lt3A_433 = arith.constant 125 : i32
      %lt3A_434 = arith.cmpi slt, %add3A_432, %lt3A_433 : i32
      %convert_element_type3A_435 = arith.extui %lt3A_434 : i1 to i32
      %cond3A_436 = arith.constant 0 : i32
      %cond3A_437 = arith.cmpi ne, %convert_element_type3A_435, %cond3A_436 : i32
      scf.if %cond3A_437 {
        %add3A_438 = arith.constant 2 : i32
        %add3A_439 = arith.addi %add3A_371, %add3A_438 : i32
        %mul3A_440 = arith.constant 80 : i32
        %mul3A_441 = arith.muli %add3A_439, %mul3A_440 : i32
        %dma_start3A_442 = arith.constant 80 : i32
        %dma_start3A_443 = tpu.memref_slice %arg9[%dma_start3A_442] : memref<160xf32, #tpu.memory_space<vmem>> -> memref<80xf32, #tpu.memory_space<vmem>>
        %dma_start3A_444 = tpu.memref_slice %arg5[%add3A, %mul3A_441] : memref<32x10000xf32, #tpu.memory_space<hbm>> -> memref<1x80xf32, #tpu.memory_space<hbm>>
        %dma_start3A_445 = tpu.memref_squeeze %dma_start3A_444 : memref<1x80xf32, #tpu.memory_space<hbm>> -> memref<80xf32, #tpu.memory_space<hbm>>
        %dma_start3A_446 = arith.constant 80 : i32
        %dma_start3A_447 = tpu.memref_slice %arg9[%dma_start3A_446] : memref<160xf32, #tpu.memory_space<vmem>> -> memref<80xf32, #tpu.memory_space<vmem>>
        %dma_start3A_448 = tpu.memref_slice %arg5[%add3A, %mul3A_441] : memref<32x10000xf32, #tpu.memory_space<hbm>> -> memref<1x80xf32, #tpu.memory_space<hbm>>
        %dma_start3A_449 = tpu.memref_squeeze %dma_start3A_448 : memref<1x80xf32, #tpu.memory_space<hbm>> -> memref<80xf32, #tpu.memory_space<hbm>>
        tpu.enqueue_dma source(%dma_start3A_449 : memref<80xf32, #tpu.memory_space<hbm>>) target(%dma_start3A_447 : memref<80xf32, #tpu.memory_space<vmem>>) target_semaphore(%arg24 : memref<!tpu.dma_semaphore, #tpu.memory_space<semaphore_mem>>)
      } else {
      }
    }
    %scan3A_207 = arith.constant 62 : i32
    %dma_wait3A_208 = arith.constant 0 : i32
    %dma_wait3A_209 = arith.constant 0 : i32
    %dma_wait3A_210 = tpu.memref_slice %arg7[%dma_wait3A_208, %dma_wait3A_209] : memref<2x80xi32, #tpu.memory_space<vmem>> -> memref<1x80xi32, #tpu.memory_space<vmem>>
    %dma_wait3A_211 = tpu.memref_squeeze %dma_wait3A_210 : memref<1x80xi32, #tpu.memory_space<vmem>> -> memref<80xi32, #tpu.memory_space<vmem>>
    %dma_wait3A_212 = arith.constant 0 : i32
    %dma_wait3A_213 = arith.constant 0 : i32
    %dma_wait3A_214 = tpu.memref_slice %arg2[%dma_wait3A_212, %dma_wait3A_213] : memref<10000x128xf32, #tpu.memory_space<hbm>> -> memref<10000x128xf32, #tpu.memory_space<hbm>>
    tpu.wait_indirect_dma semaphore(%arg15 : memref<!tpu.dma_semaphore, #tpu.memory_space<semaphore_mem>>) src(%dma_wait3A_214 : memref<10000x128xf32, #tpu.memory_space<hbm>>) dst(%arg10 : memref<80x128xf32, #tpu.memory_space<vmem>>)
    %add3A_215 = arith.constant 124 : i32
    %add3A_216 = arith.constant 2 : i32
    %add3A_217 = arith.addi %add3A_215, %add3A_216 : i32
    %lt3A = arith.constant 125 : i32
    %lt3A_218 = arith.cmpi slt, %add3A_217, %lt3A : i32
    %convert_element_type3A = arith.extui %lt3A_218 : i1 to i32
    %cond3A = arith.constant 124 : i32
    %cond3A_219 = arith.constant 0 : i32
    %cond3A_220 = arith.cmpi ne, %convert_element_type3A, %cond3A_219 : i32
    scf.if %cond3A_220 {
      %add3A_297 = arith.constant 2 : i32
      %add3A_298 = arith.addi %cond3A, %add3A_297 : i32
      %dma_start3A_299 = arith.constant 0 : i32
      %dma_start3A_300 = arith.constant 0 : i32
      %dma_start3A_301 = tpu.memref_slice %arg7[%dma_start3A_299, %dma_start3A_300] : memref<2x80xi32, #tpu.memory_space<vmem>> -> memref<1x80xi32, #tpu.memory_space<vmem>>
      %dma_start3A_302 = tpu.memref_squeeze %dma_start3A_301 : memref<1x80xi32, #tpu.memory_space<vmem>> -> memref<80xi32, #tpu.memory_space<vmem>>
      %dma_start3A_303 = arith.constant 0 : i32
      %dma_start3A_304 = tpu.memref_slice %arg3[%add3A, %add3A_298, %dma_start3A_303] : memref<32x125x80xi32, #tpu.memory_space<hbm>> -> memref<1x1x80xi32, #tpu.memory_space<hbm>>
      %dma_start3A_305 = tpu.memref_squeeze %dma_start3A_304 : memref<1x1x80xi32, #tpu.memory_space<hbm>> -> memref<80xi32, #tpu.memory_space<hbm>>
      %dma_start3A_306 = arith.constant 0 : i32
      %dma_start3A_307 = tpu.memref_slice %arg7[%dma_start3A_299, %dma_start3A_306] : memref<2x80xi32, #tpu.memory_space<vmem>> -> memref<1x80xi32, #tpu.memory_space<vmem>>
      %dma_start3A_308 = tpu.memref_squeeze %dma_start3A_307 : memref<1x80xi32, #tpu.memory_space<vmem>> -> memref<80xi32, #tpu.memory_space<vmem>>
      %dma_start3A_309 = arith.constant 0 : i32
      %dma_start3A_310 = tpu.memref_slice %arg3[%add3A, %add3A_298, %dma_start3A_309] : memref<32x125x80xi32, #tpu.memory_space<hbm>> -> memref<1x1x80xi32, #tpu.memory_space<hbm>>
      %dma_start3A_311 = tpu.memref_squeeze %dma_start3A_310 : memref<1x1x80xi32, #tpu.memory_space<hbm>> -> memref<80xi32, #tpu.memory_space<hbm>>
      tpu.enqueue_dma source(%dma_start3A_311 : memref<80xi32, #tpu.memory_space<hbm>>) target(%dma_start3A_308 : memref<80xi32, #tpu.memory_space<vmem>>) target_semaphore(%arg19 : memref<!tpu.dma_semaphore, #tpu.memory_space<semaphore_mem>>)
    } else {
    }
    %add3A_221 = arith.constant 124 : i32
    %add3A_222 = arith.constant 1 : i32
    %add3A_223 = arith.addi %add3A_221, %add3A_222 : i32
    %lt3A_224 = arith.constant 125 : i32
    %lt3A_225 = arith.cmpi slt, %add3A_223, %lt3A_224 : i32
    %convert_element_type3A_226 = arith.extui %lt3A_225 : i1 to i32
    %cond3A_227 = arith.constant 124 : i32
    %cond3A_228 = arith.constant 0 : i32
    %cond3A_229 = arith.cmpi ne, %convert_element_type3A_226, %cond3A_228 : i32
    scf.if %cond3A_229 {
      %add3A_297 = arith.constant 1 : i32
      %add3A_298 = arith.addi %cond3A_227, %add3A_297 : i32
      %dma_wait3A_299 = arith.constant 1 : i32
      %dma_wait3A_300 = arith.constant 0 : i32
      %dma_wait3A_301 = tpu.memref_slice %arg7[%dma_wait3A_299, %dma_wait3A_300] : memref<2x80xi32, #tpu.memory_space<vmem>> -> memref<1x80xi32, #tpu.memory_space<vmem>>
      %dma_wait3A_302 = tpu.memref_squeeze %dma_wait3A_301 : memref<1x80xi32, #tpu.memory_space<vmem>> -> memref<80xi32, #tpu.memory_space<vmem>>
      %dma_wait3A_303 = arith.constant 0 : i32
      %dma_wait3A_304 = tpu.memref_slice %arg3[%add3A, %add3A_298, %dma_wait3A_303] : memref<32x125x80xi32, #tpu.memory_space<hbm>> -> memref<1x1x80xi32, #tpu.memory_space<hbm>>
      %dma_wait3A_305 = tpu.memref_squeeze %dma_wait3A_304 : memref<1x1x80xi32, #tpu.memory_space<hbm>> -> memref<80xi32, #tpu.memory_space<hbm>>
      %dma_wait3A_306 = arith.constant 0 : i32
      %dma_wait3A_307 = tpu.memref_slice %arg7[%dma_wait3A_299, %dma_wait3A_306] : memref<2x80xi32, #tpu.memory_space<vmem>> -> memref<1x80xi32, #tpu.memory_space<vmem>>
      %dma_wait3A_308 = tpu.memref_squeeze %dma_wait3A_307 : memref<1x80xi32, #tpu.memory_space<vmem>> -> memref<80xi32, #tpu.memory_space<vmem>>
      %dma_wait3A_309 = arith.constant 0 : i32
      %dma_wait3A_310 = tpu.memref_slice %arg3[%add3A, %add3A_298, %dma_wait3A_309] : memref<32x125x80xi32, #tpu.memory_space<hbm>> -> memref<1x1x80xi32, #tpu.memory_space<hbm>>
      %dma_wait3A_311 = tpu.memref_squeeze %dma_wait3A_310 : memref<1x1x80xi32, #tpu.memory_space<hbm>> -> memref<80xi32, #tpu.memory_space<hbm>>
      tpu.wait_dma2 semaphore(%arg20 : memref<!tpu.dma_semaphore, #tpu.memory_space<semaphore_mem>>) src(%dma_wait3A_311 : memref<80xi32, #tpu.memory_space<hbm>>) dst(%dma_wait3A_308 : memref<80xi32, #tpu.memory_space<vmem>>)
      %dma_start3A_312 = arith.constant 1 : i32
      %dma_start3A_313 = arith.constant 0 : i32
      %dma_start3A_314 = tpu.memref_slice %arg7[%dma_start3A_312, %dma_start3A_313] : memref<2x80xi32, #tpu.memory_space<vmem>> -> memref<1x80xi32, #tpu.memory_space<vmem>>
      %dma_start3A_315 = tpu.memref_squeeze %dma_start3A_314 : memref<1x80xi32, #tpu.memory_space<vmem>> -> memref<80xi32, #tpu.memory_space<vmem>>
      %dma_start3A_316 = arith.constant 0 : i32
      %dma_start3A_317 = arith.constant 0 : i32
      %dma_start3A_318 = tpu.memref_slice %arg2[%dma_start3A_316, %dma_start3A_317] : memref<10000x128xf32, #tpu.memory_space<hbm>> -> memref<10000x128xf32, #tpu.memory_space<hbm>>
      tpu.enqueue_indirect_dma source(%dma_start3A_318 : memref<10000x128xf32, #tpu.memory_space<hbm>>) target(%arg11 : memref<80x128xf32, #tpu.memory_space<vmem>>) offsets(%dma_start3A_315 : memref<80xi32, #tpu.memory_space<vmem>>) semaphore(%arg16 : memref<!tpu.dma_semaphore, #tpu.memory_space<semaphore_mem>>)
    } else {
    }
    %ge3A = arith.constant 124 : i32
    %ge3A_230 = arith.constant 2 : i32
    %ge3A_231 = arith.cmpi sge, %ge3A, %ge3A_230 : i32
    %convert_element_type3A_232 = arith.extui %ge3A_231 : i1 to i32
    %cond3A_233 = arith.constant 124 : i32
    %cond3A_234 = arith.constant 0 : i32
    %cond3A_235 = arith.cmpi ne, %convert_element_type3A_232, %cond3A_234 : i32
    scf.if %cond3A_235 {
      %dma_wait3A_297 = arith.constant 0 : i32
      %dma_wait3A_298 = arith.constant 0 : i32
      %dma_wait3A_299 = tpu.memref_slice %arg8[%dma_wait3A_297, %dma_wait3A_298] : memref<2x80xi32, #tpu.memory_space<vmem>> -> memref<1x80xi32, #tpu.memory_space<vmem>>
      %dma_wait3A_300 = tpu.memref_squeeze %dma_wait3A_299 : memref<1x80xi32, #tpu.memory_space<vmem>> -> memref<80xi32, #tpu.memory_space<vmem>>
      %dma_wait3A_301 = arith.constant 0 : i32
      %dma_wait3A_302 = arith.constant 0 : i32
      %dma_wait3A_303 = tpu.memref_slice %arg14[%dma_wait3A_301, %dma_wait3A_302] : memref<10000x128xf32, #tpu.memory_space<vmem_shared>> -> memref<10000x128xf32, #tpu.memory_space<vmem_shared>>
      tpu.wait_indirect_dma semaphore(%arg17 : memref<!tpu.dma_semaphore, #tpu.memory_space<semaphore_mem>>) src(%arg12 : memref<80x128xf32, #tpu.memory_space<vmem>>) dst(%dma_wait3A_303 : memref<10000x128xf32, #tpu.memory_space<vmem_shared>>)
      %dma_start3A_304 = arith.constant 0 : i32
      %dma_start3A_305 = arith.constant 0 : i32
      %dma_start3A_306 = tpu.memref_slice %arg8[%dma_start3A_304, %dma_start3A_305] : memref<2x80xi32, #tpu.memory_space<vmem>> -> memref<1x80xi32, #tpu.memory_space<vmem>>
      %dma_start3A_307 = tpu.memref_squeeze %dma_start3A_306 : memref<1x80xi32, #tpu.memory_space<vmem>> -> memref<80xi32, #tpu.memory_space<vmem>>
      %dma_start3A_308 = arith.constant 0 : i32
      %dma_start3A_309 = tpu.memref_slice %arg4[%add3A, %cond3A_233, %dma_start3A_308] : memref<32x125x80xi32, #tpu.memory_space<hbm>> -> memref<1x1x80xi32, #tpu.memory_space<hbm>>
      %dma_start3A_310 = tpu.memref_squeeze %dma_start3A_309 : memref<1x1x80xi32, #tpu.memory_space<hbm>> -> memref<80xi32, #tpu.memory_space<hbm>>
      %dma_start3A_311 = arith.constant 0 : i32
      %dma_start3A_312 = tpu.memref_slice %arg8[%dma_start3A_304, %dma_start3A_311] : memref<2x80xi32, #tpu.memory_space<vmem>> -> memref<1x80xi32, #tpu.memory_space<vmem>>
      %dma_start3A_313 = tpu.memref_squeeze %dma_start3A_312 : memref<1x80xi32, #tpu.memory_space<vmem>> -> memref<80xi32, #tpu.memory_space<vmem>>
      %dma_start3A_314 = arith.constant 0 : i32
      %dma_start3A_315 = tpu.memref_slice %arg4[%add3A, %cond3A_233, %dma_start3A_314] : memref<32x125x80xi32, #tpu.memory_space<hbm>> -> memref<1x1x80xi32, #tpu.memory_space<hbm>>
      %dma_start3A_316 = tpu.memref_squeeze %dma_start3A_315 : memref<1x1x80xi32, #tpu.memory_space<hbm>> -> memref<80xi32, #tpu.memory_space<hbm>>
      tpu.enqueue_dma source(%dma_start3A_316 : memref<80xi32, #tpu.memory_space<hbm>>) target(%dma_start3A_313 : memref<80xi32, #tpu.memory_space<vmem>>) target_semaphore(%arg21 : memref<!tpu.dma_semaphore, #tpu.memory_space<semaphore_mem>>)
    } else {
    }
    %dma_wait3A_236 = arith.constant 0 : i32
    %dma_wait3A_237 = tpu.memref_slice %arg9[%dma_wait3A_236] : memref<160xf32, #tpu.memory_space<vmem>> -> memref<80xf32, #tpu.memory_space<vmem>>
    %dma_wait3A_238 = arith.constant 0 : i32
    %dma_wait3A_239 = tpu.memref_slice %arg5[%add3A, %dma_wait3A_238] : memref<32x10000xf32, #tpu.memory_space<hbm>> -> memref<1x80xf32, #tpu.memory_space<hbm>>
    %dma_wait3A_240 = tpu.memref_squeeze %dma_wait3A_239 : memref<1x80xf32, #tpu.memory_space<hbm>> -> memref<80xf32, #tpu.memory_space<hbm>>
    %dma_wait3A_241 = arith.constant 0 : i32
    %dma_wait3A_242 = tpu.memref_slice %arg9[%dma_wait3A_241] : memref<160xf32, #tpu.memory_space<vmem>> -> memref<80xf32, #tpu.memory_space<vmem>>
    %dma_wait3A_243 = arith.constant 0 : i32
    %dma_wait3A_244 = tpu.memref_slice %arg5[%add3A, %dma_wait3A_243] : memref<32x10000xf32, #tpu.memory_space<hbm>> -> memref<1x80xf32, #tpu.memory_space<hbm>>
    %dma_wait3A_245 = tpu.memref_squeeze %dma_wait3A_244 : memref<1x80xf32, #tpu.memory_space<hbm>> -> memref<80xf32, #tpu.memory_space<hbm>>
    tpu.wait_dma2 semaphore(%arg23 : memref<!tpu.dma_semaphore, #tpu.memory_space<semaphore_mem>>) src(%dma_wait3A_245 : memref<80xf32, #tpu.memory_space<hbm>>) dst(%dma_wait3A_242 : memref<80xf32, #tpu.memory_space<vmem>>)
    %parallel_loop3A = arith.constant 0 : i32
    %parallel_loop3A_246 = arith.constant 80 : i32
    %parallel_loop3A_247 = arith.constant 1 : i32
    scf.for %parallel_loop3A_297 = %parallel_loop3A to %parallel_loop3A_246 step %parallel_loop3A_247  : i32 {
      %parallel_loop3A_298 = arith.constant 0 : i32
      %parallel_loop3A_299 = arith.addi %parallel_loop3A_298, %parallel_loop3A_297 : i32
      %parallel_loop3A_300 = vector.broadcast %parallel_loop3A_299 : i32 to vector<16xi32>
      %parallel_loop3A_301 = tpu.vector_load_idx %arg9[%parallel_loop3A_300] : memref<160xf32, #tpu.memory_space<vmem>>[vector<16xi32>], vector<16xf32>,
      %parallel_loop3A_302 = arith.index_cast %parallel_loop3A_297 : i32 to index
      %parallel_loop3A_303 = arith.constant 0 : index
      %parallel_loop3A_304 = tpu.vector_load %arg10[%parallel_loop3A_302, %parallel_loop3A_303] {strides = array<i32>} : memref<80x128xf32, #tpu.memory_space<vmem>>, vector<16xf32>,
      %parallel_loop3A_305 = arith.mulf %parallel_loop3A_304, %parallel_loop3A_301 : vector<16xf32>
      %parallel_loop3A_306 = arith.index_cast %parallel_loop3A_297 : i32 to index
      %parallel_loop3A_307 = arith.constant 0 : index
      %parallel_loop3A_308 = tpu.vector_load %arg12[%parallel_loop3A_306, %parallel_loop3A_307] {strides = array<i32>} : memref<80x128xf32, #tpu.memory_space<vmem>>, vector<16xf32>,
      tpu.vector_store %arg12[%parallel_loop3A_306, %parallel_loop3A_307], %parallel_loop3A_305 {strides = array<i32>} : memref<80x128xf32, #tpu.memory_space<vmem>>, vector<16xf32>,
      %parallel_loop3A_309 = arith.index_cast %parallel_loop3A_297 : i32 to index
      %parallel_loop3A_310 = arith.constant 16 : index
      %parallel_loop3A_311 = tpu.vector_load %arg10[%parallel_loop3A_309, %parallel_loop3A_310] {strides = array<i32>} : memref<80x128xf32, #tpu.memory_space<vmem>>, vector<16xf32>,
      %parallel_loop3A_312 = arith.mulf %parallel_loop3A_311, %parallel_loop3A_301 : vector<16xf32>
      %parallel_loop3A_313 = arith.index_cast %parallel_loop3A_297 : i32 to index
      %parallel_loop3A_314 = arith.constant 16 : index
      %parallel_loop3A_315 = tpu.vector_load %arg12[%parallel_loop3A_313, %parallel_loop3A_314] {strides = array<i32>} : memref<80x128xf32, #tpu.memory_space<vmem>>, vector<16xf32>,
      tpu.vector_store %arg12[%parallel_loop3A_313, %parallel_loop3A_314], %parallel_loop3A_312 {strides = array<i32>} : memref<80x128xf32, #tpu.memory_space<vmem>>, vector<16xf32>,
      %parallel_loop3A_316 = arith.index_cast %parallel_loop3A_297 : i32 to index
      %parallel_loop3A_317 = arith.constant 32 : index
      %parallel_loop3A_318 = tpu.vector_load %arg10[%parallel_loop3A_316, %parallel_loop3A_317] {strides = array<i32>} : memref<80x128xf32, #tpu.memory_space<vmem>>, vector<16xf32>,
      %parallel_loop3A_319 = arith.mulf %parallel_loop3A_318, %parallel_loop3A_301 : vector<16xf32>
      %parallel_loop3A_320 = arith.index_cast %parallel_loop3A_297 : i32 to index
      %parallel_loop3A_321 = arith.constant 32 : index
      %parallel_loop3A_322 = tpu.vector_load %arg12[%parallel_loop3A_320, %parallel_loop3A_321] {strides = array<i32>} : memref<80x128xf32, #tpu.memory_space<vmem>>, vector<16xf32>,
      tpu.vector_store %arg12[%parallel_loop3A_320, %parallel_loop3A_321], %parallel_loop3A_319 {strides = array<i32>} : memref<80x128xf32, #tpu.memory_space<vmem>>, vector<16xf32>,
      %parallel_loop3A_323 = arith.index_cast %parallel_loop3A_297 : i32 to index
      %parallel_loop3A_324 = arith.constant 48 : index
      %parallel_loop3A_325 = tpu.vector_load %arg10[%parallel_loop3A_323, %parallel_loop3A_324] {strides = array<i32>} : memref<80x128xf32, #tpu.memory_space<vmem>>, vector<16xf32>,
      %parallel_loop3A_326 = arith.mulf %parallel_loop3A_325, %parallel_loop3A_301 : vector<16xf32>
      %parallel_loop3A_327 = arith.index_cast %parallel_loop3A_297 : i32 to index
      %parallel_loop3A_328 = arith.constant 48 : index
      %parallel_loop3A_329 = tpu.vector_load %arg12[%parallel_loop3A_327, %parallel_loop3A_328] {strides = array<i32>} : memref<80x128xf32, #tpu.memory_space<vmem>>, vector<16xf32>,
      tpu.vector_store %arg12[%parallel_loop3A_327, %parallel_loop3A_328], %parallel_loop3A_326 {strides = array<i32>} : memref<80x128xf32, #tpu.memory_space<vmem>>, vector<16xf32>,
      %parallel_loop3A_330 = arith.index_cast %parallel_loop3A_297 : i32 to index
      %parallel_loop3A_331 = arith.constant 64 : index
      %parallel_loop3A_332 = tpu.vector_load %arg10[%parallel_loop3A_330, %parallel_loop3A_331] {strides = array<i32>} : memref<80x128xf32, #tpu.memory_space<vmem>>, vector<16xf32>,
      %parallel_loop3A_333 = arith.mulf %parallel_loop3A_332, %parallel_loop3A_301 : vector<16xf32>
      %parallel_loop3A_334 = arith.index_cast %parallel_loop3A_297 : i32 to index
      %parallel_loop3A_335 = arith.constant 64 : index
      %parallel_loop3A_336 = tpu.vector_load %arg12[%parallel_loop3A_334, %parallel_loop3A_335] {strides = array<i32>} : memref<80x128xf32, #tpu.memory_space<vmem>>, vector<16xf32>,
      tpu.vector_store %arg12[%parallel_loop3A_334, %parallel_loop3A_335], %parallel_loop3A_333 {strides = array<i32>} : memref<80x128xf32, #tpu.memory_space<vmem>>, vector<16xf32>,
      %parallel_loop3A_337 = arith.index_cast %parallel_loop3A_297 : i32 to index
      %parallel_loop3A_338 = arith.constant 80 : index
      %parallel_loop3A_339 = tpu.vector_load %arg10[%parallel_loop3A_337, %parallel_loop3A_338] {strides = array<i32>} : memref<80x128xf32, #tpu.memory_space<vmem>>, vector<16xf32>,
      %parallel_loop3A_340 = arith.mulf %parallel_loop3A_339, %parallel_loop3A_301 : vector<16xf32>
      %parallel_loop3A_341 = arith.index_cast %parallel_loop3A_297 : i32 to index
      %parallel_loop3A_342 = arith.constant 80 : index
      %parallel_loop3A_343 = tpu.vector_load %arg12[%parallel_loop3A_341, %parallel_loop3A_342] {strides = array<i32>} : memref<80x128xf32, #tpu.memory_space<vmem>>, vector<16xf32>,
      tpu.vector_store %arg12[%parallel_loop3A_341, %parallel_loop3A_342], %parallel_loop3A_340 {strides = array<i32>} : memref<80x128xf32, #tpu.memory_space<vmem>>, vector<16xf32>,
      %parallel_loop3A_344 = arith.index_cast %parallel_loop3A_297 : i32 to index
      %parallel_loop3A_345 = arith.constant 96 : index
      %parallel_loop3A_346 = tpu.vector_load %arg10[%parallel_loop3A_344, %parallel_loop3A_345] {strides = array<i32>} : memref<80x128xf32, #tpu.memory_space<vmem>>, vector<16xf32>,
      %parallel_loop3A_347 = arith.mulf %parallel_loop3A_346, %parallel_loop3A_301 : vector<16xf32>
      %parallel_loop3A_348 = arith.index_cast %parallel_loop3A_297 : i32 to index
      %parallel_loop3A_349 = arith.constant 96 : index
      %parallel_loop3A_350 = tpu.vector_load %arg12[%parallel_loop3A_348, %parallel_loop3A_349] {strides = array<i32>} : memref<80x128xf32, #tpu.memory_space<vmem>>, vector<16xf32>,
      tpu.vector_store %arg12[%parallel_loop3A_348, %parallel_loop3A_349], %parallel_loop3A_347 {strides = array<i32>} : memref<80x128xf32, #tpu.memory_space<vmem>>, vector<16xf32>,
      %parallel_loop3A_351 = arith.index_cast %parallel_loop3A_297 : i32 to index
      %parallel_loop3A_352 = arith.constant 112 : index
      %parallel_loop3A_353 = tpu.vector_load %arg10[%parallel_loop3A_351, %parallel_loop3A_352] {strides = array<i32>} : memref<80x128xf32, #tpu.memory_space<vmem>>, vector<16xf32>,
      %parallel_loop3A_354 = arith.mulf %parallel_loop3A_353, %parallel_loop3A_301 : vector<16xf32>
      %parallel_loop3A_355 = arith.index_cast %parallel_loop3A_297 : i32 to index
      %parallel_loop3A_356 = arith.constant 112 : index
      %parallel_loop3A_357 = tpu.vector_load %arg12[%parallel_loop3A_355, %parallel_loop3A_356] {strides = array<i32>} : memref<80x128xf32, #tpu.memory_space<vmem>>, vector<16xf32>,
      tpu.vector_store %arg12[%parallel_loop3A_355, %parallel_loop3A_356], %parallel_loop3A_354 {strides = array<i32>} : memref<80x128xf32, #tpu.memory_space<vmem>>, vector<16xf32>,
    } {sc.loop_unroll_factor = 4 : i64, sc.parallel_access}
    %dma_wait3A_248 = arith.constant 124 : i32
    %dma_wait3A_249 = arith.constant 0 : i32
    %dma_wait3A_250 = arith.constant 0 : i32
    %dma_wait3A_251 = tpu.memref_slice %arg8[%dma_wait3A_249, %dma_wait3A_250] : memref<2x80xi32, #tpu.memory_space<vmem>> -> memref<1x80xi32, #tpu.memory_space<vmem>>
    %dma_wait3A_252 = tpu.memref_squeeze %dma_wait3A_251 : memref<1x80xi32, #tpu.memory_space<vmem>> -> memref<80xi32, #tpu.memory_space<vmem>>
    %dma_wait3A_253 = arith.constant 0 : i32
    %dma_wait3A_254 = tpu.memref_slice %arg4[%add3A, %dma_wait3A_248, %dma_wait3A_253] : memref<32x125x80xi32, #tpu.memory_space<hbm>> -> memref<1x1x80xi32, #tpu.memory_space<hbm>>
    %dma_wait3A_255 = tpu.memref_squeeze %dma_wait3A_254 : memref<1x1x80xi32, #tpu.memory_space<hbm>> -> memref<80xi32, #tpu.memory_space<hbm>>
    %dma_wait3A_256 = arith.constant 0 : i32
    %dma_wait3A_257 = tpu.memref_slice %arg8[%dma_wait3A_249, %dma_wait3A_256] : memref<2x80xi32, #tpu.memory_space<vmem>> -> memref<1x80xi32, #tpu.memory_space<vmem>>
    %dma_wait3A_258 = tpu.memref_squeeze %dma_wait3A_257 : memref<1x80xi32, #tpu.memory_space<vmem>> -> memref<80xi32, #tpu.memory_space<vmem>>
    %dma_wait3A_259 = arith.constant 0 : i32
    %dma_wait3A_260 = tpu.memref_slice %arg4[%add3A, %dma_wait3A_248, %dma_wait3A_259] : memref<32x125x80xi32, #tpu.memory_space<hbm>> -> memref<1x1x80xi32, #tpu.memory_space<hbm>>
    %dma_wait3A_261 = tpu.memref_squeeze %dma_wait3A_260 : memref<1x1x80xi32, #tpu.memory_space<hbm>> -> memref<80xi32, #tpu.memory_space<hbm>>
    tpu.wait_dma2 semaphore(%arg21 : memref<!tpu.dma_semaphore, #tpu.memory_space<semaphore_mem>>) src(%dma_wait3A_261 : memref<80xi32, #tpu.memory_space<hbm>>) dst(%dma_wait3A_258 : memref<80xi32, #tpu.memory_space<vmem>>)
    %dma_start3A_262 = arith.constant 0 : i32
    %dma_start3A_263 = arith.constant 0 : i32
    %dma_start3A_264 = tpu.memref_slice %arg8[%dma_start3A_262, %dma_start3A_263] : memref<2x80xi32, #tpu.memory_space<vmem>> -> memref<1x80xi32, #tpu.memory_space<vmem>>
    %dma_start3A_265 = tpu.memref_squeeze %dma_start3A_264 : memref<1x80xi32, #tpu.memory_space<vmem>> -> memref<80xi32, #tpu.memory_space<vmem>>
    %dma_start3A_266 = arith.constant 0 : i32
    %dma_start3A_267 = arith.constant 0 : i32
    %dma_start3A_268 = tpu.memref_slice %arg14[%dma_start3A_266, %dma_start3A_267] : memref<10000x128xf32, #tpu.memory_space<vmem_shared>> -> memref<10000x128xf32, #tpu.memory_space<vmem_shared>>
    tpu.enqueue_indirect_dma source(%arg12 : memref<80x128xf32, #tpu.memory_space<vmem>>) target(%dma_start3A_268 : memref<10000x128xf32, #tpu.memory_space<vmem_shared>>) offsets(%dma_start3A_265 : memref<80xi32, #tpu.memory_space<vmem>>) semaphore(%arg17 : memref<!tpu.dma_semaphore, #tpu.memory_space<semaphore_mem>>) {add = true}
    %add3A_269 = arith.constant 124 : i32
    %add3A_270 = arith.constant 2 : i32
    %add3A_271 = arith.addi %add3A_269, %add3A_270 : i32
    %lt3A_272 = arith.constant 125 : i32
    %lt3A_273 = arith.cmpi slt, %add3A_271, %lt3A_272 : i32
    %convert_element_type3A_274 = arith.extui %lt3A_273 : i1 to i32
    %cond3A_275 = arith.constant 124 : i32
    %cond3A_276 = arith.constant 0 : i32
    %cond3A_277 = arith.cmpi ne, %convert_element_type3A_274, %cond3A_276 : i32
    scf.if %cond3A_277 {
      %add3A_297 = arith.constant 2 : i32
      %add3A_298 = arith.addi %cond3A_275, %add3A_297 : i32
      %mul3A_299 = arith.constant 80 : i32
      %mul3A_300 = arith.muli %add3A_298, %mul3A_299 : i32
      %dma_start3A_301 = arith.constant 0 : i32
      %dma_start3A_302 = tpu.memref_slice %arg9[%dma_start3A_301] : memref<160xf32, #tpu.memory_space<vmem>> -> memref<80xf32, #tpu.memory_space<vmem>>
      %dma_start3A_303 = tpu.memref_slice %arg5[%add3A, %mul3A_300] : memref<32x10000xf32, #tpu.memory_space<hbm>> -> memref<1x80xf32, #tpu.memory_space<hbm>>
      %dma_start3A_304 = tpu.memref_squeeze %dma_start3A_303 : memref<1x80xf32, #tpu.memory_space<hbm>> -> memref<80xf32, #tpu.memory_space<hbm>>
      %dma_start3A_305 = arith.constant 0 : i32
      %dma_start3A_306 = tpu.memref_slice %arg9[%dma_start3A_305] : memref<160xf32, #tpu.memory_space<vmem>> -> memref<80xf32, #tpu.memory_space<vmem>>
      %dma_start3A_307 = tpu.memref_slice %arg5[%add3A, %mul3A_300] : memref<32x10000xf32, #tpu.memory_space<hbm>> -> memref<1x80xf32, #tpu.memory_space<hbm>>
      %dma_start3A_308 = tpu.memref_squeeze %dma_start3A_307 : memref<1x80xf32, #tpu.memory_space<hbm>> -> memref<80xf32, #tpu.memory_space<hbm>>
      tpu.enqueue_dma source(%dma_start3A_308 : memref<80xf32, #tpu.memory_space<hbm>>) target(%dma_start3A_306 : memref<80xf32, #tpu.memory_space<vmem>>) target_semaphore(%arg23 : memref<!tpu.dma_semaphore, #tpu.memory_space<semaphore_mem>>)
    } else {
    }
    %dma_wait3A_278 = arith.constant 1 : i32
    %dma_wait3A_279 = arith.constant 0 : i32
    %dma_wait3A_280 = tpu.memref_slice %arg8[%dma_wait3A_278, %dma_wait3A_279] : memref<2x80xi32, #tpu.memory_space<vmem>> -> memref<1x80xi32, #tpu.memory_space<vmem>>
    %dma_wait3A_281 = tpu.memref_squeeze %dma_wait3A_280 : memref<1x80xi32, #tpu.memory_space<vmem>> -> memref<80xi32, #tpu.memory_space<vmem>>
    %dma_wait3A_282 = arith.constant 0 : i32
    %dma_wait3A_283 = arith.constant 0 : i32
    %dma_wait3A_284 = tpu.memref_slice %arg14[%dma_wait3A_282, %dma_wait3A_283] : memref<10000x128xf32, #tpu.memory_space<vmem_shared>> -> memref<10000x128xf32, #tpu.memory_space<vmem_shared>>
    tpu.wait_indirect_dma semaphore(%arg18 : memref<!tpu.dma_semaphore, #tpu.memory_space<semaphore_mem>>) src(%arg13 : memref<80x128xf32, #tpu.memory_space<vmem>>) dst(%dma_wait3A_284 : memref<10000x128xf32, #tpu.memory_space<vmem_shared>>)
    %dma_wait3A_285 = arith.constant 0 : i32
    %dma_wait3A_286 = arith.constant 0 : i32
    %dma_wait3A_287 = tpu.memref_slice %arg8[%dma_wait3A_285, %dma_wait3A_286] : memref<2x80xi32, #tpu.memory_space<vmem>> -> memref<1x80xi32, #tpu.memory_space<vmem>>
    %dma_wait3A_288 = tpu.memref_squeeze %dma_wait3A_287 : memref<1x80xi32, #tpu.memory_space<vmem>> -> memref<80xi32, #tpu.memory_space<vmem>>
    %dma_wait3A_289 = arith.constant 0 : i32
    %dma_wait3A_290 = arith.constant 0 : i32
    %dma_wait3A_291 = tpu.memref_slice %arg14[%dma_wait3A_289, %dma_wait3A_290] : memref<10000x128xf32, #tpu.memory_space<vmem_shared>> -> memref<10000x128xf32, #tpu.memory_space<vmem_shared>>
    tpu.wait_indirect_dma semaphore(%arg17 : memref<!tpu.dma_semaphore, #tpu.memory_space<semaphore_mem>>) src(%arg12 : memref<80x128xf32, #tpu.memory_space<vmem>>) dst(%dma_wait3A_291 : memref<10000x128xf32, #tpu.memory_space<vmem_shared>>)
    %barrier3A_292 = arith.constant 0 : index
    tpu.barrier barrier_id(%barrier3A_292)
    %mul3A_293 = arith.constant 625 : i32
    %mul3A_294 = arith.muli %arg1, %mul3A_293 : i32
    %mul3A_295 = arith.constant 625 : i32
    %mul3A_296 = arith.muli %arg1, %mul3A_295 : i32
    "tpu.region"() ({
      %run_scoped3A = tpu.sem_alloc : memref<!tpu.dma_semaphore, #tpu.memory_space<semaphore_mem>>
      %dma_start3A_297 = arith.constant 0 : i32
      %dma_start3A_298 = tpu.memref_slice %arg6[%arg0, %mul3A_296, %dma_start3A_297] : memref<2x10000x128xf32, #tpu.memory_space<hbm>> -> memref<1x625x128xf32, #tpu.memory_space<hbm>>
      %dma_start3A_299 = tpu.memref_squeeze %dma_start3A_298 : memref<1x625x128xf32, #tpu.memory_space<hbm>> -> memref<625x128xf32, #tpu.memory_space<hbm>>
      %dma_start3A_300 = arith.constant 0 : i32
      %dma_start3A_301 = tpu.memref_slice %arg14[%mul3A_294, %dma_start3A_300] : memref<10000x128xf32, #tpu.memory_space<vmem_shared>> -> memref<625x128xf32, #tpu.memory_space<vmem_shared>>
      tpu.enqueue_dma source(%dma_start3A_301 : memref<625x128xf32, #tpu.memory_space<vmem_shared>>) target(%dma_start3A_299 : memref<625x128xf32, #tpu.memory_space<hbm>>) target_semaphore(%run_scoped3A : memref<!tpu.dma_semaphore, #tpu.memory_space<semaphore_mem>>)
      %dma_wait3A_302 = arith.constant 0 : i32
      %dma_wait3A_303 = tpu.memref_slice %arg6[%arg0, %mul3A_296, %dma_wait3A_302] : memref<2x10000x128xf32, #tpu.memory_space<hbm>> -> memref<1x625x128xf32, #tpu.memory_space<hbm>>
      %dma_wait3A_304 = tpu.memref_squeeze %dma_wait3A_303 : memref<1x625x128xf32, #tpu.memory_space<hbm>> -> memref<625x128xf32, #tpu.memory_space<hbm>>
      %dma_wait3A_305 = arith.constant 0 : i32
      %dma_wait3A_306 = tpu.memref_slice %arg14[%mul3A_294, %dma_wait3A_305] : memref<10000x128xf32, #tpu.memory_space<vmem_shared>> -> memref<625x128xf32, #tpu.memory_space<vmem_shared>>
      tpu.wait_dma2 semaphore(%run_scoped3A : memref<!tpu.dma_semaphore, #tpu.memory_space<semaphore_mem>>) src(%dma_wait3A_306 : memref<625x128xf32, #tpu.memory_space<vmem_shared>>) dst(%dma_wait3A_304 : memref<625x128xf32, #tpu.memory_space<hbm>>)
      tpu.yield
    }) : () -> ()
    return
  }
}

module attributes {stable_mosaic.version = 14 : i64} {
  func.func @_k3_body(%arg0: i32, %arg1: i32, %arg2: memref<2000x128xf32, #tpu.memory_space<vmem>>, %arg3: memref<2000x128xf32, #tpu.memory_space<vmem>>, %arg4: memref<2000x1xi32, #tpu.memory_space<vmem>>, %arg5: memref<1x128xf32, #tpu.memory_space<vmem>>, %arg6: memref<128x128xf32, #tpu.memory_space<vmem>>, %arg7: memref<1x128xf32, #tpu.memory_space<vmem>>, %arg8: memref<2000x1xf32, #tpu.memory_space<vmem>>, %arg9: memref<1x64xf32, #tpu.memory_space<vmem>>) attributes {dimension_semantics = [#tpu.dimension_semantics<arbitrary>, #tpu.dimension_semantics<arbitrary>], iteration_bounds = array<i64: 2, 5>, scalar_prefetch = 0 : i64, scratch_operands = 0 : i64, tpu.core_type = #tpu.core_type<tc>, window_params = [{transform_indices = @transform_0, window_bounds = array<i64: 2000, 128>}, {transform_indices = @transform_1, window_bounds = array<i64: 2000, 128>}, {transform_indices = @transform_2, window_bounds = array<i64: 2000, 1>}, {pipeline_mode = #tpu.pipeline_mode<synchronous>, transform_indices = @transform_3, window_bounds = array<i64: 1, 128>}, {pipeline_mode = #tpu.pipeline_mode<synchronous>, transform_indices = @transform_4, window_bounds = array<i64: 128, 128>}, {pipeline_mode = #tpu.pipeline_mode<synchronous>, transform_indices = @transform_5, window_bounds = array<i64: 1, 128>}, {transform_indices = @transform_6, window_bounds = array<i64: 2000, 1>}, {pipeline_mode = #tpu.pipeline_mode<synchronous>, transform_indices = @transform_7, window_bounds = array<i64: 1, 64>}]} {
    %get3A = arith.constant 0 : index
    %get3A_0 = arith.constant 0 : index
    %get3A_1 = vector.load %arg4[%get3A, %get3A_0] : memref<2000x1xi32, #tpu.memory_space<vmem>>, vector<2000x1xi32>
    %iota3A = tpu.iota {dimensions = array<i32: 1>} : vector<1x64xi32>
    %eq3A = vector.broadcast %get3A_1 : vector<2000x1xi32> to vector<2000x64xi32>
    %eq3A_2 = vector.broadcast %iota3A : vector<1x64xi32> to vector<2000x64xi32>
    %eq3A_3 = arith.cmpi eq, %eq3A, %eq3A_2 : vector<2000x64xi32>
    %convert_element_type3A = arith.extui %eq3A_3 : vector<2000x64xi1> to vector<2000x64xi32>
    %convert_element_type3A_4 = arith.sitofp %convert_element_type3A : vector<2000x64xi32> to vector<2000x64xf32>
    %eq3A_5 = arith.constant 0 : i32
    %eq3A_6 = arith.cmpi eq, %arg0, %eq3A_5 : i32
    %convert_element_type3A_7 = arith.extui %eq3A_6 : i1 to i32
    %cond3A = arith.constant 0 : i32
    %cond3A_8 = arith.cmpi ne, %convert_element_type3A_7, %cond3A : i32
    scf.if %cond3A_8 {
      %eq3A_14 = arith.constant 0 : i32
      %eq3A_15 = arith.cmpi eq, %arg1, %eq3A_14 : i32
      %convert_element_type3A_16 = arith.extui %eq3A_15 : i1 to i32
      %cond3A_17 = arith.constant 0 : i32
      %cond3A_18 = arith.cmpi ne, %convert_element_type3A_16, %cond3A_17 : i32
      scf.if %cond3A_18 {
        %broadcast_in_dim3A_25 = arith.constant 0.000000e+00 : f32
        %broadcast_in_dim3A_26 = vector.broadcast %broadcast_in_dim3A_25 : f32 to vector<1x64xf32>
        %swap3A_27 = arith.constant 0 : index
        %swap3A_28 = arith.constant 0 : index
        %swap3A_29 = vector.load %arg9[%swap3A_27, %swap3A_28] : memref<1x64xf32, #tpu.memory_space<vmem>>, vector<1x64xf32>
        tpu.vector_store %arg9[%swap3A_27, %swap3A_28], %broadcast_in_dim3A_26 {strides = array<i32>} : memref<1x64xf32, #tpu.memory_space<vmem>>, vector<1x64xf32>,
      } else {
      }
      %get3A_19 = arith.constant 0 : index
      %get3A_20 = arith.constant 0 : index
      %get3A_21 = vector.load %arg9[%get3A_19, %get3A_20] : memref<1x64xf32, #tpu.memory_space<vmem>>, vector<1x64xf32>
      %reduce_sum3A = arith.constant dense<0.000000e+00> : vector<64xf32>
      %reduce_sum3A_22 = vector.multi_reduction <add>, %convert_element_type3A_4, %reduce_sum3A [0] : vector<2000x64xf32> to vector<64xf32>
      %broadcast_in_dim3A = vector.shape_cast %reduce_sum3A_22 : vector<64xf32> to vector<1x64xf32>
      %add3A = arith.addf %get3A_21, %broadcast_in_dim3A : vector<1x64xf32>
      %swap3A = arith.constant 0 : index
      %swap3A_23 = arith.constant 0 : index
      %swap3A_24 = vector.load %arg9[%swap3A, %swap3A_23] : memref<1x64xf32, #tpu.memory_space<vmem>>, vector<1x64xf32>
      tpu.vector_store %arg9[%swap3A, %swap3A_23], %add3A {strides = array<i32>} : memref<1x64xf32, #tpu.memory_space<vmem>>, vector<1x64xf32>,
    } else {
    }
    %eq3A_9 = arith.constant 1 : i32
    %eq3A_10 = arith.cmpi eq, %arg0, %eq3A_9 : i32
    %convert_element_type3A_11 = arith.extui %eq3A_10 : i1 to i32
    %cond3A_12 = arith.constant 0 : i32
    %cond3A_13 = arith.cmpi ne, %convert_element_type3A_11, %cond3A_12 : i32
    scf.if %cond3A_13 {
      %get3A_14 = arith.constant 0 : index
      %get3A_15 = arith.constant 0 : index
      %get3A_16 = vector.load %arg9[%get3A_14, %get3A_15] : memref<1x64xf32, #tpu.memory_space<vmem>>, vector<1x64xf32>
      %dot_general3A = arith.constant dense<0.000000e+00> : vector<2000x1xf32>
      %dot_general3A_17 = tpu.matmul %convert_element_type3A_4, %get3A_16, %dot_general3A {dimension_numbers = #tpu.dot_dimension_numbers<[1], [1], [0], [0], [0, 0, 1, 0], [], []>, precision = #tpu.contract_precision<fp32>, transpose_lhs_hint = false} : vector<2000x64xf32>, vector<1x64xf32>, vector<2000x1xf32> -> vector<2000x1xf32>
      %max3A = arith.constant 1.000000e+00 : f32
      %max3A_18 = vector.broadcast %max3A : f32 to vector<2000x1xf32>
      %max3A_19 = arith.maximumf %dot_general3A_17, %max3A_18 : vector<2000x1xf32>
      %div3A = arith.constant 1.000000e+00 : f32
      %div3A_20 = vector.broadcast %div3A : f32 to vector<2000x1xf32>
      %div3A_21 = arith.divf %div3A_20, %max3A_19 : vector<2000x1xf32>
      %get3A_22 = arith.constant 0 : index
      %get3A_23 = arith.constant 0 : index
      %get3A_24 = vector.load %arg2[%get3A_22, %get3A_23] : memref<2000x128xf32, #tpu.memory_space<vmem>>, vector<2000x128xf32>
      %get3A_25 = arith.constant 0 : index
      %get3A_26 = arith.constant 0 : index
      %get3A_27 = vector.load %arg3[%get3A_25, %get3A_26] : memref<2000x128xf32, #tpu.memory_space<vmem>>, vector<2000x128xf32>
      %add3A = arith.addf %get3A_24, %get3A_27 : vector<2000x128xf32>
      %mul3A = vector.broadcast %div3A_21 : vector<2000x1xf32> to vector<2000x128xf32>
      %mul3A_28 = arith.mulf %add3A, %mul3A : vector<2000x128xf32>
      %get3A_29 = arith.constant 0 : index
      %get3A_30 = arith.constant 0 : index
      %get3A_31 = vector.load %arg6[%get3A_29, %get3A_30] : memref<128x128xf32, #tpu.memory_space<vmem>>, vector<128x128xf32>
      %dot_general3A_32 = arith.constant dense<0.000000e+00> : vector<2000x128xf32>
      %dot_general3A_33 = tpu.matmul %mul3A_28, %get3A_31, %dot_general3A_32 {dimension_numbers = #tpu.dot_dimension_numbers<[1], [1], [0], [0], [0, 0, 1, 0], [], []>, precision = #tpu.contract_precision<fp32>, transpose_lhs_hint = false} : vector<2000x128xf32>, vector<128x128xf32>, vector<2000x128xf32> -> vector<2000x128xf32>
      %get3A_34 = arith.constant 0 : index
      %get3A_35 = arith.constant 0 : index
      %get3A_36 = vector.load %arg5[%get3A_34, %get3A_35] : memref<1x128xf32, #tpu.memory_space<vmem>>, vector<1x128xf32>
      %add3A_37 = vector.broadcast %get3A_36 : vector<1x128xf32> to vector<2000x128xf32>
      %add3A_38 = arith.addf %dot_general3A_33, %add3A_37 : vector<2000x128xf32>
      %logistic3A = arith.negf %add3A_38 : vector<2000x128xf32>
      %logistic3A_39 = math.exp %logistic3A : vector<2000x128xf32>
      %logistic3A_40 = arith.constant 1.000000e+00 : f32
      %logistic3A_41 = vector.broadcast %logistic3A_40 : f32 to vector<2000x128xf32>
      %logistic3A_42 = arith.addf %logistic3A_41, %logistic3A_39 : vector<2000x128xf32>
      %logistic3A_43 = arith.divf %logistic3A_41, %logistic3A_42 : vector<2000x128xf32>
      %get3A_44 = arith.constant 0 : index
      %get3A_45 = arith.constant 0 : index
      %get3A_46 = vector.load %arg7[%get3A_44, %get3A_45] : memref<1x128xf32, #tpu.memory_space<vmem>>, vector<1x128xf32>
      %dot_general3A_47 = arith.constant dense<0.000000e+00> : vector<2000x1xf32>
      %dot_general3A_48 = tpu.matmul %logistic3A_43, %get3A_46, %dot_general3A_47 {dimension_numbers = #tpu.dot_dimension_numbers<[1], [1], [0], [0], [0, 0, 1, 0], [], []>, precision = #tpu.contract_precision<fp32>, transpose_lhs_hint = false} : vector<2000x128xf32>, vector<1x128xf32>, vector<2000x1xf32> -> vector<2000x1xf32>
      %swap3A = arith.constant 0 : index
      %swap3A_49 = arith.constant 0 : index
      %swap3A_50 = vector.load %arg8[%swap3A, %swap3A_49] : memref<2000x1xf32, #tpu.memory_space<vmem>>, vector<2000x1xf32>
      tpu.vector_store %arg8[%swap3A, %swap3A_49], %dot_general3A_48 {strides = array<i32>} : memref<2000x1xf32, #tpu.memory_space<vmem>>, vector<2000x1xf32>,
    } else {
    }
    return
  }
  func.func @transform_0(%arg0: i32, %arg1: i32) -> (i32, i32) {
    %mul3A = arith.muli %arg0, %arg1 : i32
    %c0_i32 = arith.constant 0 : i32
    %c0_i32_0 = arith.constant 0 : i32
    return %mul3A, %c0_i32 : i32, i32
  }
  func.func @transform_1(%arg0: i32, %arg1: i32) -> (i32, i32) {
    %mul3A = arith.muli %arg0, %arg1 : i32
    %c0_i32 = arith.constant 0 : i32
    %c0_i32_0 = arith.constant 0 : i32
    return %mul3A, %c0_i32 : i32, i32
  }
  func.func @transform_2(%arg0: i32, %arg1: i32) -> (i32, i32) {
    %c0_i32 = arith.constant 0 : i32
    %c0_i32_0 = arith.constant 0 : i32
    return %arg1, %c0_i32 : i32, i32
  }
  func.func @transform_3(%arg0: i32, %arg1: i32) -> (i32, i32) {
    %c0_i32 = arith.constant 0 : i32
    %c0_i32_0 = arith.constant 0 : i32
    %c0_i32_1 = arith.constant 0 : i32
    return %c0_i32, %c0_i32_0 : i32, i32
  }
  func.func @transform_4(%arg0: i32, %arg1: i32) -> (i32, i32) {
    %c0_i32 = arith.constant 0 : i32
    %c0_i32_0 = arith.constant 0 : i32
    %c0_i32_1 = arith.constant 0 : i32
    return %c0_i32, %c0_i32_0 : i32, i32
  }
  func.func @transform_5(%arg0: i32, %arg1: i32) -> (i32, i32) {
    %c0_i32 = arith.constant 0 : i32
    %c0_i32_0 = arith.constant 0 : i32
    %c0_i32_1 = arith.constant 0 : i32
    return %c0_i32, %c0_i32_0 : i32, i32
  }
  func.func @transform_6(%arg0: i32, %arg1: i32) -> (i32, i32) {
    %mul3A = arith.muli %arg0, %arg1 : i32
    %c0_i32 = arith.constant 0 : i32
    %c0_i32_0 = arith.constant 0 : i32
    return %mul3A, %c0_i32 : i32, i32
  }
  func.func @transform_7(%arg0: i32, %arg1: i32) -> (i32, i32) {
    %c0_i32 = arith.constant 0 : i32
    %c0_i32_0 = arith.constant 0 : i32
    %c0_i32_1 = arith.constant 0 : i32
    return %c0_i32, %c0_i32_0 : i32, i32
  }
}

module attributes {stable_mosaic.version = 14 : i64} {
  func.func @_k5_body(%arg0: memref<2x64xf32, #tpu.memory_space<vmem>>, %arg1: memref<1x64xf32, #tpu.memory_space<vmem>>, %arg2: memref<1x1xf32, #tpu.memory_space<vmem>>, %arg3: memref<1x64xf32, #tpu.memory_space<vmem>>) attributes {dimension_semantics = [], scalar_prefetch = 0 : i64, scratch_operands = 0 : i64, tpu.core_type = #tpu.core_type<tc>} {
    %get3A = arith.constant 0 : index
    %get3A_0 = arith.constant 0 : index
    %get3A_1 = vector.load %arg0[%get3A, %get3A_0] : memref<2x64xf32, #tpu.memory_space<vmem>>, vector<2x64xf32>
    %slice3A = vector.extract_strided_slice %get3A_1 {offsets = [0, 0], sizes = [1, 64], strides = [1, 1]} : vector<2x64xf32> to vector<1x64xf32>
    %slice3A_2 = vector.extract_strided_slice %get3A_1 {offsets = [1, 0], sizes = [1, 64], strides = [1, 1]} : vector<2x64xf32> to vector<1x64xf32>
    %add3A = arith.addf %slice3A, %slice3A_2 : vector<1x64xf32>
    %get3A_3 = arith.constant 0 : index
    %get3A_4 = arith.constant 0 : index
    %get3A_5 = vector.load %arg1[%get3A_3, %get3A_4] : memref<1x64xf32, #tpu.memory_space<vmem>>, vector<1x64xf32>
    %mul3A = arith.mulf %get3A_5, %get3A_5 : vector<1x64xf32>
    %max3A = arith.constant 1.000000e+00 : f32
    %max3A_6 = vector.broadcast %max3A : f32 to vector<1x64xf32>
    %max3A_7 = arith.maximumf %mul3A, %max3A_6 : vector<1x64xf32>
    %div3A = arith.divf %add3A, %max3A_7 : vector<1x64xf32>
    %get3A_8 = arith.constant 0 : index
    %get3A_9 = arith.constant 0 : index
    %get3A_10 = vector.load %arg2[%get3A_8, %get3A_9] : memref<1x1xf32, #tpu.memory_space<vmem>>, vector<1x1xf32>
    %add3A_11 = vector.broadcast %get3A_10 : vector<1x1xf32> to vector<1x64xf32>
    %add3A_12 = arith.addf %div3A, %add3A_11 : vector<1x64xf32>
    %swap3A = arith.constant 0 : index
    %swap3A_13 = arith.constant 0 : index
    %swap3A_14 = vector.load %arg3[%swap3A, %swap3A_13] : memref<1x64xf32, #tpu.memory_space<vmem>>, vector<1x64xf32>
    tpu.vector_store %arg3[%swap3A, %swap3A_13], %add3A_12 {strides = array<i32>} : memref<1x64xf32, #tpu.memory_space<vmem>>, vector<1x64xf32>,
    return
  }
}

</mosaic_0001>

<sc_bundles>
// kernel: kernel.6.cloned.1.call-start
scs
__scs_entry_jumppad:
0x0: {  	(pc) =	sbr.rel $0x88, $3  }
0x1: {  	(tag) =	ssettag $0x0;
	lr =	simm.s32 $0x1  }
0x2: {  	[smem:$0x3F99] =	sst lr;
	_ =	strace $0xD0000000  }
0x3: {  	_ = 	snop  }
0x4: {  	_ = 	snop  }
0x5: {  	_ = 	snop  }
0x6: {  	_ = 	snop  }
0x7: {  	_ = 	snop  }
__scs_overlays_trampoline_lowered:
0x8: {  	[smem:$0x3FA8] =	sst s0  }
0x9: {  	[smem:$0x3FA9] =	sst s1  }
0xa: {  	[smem:$0x3FAA] =	sst s2  }
0xb: {  	[smem:$0x3FAB] =	sst s3  }
0xc: {  	[smem:$0x3FAC] =	sst s4  }
0xd: {  	[smem:$0x3FAD] =	sst s5  }
0xe: {  	[smem:$0x3FAE] =	sst s6  }
0xf: {  	[smem:$0x3FAF] =	sst s7  }
0x10: {  	[smem:$0x3FB0] =	sst s8  }
0x11: {  	[smem:$0x3FB1] =	sst s9;
	s0 =	simm.s32 @!p0 $0x0  }
0x12: {  	s1 =	sld [smem:$0x3F97];
	s0 =	simm.s32 @p0 $0x1  }
0x13: {  	[smem:$0x3FB2] =	sst s0;
	s0 =	simm.s32 @!p1 $0x0  }
0x14: {  	s2 =	sld [smem:$0x3F96];
	s0 =	simm.s32 @p1 $0x1  }
0x15: {  	[smem:$0x3FB3] =	sst s0;
	s0 =	simm.s32 @!p2 $0x0  }
0x16: {  	s3 =	sld [smem:$0x3FDB];
	s0 =	simm.s32 @p2 $0x1  }
0x17: {  	s4 =	simm.s32 $0x1BF5;
	[smem:$0x3FB5] =	sst s0  }
0x18: {  	s0 =	sld [smem:$0x3F98];
	_ =	swait.ge [sflag:s4], $0x0  }
0x19: {  	s7 =	sld [smem:$0x3F99]  }
0x1a: {  	s8 =	sadd.s32 $0xFFFFE003, lr  }
0x1b: {  	s9 =	sadd.s32 $0xFFFFFEF7, lr;
	s5 =	simm.s32 $0xFFFFFFFF;
	p2 =	slt.u32 s8, $0xFFFFF086  }
0x1c: {  	p1 =	slt.u32 s9, $0xF7A;
	s5 =	simm.s32 @!p2 $0x0  }
0x1d: {  	s5 =	simm.s32 @p1 $0x1;
	p0 =	seq.s32 s7, s2  }
0x1e: {  	s7 =	smul.u32 @!p0 $0xF7A, s2;
	p2 =	seq.s32 @!p0 s5, $0x0  }
0x1f: {  	s9 =	smul.u32 $0xF7A, s1;
	s8 =	simm.s32 @!p0 $0x1BF5;
	p2 =	por !p2, p0  }
0x20: {  	[sflag:s8] =	ssyncset.s32 @!p0 $0xFFFFF086;
	s6 =	sadd.s32 @!p0 s3, s7;
	s7 =	simm.s32 @!p0 $0x108  }
0x21: {  	s3 =	sadd.s32 s3, s9;
	s6 =	sadd.s32 @!p0 $0x88, s6;
	s7 =	simm.s32 @p2 $0x1082  }
0x22: {  	[simem:s7], [sflag:s8] =	dma.local @!p0 [hbm:s6], $0xF7A  }
0x23: {  	s9 =	sor.u32 $0xD0000000, s2;
	s6 =	simm.s32 $0x108;
	_ =	swait.ge @!p0 [sflag:s8], $0x0  }
0x24: {  	s3 =	sadd.s32 $0x88, s3;
	s6 =	simm.s32 @!p1 $0x1082;
	[sflag:s4] =	ssyncset.s32 $0xFFFFF086  }
0x25: {  	[simem:s6], [sflag:s4] =	dma.local [hbm:s3], $0xF7A  }
0x26: {  	[smem:$0x3F99] =	sst s1;
	(tag) =	ssettag s2;
	_ =	strace s9  }
0x27: {  	s1 =	sld [smem:$0x3FA9]  }
0x28: {  	s2 =	sld [smem:$0x3FAA]  }
0x29: {  	s4 =	sld [smem:$0x3FAC]  }
0x2a: {  	p0 =	seq.s32 s5, $0x0;
	s5 =	sld [smem:$0x3FAD]  }
0x2b: {  	s6 =	sld [smem:$0x3FAE]  }
0x2c: {  	s7 =	sld [smem:$0x3FAF]  }
0x2d: {  	s3 =	simm.s32 $0x108;
	s8 =	sld [smem:$0x3FB0]  }
0x2e: {  	s3 =	simm.s32 @!p0 $0x1082;
	s9 =	sld [smem:$0x3FB1]  }
0x2f: {  	lr =	sadd.s32 s0, s3;
	s0 =	sld [smem:$0x3FA8]  }
0x30: {  	s3 =	sld [smem:$0x3FAB]  }
0x31: {  	[smem:$0x3FB4] =	sst s10  }
0x32: {  	s10 =	sld [smem:$0x3FB2];
	_ =	sdelay $0x3  }
0x33: {  	p0 =	seq.s32 s10, $0x1;
	s10 =	sld [smem:$0x3FB4];
	_ =	sdelay $0x3  }
0x34: {  	[smem:$0x3FB4] =	sst s10  }
0x35: {  	s10 =	sld [smem:$0x3FB3];
	_ =	sdelay $0x3  }
0x36: {  	p1 =	seq.s32 s10, $0x1;
	s10 =	sld [smem:$0x3FB4];
	_ =	sdelay $0x3  }
0x37: {  	[smem:$0x3FB4] =	sst s10  }
0x38: {  	s10 =	sld [smem:$0x3FB5]  }
0x39: {  	_ = 	snop;
	(pc) =	sbr.ind lr, $3  }
0x3a: {  	_ = 	snop  }
0x3b: {  	_ = 	snop  }
0x3c: {  	p2 =	seq.s32 s10, $0x1;
	s10 =	sld [smem:$0x3FB4]  }
0x3d: {  	_ =	shalt  }
0x3e: {  	_ =	shalt  }
0x3f: {  	_ =	shalt  }
0x40: {  	_ =	shalt  }
0x41: {  	_ =	shalt  }
0x42: {  	_ =	shalt  }
0x43: {  	_ =	shalt  }
0x44: {  	_ =	shalt  }
0x45: {  	_ =	shalt  }
0x46: {  	_ =	shalt  }
0x47: {  	_ =	shalt  }
0x48: {  	_ =	shalt  }
0x49: {  	_ =	shalt  }
0x4a: {  	_ =	shalt  }
0x4b: {  	_ =	shalt  }
0x4c: {  	_ =	shalt  }
0x4d: {  	_ =	shalt  }
0x4e: {  	_ =	shalt  }
0x4f: {  	_ =	shalt  }
0x50: {  	_ =	shalt  }
0x51: {  	_ =	shalt  }
0x52: {  	_ =	shalt  }
0x53: {  	_ =	shalt  }
0x54: {  	_ =	shalt  }
0x55: {  	_ =	shalt  }
0x56: {  	_ =	shalt  }
0x57: {  	_ =	shalt  }
0x58: {  	_ =	shalt  }
0x59: {  	_ =	shalt  }
0x5a: {  	_ =	shalt  }
0x5b: {  	_ =	shalt  }
0x5c: {  	_ =	shalt  }
0x5d: {  	_ =	shalt  }
0x5e: {  	_ =	shalt  }
0x5f: {  	_ =	shalt  }
0x60: {  	_ =	shalt  }
0x61: {  	_ =	shalt  }
0x62: {  	_ =	shalt  }
0x63: {  	_ =	shalt  }
0x64: {  	_ =	shalt  }
0x65: {  	_ =	shalt  }
0x66: {  	_ =	shalt  }
0x67: {  	_ =	shalt  }
0x68: {  	_ =	shalt  }
0x69: {  	_ =	shalt  }
0x6a: {  	_ =	shalt  }
0x6b: {  	_ =	shalt  }
0x6c: {  	_ =	shalt  }
0x6d: {  	_ =	shalt  }
0x6e: {  	_ =	shalt  }
0x6f: {  	_ =	shalt  }
0x70: {  	_ =	shalt  }
0x71: {  	_ =	shalt  }
0x72: {  	_ =	shalt  }
0x73: {  	_ =	shalt  }
0x74: {  	_ =	shalt  }
0x75: {  	_ =	shalt  }
0x76: {  	_ =	shalt  }
0x77: {  	_ =	shalt  }
0x78: {  	_ =	shalt  }
0x79: {  	_ =	shalt  }
0x7a: {  	_ =	shalt  }
0x7b: {  	_ =	shalt  }
0x7c: {  	_ =	shalt  }
0x7d: {  	_ =	shalt  }
0x7e: {  	_ =	shalt  }
0x7f: {  	_ =	shalt  }
0x80: {  	_ =	shalt  }
0x81: {  	_ =	shalt  }
0x82: {  	_ =	shalt  }
0x83: {  	_ =	shalt  }
0x84: {  	_ =	shalt  }
0x85: {  	_ =	shalt  }
0x86: {  	_ =	shalt  }
0x87: {  	_ =	shalt  }
.Lfunc_end0:
.L_simem_size_0:
called_computation_lowered:
.L_overlay_start_0:
0x88: {  	s2 =	sld [smem:$0x3FD9]  }
0x89: {  	s3 =	sld [smem:$0x3FFE];
	_ =	sdelay $0x1  }
0x8a: {  	s1 =	srdreg.scid  }
0x8b: {  	s0 =	sand.u32 $0x1, s1  }
0x8c: {  	s17 =	sshll.u32 s0, $0xA;
	s2 =	sadd.s32 s3, s2  }
0x8d: {  	s2 =	sadd.s32 s2, s17  }
0x8e: {  	[smem:$0x3FC0] =	sst s2  }
0x8f: {  	_ = 	snop  }
0x90: {  	s2 =	sld [smem:$0x3FC9]  }
0x91: {  	s18 =	sld [smem:$0x3FC7];
	(tm) =	ssettm $0x1  }
0x92: {  	s4 =	sld [smem:$0x3FFB];
	_ =	sdelay $0x3  }
0x93: {  	_ =	strace s4  }
0x94: {  	s4 =	sld [smem:$0x3FFC];
	_ =	sdelay $0x3  }
0x95: {  	_ =	strace s4  }
0x96: {  	s4 =	sld [smem:$0x3FFD];
	_ =	sdelay $0x3  }
0x97: {  	_ =	strace s4  }
0x98: {  	_ =	strace $0x8FFFFFFF  }
0x99: {  	s19 =	sld [smem:$0x3FDB];
	_ =	sdelay $0x1  }
0x9a: {  	s5 =	simm.s32 $_scs_section_size  }
0x9b: {  	s6 =	simm.s32 $_size__tile_overlayer_lowered;
	s7 =	simm.s32 $_tile_overlayer_lowered  }
0x9c: {  	s22 =	simm.s32 $0x1BFF;
	s21 =	sshll.u32 s7, $0x1;
	s4 =	sadd.s32 s5, s19  }
0x9d: {  	s8 =	simm.s32 $0x0;
	s20 =	sshll.u32 s6, $0x1;
	s6 =	sadd.s32 s21, s4  }
0x9e: {  	[timem:s8], [sflag:s22] =	dma.local [hbm:s6], s20  }
0x9f: {  	_ =	swait.ge [sflag:s22], s20  }
0xa0: {  	s5 =	ssub.s32 $0x0, s20;
	[sflag:s22] =	ssyncset.done $0x0  }
0xa1: {  	[sflag:s22] =	ssyncadd.s32 s5;
	_ =	sdelay $0x1  }
0xa2: {  	s23 =	simm.s32 $0x1B8B  }
0xa3: {  	_ =	swait.ge [sflag:s23], $0x1  }
0xa4: {  	[sflag:s23] =	ssyncset.done $0x0  }
0xa5: {  	s25 =	simm.s32 $0x1B8E;
	s24 =	sld [smem:$0x3FFE];
	[sflag:s23] =	ssyncadd.s32 $0xFFFFFFFF  }
0xa6: {  	s26 =	simm.s32 $execute0_lowered;
	[smem:$0x3FD2] =	sst s25  }
0xa7: {  	s6 =	sshll.u32 s26, $0x1;
	_ =	strace $0x80000046;
	[dreg:$0x1] =	wrdreg $0xFFFFFFFF  }
0xa8: {  	s28 =	simm.s32 $_size_execute0_lowered;
	s4 =	sadd.s32 s4, s6;
	[dreg:$0x0] =	wrdreg $0x0  }
0xa9: {  	s6 =	sshll.u32 s28, $0x1;
	[dreg:$0x2] =	wrdreg s4  }
0xaa: {  	[dreg:$0x3] =	wrdreg s6  }
0xab: {  	[dreg:$0x4] =	wrdreg $0xC0  }
0xac: {  	_ =	task [dreg:s8], $0x5FFFF  }
0xad: {  	[dreg:$0x1] =	wrdreg $0xFFFFFFFF  }
0xae: {  	[dreg:$0x0] =	wrdreg $0x60  }
0xaf: {  	[dreg:$0x2] =	wrdreg s2  }
0xb0: {  	[dreg:$0x3] =	wrdreg s24  }
0xb1: {  	[dreg:$0x4] =	wrdreg s18  }
0xb2: {  	[dreg:$0x5] =	wrdreg $0xA1E00  }
0xb3: {  	[dreg:$0x6] =	wrdreg $0x9  }
0xb4: {  	_ =	task.clear_ibuf [dreg:s8], $0x7FFFF;
	_ =	strace $0x90000046  }
0xb5: {  	s29 =	simm.s32 $0x9;
	_ =	strace $0x80000048  }
0xb6: {  	_ =	swait.ge [sflag:s29], $0x1  }
0xb7: {  	[sflag:s29] =	ssyncadd.s32 $0xFFFFFFFF  }
0xb8: {  	_ =	strace $0x90000048  }
0xb9: {  	_ =	sfence  }
0xba: {  	s30 =	sld [smem:$0x0];
	_ =	sdelay $0x2  }
0xbb: {  	s31 =	sshll.u32 s1, $0xD;
	s1 =	sshrl.u32 s1, $0x2  }
0xbc: {  	s3 =	sand.u32 $0x4000, s31;
	s1 =	sadd.s32 s1, s30  }
0xbd: {  	s0 =	sor.u32 s3, s0;
	s1 =	sshll.u32 s1, $0x11  }
0xbe: {  	s0 =	sor.u32 s1, s0  }
0xbf: {  	s0 =	sadd.s32 $0x8F2B, s0  }
0xc0: {  	[sflag:s0] =	ssyncadd.remote.s32 $0x1  }
0xc1: {  	_ =	sfence.sel $0xFFFF  }
0xc2: {  	[dreg:$0x0] =	wrdreg $0xFFFFFFFF;
	(pc) =	sbr.abs _section_cstart, $3  }
0xc3: {  	[dreg:$0x1] =	wrdreg $0xFFFFFFFF  }
0xc4: {  	_ =	task.clear_ibuf [dreg:s8], $0x2FFFF;
	_ =	strace $0x9FFFFFFF  }
0xc5: {  	(tm) =	ssettm $0x7FFFFFFF  }
tec
execute0_lowered:
.L_overlay_start_1:
0x0: {  	(tag) =	ssettag $0x1  }
0x1: {  	s24 =	rddreg [dreg:$0x0]  }
0x2: {  	s0 =	rddreg [dreg:$0x1]  }
0x3: {  	s1 =	rddreg [dreg:$0x2]  }
0x4: {  	s2 =	srdreg.scid;
	s3 =	stileid.u32  }
0x5: {  	s29 =	rddreg [dreg:$0x3];
	s5 =	simm.s32 $0x0;
	s8 =	smul.u32 $0x13880, s3  }
0x6: {  	s2 =	sand.u32 $0x1, s2;
	[smem:$0x7FF] =	sst s5;
	s10 =	smul.u32 $0x4E200, s3  }
0x7: {  	s12 =	sshll.u32 s3, $0x1;
	s6 =	smul.u32 $0x138800, s2;
	s4 =	ssub.s32 $0x2, s2  }
0x8: {  	_ =	strace $0x80000047;
	s11 =	sshrl.u32 s4, $0x1;
	s10 =	sshrl.u32 s10, $0x2  }
0x9: {  	s11 =	ssub.s32 s4, s11;
	s10 =	sadd.s32 s10, s29;
	s4 =	sadd.s32 s8, s29  }
0xa: {  	s2 =	sor.u32 s2, s12;
	s12 =	sadd.s32 $0xC80, s10;
	[dreg:$0x5] =	wrdreg s4  }
0xb: {  	s13 =	sadd.s32 $0x1900, s10;
	[dreg:$0x6] =	wrdreg s12  }
0xc: {  	s14 =	sadd.s32 $0x2580, s10;
	[dreg:$0x7] =	wrdreg s13  }
0xd: {  	s15 =	sadd.s32 $0x3200, s10;
	[dreg:$0x8] =	wrdreg s14  }
0xe: {  	s16 =	sadd.s32 $0x3E80, s10;
	[dreg:$0x9] =	wrdreg s15  }
0xf: {  	s17 =	sadd.s32 $0x4B00, s10;
	[dreg:$0xa] =	wrdreg s16  }
0x10: {  	s18 =	sadd.s32 $0x5780, s10;
	[dreg:$0xb] =	wrdreg s17  }
0x11: {  	s19 =	sadd.s32 $0x6400, s10;
	[dreg:$0xc] =	wrdreg s18  }
0x12: {  	s20 =	sadd.s32 $0x7080, s10;
	[dreg:$0xd] =	wrdreg s19  }
0x13: {  	s21 =	sadd.s32 $0x7D00, s10;
	[dreg:$0xe] =	wrdreg s20  }
0x14: {  	s22 =	sadd.s32 $0x8980, s10;
	[dreg:$0xf] =	wrdreg s21  }
0x15: {  	s23 =	sadd.s32 $0x9600, s10;
	[dreg:$0x10] =	wrdreg s22  }
0x16: {  	s25 =	sadd.s32 $0xA280, s10;
	[dreg:$0x11] =	wrdreg s23  }
0x17: {  	s7 =	sadd.s32 s8, s6;
	s26 =	sadd.s32 $0xAF00, s10;
	[dreg:$0x12] =	wrdreg s25  }
0x18: {  	s6 =	sadd.s32 $0xA400, s0;
	s28 =	sadd.s32 $0xBB80, s10;
	[dreg:$0x13] =	wrdreg s26  }
0x19: {  	s9 =	sshrl.u32 s7, $0x3;
	s3 =	sadd.s32 $0xC800, s10;
	[dreg:$0x14] =	wrdreg s28  }
0x1a: {  	s7 =	sadd.s32 $0x600, s0;
	s8 =	sadd.s32 $0xD480, s10;
	[dreg:$0x15] =	wrdreg s3  }
0x1b: {  	s0 =	sadd.s32 s9, s0;
	[dreg:$0x16] =	wrdreg s8;
	s9 =	sadd.s32 $0xE100, s10  }
0x1c: {  	s12 =	sadd.s32 $0xED80, s10;
	[dreg:$0x17] =	wrdreg s9  }
0x1d: {  	s13 =	sadd.s32 $0xFA00, s10;
	[dreg:$0x18] =	wrdreg s12  }
0x1e: {  	s30 =	simm.s32 $0x5;
	s14 =	sadd.s32 $0x10680, s10;
	[dreg:$0x19] =	wrdreg s13  }
0x1f: {  	s31 =	simm.s32 $0x1;
	s15 =	sadd.s32 $0x11300, s10;
	[dreg:$0x1a] =	wrdreg s14  }
0x20: {  	s22 =	smul.u32 $0x2710, s2;
	s16 =	sadd.s32 $0x11F80, s10;
	[dreg:$0x1b] =	wrdreg s15  }
0x21: {  	s18 =	sadd.s32 $0x12C00, s10;
	s26 =	smax.u32 s11, $0x1;
	[dreg:$0x1c] =	wrdreg s16  }
0x22: {  	s10 =	simm.s32 $0x9;
	s11 =	simm.s32 $0x7;
	[dreg:$0x1d] =	wrdreg s18  }
0x23: {  	s0 =	sadd.s32 $0x14200, s0;
	[smem:$0x7FC] =	sst s26;
	s17 =	sshrl.u32 s22, $0x3  }
0x24: {  	s26 =	simm.s32 $0x50;
	[smem:$0x7FB] =	sst s0;
	s19 =	sadd.s32 s6, s17  }
0x25: {  	s9 =	sadd.s32 $0x50, s22;
	s2 =	sadd.s32 s1, s17;
	[dreg:$0x1e] =	wrdreg s19  }
0x26: {  	s20 =	sshrl.u32 s9, $0x3;
	s21 =	sadd.s32 s7, s17;
	[smem:$0x7F7] =	sst s2  }
0x27: {  	s14 =	simm.s32 $0x2;
	s23 =	sadd.s32 s6, s20;
	[dreg:$0x1f] =	wrdreg s21  }
0x28: {  	s15 =	simm.s32 $0xA;
	s25 =	sadd.s32 s7, s20;
	[smem:$0x7F8] =	sst s23  }
0x29: {  	s16 =	simm.s32 $0x8;
	s1 =	sadd.s32 s1, s20;
	[smem:$0x7F9] =	sst s25  }
0x2a: {  	s19 =	sadd.s32 $0xA0, s22;
	s28 =	sadd.s32 $0x4D8, s21;
	[smem:$0x7FA] =	sst s1  }
0x2b: {  	s2 =	simm.s32 $0x6;
	s20 =	simm.s32 $0x0;
	[smem:$0x7FD] =	sst s28  }
0x2c: {  	v0 =	vimm.f32 $0.0e+00;
	s23 =	simm.s32 $0xB;
	s25 =	simm.s32 $0x140;
	s1 =	simm.s32 $0x0  }
.LBB2_1:
0x2d: {  	[smem:$0x7F6] =	sst s1;
	s0 =	simm.s32 $0x0;
	s8 =	simm.s32 $0x200  }
.LBB2_2:
0x2e: {  	p0 =	sne.s32 s8, $0x3000;
	[tilespmem:s0+$0x250] =	vst v0  }
0x2f: {  	[tilespmem:s0+$0x1E0] =	vst v0  }
0x30: {  	[tilespmem:s0+$0x1F0] =	vst v0  }
.Ltmp0:
0x31: {  	[tilespmem:s0+$0x200] =	vst v0;
	(pc) =	sbr.rel @p0 .LBB2_2-.Ltmp0, $4  }
0x32: {  	[tilespmem:s0+$0x210] =	vst v0  }
0x33: {  	[tilespmem:s0+$0x220] =	vst v0  }
0x34: {  	[tilespmem:s0+$0x230] =	vst v0  }
0x35: {  	[tilespmem:s0+$0x240] =	vst v0;
	s0 =	sshra.s32 s8, $0x2;
	s8 =	sadd.s32 $0x200, s8  }
0x36: {  	[tilespmem:s0+$0x250] =	vst v0  }
0x37: {  	[tilespmem:s0+$0x1E0] =	vst v0  }
0x38: {  	[tilespmem:s0+$0x1F0] =	vst v0  }
0x39: {  	[tilespmem:s0+$0x200] =	vst v0  }
0x3a: {  	[tilespmem:s0+$0x210] =	vst v0  }
0x3b: {  	[tilespmem:s0+$0x220] =	vst v0  }
0x3c: {  	[tilespmem:s0+$0x230] =	vst v0  }
0x3d: {  	[tilespmem:s0+$0x240] =	vst v0;
	s3 =	simm.s32 $0x1E0  }
0x3e: {  	[spmem:s4] =	stream.linear.scatter [tilespmem:s3], [sflag:$0xB], $0xC80, $0x38;
	[tilespmem:$0x1DA60] =	vst v63  }
0x3f: {  	_ =	swait.ge [sflag:s23], $0xC80  }
0x40: {  	[sflag:s23] =	ssyncset.done $0x0  }
0x41: {  	s13 =	rddreg [dreg:$0x6];
	[sflag:s23] =	ssyncadd.s32 $0xFFFFF380  }
0x42: {  	[spmem:s13] =	stream.linear.scatter [tilespmem:s3], [sflag:$0xB], $0xC80, $0x38;
	[tilespmem:$0x1DA60] =	vst v63  }
0x43: {  	_ =	swait.ge [sflag:s23], $0xC80  }
0x44: {  	[sflag:s23] =	ssyncset.done $0x0  }
0x45: {  	s17 =	rddreg [dreg:$0x7];
	[sflag:s23] =	ssyncadd.s32 $0xFFFFF380  }
0x46: {  	[spmem:s17] =	stream.linear.scatter [tilespmem:s3], [sflag:$0xB], $0xC80, $0x38;
	[tilespmem:$0x1DA60] =	vst v63  }
0x47: {  	_ =	swait.ge [sflag:s23], $0xC80  }
0x48: {  	[sflag:s23] =	ssyncset.done $0x0  }
0x49: {  	s18 =	rddreg [dreg:$0x8];
	[sflag:s23] =	ssyncadd.s32 $0xFFFFF380  }
0x4a: {  	[spmem:s18] =	stream.linear.scatter [tilespmem:s3], [sflag:$0xB], $0xC80, $0x38;
	[tilespmem:$0x1DA60] =	vst v63  }
0x4b: {  	_ =	swait.ge [sflag:s23], $0xC80  }
0x4c: {  	[sflag:s23] =	ssyncset.done $0x0  }
0x4d: {  	s21 =	rddreg [dreg:$0x9];
	[sflag:s23] =	ssyncadd.s32 $0xFFFFF380  }
0x4e: {  	[spmem:s21] =	stream.linear.scatter [tilespmem:s3], [sflag:$0xB], $0xC80, $0x38;
	[tilespmem:$0x1DA60] =	vst v63  }
0x4f: {  	_ =	swait.ge [sflag:s23], $0xC80  }
0x50: {  	[sflag:s23] =	ssyncset.done $0x0  }
0x51: {  	s28 =	rddreg [dreg:$0xa];
	[sflag:s23] =	ssyncadd.s32 $0xFFFFF380  }
0x52: {  	[spmem:s28] =	stream.linear.scatter [tilespmem:s3], [sflag:$0xB], $0xC80, $0x38;
	[tilespmem:$0x1DA60] =	vst v63  }
0x53: {  	_ =	swait.ge [sflag:s23], $0xC80  }
0x54: {  	[sflag:s23] =	ssyncset.done $0x0  }
0x55: {  	s1 =	smov.u32 s29;
	s29 =	rddreg [dreg:$0xb];
	[sflag:s23] =	ssyncadd.s32 $0xFFFFF380  }
0x56: {  	[spmem:s29] =	stream.linear.scatter [tilespmem:s3], [sflag:$0xB], $0xC80, $0x38;
	[tilespmem:$0x1DA60] =	vst v63  }
0x57: {  	_ =	swait.ge [sflag:s23], $0xC80  }
0x58: {  	[sflag:s23] =	ssyncset.done $0x0  }
0x59: {  	s4 =	rddreg [dreg:$0xc];
	[sflag:s23] =	ssyncadd.s32 $0xFFFFF380  }
0x5a: {  	[spmem:s4] =	stream.linear.scatter [tilespmem:s3], [sflag:$0xB], $0xC80, $0x38;
	[tilespmem:$0x1DA60] =	vst v63  }
0x5b: {  	_ =	swait.ge [sflag:s23], $0xC80  }
0x5c: {  	[sflag:s23] =	ssyncset.done $0x0  }
0x5d: {  	s8 =	rddreg [dreg:$0xd];
	[sflag:s23] =	ssyncadd.s32 $0xFFFFF380  }
0x5e: {  	[spmem:s8] =	stream.linear.scatter [tilespmem:s3], [sflag:$0xB], $0xC80, $0x38;
	[tilespmem:$0x1DA60] =	vst v63  }
0x5f: {  	_ =	swait.ge [sflag:s23], $0xC80  }
0x60: {  	[sflag:s23] =	ssyncset.done $0x0  }
0x61: {  	s12 =	rddreg [dreg:$0xe];
	[sflag:s23] =	ssyncadd.s32 $0xFFFFF380  }
0x62: {  	[spmem:s12] =	stream.linear.scatter [tilespmem:s3], [sflag:$0xB], $0xC80, $0x38;
	[tilespmem:$0x1DA60] =	vst v63  }
0x63: {  	_ =	swait.ge [sflag:s23], $0xC80  }
0x64: {  	[sflag:s23] =	ssyncset.done $0x0  }
0x65: {  	s13 =	rddreg [dreg:$0xf];
	[sflag:s23] =	ssyncadd.s32 $0xFFFFF380  }
0x66: {  	[spmem:s13] =	stream.linear.scatter [tilespmem:s3], [sflag:$0xB], $0xC80, $0x38;
	[tilespmem:$0x1DA60] =	vst v63  }
0x67: {  	_ =	swait.ge [sflag:s23], $0xC80  }
0x68: {  	[sflag:s23] =	ssyncset.done $0x0  }
0x69: {  	s17 =	rddreg [dreg:$0x10];
	[sflag:s23] =	ssyncadd.s32 $0xFFFFF380  }
0x6a: {  	[spmem:s17] =	stream.linear.scatter [tilespmem:s3], [sflag:$0xB], $0xC80, $0x38;
	[tilespmem:$0x1DA60] =	vst v63  }
0x6b: {  	_ =	swait.ge [sflag:s23], $0xC80  }
0x6c: {  	[sflag:s23] =	ssyncset.done $0x0  }
0x6d: {  	s18 =	rddreg [dreg:$0x11];
	[sflag:s23] =	ssyncadd.s32 $0xFFFFF380  }
0x6e: {  	[spmem:s18] =	stream.linear.scatter [tilespmem:s3], [sflag:$0xB], $0xC80, $0x38;
	[tilespmem:$0x1DA60] =	vst v63  }
0x6f: {  	_ =	swait.ge [sflag:s23], $0xC80  }
0x70: {  	[sflag:s23] =	ssyncset.done $0x0  }
0x71: {  	s21 =	rddreg [dreg:$0x12];
	[sflag:s23] =	ssyncadd.s32 $0xFFFFF380  }
0x72: {  	[spmem:s21] =	stream.linear.scatter [tilespmem:s3], [sflag:$0xB], $0xC80, $0x38;
	[tilespmem:$0x1DA60] =	vst v63  }
0x73: {  	_ =	swait.ge [sflag:s23], $0xC80  }
0x74: {  	[sflag:s23] =	ssyncset.done $0x0  }
0x75: {  	s28 =	rddreg [dreg:$0x13];
	[sflag:s23] =	ssyncadd.s32 $0xFFFFF380  }
0x76: {  	[spmem:s28] =	stream.linear.scatter [tilespmem:s3], [sflag:$0xB], $0xC80, $0x38;
	[tilespmem:$0x1DA60] =	vst v63  }
0x77: {  	_ =	swait.ge [sflag:s23], $0xC80  }
0x78: {  	[sflag:s23] =	ssyncset.done $0x0  }
0x79: {  	s29 =	rddreg [dreg:$0x14];
	[sflag:s23] =	ssyncadd.s32 $0xFFFFF380  }
0x7a: {  	[spmem:s29] =	stream.linear.scatter [tilespmem:s3], [sflag:$0xB], $0xC80, $0x38;
	[tilespmem:$0x1DA60] =	vst v63  }
0x7b: {  	_ =	swait.ge [sflag:s23], $0xC80  }
0x7c: {  	[sflag:s23] =	ssyncset.done $0x0  }
0x7d: {  	s4 =	rddreg [dreg:$0x15];
	[sflag:s23] =	ssyncadd.s32 $0xFFFFF380  }
0x7e: {  	[spmem:s4] =	stream.linear.scatter [tilespmem:s3], [sflag:$0xB], $0xC80, $0x38;
	[tilespmem:$0x1DA60] =	vst v63  }
0x7f: {  	_ =	swait.ge [sflag:s23], $0xC80  }
0x80: {  	[sflag:s23] =	ssyncset.done $0x0  }
0x81: {  	s8 =	rddreg [dreg:$0x16];
	[sflag:s23] =	ssyncadd.s32 $0xFFFFF380  }
0x82: {  	[spmem:s8] =	stream.linear.scatter [tilespmem:s3], [sflag:$0xB], $0xC80, $0x38;
	[tilespmem:$0x1DA60] =	vst v63  }
0x83: {  	_ =	swait.ge [sflag:s23], $0xC80  }
0x84: {  	[sflag:s23] =	ssyncset.done $0x0  }
0x85: {  	s12 =	rddreg [dreg:$0x17];
	[sflag:s23] =	ssyncadd.s32 $0xFFFFF380  }
0x86: {  	[spmem:s12] =	stream.linear.scatter [tilespmem:s3], [sflag:$0xB], $0xC80, $0x38;
	[tilespmem:$0x1DA60] =	vst v63  }
0x87: {  	_ =	swait.ge [sflag:s23], $0xC80  }
0x88: {  	[sflag:s23] =	ssyncset.done $0x0  }
0x89: {  	s13 =	rddreg [dreg:$0x18];
	[sflag:s23] =	ssyncadd.s32 $0xFFFFF380  }
0x8a: {  	[spmem:s13] =	stream.linear.scatter [tilespmem:s3], [sflag:$0xB], $0xC80, $0x38;
	[tilespmem:$0x1DA60] =	vst v63  }
0x8b: {  	_ =	swait.ge [sflag:s23], $0xC80  }
0x8c: {  	[sflag:s23] =	ssyncset.done $0x0  }
0x8d: {  	s17 =	rddreg [dreg:$0x19];
	[sflag:s23] =	ssyncadd.s32 $0xFFFFF380  }
0x8e: {  	[spmem:s17] =	stream.linear.scatter [tilespmem:s3], [sflag:$0xB], $0xC80, $0x38;
	[tilespmem:$0x1DA60] =	vst v63  }
0x8f: {  	_ =	swait.ge [sflag:s23], $0xC80  }
0x90: {  	[sflag:s23] =	ssyncset.done $0x0  }
0x91: {  	s18 =	rddreg [dreg:$0x1a];
	[sflag:s23] =	ssyncadd.s32 $0xFFFFF380  }
0x92: {  	[spmem:s18] =	stream.linear.scatter [tilespmem:s3], [sflag:$0xB], $0xC80, $0x38;
	[tilespmem:$0x1DA60] =	vst v63  }
0x93: {  	_ =	swait.ge [sflag:s23], $0xC80  }
0x94: {  	[sflag:s23] =	ssyncset.done $0x0  }
0x95: {  	s21 =	rddreg [dreg:$0x1b];
	[sflag:s23] =	ssyncadd.s32 $0xFFFFF380  }
0x96: {  	[spmem:s21] =	stream.linear.scatter [tilespmem:s3], [sflag:$0xB], $0xC80, $0x38;
	[tilespmem:$0x1DA60] =	vst v63  }
0x97: {  	_ =	swait.ge [sflag:s23], $0xC80  }
0x98: {  	[sflag:s23] =	ssyncset.done $0x0  }
0x99: {  	s28 =	rddreg [dreg:$0x1c];
	[sflag:s23] =	ssyncadd.s32 $0xFFFFF380  }
0x9a: {  	[spmem:s28] =	stream.linear.scatter [tilespmem:s3], [sflag:$0xB], $0xC80, $0x38;
	[tilespmem:$0x1DA60] =	vst v63  }
0x9b: {  	_ =	swait.ge [sflag:s23], $0xC80  }
0x9c: {  	[sflag:s23] =	ssyncset.done $0x0  }
0x9d: {  	s29 =	rddreg [dreg:$0x1d];
	[sflag:s23] =	ssyncadd.s32 $0xFFFFF380  }
0x9e: {  	[spmem:s29] =	stream.linear.scatter [tilespmem:s3], [sflag:$0xB], $0xC80, $0x38;
	[tilespmem:$0x1DA60] =	vst v63  }
0x9f: {  	_ =	swait.ge [sflag:s23], $0xC80  }
0xa0: {  	[sflag:s23] =	ssyncset.done $0x0  }
0xa1: {  	[sflag:s23] =	ssyncadd.s32 $0xFFFFF380  }
0xa2: {  	[bflag:$0x0] =	sbarrier.arrive $0xFFFF  }
0xa3: {  	s4 =	rddreg [dreg:$0x1e]  }
0xa4: {  	s8 =	rddreg [dreg:$0x1f]  }
0xa5: {  	[tilespmem:s20], [sflag:$0x5] =	stream.linear.gather [hbm4b:s4+s20], $0x50, $0x38;
	[tilespmem:$0x1DA60] =	vst v63  }
0xa6: {  	s12 =	simm.s32 $0xA0;
	s13 =	sld [smem:$0x7F7]  }
0xa7: {  	[tilespmem:s12], [sflag:$0x7] =	stream.linear.gather [hbm4b:s8+s20], $0x50, $0x38;
	[tilespmem:$0x1DA60] =	vst v63  }
0xa8: {  	s17 =	sld [smem:$0x7F8]  }
0xa9: {  	[tilespmem:s25], [sflag:$0x9] =	stream.linear.gather [hbm4b:s13+s20], $0x50, $0x38;
	[tilespmem:$0x1DA60] =	vst v63  }
0xaa: {  	s18 =	sld [smem:$0x7F9]  }
0xab: {  	[tilespmem:s26], [sflag:$0x6] =	stream.linear.gather [hbm4b:s17+s20], $0x50, $0x38;
	[tilespmem:$0x1DA60] =	vst v63  }
0xac: {  	s21 =	simm.s32 $0xF0;
	s28 =	sld [smem:$0x7FA]  }
0xad: {  	[tilespmem:s21], [sflag:$0x8] =	stream.linear.gather [hbm4b:s18+s20], $0x50, $0x38;
	[tilespmem:$0x1DA60] =	vst v63  }
0xae: {  	s29 =	simm.s32 $0x190  }
0xaf: {  	[tilespmem:s29], [sflag:$0xA] =	stream.linear.gather [hbm4b:s28+s20], $0x50, $0x38;
	[tilespmem:$0x1DA60] =	vst v63  }
0xb0: {  	_ =	swait.ge [sflag:s30], $0x50  }
0xb1: {  	[sflag:s30] =	ssyncset.done $0x0  }
0xb2: {  	s8 =	simm.s32 $0x0;
	[sflag:s30] =	ssyncadd.s32 $0xFFFFFFB0  }
0xb3: {  	[tilespmem:s3], [sflag:$0x1] =	stream.indirect.gather [hbm4b:s24+s26], $0x80, s20, s26, $0xb8;
	[tilespmem:$0x1DA60] =	vst v63  }
.LBB2_4:
0xb4: {  	s18 =	smul.u32 $0xA0, s8;
	_ =	sdelay $0x1  }
0xb5: {  	_ =	swait.ge [sflag:s31], $0x2800;
	s0 =	sadd.s32 s18, s19  }
0xb6: {  	[sflag:s31] =	ssyncset.done $0x0;
	s12 =	sshrl.u32 s0, $0x3  }
0xb7: {  	[sflag:s31] =	ssyncadd.s32 $0xFFFFD800;
	s0 =	sadd.s32 s6, s12  }
0xb8: {  	[tilespmem:s5], [sflag:$0x5] =	stream.linear.gather [hbm4b:s0+s5], $0x50, $0x38;
	[tilespmem:$0x1DA60] =	vst v63  }
0xb9: {  	_ =	swait.ge [sflag:s2], $0x50  }
0xba: {  	p0 =	seq.s32 s8, $0x0;
	[sflag:s2] =	ssyncset.done $0x0  }
0xbb: {  	s17 =	simm.s32 $0x29E0;
	s0 =	simm.s32 @!p0 $0x3;
	[sflag:s2] =	ssyncadd.s32 $0xFFFFFFB0  }
0xbc: {  	[tilespmem:s17], [sflag:$0x2] =	stream.indirect.gather [hbm4b:s24+s26], $0x80, s26, s26, $0xb8;
	[tilespmem:$0x1DA60] =	vst v63  }
0xbd: {  	v1 =	vmov s20;
	s13 =	simm.s32 $0x1;
	_ =	swait.ge @!p0 [sflag:s0], $0x2800  }
0xbe: {  	s21 =	simm.s32 $0x2;
	v1 =	vand.u32 $0xFFFFFFFC, v1;
	v2 =	vmov s13;
	s17 =	sadd.s32 @!p0 s22, s18;
	[sflag:s0] =	ssyncset.done @!p0 $0x0  }
0xbf: {  	v3 =	vmov s21;
	v1 =	vbroadcast v1, $0x0;
	v2 =	vand.u32 $0xFFFFFFFD, v2;
	[sflag:s0] =	ssyncadd.s32 @!p0 $0xFFFFD800;
	s0 =	sshrl.u32 @!p0 s17, $0x3  }
0xc0: {  	s13 =	simm.s32 @!p0 $0x0;
	v3 =	vand.u32 $0xFFFFFFFE, v3;
	v2 =	vbroadcast v2, $0x0;
	s17 =	simm.s32 @!p0 $0xA0;
	s0 =	sadd.s32 @!p0 s7, s0  }
0xc1: {  	v3 =	vbroadcast v3, $0x0;
	[tilespmem:s17], [sflag:$0x7] =	stream.linear.gather @!p0 [hbm4b:s0+s13], $0x50, $0x38;
	[tilespmem:$0x1DA60] =	vst v63  }
0xc2: {  	_ =	swait.ge [sflag:s10], $0x50  }
0xc3: {  	[sflag:s10] =	ssyncset.done $0x0  }
0xc4: {  	[sflag:s10] =	ssyncadd.s32 $0xFFFFFFB0  }
0xc5: {  	s4 =	smov.u32 s24;
	s24 =	simm.s32 $0x3;
	v6 =	vld.idx.msk [tilespmem:v1+s25+$0x0], $0xffff  }
0xc6: {  	v1 =	vmov s24;
	v7 =	vld.idx.msk [tilespmem:v2+s25+$0x0], $0xffff  }
0xc7: {  	s28 =	simm.s32 $0x2E0;
	v8 =	vld.idx.msk [tilespmem:v3+s25+$0x0], $0xffff  }
0xc8: {  	v2 =	vld [tilespmem:s28+$0x0]  }
0xc9: {  	v3 =	vld [tilespmem:s28+$0xFFFFFF00]  }
0xca: {  	v4 =	vld [tilespmem:s28+$0xFFFFFF80]  }
0xcb: {  	v5 =	vld.idx.msk [tilespmem:v1+s25+$0x0], $0xffff  }
0xcc: {  	v1 =	vld [tilespmem:s28+$0x80]  }
0xcd: {  	v2 =	vmul.f32 v2, v8  }
0xce: {  	s17 =	simm.s32 $0x52E0;
	v3 =	vmul.f32 v3, v6  }
0xcf: {  	v4 =	vmul.f32 v4, v7;
	[tilespmem:s17+$0x0] =	vst v2  }
0xd0: {  	[tilespmem:s17+$0xFFFFFF00] =	vst v3;
	v2 =	vld [tilespmem:s28+$0x10]  }
0xd1: {  	[tilespmem:s17+$0xFFFFFF80] =	vst v4;
	v3 =	vld [tilespmem:s28+$0xFFFFFF10];
	v1 =	vmul.f32 v1, v5  }
0xd2: {  	v4 =	vld [tilespmem:s28+$0xFFFFFF90]  }
0xd3: {  	[tilespmem:s17+$0x80] =	vst v1  }
0xd4: {  	v1 =	vld [tilespmem:s28+$0x90]  }
0xd5: {  	v2 =	vmul.f32 v2, v8  }
0xd6: {  	v3 =	vmul.f32 v3, v6  }
0xd7: {  	v4 =	vmul.f32 v4, v7;
	[tilespmem:s17+$0x10] =	vst v2  }
0xd8: {  	[tilespmem:s17+$0xFFFFFF10] =	vst v3;
	v2 =	vld [tilespmem:s28+$0x20]  }
0xd9: {  	[tilespmem:s17+$0xFFFFFF90] =	vst v4;
	v3 =	vld [tilespmem:s28+$0xFFFFFF20];
	v1 =	vmul.f32 v1, v5  }
0xda: {  	v4 =	vld [tilespmem:s28+$0xFFFFFFA0]  }
0xdb: {  	[tilespmem:s17+$0x90] =	vst v1  }
0xdc: {  	v1 =	vld [tilespmem:s28+$0xA0]  }
0xdd: {  	s3 =	simm.s32 $0x4;
	v2 =	vmul.f32 v2, v8  }
0xde: {  	v9 =	vmov s3;
	s13 =	simm.s32 $0x5;
	v3 =	vmul.f32 v3, v6  }
0xdf: {  	s21 =	simm.s32 $0x7;
	v9 =	vand.u32 $0xFFFFFFFC, v9;
	v10 =	vmov s13;
	v4 =	vmul.f32 v4, v7;
	[tilespmem:s17+$0x20] =	vst v2  }
0xe0: {  	v9 =	vbroadcast v9, $0x0;
	v10 =	vand.u32 $0xFFFFFFFD, v10;
	v2 =	vmov s21;
	[tilespmem:s17+$0xFFFFFF20] =	vst v3;
	v3 =	vld [tilespmem:s28+$0x30]  }
0xe1: {  	v10 =	vbroadcast v10, $0x0;
	[tilespmem:s17+$0xFFFFFFA0] =	vst v4;
	v11 =	vld [tilespmem:s28+$0xFFFFFF30];
	v1 =	vmul.f32 v1, v5  }
0xe2: {  	v12 =	vld [tilespmem:s28+$0xFFFFFFB0]  }
0xe3: {  	s24 =	simm.s32 $0x6;
	[tilespmem:s17+$0xA0] =	vst v1  }
0xe4: {  	v1 =	vmov s24;
	v13 =	vld [tilespmem:s28+$0xB0]  }
0xe5: {  	v4 =	vand.u32 $0xFFFFFFFE, v1;
	v1 =	vld.idx.msk [tilespmem:v2+s25+$0x0], $0xffff;
	v3 =	vmul.f32 v3, v8  }
0xe6: {  	v2 =	vld.idx.msk [tilespmem:v9+s25+$0x0], $0xffff;
	v9 =	vmul.f32 v11, v6;
	v14 =	vbroadcast v4, $0x0  }
0xe7: {  	v4 =	vld.idx.msk [tilespmem:v10+s25+$0x0], $0xffff;
	v10 =	vmul.f32 v12, v7;
	[tilespmem:s17+$0x30] =	vst v3  }
0xe8: {  	s0 =	simm.s32 $0x4E0;
	[tilespmem:s17+$0xFFFFFF30] =	vst v9;
	v9 =	vld [tilespmem:s28+$0x40]  }
0xe9: {  	v12 =	vld [tilespmem:s0+$0x0];
	[tilespmem:s17+$0xFFFFFFB0] =	vst v10  }
0xea: {  	v10 =	vld [tilespmem:s28+$0xFFFFFFC0]  }
0xeb: {  	v11 =	vld [tilespmem:s28+$0xFFFFFF40]  }
0xec: {  	v3 =	vld.idx.msk [tilespmem:v14+s25+$0x0], $0xffff  }
0xed: {  	v14 =	vld [tilespmem:s0+$0xFFFFFF00];
	v9 =	vmul.f32 v9, v8  }
0xee: {  	v15 =	vld [tilespmem:s0+$0xFFFFFF80];
	v13 =	vmul.f32 v13, v5  }
0xef: {  	v16 =	vld [tilespmem:s0+$0x80];
	v10 =	vmul.f32 v10, v7;
	[tilespmem:s17+$0x40] =	vst v9  }
0xf0: {  	[tilespmem:s17+$0xB0] =	vst v13;
	v9 =	vmul.f32 v11, v6;
	v11 =	vld [tilespmem:s28+$0x50]  }
0xf1: {  	[tilespmem:s17+$0xFFFFFFC0] =	vst v10;
	v10 =	vld [tilespmem:s28+$0xC0];
	v12 =	vmul.f32 v12, v3  }
0xf2: {  	s29 =	simm.s32 $0x54E0;
	[tilespmem:s17+$0xFFFFFF40] =	vst v9;
	v9 =	vmul.f32 v14, v2;
	v13 =	vld [tilespmem:s28+$0xFFFFFFD0]  }
0xf3: {  	v14 =	vmul.f32 v15, v4;
	[tilespmem:s29+$0x0] =	vst v12;
	v12 =	vld [tilespmem:s28+$0xFFFFFF50]  }
0xf4: {  	v15 =	vmul.f32 v16, v1;
	[tilespmem:s29+$0xFFFFFF00] =	vst v9;
	v9 =	vld [tilespmem:s0+$0x10]  }
0xf5: {  	[tilespmem:s29+$0xFFFFFF80] =	vst v14;
	v16 =	vld [tilespmem:s0+$0xFFFFFF10];
	v11 =	vmul.f32 v11, v8  }
0xf6: {  	[tilespmem:s29+$0x80] =	vst v15;
	v14 =	vld [tilespmem:s0+$0xFFFFFF90];
	v10 =	vmul.f32 v10, v5  }
0xf7: {  	v15 =	vld [tilespmem:s0+$0x90];
	v13 =	vmul.f32 v13, v7;
	[tilespmem:s17+$0x50] =	vst v11  }
0xf8: {  	[tilespmem:s17+$0xC0] =	vst v10;
	v11 =	vmul.f32 v12, v6;
	v12 =	vld [tilespmem:s28+$0x60]  }
0xf9: {  	[tilespmem:s17+$0xFFFFFFD0] =	vst v13;
	v10 =	vld [tilespmem:s28+$0xD0];
	v9 =	vmul.f32 v9, v3  }
0xfa: {  	v13 =	vmul.f32 v16, v2;
	[tilespmem:s17+$0xFFFFFF50] =	vst v11;
	v11 =	vld [tilespmem:s28+$0xFFFFFFE0]  }
0xfb: {  	v14 =	vmul.f32 v14, v4;
	[tilespmem:s29+$0x10] =	vst v9;
	v9 =	vld [tilespmem:s28+$0xFFFFFF60]  }
0xfc: {  	v15 =	vmul.f32 v15, v1;
	[tilespmem:s29+$0xFFFFFF10] =	vst v13;
	v13 =	vld [tilespmem:s0+$0x20]  }
0xfd: {  	[tilespmem:s29+$0xFFFFFF90] =	vst v14;
	v16 =	vld [tilespmem:s0+$0xFFFFFF20];
	v12 =	vmul.f32 v12, v8  }
0xfe: {  	[tilespmem:s29+$0x90] =	vst v15;
	v10 =	vmul.f32 v10, v5  }
0xff: {  	v14 =	vld [tilespmem:s0+$0xFFFFFFA0];
	v11 =	vmul.f32 v11, v7;
	[tilespmem:s17+$0x60] =	vst v12  }
0x100: {  	v17 =	vld [tilespmem:s0+$0xA0];
	[tilespmem:s17+$0xD0] =	vst v10;
	v9 =	vmul.f32 v9, v6  }
0x101: {  	v18 =	vld [tilespmem:s28+$0x70];
	v10 =	vmul.f32 v13, v3;
	[tilespmem:s17+$0xFFFFFFE0] =	vst v11  }
0x102: {  	s3 =	simm.s32 $0x8;
	s21 =	simm.s32 $0x9;
	v19 =	vld [tilespmem:s28+$0xE0];
	v11 =	vmul.f32 v16, v2;
	[tilespmem:s17+$0xFFFFFF60] =	vst v9  }
0x103: {  	s24 =	simm.s32 $0xB;
	v12 =	vmov s21;
	v13 =	vld [tilespmem:s28+$0xFFFFFFF0];
	v9 =	vmov s3;
	[tilespmem:s29+$0x20] =	vst v10  }
0x104: {  	v14 =	vmul.f32 v14, v4;
	v15 =	vld [tilespmem:s28+$0xFFFFFF70];
	v9 =	vand.u32 $0xFFFFFFFC, v9;
	[tilespmem:s29+$0xFFFFFF20] =	vst v11;
	v11 =	vmov s24  }
0x105: {  	v17 =	vmul.f32 v17, v1;
	v10 =	vand.u32 $0xFFFFFFFD, v12;
	v16 =	vld [tilespmem:s0+$0x30];
	v9 =	vbroadcast v9, $0x0  }
0x106: {  	[tilespmem:s29+$0xFFFFFFA0] =	vst v14;
	v10 =	vbroadcast v10, $0x0;
	v12 =	vld [tilespmem:s0+$0xFFFFFF30];
	v18 =	vmul.f32 v18, v8  }
0x107: {  	s13 =	sshll.u32 s8, $0x1;
	s21 =	simm.s32 $0xA;
	s24 =	simm.s32 $0xC;
	[tilespmem:s29+$0xA0] =	vst v17;
	v14 =	vld [tilespmem:s0+$0xFFFFFFB0];
	v17 =	vmul.f32 v19, v5  }
.LBB2_5:
0x108: {  	p1 =	slt.u32 s24, $0x4C;
	v8 =	vmov s21;
	v19 =	vld [tilespmem:s0+$0xB0];
	v13 =	vmul.f32 v13, v7;
	[tilespmem:s17+$0x70] =	vst v18;
	v7 =	vmov v4  }
0x109: {  	v4 =	vand.u32 $0xFFFFFFFE, v8;
	v8 =	vld.idx.msk [tilespmem:v11+s25+$0x0], $0xffff;
	v11 =	vmul.f32 v15, v6;
	[tilespmem:s17+$0xE0] =	vst v17;
	v6 =	vmov v2  }
0x10a: {  	v15 =	vbroadcast v4, $0x0;
	v16 =	vmul.f32 v16, v3;
	[tilespmem:s17+$0xFFFFFFF0] =	vst v13;
	v13 =	vld [tilespmem:s28+$0xF0];
	s28 =	smov.u32 s0  }
0x10b: {  	v2 =	vld.idx.msk [tilespmem:v9+s25+$0x0], $0xffff;
	v9 =	vmul.f32 v12, v6;
	[tilespmem:s17+$0xFFFFFF70] =	vst v11  }
0x10c: {  	v4 =	vld.idx.msk [tilespmem:v10+s25+$0x0], $0xffff;
	v10 =	vmul.f32 v14, v7;
	[tilespmem:s29+$0x30] =	vst v16  }
0x10d: {  	[tilespmem:s29+$0xFFFFFF30] =	vst v9;
	v9 =	vld [tilespmem:s0+$0x40];
	v11 =	vmul.f32 v19, v1  }
0x10e: {  	v12 =	vld [tilespmem:s0+$0xFFFFFF40];
	[tilespmem:s29+$0xFFFFFFB0] =	vst v10  }
0x10f: {  	v10 =	vld [tilespmem:s0+$0xFFFFFFC0];
	[tilespmem:s29+$0xB0] =	vst v11;
	v11 =	vmul.f32 v13, v5;
	v5 =	vmov v1;
	v1 =	vmov v8  }
0x110: {  	s0 =	sadd.s32 $0x200, s0;
	v8 =	vld.idx.msk [tilespmem:v15+s25+$0x0], $0xffff  }
0x111: {  	v13 =	vld [tilespmem:s0+$0x0];
	[tilespmem:s17+$0xF0] =	vst v11;
	s17 =	smov.u32 s29  }
0x112: {  	v11 =	vld [tilespmem:s0+$0xFFFFFF00];
	v9 =	vmul.f32 v9, v3  }
0x113: {  	v14 =	vld [tilespmem:s0+$0xFFFFFF80];
	v12 =	vmul.f32 v12, v6  }
0x114: {  	v15 =	vld [tilespmem:s0+$0x80];
	v10 =	vmul.f32 v10, v7;
	[tilespmem:s29+$0x40] =	vst v9  }
0x115: {  	[tilespmem:s29+$0xFFFFFF40] =	vst v12;
	v9 =	vld [tilespmem:s28+$0x50]  }
0x116: {  	v12 =	vmul.f32 v13, v8;
	[tilespmem:s29+$0xFFFFFFC0] =	vst v10;
	v10 =	vld [tilespmem:s28+$0xC0]  }
0x117: {  	s29 =	sadd.s32 $0x200, s29;
	v11 =	vmul.f32 v11, v2;
	v13 =	vld [tilespmem:s28+$0xFFFFFFD0]  }
0x118: {  	v14 =	vmul.f32 v14, v4;
	[tilespmem:s29+$0x0] =	vst v12;
	v12 =	vld [tilespmem:s28+$0xFFFFFF50]  }
0x119: {  	[tilespmem:s29+$0xFFFFFF00] =	vst v11;
	v11 =	vld [tilespmem:s0+$0x10];
	v15 =	vmul.f32 v15, v1  }
0x11a: {  	v16 =	vld [tilespmem:s0+$0xFFFFFF10];
	[tilespmem:s29+$0xFFFFFF80] =	vst v14;
	v9 =	vmul.f32 v9, v3  }
0x11b: {  	v14 =	vld [tilespmem:s0+$0xFFFFFF90];
	[tilespmem:s29+$0x80] =	vst v15;
	v10 =	vmul.f32 v10, v5  }
0x11c: {  	v15 =	vld [tilespmem:s0+$0x90];
	v13 =	vmul.f32 v13, v7;
	[tilespmem:s17+$0x50] =	vst v9  }
0x11d: {  	v9 =	vmul.f32 v12, v6;
	v12 =	vld [tilespmem:s28+$0x60];
	[tilespmem:s17+$0xC0] =	vst v10  }
0x11e: {  	v10 =	vmul.f32 v11, v8;
	[tilespmem:s17+$0xFFFFFFD0] =	vst v13;
	v11 =	vld [tilespmem:s28+$0xD0]  }
0x11f: {  	v13 =	vmul.f32 v16, v2;
	[tilespmem:s17+$0xFFFFFF50] =	vst v9;
	v9 =	vld [tilespmem:s28+$0xFFFFFFE0]  }
0x120: {  	v14 =	vmul.f32 v14, v4;
	[tilespmem:s29+$0x10] =	vst v10;
	v10 =	vld [tilespmem:s28+$0xFFFFFF60]  }
0x121: {  	[tilespmem:s29+$0xFFFFFF10] =	vst v13;
	v13 =	vld [tilespmem:s0+$0x20];
	v15 =	vmul.f32 v15, v1  }
0x122: {  	v16 =	vld [tilespmem:s0+$0xFFFFFF20];
	[tilespmem:s29+$0xFFFFFF90] =	vst v14;
	v12 =	vmul.f32 v12, v3  }
0x123: {  	v14 =	vld [tilespmem:s0+$0xFFFFFFA0];
	[tilespmem:s29+$0x90] =	vst v15;
	v11 =	vmul.f32 v11, v5  }
0x124: {  	v17 =	vld [tilespmem:s0+$0xA0];
	v9 =	vmul.f32 v9, v7;
	[tilespmem:s17+$0x60] =	vst v12  }
0x125: {  	v10 =	vmul.f32 v10, v6;
	v18 =	vld [tilespmem:s28+$0x70];
	[tilespmem:s17+$0xD0] =	vst v11  }
0x126: {  	s21 =	sadd.s32 $0x3, s24;
	v12 =	vmul.f32 v13, v8;
	[tilespmem:s17+$0xFFFFFFE0] =	vst v9;
	v19 =	vld [tilespmem:s28+$0xE0]  }
.Ltmp1:
0x127: {  	s3 =	sadd.s32 $0x1, s24;
	v11 =	vmov s21;
	v9 =	vmov s24;
	v16 =	vmul.f32 v16, v2;
	[tilespmem:s17+$0xFFFFFF60] =	vst v10;
	v13 =	vld [tilespmem:s28+$0xFFFFFFF0];
	(pc) =	sbr.rel @p1 .LBB2_5-.Ltmp1, $4  }
0x128: {  	v9 =	vand.u32 $0xFFFFFFFC, v9;
	v10 =	vmov s3;
	v14 =	vmul.f32 v14, v4;
	[tilespmem:s29+$0x20] =	vst v12;
	v15 =	vld [tilespmem:s28+$0xFFFFFF70]  }
0x129: {  	v9 =	vbroadcast v9, $0x0;
	v10 =	vand.u32 $0xFFFFFFFD, v10;
	[tilespmem:s29+$0xFFFFFF20] =	vst v16;
	v16 =	vld [tilespmem:s0+$0x30];
	v17 =	vmul.f32 v17, v1  }
0x12a: {  	v10 =	vbroadcast v10, $0x0;
	v12 =	vld [tilespmem:s0+$0xFFFFFF30];
	[tilespmem:s29+$0xFFFFFFA0] =	vst v14;
	v18 =	vmul.f32 v18, v3;
	v3 =	vmov v8  }
0x12b: {  	s21 =	sadd.s32 $0x2, s24;
	s24 =	sadd.s32 $0x4, s24;
	v14 =	vld [tilespmem:s0+$0xFFFFFFB0];
	[tilespmem:s29+$0xA0] =	vst v17;
	v17 =	vmul.f32 v19, v5  }
0x12c: {  	v8 =	vmov s21  }
0x12d: {  	v8 =	vand.u32 $0xFFFFFFFE, v8  }
0x12e: {  	v19 =	vbroadcast v8, $0x0;
	_ =	sdelay $0x1  }
0x12f: {  	v9 =	vld.idx.msk [tilespmem:v9+s25+$0x0], $0xffff  }
0x130: {  	v10 =	vld.idx.msk [tilespmem:v10+s25+$0x0], $0xffff;
	s3 =	sadd.s32 $0x200, s0  }
0x131: {  	v58 =	vld [tilespmem:s3+$0x0]  }
0x132: {  	v8 =	vld.idx.msk [tilespmem:v11+s25+$0x0], $0xffff  }
0x133: {  	v11 =	vld.idx.msk [tilespmem:v19+s25+$0x0], $0xffff  }
0x134: {  	v20 =	vld [tilespmem:s3+$0xFFFFFF80]  }
0x135: {  	v21 =	vld [tilespmem:s3+$0xFFFFFF00]  }
0x136: {  	v22 =	vld [tilespmem:s3+$0x80];
	_ =	sdelay $0x1  }
0x137: {  	v19 =	vmul.f32 v58, v11  }
0x138: {  	s24 =	sadd.s32 $0x200, s29;
	v20 =	vmul.f32 v20, v10  }
0x139: {  	v21 =	vmul.f32 v21, v9;
	[tilespmem:s24+$0x0] =	vst v19  }
0x13a: {  	v22 =	vmul.f32 v22, v8;
	[tilespmem:s24+$0xFFFFFF80] =	vst v20;
	v19 =	vld [tilespmem:s3+$0x10]  }
0x13b: {  	[tilespmem:s24+$0xFFFFFF00] =	vst v21;
	v20 =	vld [tilespmem:s3+$0xFFFFFF90]  }
0x13c: {  	v21 =	vld [tilespmem:s3+$0xFFFFFF10];
	[tilespmem:s24+$0x80] =	vst v22  }
0x13d: {  	v22 =	vld [tilespmem:s3+$0x90];
	_ =	sdelay $0x1  }
0x13e: {  	v19 =	vmul.f32 v19, v11  }
0x13f: {  	[tilespmem:s17+$0x70] =	vst v18;
	v59 =	vmul.f32 v20, v10  }
0x140: {  	v60 =	vmul.f32 v21, v9;
	[tilespmem:s24+$0x10] =	vst v19  }
0x141: {  	v62 =	vmul.f32 v22, v8;
	[tilespmem:s24+$0xFFFFFF90] =	vst v59;
	v61 =	vld [tilespmem:s3+$0x20]  }
0x142: {  	[tilespmem:s24+$0xFFFFFF10] =	vst v60;
	v63 =	vld [tilespmem:s3+$0xFFFFFFA0]  }
0x143: {  	v7 =	vmul.f32 v13, v7;
	[tilespmem:s24+$0x90] =	vst v62;
	v13 =	vld [tilespmem:s3+$0xFFFFFF20]  }
0x144: {  	v6 =	vmul.f32 v15, v6;
	[tilespmem:s17+$0xE0] =	vst v17;
	v15 =	vld [tilespmem:s3+$0xA0]  }
0x145: {  	v16 =	vmul.f32 v16, v3;
	[tilespmem:s17+$0xFFFFFFF0] =	vst v7  }
0x146: {  	[tilespmem:s17+$0xFFFFFF70] =	vst v6;
	v6 =	vmul.f32 v61, v11  }
0x147: {  	v7 =	vld [tilespmem:s0+$0xB0];
	[tilespmem:s29+$0x30] =	vst v16;
	v16 =	vmul.f32 v63, v10  }
0x148: {  	v17 =	vld [tilespmem:s28+$0xF0];
	v13 =	vmul.f32 v13, v9;
	[tilespmem:s24+$0x20] =	vst v6  }
0x149: {  	v15 =	vmul.f32 v15, v8;
	[tilespmem:s24+$0xFFFFFFA0] =	vst v16;
	v6 =	vld [tilespmem:s3+$0x30]  }
0x14a: {  	v12 =	vmul.f32 v12, v2;
	[tilespmem:s24+$0xFFFFFF20] =	vst v13;
	v13 =	vld [tilespmem:s3+$0xFFFFFFB0]  }
0x14b: {  	v14 =	vmul.f32 v14, v4;
	v16 =	vld [tilespmem:s3+$0xFFFFFF30];
	[tilespmem:s24+$0xA0] =	vst v15  }
0x14c: {  	[tilespmem:s29+$0xFFFFFF30] =	vst v12;
	v7 =	vmul.f32 v7, v1;
	v12 =	vld [tilespmem:s3+$0xB0]  }
0x14d: {  	[tilespmem:s29+$0xFFFFFFB0] =	vst v14;
	v5 =	vmul.f32 v17, v5;
	v15 =	vld [tilespmem:s0+$0x40]  }
0x14e: {  	v14 =	vld [tilespmem:s0+$0xFFFFFFC0];
	[tilespmem:s29+$0xB0] =	vst v7;
	v6 =	vmul.f32 v6, v11  }
0x14f: {  	v7 =	vld [tilespmem:s0+$0xFFFFFF40];
	[tilespmem:s17+$0xF0] =	vst v5;
	v5 =	vmul.f32 v13, v10  }
0x150: {  	v13 =	vld [tilespmem:s0+$0xC0];
	v16 =	vmul.f32 v16, v9;
	[tilespmem:s24+$0x30] =	vst v6  }
0x151: {  	v12 =	vmul.f32 v12, v8;
	[tilespmem:s24+$0xFFFFFFB0] =	vst v5;
	v6 =	vld [tilespmem:s3+$0x40]  }
0x152: {  	v5 =	vmul.f32 v15, v3;
	[tilespmem:s24+$0xFFFFFF30] =	vst v16;
	v15 =	vld [tilespmem:s3+$0xFFFFFFC0]  }
0x153: {  	v14 =	vmul.f32 v14, v4;
	v16 =	vld [tilespmem:s3+$0xFFFFFF40];
	[tilespmem:s24+$0xB0] =	vst v12  }
0x154: {  	v7 =	vmul.f32 v7, v2;
	[tilespmem:s29+$0x40] =	vst v5;
	v5 =	vld [tilespmem:s3+$0xC0]  }
0x155: {  	[tilespmem:s29+$0xFFFFFFC0] =	vst v14;
	v12 =	vld [tilespmem:s0+$0x50];
	v13 =	vmul.f32 v13, v1  }
0x156: {  	[tilespmem:s29+$0xFFFFFF40] =	vst v7;
	v7 =	vld [tilespmem:s0+$0xFFFFFFD0];
	v6 =	vmul.f32 v6, v11  }
0x157: {  	v14 =	vld [tilespmem:s0+$0xFFFFFF50];
	[tilespmem:s29+$0xC0] =	vst v13;
	v13 =	vmul.f32 v15, v10  }
0x158: {  	v15 =	vld [tilespmem:s0+$0xD0];
	v16 =	vmul.f32 v16, v9;
	[tilespmem:s24+$0x40] =	vst v6  }
0x159: {  	v5 =	vmul.f32 v5, v8;
	[tilespmem:s24+$0xFFFFFFC0] =	vst v13;
	v6 =	vld [tilespmem:s3+$0x50]  }
0x15a: {  	v12 =	vmul.f32 v12, v3;
	[tilespmem:s24+$0xFFFFFF40] =	vst v16;
	v13 =	vld [tilespmem:s3+$0xFFFFFFD0]  }
0x15b: {  	v7 =	vmul.f32 v7, v4;
	v16 =	vld [tilespmem:s3+$0xFFFFFF50];
	[tilespmem:s24+$0xC0] =	vst v5  }
0x15c: {  	v5 =	vmul.f32 v14, v2;
	[tilespmem:s29+$0x50] =	vst v12;
	v12 =	vld [tilespmem:s3+$0xD0]  }
0x15d: {  	[tilespmem:s29+$0xFFFFFFD0] =	vst v7;
	v14 =	vld [tilespmem:s0+$0x60];
	v7 =	vmul.f32 v15, v1  }
0x15e: {  	[tilespmem:s29+$0xFFFFFF50] =	vst v5;
	v5 =	vld [tilespmem:s0+$0xFFFFFFE0];
	v6 =	vmul.f32 v6, v11  }
0x15f: {  	v15 =	vld [tilespmem:s0+$0xFFFFFF60];
	[tilespmem:s29+$0xD0] =	vst v7;
	v7 =	vmul.f32 v13, v10  }
0x160: {  	v13 =	vld [tilespmem:s0+$0xE0];
	[tilespmem:s24+$0x50] =	vst v6;
	v6 =	vmul.f32 v16, v9  }
0x161: {  	[tilespmem:s24+$0xFFFFFFD0] =	vst v7;
	v7 =	vmul.f32 v12, v8;
	v16 =	vld [tilespmem:s3+$0x60]  }
0x162: {  	v12 =	vmul.f32 v14, v3;
	[tilespmem:s24+$0xFFFFFF50] =	vst v6;
	v6 =	vld [tilespmem:s3+$0xFFFFFFE0]  }
0x163: {  	v5 =	vmul.f32 v5, v4;
	[tilespmem:s24+$0xD0] =	vst v7;
	v14 =	vld [tilespmem:s3+$0xFFFFFF60]  }
0x164: {  	[tilespmem:s29+$0x60] =	vst v12;
	v7 =	vmul.f32 v15, v2;
	v12 =	vld [tilespmem:s3+$0xE0]  }
0x165: {  	[tilespmem:s29+$0xFFFFFFE0] =	vst v5;
	v15 =	vld [tilespmem:s0+$0x70];
	v5 =	vmul.f32 v13, v1  }
0x166: {  	[tilespmem:s29+$0xFFFFFF60] =	vst v7;
	v7 =	vld [tilespmem:s0+$0xFFFFFFF0];
	v13 =	vmul.f32 v16, v11  }
0x167: {  	[tilespmem:s29+$0xE0] =	vst v5;
	v16 =	vld [tilespmem:s0+$0xFFFFFF70];
	v5 =	vmul.f32 v6, v10  }
0x168: {  	v6 =	vld [tilespmem:s0+$0xF0];
	[tilespmem:s24+$0x60] =	vst v13;
	v13 =	vmul.f32 v14, v9  }
0x169: {  	v14 =	vld [tilespmem:s3+$0x70];
	[tilespmem:s24+$0xFFFFFFE0] =	vst v5;
	v5 =	vmul.f32 v12, v8  }
0x16a: {  	v3 =	vmul.f32 v15, v3;
	[tilespmem:s24+$0xFFFFFF60] =	vst v13;
	v12 =	vld [tilespmem:s3+$0xFFFFFFF0]  }
0x16b: {  	v4 =	vmul.f32 v7, v4;
	v7 =	vld [tilespmem:s3+$0xFFFFFF70];
	[tilespmem:s24+$0xE0] =	vst v5  }
0x16c: {  	[tilespmem:s29+$0x70] =	vst v3;
	v2 =	vmul.f32 v16, v2;
	v3 =	vld [tilespmem:s3+$0xF0]  }
0x16d: {  	[tilespmem:s29+$0xFFFFFFF0] =	vst v4;
	v1 =	vmul.f32 v6, v1  }
0x16e: {  	[tilespmem:s29+$0xFFFFFF70] =	vst v2;
	v2 =	vmul.f32 v14, v11  }
0x16f: {  	[tilespmem:s29+$0xF0] =	vst v1;
	v1 =	vmul.f32 v12, v10  }
0x170: {  	[tilespmem:s24+$0x70] =	vst v2;
	v2 =	vmul.f32 v7, v9  }
0x171: {  	[tilespmem:s24+$0xFFFFFFF0] =	vst v1;
	v1 =	vmul.f32 v3, v8  }
0x172: {  	[tilespmem:s24+$0xFFFFFF70] =	vst v2  }
0x173: {  	[tilespmem:s24+$0xF0] =	vst v1  }
0x174: {  	_ =	swait.ge [sflag:s11], $0x50  }
0x175: {  	[sflag:s11] =	ssyncset.done $0x0  }
0x176: {  	s21 =	simm.s32 $0xA0;
	s3 =	simm.s32 $0x51E0;
	[sflag:s11] =	ssyncadd.s32 $0xFFFFFFB0  }
0x177: {  	[spmem:s1] =	stream.indirect.scatter.add.f32 [tilespmem:s3], [sflag:$0x3], $0x80, s21, s26, $0xb8;
	[tilespmem:$0x1DA60] =	vst v63  }
0x178: {  	s24 =	rddreg [dreg:$0x2]  }
0x179: {  	p1 =	seq.s32 s8, $0x3D;
	s0 =	sadd.s32 s24, s12;
	s12 =	sadd.s32 $0x3, s13  }
0x17a: {  	[tilespmem:s25], [sflag:$0x9] =	stream.linear.gather [hbm4b:s0+s5], $0x50, $0x38;
	[tilespmem:$0x1DA60] =	vst v63  }
0x17b: {  	s0 =	smul.u32 @!p1 $0x50, s12;
	_ =	sdelay $0x1  }
0x17c: {  	_ =	swait.ge [sflag:s14], $0x2800;
	s0 =	sadd.s32 @!p1 s22, s0  }
0x17d: {  	s3 =	simm.s32 @!p1 $0x0;
	[sflag:s14] =	ssyncset.done $0x0;
	s0 =	sshrl.u32 @!p1 s0, $0x3  }
0x17e: {  	s13 =	simm.s32 @!p1 $0x50;
	[sflag:s14] =	ssyncadd.s32 $0xFFFFD800;
	s0 =	sadd.s32 @!p1 s6, s0  }
0x17f: {  	[tilespmem:s13], [sflag:$0x6] =	stream.linear.gather @!p1 [hbm4b:s0+s3], $0x50, $0x38;
	[tilespmem:$0x1DA60] =	vst v63  }
0x180: {  	_ =	swait.ge [sflag:s30], $0x50  }
0x181: {  	s3 =	simm.s32 $0x1E0;
	[sflag:s30] =	ssyncset.done $0x0  }
0x182: {  	s0 =	simm.s32 @!p0 $0x4;
	s13 =	simm.s32 $0x50;
	[sflag:s30] =	ssyncadd.s32 $0xFFFFFFB0  }
0x183: {  	[tilespmem:s3], [sflag:$0x1] =	stream.indirect.gather [hbm4b:s4+s26], $0x80, s5, s26, $0xb8;
	[tilespmem:$0x1DA60] =	vst v63  }
0x184: {  	s17 =	simm.s32 $0x51;
	v1 =	vmov s13;
	_ =	swait.ge @!p0 [sflag:s0], $0x2800  }
0x185: {  	v2 =	vmov s17;
	s21 =	simm.s32 $0x52;
	s13 =	sadd.s32 @!p0 s18, s9;
	v1 =	vand.u32 $0xFFFFFFFC, v1;
	[sflag:s0] =	ssyncset.done @!p0 $0x0  }
0x186: {  	v2 =	vand.u32 $0xFFFFFFFD, v2;
	v3 =	vmov s21;
	v1 =	vbroadcast v1, $0x0;
	[sflag:s0] =	ssyncadd.s32 @!p0 $0xFFFFD800;
	s0 =	sshrl.u32 @!p0 s13, $0x3  }
0x187: {  	v2 =	vbroadcast v2, $0x0;
	v3 =	vand.u32 $0xFFFFFFFE, v3;
	s3 =	simm.s32 @!p0 $0x0;
	s13 =	simm.s32 @!p0 $0xF0;
	s0 =	sadd.s32 @!p0 s7, s0  }
0x188: {  	v4 =	vbroadcast v3, $0x0;
	[tilespmem:s13], [sflag:$0x8] =	stream.linear.gather @!p0 [hbm4b:s0+s3], $0x50, $0x38;
	[tilespmem:$0x1DA60] =	vst v63  }
0x189: {  	_ =	swait.ge [sflag:s15], $0x50  }
0x18a: {  	[sflag:s15] =	ssyncset.done $0x0  }
0x18b: {  	[sflag:s15] =	ssyncadd.s32 $0xFFFFFFB0  }
0x18c: {  	s3 =	simm.s32 $0x53;
	v3 =	vld.idx.msk [tilespmem:v1+s25+$0x0], $0xffff  }
0x18d: {  	v5 =	vmov s3;
	v1 =	vld.idx.msk [tilespmem:v2+s25+$0x0], $0xffff  }
0x18e: {  	s17 =	simm.s32 $0x2AE0;
	v4 =	vld.idx.msk [tilespmem:v4+s25+$0x0], $0xffff  }
0x18f: {  	v6 =	vld [tilespmem:s17+$0x0]  }
0x190: {  	v7 =	vld [tilespmem:s17+$0xFFFFFF00]  }
0x191: {  	v8 =	vld [tilespmem:s17+$0xFFFFFF80]  }
0x192: {  	v2 =	vld.idx.msk [tilespmem:v5+s25+$0x0], $0xffff  }
0x193: {  	v5 =	vld [tilespmem:s17+$0x80]  }
0x194: {  	v6 =	vmul.f32 v6, v4  }
0x195: {  	s0 =	simm.s32 $0x7AE0;
	v7 =	vmul.f32 v7, v3  }
0x196: {  	v8 =	vmul.f32 v8, v1;
	[tilespmem:s0+$0x0] =	vst v6  }
0x197: {  	[tilespmem:s0+$0xFFFFFF00] =	vst v7;
	v6 =	vld [tilespmem:s17+$0x10]  }
0x198: {  	v5 =	vmul.f32 v5, v2;
	[tilespmem:s0+$0xFFFFFF80] =	vst v8;
	v7 =	vld [tilespmem:s17+$0xFFFFFF10]  }
0x199: {  	v8 =	vld [tilespmem:s17+$0xFFFFFF90]  }
0x19a: {  	[tilespmem:s0+$0x80] =	vst v5  }
0x19b: {  	v5 =	vld [tilespmem:s17+$0x90]  }
0x19c: {  	v6 =	vmul.f32 v6, v4  }
0x19d: {  	v7 =	vmul.f32 v7, v3  }
0x19e: {  	v8 =	vmul.f32 v8, v1;
	[tilespmem:s0+$0x10] =	vst v6  }
0x19f: {  	[tilespmem:s0+$0xFFFFFF10] =	vst v7;
	v6 =	vld [tilespmem:s17+$0x20]  }
0x1a0: {  	v5 =	vmul.f32 v5, v2;
	[tilespmem:s0+$0xFFFFFF90] =	vst v8;
	v7 =	vld [tilespmem:s17+$0xFFFFFF20]  }
0x1a1: {  	v8 =	vld [tilespmem:s17+$0xFFFFFFA0]  }
0x1a2: {  	[tilespmem:s0+$0x90] =	vst v5  }
0x1a3: {  	v5 =	vld [tilespmem:s17+$0xA0]  }
0x1a4: {  	s24 =	smov.u32 s4;
	s4 =	simm.s32 $0x54;
	v6 =	vmul.f32 v6, v4  }
0x1a5: {  	v9 =	vmov s4;
	s13 =	simm.s32 $0x55;
	v7 =	vmul.f32 v7, v3  }
0x1a6: {  	s18 =	simm.s32 $0x57;
	v9 =	vand.u32 $0xFFFFFFFC, v9;
	v10 =	vmov s13;
	v8 =	vmul.f32 v8, v1;
	[tilespmem:s0+$0x20] =	vst v6  }
0x1a7: {  	v9 =	vbroadcast v9, $0x0;
	v10 =	vand.u32 $0xFFFFFFFD, v10;
	v6 =	vmov s18;
	[tilespmem:s0+$0xFFFFFF20] =	vst v7;
	v7 =	vld [tilespmem:s17+$0x30]  }
0x1a8: {  	v10 =	vbroadcast v10, $0x0;
	v5 =	vmul.f32 v5, v2;
	[tilespmem:s0+$0xFFFFFFA0] =	vst v8;
	v11 =	vld [tilespmem:s17+$0xFFFFFF30]  }
0x1a9: {  	s21 =	simm.s32 $0x56;
	v8 =	vld [tilespmem:s17+$0xFFFFFFB0]  }
0x1aa: {  	[tilespmem:s0+$0xA0] =	vst v5;
	v5 =	vmov s21  }
0x1ab: {  	v12 =	vld [tilespmem:s17+$0xB0];
	v13 =	vand.u32 $0xFFFFFFFE, v5  }
0x1ac: {  	v13 =	vbroadcast v13, $0x0;
	v5 =	vld.idx.msk [tilespmem:v6+s25+$0x0], $0xffff;
	v14 =	vmul.f32 v7, v4  }
0x1ad: {  	v7 =	vld.idx.msk [tilespmem:v9+s25+$0x0], $0xffff;
	v9 =	vmul.f32 v11, v3  }
0x1ae: {  	v6 =	vld.idx.msk [tilespmem:v10+s25+$0x0], $0xffff;
	v8 =	vmul.f32 v8, v1;
	[tilespmem:s0+$0x30] =	vst v14  }
0x1af: {  	[tilespmem:s0+$0xFFFFFF30] =	vst v9;
	v9 =	vld [tilespmem:s17+$0x40]  }
0x1b0: {  	[tilespmem:s0+$0xFFFFFFB0] =	vst v8;
	v10 =	vld [tilespmem:s17+$0xFFFFFF40]  }
0x1b1: {  	v11 =	vld [tilespmem:s17+$0xFFFFFFC0]  }
0x1b2: {  	s13 =	simm.s32 $0x2CE0;
	v8 =	vld.idx.msk [tilespmem:v13+s25+$0x0], $0xffff  }
0x1b3: {  	v13 =	vld [tilespmem:s13+$0x0]  }
0x1b4: {  	v14 =	vld [tilespmem:s13+$0xFFFFFF00];
	v9 =	vmul.f32 v9, v4  }
0x1b5: {  	v15 =	vld [tilespmem:s13+$0xFFFFFF80];
	v12 =	vmul.f32 v12, v2  }
0x1b6: {  	v16 =	vld [tilespmem:s13+$0x80];
	v10 =	vmul.f32 v10, v3;
	[tilespmem:s0+$0x40] =	vst v9  }
0x1b7: {  	[tilespmem:s0+$0xB0] =	vst v12;
	v9 =	vmul.f32 v11, v1;
	v11 =	vld [tilespmem:s17+$0x50]  }
0x1b8: {  	v12 =	vld [tilespmem:s17+$0xC0];
	[tilespmem:s0+$0xFFFFFF40] =	vst v10;
	v10 =	vmul.f32 v13, v8  }
0x1b9: {  	s18 =	simm.s32 $0x7CE0;
	v13 =	vld [tilespmem:s17+$0xFFFFFF50];
	[tilespmem:s0+$0xFFFFFFC0] =	vst v9;
	v9 =	vmul.f32 v14, v7  }
0x1ba: {  	v14 =	vmul.f32 v15, v6;
	[tilespmem:s18+$0x0] =	vst v10;
	v10 =	vld [tilespmem:s17+$0xFFFFFFD0]  }
0x1bb: {  	v15 =	vmul.f32 v16, v5;
	[tilespmem:s18+$0xFFFFFF00] =	vst v9;
	v9 =	vld [tilespmem:s13+$0x10]  }
0x1bc: {  	[tilespmem:s18+$0xFFFFFF80] =	vst v14;
	v16 =	vld [tilespmem:s13+$0xFFFFFF10];
	v11 =	vmul.f32 v11, v4  }
0x1bd: {  	v12 =	vmul.f32 v12, v2;
	[tilespmem:s18+$0x80] =	vst v15;
	v14 =	vld [tilespmem:s13+$0xFFFFFF90]  }
0x1be: {  	v17 =	vld [tilespmem:s13+$0x90];
	v13 =	vmul.f32 v13, v3;
	[tilespmem:s0+$0x50] =	vst v11  }
0x1bf: {  	[tilespmem:s0+$0xC0] =	vst v12;
	v10 =	vmul.f32 v10, v1;
	v11 =	vld [tilespmem:s17+$0x60]  }
0x1c0: {  	v12 =	vld [tilespmem:s17+$0xD0];
	[tilespmem:s0+$0xFFFFFF50] =	vst v13;
	v9 =	vmul.f32 v9, v8  }
0x1c1: {  	v13 =	vmul.f32 v16, v7;
	v16 =	vld [tilespmem:s17+$0xFFFFFF60];
	[tilespmem:s0+$0xFFFFFFD0] =	vst v10  }
0x1c2: {  	v10 =	vmul.f32 v14, v6;
	[tilespmem:s18+$0x10] =	vst v9;
	v9 =	vld [tilespmem:s17+$0xFFFFFFE0]  }
0x1c3: {  	v17 =	vmul.f32 v17, v5;
	[tilespmem:s18+$0xFFFFFF10] =	vst v13;
	v15 =	vld [tilespmem:s13+$0x20]  }
0x1c4: {  	[tilespmem:s18+$0xFFFFFF90] =	vst v10;
	v13 =	vld [tilespmem:s13+$0xFFFFFF20];
	v10 =	vmul.f32 v11, v4  }
0x1c5: {  	[tilespmem:s18+$0x90] =	vst v17;
	v17 =	vmul.f32 v12, v2;
	v14 =	vld [tilespmem:s13+$0xFFFFFFA0]  }
0x1c6: {  	v12 =	vld [tilespmem:s13+$0xA0];
	v11 =	vmul.f32 v16, v3;
	[tilespmem:s0+$0x60] =	vst v10  }
0x1c7: {  	s28 =	simm.s32 $0x4;
	s29 =	smov.u32 s1;
	[tilespmem:s0+$0xD0] =	vst v17;
	v10 =	vmul.f32 v9, v1;
	v9 =	vld [tilespmem:s17+$0x70]  }
.LBB2_7:
0x1c8: {  	s3 =	sadd.s32 $0x54, s28;
	s21 =	sadd.s32 $0x57, s28;
	v15 =	vmul.f32 v15, v8;
	[tilespmem:s0+$0xFFFFFF60] =	vst v11;
	v11 =	vld [tilespmem:s17+$0xE0]  }
0x1c9: {  	v16 =	vmov s3;
	s3 =	sadd.s32 $0x55, s28;
	v17 =	vmov s21;
	v13 =	vmul.f32 v13, v7;
	v18 =	vld [tilespmem:s17+$0xFFFFFF70];
	[tilespmem:s0+$0xFFFFFFE0] =	vst v10  }
0x1ca: {  	v10 =	vand.u32 $0xFFFFFFFC, v16;
	v16 =	vmov s3;
	v14 =	vmul.f32 v14, v6;
	[tilespmem:s18+$0x20] =	vst v15;
	v15 =	vld [tilespmem:s17+$0xFFFFFFF0]  }
0x1cb: {  	v10 =	vbroadcast v10, $0x0;
	v16 =	vand.u32 $0xFFFFFFFD, v16;
	[tilespmem:s18+$0xFFFFFF20] =	vst v13;
	v13 =	vld [tilespmem:s13+$0x30];
	v12 =	vmul.f32 v12, v5  }
0x1cc: {  	v16 =	vbroadcast v16, $0x0;
	v19 =	vld [tilespmem:s13+$0xFFFFFF30];
	[tilespmem:s18+$0xFFFFFFA0] =	vst v14;
	v9 =	vmul.f32 v9, v4;
	v4 =	vmov v8  }
0x1cd: {  	s3 =	sadd.s32 $0x56, s28;
	s28 =	sadd.s32 $0x4, s28;
	v8 =	vld [tilespmem:s13+$0xFFFFFFB0];
	[tilespmem:s18+$0xA0] =	vst v12;
	v11 =	vmul.f32 v11, v2  }
0x1ce: {  	p0 =	slt.u32 s28, $0x4C;
	v12 =	vmov s3;
	v14 =	vld [tilespmem:s13+$0xB0];
	v18 =	vmul.f32 v18, v3;
	[tilespmem:s0+$0x70] =	vst v9;
	v3 =	vmov v7  }
0x1cf: {  	v7 =	vand.u32 $0xFFFFFFFE, v12;
	v9 =	vld.idx.msk [tilespmem:v17+s25+$0x0], $0xffff;
	v12 =	vmul.f32 v15, v1;
	[tilespmem:s0+$0xE0] =	vst v11;
	v1 =	vmov v6  }
0x1d0: {  	v11 =	vbroadcast v7, $0x0;
	v13 =	vmul.f32 v13, v4;
	[tilespmem:s0+$0xFFFFFF70] =	vst v18;
	v15 =	vld [tilespmem:s17+$0xF0];
	s17 =	smov.u32 s13  }
0x1d1: {  	v7 =	vld.idx.msk [tilespmem:v10+s25+$0x0], $0xffff;
	v10 =	vmul.f32 v19, v3;
	[tilespmem:s0+$0xFFFFFFF0] =	vst v12  }
0x1d2: {  	v6 =	vld.idx.msk [tilespmem:v16+s25+$0x0], $0xffff;
	v8 =	vmul.f32 v8, v1;
	[tilespmem:s18+$0x30] =	vst v13  }
0x1d3: {  	[tilespmem:s18+$0xFFFFFF30] =	vst v10;
	v10 =	vld [tilespmem:s13+$0x40];
	v12 =	vmul.f32 v14, v5  }
0x1d4: {  	v13 =	vld [tilespmem:s13+$0xFFFFFF40];
	[tilespmem:s18+$0xFFFFFFB0] =	vst v8  }
0x1d5: {  	v14 =	vld [tilespmem:s13+$0xFFFFFFC0];
	[tilespmem:s18+$0xB0] =	vst v12;
	v12 =	vmul.f32 v15, v2;
	v2 =	vmov v5;
	v5 =	vmov v9  }
0x1d6: {  	s13 =	sadd.s32 $0x200, s13;
	v8 =	vld.idx.msk [tilespmem:v11+s25+$0x0], $0xffff  }
0x1d7: {  	v9 =	vld [tilespmem:s13+$0x0];
	[tilespmem:s0+$0xF0] =	vst v12;
	s0 =	smov.u32 s18  }
0x1d8: {  	v11 =	vld [tilespmem:s13+$0xFFFFFF00];
	v10 =	vmul.f32 v10, v4  }
0x1d9: {  	v12 =	vld [tilespmem:s13+$0xFFFFFF80];
	v13 =	vmul.f32 v13, v3  }
0x1da: {  	v15 =	vld [tilespmem:s13+$0x80];
	v14 =	vmul.f32 v14, v1;
	[tilespmem:s18+$0x40] =	vst v10  }
0x1db: {  	[tilespmem:s18+$0xFFFFFF40] =	vst v13;
	v10 =	vld [tilespmem:s17+$0x50]  }
0x1dc: {  	v9 =	vmul.f32 v9, v8;
	[tilespmem:s18+$0xFFFFFFC0] =	vst v14;
	v13 =	vld [tilespmem:s17+$0xC0]  }
0x1dd: {  	s18 =	sadd.s32 $0x200, s18;
	v11 =	vmul.f32 v11, v7;
	v14 =	vld [tilespmem:s17+$0xFFFFFF50]  }
0x1de: {  	v12 =	vmul.f32 v12, v6;
	[tilespmem:s18+$0x0] =	vst v9;
	v9 =	vld [tilespmem:s17+$0xFFFFFFD0]  }
0x1df: {  	[tilespmem:s18+$0xFFFFFF00] =	vst v11;
	v11 =	vld [tilespmem:s13+$0x10];
	v15 =	vmul.f32 v15, v5  }
0x1e0: {  	v16 =	vld [tilespmem:s13+$0xFFFFFF10];
	[tilespmem:s18+$0xFFFFFF80] =	vst v12;
	v10 =	vmul.f32 v10, v4  }
0x1e1: {  	v12 =	vld [tilespmem:s13+$0xFFFFFF90];
	[tilespmem:s18+$0x80] =	vst v15;
	v13 =	vmul.f32 v13, v2  }
0x1e2: {  	v17 =	vld [tilespmem:s13+$0x90];
	v14 =	vmul.f32 v14, v3;
	[tilespmem:s0+$0x50] =	vst v10  }
0x1e3: {  	v9 =	vmul.f32 v9, v1;
	v10 =	vld [tilespmem:s17+$0x60];
	[tilespmem:s0+$0xC0] =	vst v13  }
0x1e4: {  	v11 =	vmul.f32 v11, v8;
	[tilespmem:s0+$0xFFFFFF50] =	vst v14;
	v18 =	vld [tilespmem:s17+$0xD0]  }
0x1e5: {  	v13 =	vmul.f32 v16, v7;
	v16 =	vld [tilespmem:s17+$0xFFFFFF60];
	[tilespmem:s0+$0xFFFFFFD0] =	vst v9  }
0x1e6: {  	v9 =	vmul.f32 v12, v6;
	[tilespmem:s18+$0x10] =	vst v11;
	v19 =	vld [tilespmem:s17+$0xFFFFFFE0]  }
.Ltmp2:
0x1e7: {  	[tilespmem:s18+$0xFFFFFF10] =	vst v13;
	v15 =	vld [tilespmem:s13+$0x20];
	v11 =	vmul.f32 v17, v5;
	(pc) =	sbr.rel @p0 .LBB2_7-.Ltmp2, $4  }
0x1e8: {  	v13 =	vld [tilespmem:s13+$0xFFFFFF20];
	[tilespmem:s18+$0xFFFFFF90] =	vst v9;
	v9 =	vmul.f32 v10, v4  }
0x1e9: {  	v14 =	vld [tilespmem:s13+$0xFFFFFFA0];
	[tilespmem:s18+$0x90] =	vst v11;
	v17 =	vmul.f32 v18, v2  }
0x1ea: {  	v12 =	vld [tilespmem:s13+$0xA0];
	v11 =	vmul.f32 v16, v3;
	[tilespmem:s0+$0x60] =	vst v9  }
0x1eb: {  	v10 =	vmul.f32 v19, v1;
	v9 =	vld [tilespmem:s17+$0x70];
	[tilespmem:s0+$0xD0] =	vst v17  }
0x1ec: {  	v15 =	vmul.f32 v15, v8  }
0x1ed: {  	v13 =	vmul.f32 v13, v7  }
0x1ee: {  	v14 =	vmul.f32 v14, v6;
	[tilespmem:s18+$0x20] =	vst v15  }
0x1ef: {  	[tilespmem:s18+$0xFFFFFF20] =	vst v13;
	v47 =	vld [tilespmem:s13+$0x30];
	v12 =	vmul.f32 v12, v5  }
0x1f0: {  	v48 =	vld [tilespmem:s13+$0xFFFFFF30];
	[tilespmem:s18+$0xFFFFFFA0] =	vst v14  }
0x1f1: {  	v14 =	vld [tilespmem:s13+$0xFFFFFFB0];
	[tilespmem:s18+$0xA0] =	vst v12  }
0x1f2: {  	v12 =	vld [tilespmem:s13+$0xB0];
	_ =	sdelay $0x1  }
0x1f3: {  	v13 =	vmul.f32 v47, v8  }
0x1f4: {  	v15 =	vmul.f32 v48, v7  }
0x1f5: {  	v14 =	vmul.f32 v14, v6;
	[tilespmem:s18+$0x30] =	vst v13  }
0x1f6: {  	[tilespmem:s18+$0xFFFFFF30] =	vst v15;
	v13 =	vld [tilespmem:s13+$0x40];
	v12 =	vmul.f32 v12, v5  }
0x1f7: {  	v15 =	vld [tilespmem:s13+$0xFFFFFF40];
	[tilespmem:s18+$0xFFFFFFB0] =	vst v14  }
0x1f8: {  	v14 =	vld [tilespmem:s13+$0xFFFFFFC0];
	[tilespmem:s18+$0xB0] =	vst v12  }
0x1f9: {  	v12 =	vld [tilespmem:s13+$0xC0];
	_ =	sdelay $0x1  }
0x1fa: {  	v13 =	vmul.f32 v13, v8  }
0x1fb: {  	v15 =	vmul.f32 v15, v7  }
0x1fc: {  	v14 =	vmul.f32 v14, v6;
	[tilespmem:s18+$0x40] =	vst v13  }
0x1fd: {  	[tilespmem:s18+$0xFFFFFF40] =	vst v15;
	v13 =	vld [tilespmem:s13+$0x50];
	v12 =	vmul.f32 v12, v5  }
0x1fe: {  	[tilespmem:s18+$0xFFFFFFC0] =	vst v14;
	v49 =	vld [tilespmem:s13+$0xFFFFFF50]  }
0x1ff: {  	v50 =	vld [tilespmem:s13+$0xFFFFFFD0];
	[tilespmem:s18+$0xC0] =	vst v12  }
0x200: {  	v12 =	vld [tilespmem:s13+$0xD0];
	_ =	sdelay $0x1  }
0x201: {  	v13 =	vmul.f32 v13, v8  }
0x202: {  	v14 =	vmul.f32 v49, v7  }
0x203: {  	v16 =	vld [tilespmem:s17+$0xE0];
	[tilespmem:s18+$0x50] =	vst v13;
	v51 =	vmul.f32 v50, v6  }
0x204: {  	v52 =	vld [tilespmem:s13+$0x60];
	[tilespmem:s18+$0xFFFFFF50] =	vst v14;
	v12 =	vmul.f32 v12, v5  }
0x205: {  	v14 =	vld [tilespmem:s13+$0xFFFFFF60];
	[tilespmem:s18+$0xFFFFFFD0] =	vst v51  }
0x206: {  	v13 =	vld [tilespmem:s13+$0xFFFFFFE0];
	[tilespmem:s18+$0xD0] =	vst v12  }
0x207: {  	v12 =	vld [tilespmem:s13+$0xE0]  }
0x208: {  	[tilespmem:s0+$0xFFFFFF60] =	vst v11;
	v53 =	vmul.f32 v16, v2  }
0x209: {  	v54 =	vld [tilespmem:s17+$0xFFFFFF70];
	[tilespmem:s0+$0xFFFFFFE0] =	vst v10;
	v55 =	vmul.f32 v52, v8  }
0x20a: {  	v56 =	vld [tilespmem:s17+$0xFFFFFFF0];
	[tilespmem:s0+$0xE0] =	vst v53;
	v57 =	vmul.f32 v14, v7  }
0x20b: {  	v58 =	vld [tilespmem:s17+$0xF0];
	[tilespmem:s18+$0x60] =	vst v55;
	v59 =	vmul.f32 v13, v6  }
0x20c: {  	v60 =	vld [tilespmem:s13+$0x70];
	[tilespmem:s18+$0xFFFFFF60] =	vst v57;
	v61 =	vmul.f32 v12, v5  }
0x20d: {  	v4 =	vmul.f32 v9, v4;
	v62 =	vld [tilespmem:s13+$0xFFFFFF70];
	[tilespmem:s18+$0xFFFFFFE0] =	vst v59  }
0x20e: {  	v3 =	vmul.f32 v54, v3;
	v10 =	vld [tilespmem:s13+$0xFFFFFFF0];
	[tilespmem:s18+$0xE0] =	vst v61  }
0x20f: {  	[tilespmem:s0+$0x70] =	vst v4;
	v1 =	vmul.f32 v56, v1;
	v63 =	vld [tilespmem:s13+$0xF0]  }
0x210: {  	[tilespmem:s0+$0xFFFFFF70] =	vst v3;
	v2 =	vmul.f32 v58, v2  }
0x211: {  	[tilespmem:s0+$0xFFFFFFF0] =	vst v1;
	v1 =	vmul.f32 v60, v8  }
0x212: {  	[tilespmem:s0+$0xF0] =	vst v2;
	v2 =	vmul.f32 v62, v7  }
0x213: {  	[tilespmem:s18+$0x70] =	vst v1;
	v1 =	vmul.f32 v10, v6  }
0x214: {  	[tilespmem:s18+$0xFFFFFF70] =	vst v2;
	v2 =	vmul.f32 v63, v5  }
0x215: {  	[tilespmem:s18+$0xFFFFFFF0] =	vst v1  }
.Ltmp3:
0x216: {  	[tilespmem:s18+$0xF0] =	vst v2;
	(pc) =	sbr.rel @p1 .LBB2_10-.Ltmp3, $4  }
0x217: {  	_ =	swait.ge [sflag:s16], $0x50  }
0x218: {  	[sflag:s16] =	ssyncset.done $0x0  }
0x219: {  	s28 =	simm.s32 $0xF0;
	s3 =	simm.s32 $0x79E0;
	[sflag:s16] =	ssyncadd.s32 $0xFFFFFFB0  }
0x21a: {  	[spmem:s29] =	stream.indirect.scatter.add.f32 [tilespmem:s3], [sflag:$0x4], $0x80, s28, s26, $0xb8;
	[tilespmem:$0x1DA60] =	vst v63  }
0x21b: {  	s0 =	smul.u32 $0x50, s12  }
.Ltmp4:
0x21c: {  	_ = 	snop;
	(pc) =	sbr.rel .LBB2_4-.Ltmp4, $4  }
0x21d: {  	s0 =	sadd.s32 s22, s0  }
0x21e: {  	s3 =	rddreg [dreg:$0x2];
	s0 =	sshrl.u32 s0, $0x3  }
0x21f: {  	s29 =	simm.s32 $0x190;
	s8 =	sadd.s32 $0x1, s8;
	s0 =	sadd.s32 s3, s0  }
0x220: {  	[tilespmem:s29], [sflag:$0xA] =	stream.linear.gather [hbm4b:s0+s5], $0x50, $0x38;
	[tilespmem:$0x1DA60] =	vst v63  }
.LBB2_10:
0x221: {  	_ =	swait.ge [sflag:s31], $0x2800  }
0x222: {  	[sflag:s31] =	ssyncset.done $0x0  }
0x223: {  	s0 =	simm.s32 $0x0;
	s4 =	simm.s32 $0x3;
	[sflag:s31] =	ssyncadd.s32 $0xFFFFD800  }
0x224: {  	s3 =	simm.s32 $0x1;
	v1 =	vmov s0;
	_ =	swait.ge [sflag:s4], $0x2800  }
0x225: {  	s21 =	simm.s32 $0x2;
	v2 =	vmov s3;
	v1 =	vand.u32 $0xFFFFFFFC, v1;
	s1 =	sld [smem:$0x7FD]  }
0x226: {  	v3 =	vmov s21;
	v2 =	vand.u32 $0xFFFFFFFD, v2;
	v1 =	vbroadcast v1, $0x0;
	[sflag:s4] =	ssyncset.done $0x0  }
0x227: {  	s28 =	simm.s32 $0xA0;
	v3 =	vand.u32 $0xFFFFFFFE, v3;
	v2 =	vbroadcast v2, $0x0;
	[sflag:s4] =	ssyncadd.s32 $0xFFFFD800  }
0x228: {  	v3 =	vbroadcast v3, $0x0;
	[tilespmem:s28], [sflag:$0x7] =	stream.linear.gather [hbm4b:s1+s0], $0x50, $0x38;
	[tilespmem:$0x1DA60] =	vst v63  }
0x229: {  	_ =	swait.ge [sflag:s10], $0x50  }
0x22a: {  	[sflag:s10] =	ssyncset.done $0x0  }
0x22b: {  	[sflag:s10] =	ssyncadd.s32 $0xFFFFFFB0  }
0x22c: {  	s1 =	simm.s32 $0x3;
	v6 =	vld.idx.msk [tilespmem:v1+s25+$0x0], $0xffff  }
0x22d: {  	v1 =	vmov s1;
	v7 =	vld.idx.msk [tilespmem:v2+s25+$0x0], $0xffff  }
0x22e: {  	s17 =	simm.s32 $0x2E0;
	v8 =	vld.idx.msk [tilespmem:v3+s25+$0x0], $0xffff  }
0x22f: {  	v2 =	vld [tilespmem:s17+$0x0]  }
0x230: {  	v3 =	vld [tilespmem:s17+$0xFFFFFF00]  }
0x231: {  	v4 =	vld [tilespmem:s17+$0xFFFFFF80]  }
0x232: {  	v5 =	vld.idx.msk [tilespmem:v1+s25+$0x0], $0xffff  }
0x233: {  	v1 =	vld [tilespmem:s17+$0x80]  }
0x234: {  	v2 =	vmul.f32 v2, v8  }
0x235: {  	s12 =	simm.s32 $0x52E0;
	v3 =	vmul.f32 v3, v6  }
0x236: {  	v4 =	vmul.f32 v4, v7;
	[tilespmem:s12+$0x0] =	vst v2  }
0x237: {  	[tilespmem:s12+$0xFFFFFF00] =	vst v3;
	v2 =	vld [tilespmem:s17+$0x10]  }
0x238: {  	[tilespmem:s12+$0xFFFFFF80] =	vst v4;
	v3 =	vld [tilespmem:s17+$0xFFFFFF10];
	v1 =	vmul.f32 v1, v5  }
0x239: {  	v4 =	vld [tilespmem:s17+$0xFFFFFF90]  }
0x23a: {  	[tilespmem:s12+$0x80] =	vst v1  }
0x23b: {  	v1 =	vld [tilespmem:s17+$0x90]  }
0x23c: {  	v2 =	vmul.f32 v2, v8  }
0x23d: {  	v3 =	vmul.f32 v3, v6  }
0x23e: {  	v4 =	vmul.f32 v4, v7;
	[tilespmem:s12+$0x10] =	vst v2  }
0x23f: {  	[tilespmem:s12+$0xFFFFFF10] =	vst v3;
	v2 =	vld [tilespmem:s17+$0x20]  }
0x240: {  	[tilespmem:s12+$0xFFFFFF90] =	vst v4;
	v3 =	vld [tilespmem:s17+$0xFFFFFF20];
	v1 =	vmul.f32 v1, v5  }
0x241: {  	v4 =	vld [tilespmem:s17+$0xFFFFFFA0]  }
0x242: {  	[tilespmem:s12+$0x90] =	vst v1  }
0x243: {  	v1 =	vld [tilespmem:s17+$0xA0]  }
0x244: {  	s3 =	simm.s32 $0x4;
	v2 =	vmul.f32 v2, v8  }
0x245: {  	s8 =	simm.s32 $0x5;
	v9 =	vmov s3;
	v3 =	vmul.f32 v3, v6  }
0x246: {  	s13 =	simm.s32 $0x7;
	v10 =	vmov s8;
	v9 =	vand.u32 $0xFFFFFFFC, v9;
	v4 =	vmul.f32 v4, v7;
	[tilespmem:s12+$0x20] =	vst v2  }
0x247: {  	v10 =	vand.u32 $0xFFFFFFFD, v10;
	v9 =	vbroadcast v9, $0x0;
	v2 =	vmov s13;
	[tilespmem:s12+$0xFFFFFF20] =	vst v3;
	v3 =	vld [tilespmem:s17+$0x30]  }
0x248: {  	v10 =	vbroadcast v10, $0x0;
	[tilespmem:s12+$0xFFFFFFA0] =	vst v4;
	v11 =	vld [tilespmem:s17+$0xFFFFFF30];
	v1 =	vmul.f32 v1, v5  }
0x249: {  	v12 =	vld [tilespmem:s17+$0xFFFFFFB0]  }
0x24a: {  	s18 =	simm.s32 $0x6;
	[tilespmem:s12+$0xA0] =	vst v1  }
0x24b: {  	v1 =	vmov s18;
	v13 =	vld [tilespmem:s17+$0xB0]  }
0x24c: {  	v4 =	vand.u32 $0xFFFFFFFE, v1;
	v1 =	vld.idx.msk [tilespmem:v2+s25+$0x0], $0xffff;
	v3 =	vmul.f32 v3, v8  }
0x24d: {  	v2 =	vld.idx.msk [tilespmem:v9+s25+$0x0], $0xffff;
	v9 =	vmul.f32 v11, v6;
	v14 =	vbroadcast v4, $0x0  }
0x24e: {  	v4 =	vld.idx.msk [tilespmem:v10+s25+$0x0], $0xffff;
	v10 =	vmul.f32 v12, v7;
	[tilespmem:s12+$0x30] =	vst v3  }
0x24f: {  	s8 =	simm.s32 $0x4E0;
	[tilespmem:s12+$0xFFFFFF30] =	vst v9;
	v9 =	vld [tilespmem:s17+$0x40]  }
0x250: {  	v12 =	vld [tilespmem:s8+$0x0];
	[tilespmem:s12+$0xFFFFFFB0] =	vst v10  }
0x251: {  	v10 =	vld [tilespmem:s17+$0xFFFFFFC0]  }
0x252: {  	v11 =	vld [tilespmem:s17+$0xFFFFFF40]  }
0x253: {  	v3 =	vld.idx.msk [tilespmem:v14+s25+$0x0], $0xffff  }
0x254: {  	v14 =	vld [tilespmem:s8+$0xFFFFFF00];
	v9 =	vmul.f32 v9, v8  }
0x255: {  	v15 =	vld [tilespmem:s8+$0xFFFFFF80];
	v13 =	vmul.f32 v13, v5  }
0x256: {  	v16 =	vld [tilespmem:s8+$0x80];
	v10 =	vmul.f32 v10, v7;
	[tilespmem:s12+$0x40] =	vst v9  }
0x257: {  	[tilespmem:s12+$0xB0] =	vst v13;
	v9 =	vmul.f32 v11, v6;
	v11 =	vld [tilespmem:s17+$0x50]  }
0x258: {  	[tilespmem:s12+$0xFFFFFFC0] =	vst v10;
	v10 =	vld [tilespmem:s17+$0xC0];
	v12 =	vmul.f32 v12, v3  }
0x259: {  	s0 =	simm.s32 $0x54E0;
	[tilespmem:s12+$0xFFFFFF40] =	vst v9;
	v9 =	vmul.f32 v14, v2;
	v13 =	vld [tilespmem:s17+$0xFFFFFFD0]  }
0x25a: {  	v14 =	vmul.f32 v15, v4;
	[tilespmem:s0+$0x0] =	vst v12;
	v12 =	vld [tilespmem:s17+$0xFFFFFF50]  }
0x25b: {  	v15 =	vmul.f32 v16, v1;
	[tilespmem:s0+$0xFFFFFF00] =	vst v9;
	v9 =	vld [tilespmem:s8+$0x10]  }
0x25c: {  	[tilespmem:s0+$0xFFFFFF80] =	vst v14;
	v16 =	vld [tilespmem:s8+$0xFFFFFF10];
	v11 =	vmul.f32 v11, v8  }
0x25d: {  	[tilespmem:s0+$0x80] =	vst v15;
	v14 =	vld [tilespmem:s8+$0xFFFFFF90];
	v10 =	vmul.f32 v10, v5  }
0x25e: {  	v15 =	vld [tilespmem:s8+$0x90];
	v13 =	vmul.f32 v13, v7;
	[tilespmem:s12+$0x50] =	vst v11  }
0x25f: {  	[tilespmem:s12+$0xC0] =	vst v10;
	v11 =	vmul.f32 v12, v6;
	v12 =	vld [tilespmem:s17+$0x60]  }
0x260: {  	[tilespmem:s12+$0xFFFFFFD0] =	vst v13;
	v10 =	vld [tilespmem:s17+$0xD0];
	v9 =	vmul.f32 v9, v3  }
0x261: {  	v13 =	vmul.f32 v16, v2;
	[tilespmem:s12+$0xFFFFFF50] =	vst v11;
	v11 =	vld [tilespmem:s17+$0xFFFFFFE0]  }
0x262: {  	v14 =	vmul.f32 v14, v4;
	[tilespmem:s0+$0x10] =	vst v9;
	v9 =	vld [tilespmem:s17+$0xFFFFFF60]  }
0x263: {  	v15 =	vmul.f32 v15, v1;
	[tilespmem:s0+$0xFFFFFF10] =	vst v13;
	v13 =	vld [tilespmem:s8+$0x20]  }
0x264: {  	[tilespmem:s0+$0xFFFFFF90] =	vst v14;
	v16 =	vld [tilespmem:s8+$0xFFFFFF20];
	v12 =	vmul.f32 v12, v8  }
0x265: {  	[tilespmem:s0+$0x90] =	vst v15;
	v10 =	vmul.f32 v10, v5  }
0x266: {  	v17 =	vld [tilespmem:s8+$0xFFFFFFA0];
	v11 =	vmul.f32 v11, v7;
	[tilespmem:s12+$0x60] =	vst v12  }
0x267: {  	v18 =	vld [tilespmem:s8+$0xA0];
	[tilespmem:s12+$0xD0] =	vst v10;
	v9 =	vmul.f32 v9, v6  }
0x268: {  	v19 =	vld [tilespmem:s17+$0x70];
	v10 =	vmul.f32 v13, v3;
	[tilespmem:s12+$0xFFFFFFE0] =	vst v11  }
0x269: {  	s21 =	simm.s32 $0x8;
	s13 =	simm.s32 $0x9;
	v20 =	vld [tilespmem:s17+$0xE0];
	v11 =	vmul.f32 v16, v2;
	[tilespmem:s12+$0xFFFFFF60] =	vst v9  }
0x26a: {  	s28 =	simm.s32 $0xB;
	v12 =	vmov s13;
	v14 =	vld [tilespmem:s17+$0xFFFFFFF0];
	v9 =	vmov s21;
	[tilespmem:s0+$0x20] =	vst v10  }
0x26b: {  	v13 =	vmul.f32 v17, v4;
	v15 =	vld [tilespmem:s17+$0xFFFFFF70];
	v9 =	vand.u32 $0xFFFFFFFC, v9;
	[tilespmem:s0+$0xFFFFFF20] =	vst v11;
	v11 =	vmov s28  }
0x26c: {  	v17 =	vmul.f32 v18, v1;
	v10 =	vand.u32 $0xFFFFFFFD, v12;
	v16 =	vld [tilespmem:s8+$0x30];
	v9 =	vbroadcast v9, $0x0  }
0x26d: {  	[tilespmem:s0+$0xFFFFFFA0] =	vst v13;
	v10 =	vbroadcast v10, $0x0;
	v12 =	vld [tilespmem:s8+$0xFFFFFF30];
	v18 =	vmul.f32 v19, v8  }
0x26e: {  	s18 =	simm.s32 $0xA;
	s13 =	simm.s32 $0xC;
	[tilespmem:s0+$0xA0] =	vst v17;
	v13 =	vld [tilespmem:s8+$0xFFFFFFB0];
	v17 =	vmul.f32 v20, v5  }
.LBB2_11:
0x26f: {  	p0 =	slt.u32 s13, $0x4C;
	v8 =	vmov s18;
	v19 =	vld [tilespmem:s8+$0xB0];
	v14 =	vmul.f32 v14, v7;
	[tilespmem:s12+$0x70] =	vst v18;
	v7 =	vmov v4  }
0x270: {  	v4 =	vand.u32 $0xFFFFFFFE, v8;
	v8 =	vld.idx.msk [tilespmem:v11+s25+$0x0], $0xffff;
	v11 =	vmul.f32 v15, v6;
	[tilespmem:s12+$0xE0] =	vst v17;
	v6 =	vmov v2  }
0x271: {  	v15 =	vbroadcast v4, $0x0;
	v16 =	vmul.f32 v16, v3;
	[tilespmem:s12+$0xFFFFFFF0] =	vst v14;
	v14 =	vld [tilespmem:s17+$0xF0];
	s17 =	smov.u32 s8  }
0x272: {  	v2 =	vld.idx.msk [tilespmem:v9+s25+$0x0], $0xffff;
	v9 =	vmul.f32 v12, v6;
	[tilespmem:s12+$0xFFFFFF70] =	vst v11  }
0x273: {  	v4 =	vld.idx.msk [tilespmem:v10+s25+$0x0], $0xffff;
	v10 =	vmul.f32 v13, v7;
	[tilespmem:s0+$0x30] =	vst v16  }
0x274: {  	[tilespmem:s0+$0xFFFFFF30] =	vst v9;
	v9 =	vld [tilespmem:s8+$0x40];
	v11 =	vmul.f32 v19, v1  }
0x275: {  	v12 =	vld [tilespmem:s8+$0xFFFFFF40];
	[tilespmem:s0+$0xFFFFFFB0] =	vst v10  }
0x276: {  	v10 =	vld [tilespmem:s8+$0xFFFFFFC0];
	[tilespmem:s0+$0xB0] =	vst v11;
	v11 =	vmul.f32 v14, v5;
	v5 =	vmov v1;
	v1 =	vmov v8  }
0x277: {  	s8 =	sadd.s32 $0x200, s8;
	v8 =	vld.idx.msk [tilespmem:v15+s25+$0x0], $0xffff  }
0x278: {  	v13 =	vld [tilespmem:s8+$0x0];
	[tilespmem:s12+$0xF0] =	vst v11;
	s12 =	smov.u32 s0  }
0x279: {  	v11 =	vld [tilespmem:s8+$0xFFFFFF00];
	v9 =	vmul.f32 v9, v3  }
0x27a: {  	v14 =	vld [tilespmem:s8+$0xFFFFFF80];
	v12 =	vmul.f32 v12, v6  }
0x27b: {  	v15 =	vld [tilespmem:s8+$0x80];
	v10 =	vmul.f32 v10, v7;
	[tilespmem:s0+$0x40] =	vst v9  }
0x27c: {  	[tilespmem:s0+$0xFFFFFF40] =	vst v12;
	v9 =	vld [tilespmem:s17+$0x50]  }
0x27d: {  	v12 =	vmul.f32 v13, v8;
	[tilespmem:s0+$0xFFFFFFC0] =	vst v10;
	v10 =	vld [tilespmem:s17+$0xC0]  }
0x27e: {  	s0 =	sadd.s32 $0x200, s0;
	v11 =	vmul.f32 v11, v2;
	v13 =	vld [tilespmem:s17+$0xFFFFFFD0]  }
0x27f: {  	v14 =	vmul.f32 v14, v4;
	[tilespmem:s0+$0x0] =	vst v12;
	v12 =	vld [tilespmem:s17+$0xFFFFFF50]  }
0x280: {  	[tilespmem:s0+$0xFFFFFF00] =	vst v11;
	v11 =	vld [tilespmem:s8+$0x10];
	v15 =	vmul.f32 v15, v1  }
0x281: {  	v16 =	vld [tilespmem:s8+$0xFFFFFF10];
	[tilespmem:s0+$0xFFFFFF80] =	vst v14;
	v9 =	vmul.f32 v9, v3  }
0x282: {  	v14 =	vld [tilespmem:s8+$0xFFFFFF90];
	[tilespmem:s0+$0x80] =	vst v15;
	v10 =	vmul.f32 v10, v5  }
0x283: {  	v15 =	vld [tilespmem:s8+$0x90];
	v13 =	vmul.f32 v13, v7;
	[tilespmem:s12+$0x50] =	vst v9  }
0x284: {  	v9 =	vmul.f32 v12, v6;
	v12 =	vld [tilespmem:s17+$0x60];
	[tilespmem:s12+$0xC0] =	vst v10  }
0x285: {  	v10 =	vmul.f32 v11, v8;
	[tilespmem:s12+$0xFFFFFFD0] =	vst v13;
	v11 =	vld [tilespmem:s17+$0xD0]  }
0x286: {  	v13 =	vmul.f32 v16, v2;
	[tilespmem:s12+$0xFFFFFF50] =	vst v9;
	v9 =	vld [tilespmem:s17+$0xFFFFFFE0]  }
0x287: {  	v14 =	vmul.f32 v14, v4;
	[tilespmem:s0+$0x10] =	vst v10;
	v10 =	vld [tilespmem:s17+$0xFFFFFF60]  }
0x288: {  	[tilespmem:s0+$0xFFFFFF10] =	vst v13;
	v13 =	vld [tilespmem:s8+$0x20];
	v15 =	vmul.f32 v15, v1  }
0x289: {  	v16 =	vld [tilespmem:s8+$0xFFFFFF20];
	[tilespmem:s0+$0xFFFFFF90] =	vst v14;
	v12 =	vmul.f32 v12, v3  }
0x28a: {  	v17 =	vld [tilespmem:s8+$0xFFFFFFA0];
	[tilespmem:s0+$0x90] =	vst v15;
	v11 =	vmul.f32 v11, v5  }
0x28b: {  	v18 =	vld [tilespmem:s8+$0xA0];
	v9 =	vmul.f32 v9, v7;
	[tilespmem:s12+$0x60] =	vst v12  }
0x28c: {  	v10 =	vmul.f32 v10, v6;
	v19 =	vld [tilespmem:s17+$0x70];
	[tilespmem:s12+$0xD0] =	vst v11  }
0x28d: {  	s3 =	sadd.s32 $0x3, s13;
	v12 =	vmul.f32 v13, v8;
	[tilespmem:s12+$0xFFFFFFE0] =	vst v9;
	v20 =	vld [tilespmem:s17+$0xE0]  }
.Ltmp5:
0x28e: {  	s18 =	sadd.s32 $0x1, s13;
	v11 =	vmov s3;
	v9 =	vmov s13;
	v13 =	vmul.f32 v16, v2;
	[tilespmem:s12+$0xFFFFFF60] =	vst v10;
	v14 =	vld [tilespmem:s17+$0xFFFFFFF0];
	(pc) =	sbr.rel @p0 .LBB2_11-.Ltmp5, $4  }
0x28f: {  	v9 =	vand.u32 $0xFFFFFFFC, v9;
	v10 =	vmov s18;
	v17 =	vmul.f32 v17, v4;
	[tilespmem:s0+$0x20] =	vst v12;
	v15 =	vld [tilespmem:s17+$0xFFFFFF70]  }
0x290: {  	v9 =	vbroadcast v9, $0x0;
	v10 =	vand.u32 $0xFFFFFFFD, v10;
	[tilespmem:s0+$0xFFFFFF20] =	vst v13;
	v16 =	vld [tilespmem:s8+$0x30];
	v21 =	vmul.f32 v18, v1  }
0x291: {  	v10 =	vbroadcast v10, $0x0;
	v12 =	vld [tilespmem:s8+$0xFFFFFF30];
	[tilespmem:s0+$0xFFFFFFA0] =	vst v17;
	v18 =	vmul.f32 v19, v3;
	v3 =	vmov v8  }
0x292: {  	s18 =	sadd.s32 $0x2, s13;
	s13 =	sadd.s32 $0x4, s13;
	v13 =	vld [tilespmem:s8+$0xFFFFFFB0];
	[tilespmem:s0+$0xA0] =	vst v21;
	v17 =	vmul.f32 v20, v5  }
0x293: {  	_ = 	snop  }
0x294: {  	v8 =	vmov s18  }
0x295: {  	v8 =	vand.u32 $0xFFFFFFFE, v8  }
0x296: {  	v19 =	vbroadcast v8, $0x0  }
0x297: {  	v9 =	vld.idx.msk [tilespmem:v9+s25+$0x0], $0xffff  }
0x298: {  	v10 =	vld.idx.msk [tilespmem:v10+s25+$0x0], $0xffff;
	s3 =	sadd.s32 $0x200, s8  }
0x299: {  	v52 =	vld [tilespmem:s3+$0x0]  }
0x29a: {  	v20 =	vld [tilespmem:s3+$0xFFFFFF80]  }
0x29b: {  	v8 =	vld.idx.msk [tilespmem:v11+s25+$0x0], $0xffff  }
0x29c: {  	v11 =	vld.idx.msk [tilespmem:v19+s25+$0x0], $0xffff  }
0x29d: {  	v22 =	vld [tilespmem:s3+$0x80]  }
0x29e: {  	v21 =	vld [tilespmem:s3+$0xFFFFFF00];
	_ =	sdelay $0x1  }
0x29f: {  	v20 =	vmul.f32 v20, v10  }
0x2a0: {  	s13 =	sadd.s32 $0x200, s0;
	v19 =	vmul.f32 v52, v11  }
0x2a1: {  	v22 =	vmul.f32 v22, v8;
	[tilespmem:s13+$0xFFFFFF80] =	vst v20  }
0x2a2: {  	v21 =	vmul.f32 v21, v9;
	v20 =	vld [tilespmem:s3+$0xFFFFFF90];
	[tilespmem:s13+$0x0] =	vst v19  }
0x2a3: {  	[tilespmem:s13+$0x80] =	vst v22;
	v19 =	vld [tilespmem:s3+$0x10]  }
0x2a4: {  	[tilespmem:s13+$0xFFFFFF00] =	vst v21;
	v22 =	vld [tilespmem:s3+$0x90]  }
0x2a5: {  	v21 =	vld [tilespmem:s3+$0xFFFFFF10];
	_ =	sdelay $0x1  }
0x2a6: {  	v53 =	vmul.f32 v20, v10  }
0x2a7: {  	[tilespmem:s12+$0xE0] =	vst v17;
	v19 =	vmul.f32 v19, v11  }
0x2a8: {  	v56 =	vmul.f32 v22, v8;
	[tilespmem:s13+$0xFFFFFF90] =	vst v53  }
0x2a9: {  	v54 =	vmul.f32 v21, v9;
	v57 =	vld [tilespmem:s3+$0xFFFFFFA0];
	[tilespmem:s13+$0x10] =	vst v19  }
0x2aa: {  	v7 =	vmul.f32 v14, v7;
	[tilespmem:s13+$0x90] =	vst v56;
	v55 =	vld [tilespmem:s3+$0x20]  }
0x2ab: {  	v6 =	vmul.f32 v15, v6;
	[tilespmem:s13+$0xFFFFFF10] =	vst v54;
	v59 =	vld [tilespmem:s3+$0xA0]  }
0x2ac: {  	v16 =	vmul.f32 v16, v3;
	[tilespmem:s12+$0xFFFFFFF0] =	vst v7;
	v58 =	vld [tilespmem:s3+$0xFFFFFF20]  }
0x2ad: {  	[tilespmem:s12+$0xFFFFFF70] =	vst v6;
	v12 =	vmul.f32 v12, v2  }
0x2ae: {  	v61 =	vld [tilespmem:s8+$0xB0];
	[tilespmem:s0+$0x30] =	vst v16;
	v62 =	vmul.f32 v57, v10  }
0x2af: {  	v17 =	vld [tilespmem:s17+$0xF0];
	[tilespmem:s0+$0xFFFFFF30] =	vst v12;
	v60 =	vmul.f32 v55, v11  }
0x2b0: {  	v22 =	vld [tilespmem:s8+$0x40];
	v15 =	vmul.f32 v59, v8;
	[tilespmem:s13+$0xFFFFFFA0] =	vst v62  }
0x2b1: {  	v14 =	vmul.f32 v58, v9;
	v63 =	vld [tilespmem:s3+$0xFFFFFFB0];
	[tilespmem:s13+$0x20] =	vst v60  }
0x2b2: {  	v13 =	vmul.f32 v13, v4;
	[tilespmem:s13+$0xA0] =	vst v15;
	v6 =	vld [tilespmem:s3+$0x30]  }
0x2b3: {  	v7 =	vmul.f32 v61, v1;
	[tilespmem:s13+$0xFFFFFF20] =	vst v14;
	v21 =	vld [tilespmem:s3+$0xB0]  }
0x2b4: {  	[tilespmem:s0+$0xFFFFFFB0] =	vst v13;
	v5 =	vmul.f32 v17, v5;
	v20 =	vld [tilespmem:s3+$0xFFFFFF30]  }
0x2b5: {  	v23 =	vld [tilespmem:s8+$0xFFFFFF40];
	[tilespmem:s0+$0xB0] =	vst v7;
	v26 =	vmul.f32 v22, v3  }
0x2b6: {  	v25 =	vld [tilespmem:s8+$0xC0];
	[tilespmem:s12+$0xF0] =	vst v5;
	v24 =	vmul.f32 v63, v10  }
0x2b7: {  	v13 =	vld [tilespmem:s8+$0xFFFFFFC0];
	[tilespmem:s0+$0x40] =	vst v26;
	v6 =	vmul.f32 v6, v11  }
0x2b8: {  	v29 =	vld [tilespmem:s8+$0x50];
	v12 =	vmul.f32 v21, v8;
	[tilespmem:s13+$0xFFFFFFB0] =	vst v24  }
0x2b9: {  	v16 =	vmul.f32 v20, v9;
	v27 =	vld [tilespmem:s3+$0xFFFFFFC0];
	[tilespmem:s13+$0x30] =	vst v6  }
0x2ba: {  	v7 =	vmul.f32 v23, v2;
	[tilespmem:s13+$0xB0] =	vst v12;
	v6 =	vld [tilespmem:s3+$0x40]  }
0x2bb: {  	v30 =	vmul.f32 v25, v1;
	[tilespmem:s13+$0xFFFFFF30] =	vst v16;
	v28 =	vld [tilespmem:s3+$0xC0]  }
0x2bc: {  	v13 =	vmul.f32 v13, v4;
	[tilespmem:s0+$0xFFFFFF40] =	vst v7;
	v16 =	vld [tilespmem:s3+$0xFFFFFF40]  }
0x2bd: {  	v32 =	vld [tilespmem:s8+$0xFFFFFF50];
	[tilespmem:s0+$0xC0] =	vst v30;
	v12 =	vmul.f32 v29, v3  }
0x2be: {  	[tilespmem:s0+$0xFFFFFFC0] =	vst v13;
	v34 =	vld [tilespmem:s8+$0xD0];
	v33 =	vmul.f32 v27, v10  }
0x2bf: {  	v31 =	vld [tilespmem:s8+$0xFFFFFFD0];
	[tilespmem:s0+$0x50] =	vst v12;
	v6 =	vmul.f32 v6, v11  }
0x2c0: {  	v37 =	vld [tilespmem:s8+$0x60];
	v5 =	vmul.f32 v28, v8;
	[tilespmem:s13+$0xFFFFFFC0] =	vst v33  }
0x2c1: {  	v16 =	vmul.f32 v16, v9;
	v13 =	vld [tilespmem:s3+$0xFFFFFFD0];
	[tilespmem:s13+$0x40] =	vst v6  }
0x2c2: {  	v35 =	vmul.f32 v32, v2;
	[tilespmem:s13+$0xC0] =	vst v5;
	v6 =	vld [tilespmem:s3+$0x50]  }
0x2c3: {  	v38 =	vmul.f32 v34, v1;
	[tilespmem:s13+$0xFFFFFF40] =	vst v16;
	v36 =	vld [tilespmem:s3+$0xD0]  }
0x2c4: {  	v7 =	vmul.f32 v31, v4;
	[tilespmem:s0+$0xFFFFFF50] =	vst v35;
	v16 =	vld [tilespmem:s3+$0xFFFFFF50]  }
0x2c5: {  	v40 =	vld [tilespmem:s8+$0xFFFFFF60];
	[tilespmem:s0+$0xD0] =	vst v38;
	v46 =	vmul.f32 v37, v3  }
0x2c6: {  	[tilespmem:s0+$0xFFFFFFD0] =	vst v7;
	v42 =	vld [tilespmem:s8+$0xE0];
	v41 =	vmul.f32 v13, v10  }
0x2c7: {  	v39 =	vld [tilespmem:s8+$0xFFFFFFE0];
	[tilespmem:s0+$0x60] =	vst v46;
	v6 =	vmul.f32 v6, v11  }
0x2c8: {  	v51 =	vld [tilespmem:s8+$0x70];
	v45 =	vmul.f32 v36, v8;
	[tilespmem:s13+$0xFFFFFFD0] =	vst v41  }
0x2c9: {  	v43 =	vmul.f32 v16, v9;
	v47 =	vld [tilespmem:s3+$0xFFFFFFE0];
	[tilespmem:s13+$0x50] =	vst v6  }
0x2ca: {  	v49 =	vmul.f32 v40, v2;
	[tilespmem:s13+$0xD0] =	vst v45;
	v44 =	vld [tilespmem:s3+$0x60]  }
0x2cb: {  	v52 =	vmul.f32 v42, v1;
	[tilespmem:s13+$0xFFFFFF50] =	vst v43;
	v50 =	vld [tilespmem:s3+$0xE0]  }
0x2cc: {  	[tilespmem:s0+$0xFFFFFF60] =	vst v49;
	v5 =	vmul.f32 v39, v4;
	v48 =	vld [tilespmem:s3+$0xFFFFFF60]  }
0x2cd: {  	[tilespmem:s0+$0xE0] =	vst v52;
	v3 =	vmul.f32 v51, v3  }
0x2ce: {  	v55 =	vld [tilespmem:s8+$0xFFFFFF70];
	[tilespmem:s0+$0xFFFFFFE0] =	vst v5;
	v56 =	vmul.f32 v47, v10  }
0x2cf: {  	v57 =	vld [tilespmem:s8+$0xF0];
	[tilespmem:s0+$0x70] =	vst v3;
	v54 =	vmul.f32 v44, v11  }
0x2d0: {  	v53 =	vld [tilespmem:s8+$0xFFFFFFF0];
	v60 =	vmul.f32 v50, v8;
	[tilespmem:s13+$0xFFFFFFE0] =	vst v56  }
0x2d1: {  	v58 =	vmul.f32 v48, v9;
	v61 =	vld [tilespmem:s3+$0xFFFFFFF0];
	[tilespmem:s13+$0x60] =	vst v54  }
0x2d2: {  	[tilespmem:s13+$0xE0] =	vst v60;
	v59 =	vld [tilespmem:s3+$0x70]  }
0x2d3: {  	v2 =	vmul.f32 v55, v2;
	[tilespmem:s13+$0xFFFFFF60] =	vst v58;
	v3 =	vld [tilespmem:s3+$0xF0]  }
0x2d4: {  	[tilespmem:s12+$0x70] =	vst v18;
	v1 =	vmul.f32 v57, v1;
	v63 =	vld [tilespmem:s3+$0xFFFFFF70]  }
0x2d5: {  	[tilespmem:s0+$0xFFFFFF70] =	vst v2;
	v62 =	vmul.f32 v53, v4  }
0x2d6: {  	[tilespmem:s0+$0xF0] =	vst v1;
	v1 =	vmul.f32 v61, v10  }
0x2d7: {  	[tilespmem:s0+$0xFFFFFFF0] =	vst v62;
	v2 =	vmul.f32 v59, v11  }
0x2d8: {  	[tilespmem:s13+$0xFFFFFFF0] =	vst v1;
	v1 =	vmul.f32 v3, v8  }
0x2d9: {  	[tilespmem:s13+$0x70] =	vst v2;
	v2 =	vmul.f32 v63, v9  }
0x2da: {  	[tilespmem:s13+$0xF0] =	vst v1  }
0x2db: {  	[tilespmem:s13+$0xFFFFFF70] =	vst v2  }
0x2dc: {  	_ =	swait.ge [sflag:s11], $0x50  }
0x2dd: {  	s1 =	simm.s32 $0x51E0;
	[sflag:s11] =	ssyncset.done $0x0  }
0x2de: {  	s12 =	simm.s32 $0xA0;
	s13 =	simm.s32 $0x4;
	[sflag:s11] =	ssyncadd.s32 $0xFFFFFFB0  }
0x2df: {  	[spmem:s29] =	stream.indirect.scatter.add.f32 [tilespmem:s1], [sflag:$0x3], $0x80, s12, s26, $0xb8;
	[tilespmem:$0x1DA60] =	vst v63  }
0x2e0: {  	_ =	swait.ge [sflag:s13], $0x2800  }
0x2e1: {  	[sflag:s13] =	ssyncset.done $0x0  }
0x2e2: {  	[sflag:s13] =	ssyncadd.s32 $0xFFFFD800  }
0x2e3: {  	_ =	swait.ge [sflag:s4], $0x2800  }
0x2e4: {  	[sflag:s4] =	ssyncset.done $0x0  }
0x2e5: {  	[sflag:s4] =	ssyncadd.s32 $0xFFFFD800  }
0x2e6: {  	[bflag:$0x0] =	sbarrier.arrive $0xFFFF  }
0x2e7: {  	s17 =	stileid.u32;
	s18 =	sld [smem:$0x7FB]  }
0x2e8: {  	s0 =	sshll.u32 s17, $0x6;
	s4 =	rddreg [dreg:$0x5]  }
0x2e9: {  	s0 =	sor.u32 $0x1C0B, s0;
	s3 =	sshrl.u32 s4, $0x3  }
0x2ea: {  	[hbm:s18], [sflag:s0] =	dma.local [spmem:s3], $0x2710  }
0x2eb: {  	_ =	swait.ge [sflag:s23], $0x2710  }
0x2ec: {  	s21 =	sld [smem:$0x7F6]  }
0x2ed: {  	s28 =	sld [smem:$0x7FC];
	_ =	sdelay $0x1  }
0x2ee: {  	s1 =	sadd.s32 $0x1, s21  }
0x2ef: {  	p0 =	sne.s32 s1, s28  }
.Ltmp6:
0x2f0: {  	_ = 	snop;
	(pc) =	sbr.rel @p0 .LBB2_1-.Ltmp6, $3  }
0x2f1: {  	_ =	sdelay $0x1  }
0x2f2: {  	[sflag:s23] =	ssyncset.done $0x0  }
0x2f3: {  	[sflag:s23] =	ssyncadd.s32 $0xFFFFD8F0  }
0x2f4: {  	_ =	sfence.sel $0x180000  }
0x2f5: {  	[bflag:$0x0] =	sbarrier.arrive $0xFFFF  }
0x2f6: {  	_ =	strace $0x90000047  }
0x2f7: {  	s0 =	stileid.u32;
	[bflag:$0x2] =	sbarrier.arrive $0xFFFF  }
0x2f8: {  	p0 =	sne.s32 s0, $0x0;
	s0 =	rddreg [dreg:$0x4]  }
0x2f9: {  	s0 =	sadd.s32 @!p0 $0x100000, s0  }
0x2fa: {  	[sflag:s0] =	ssyncadd.tile.s32 @!p0 $0x1;
	_ =	shalt  }
.Lfunc_end2:
_tile_overlayer_lowered:
.L_overlay_start_2:
0x2fb: {  	(tag) =	ssettag $0x2  }
0x2fc: {  	s0 =	rddreg [dreg:$0x0];
	s2 =	stileid.u32  }
0x2fd: {  	s1 =	rddreg [dreg:$0x1];
	p0 =	sne.s32 s2, $0x0  }
0x2fe: {  	s3 =	rddreg [dreg:$0x2];
	[bflag:$0x3] =	sbarrier.arrive $0xFFFF;
	s2 =	simm.s32 @!p0 $0x1C0B  }
0x2ff: {  	[timem:s3], [sflag:s2] =	dma.local @!p0 [hbm:s0], s1  }
0x300: {  	s0 =	simm.s32 @!p0 $0xB  }
0x301: {  	_ =	swait.ge @!p0 [sflag:s0], s1  }
0x302: {  	s1 =	ssub.s32 @!p0 $0x0, s1;
	[sflag:s0] =	ssyncset.done @!p0 $0x0  }
0x303: {  	[sflag:s0] =	ssyncadd.s32 @!p0 s1  }
0x304: {  	[bflag:$0x3] =	sbarrier.arrive $0xFFFF  }
0x305: {  	_ =	shalt  }

// kernel: kernel.9.cloned.1.call-start
scs
__scs_entry_jumppad:
0x0: {  	(pc) =	sbr.rel $0x88, $3  }
0x1: {  	(tag) =	ssettag $0x0;
	lr =	simm.s32 $0x1  }
0x2: {  	[smem:$0x3F99] =	sst lr;
	_ =	strace $0xD0000000  }
0x3: {  	_ = 	snop  }
0x4: {  	_ = 	snop  }
0x5: {  	_ = 	snop  }
0x6: {  	_ = 	snop  }
0x7: {  	_ = 	snop  }
__scs_overlays_trampoline_lowered:
0x8: {  	[smem:$0x3FA8] =	sst s0  }
0x9: {  	[smem:$0x3FA9] =	sst s1  }
0xa: {  	[smem:$0x3FAA] =	sst s2  }
0xb: {  	[smem:$0x3FAB] =	sst s3  }
0xc: {  	[smem:$0x3FAC] =	sst s4  }
0xd: {  	[smem:$0x3FAD] =	sst s5  }
0xe: {  	[smem:$0x3FAE] =	sst s6  }
0xf: {  	[smem:$0x3FAF] =	sst s7  }
0x10: {  	[smem:$0x3FB0] =	sst s8  }
0x11: {  	[smem:$0x3FB1] =	sst s9;
	s0 =	simm.s32 @!p0 $0x0  }
0x12: {  	s1 =	sld [smem:$0x3F97];
	s0 =	simm.s32 @p0 $0x1  }
0x13: {  	[smem:$0x3FB2] =	sst s0;
	s0 =	simm.s32 @!p1 $0x0  }
0x14: {  	s2 =	sld [smem:$0x3F96];
	s0 =	simm.s32 @p1 $0x1  }
0x15: {  	[smem:$0x3FB3] =	sst s0;
	s0 =	simm.s32 @!p2 $0x0  }
0x16: {  	s3 =	sld [smem:$0x3FDB];
	s0 =	simm.s32 @p2 $0x1  }
0x17: {  	s4 =	simm.s32 $0x1BF5;
	[smem:$0x3FB5] =	sst s0  }
0x18: {  	s0 =	sld [smem:$0x3F98];
	_ =	swait.ge [sflag:s4], $0x0  }
0x19: {  	s7 =	sld [smem:$0x3F99]  }
0x1a: {  	s8 =	sadd.s32 $0xFFFFE003, lr  }
0x1b: {  	s9 =	sadd.s32 $0xFFFFFEF7, lr;
	s5 =	simm.s32 $0xFFFFFFFF;
	p2 =	slt.u32 s8, $0xFFFFF086  }
0x1c: {  	p1 =	slt.u32 s9, $0xF7A;
	s5 =	simm.s32 @!p2 $0x0  }
0x1d: {  	s5 =	simm.s32 @p1 $0x1;
	p0 =	seq.s32 s7, s2  }
0x1e: {  	s7 =	smul.u32 @!p0 $0xF7A, s2;
	p2 =	seq.s32 @!p0 s5, $0x0  }
0x1f: {  	s9 =	smul.u32 $0xF7A, s1;
	s8 =	simm.s32 @!p0 $0x1BF5;
	p2 =	por !p2, p0  }
0x20: {  	[sflag:s8] =	ssyncset.s32 @!p0 $0xFFFFF086;
	s6 =	sadd.s32 @!p0 s3, s7;
	s7 =	simm.s32 @!p0 $0x108  }
0x21: {  	s3 =	sadd.s32 s3, s9;
	s6 =	sadd.s32 @!p0 $0x88, s6;
	s7 =	simm.s32 @p2 $0x1082  }
0x22: {  	[simem:s7], [sflag:s8] =	dma.local @!p0 [hbm:s6], $0xF7A  }
0x23: {  	s9 =	sor.u32 $0xD0000000, s2;
	s6 =	simm.s32 $0x108;
	_ =	swait.ge @!p0 [sflag:s8], $0x0  }
0x24: {  	s3 =	sadd.s32 $0x88, s3;
	s6 =	simm.s32 @!p1 $0x1082;
	[sflag:s4] =	ssyncset.s32 $0xFFFFF086  }
0x25: {  	[simem:s6], [sflag:s4] =	dma.local [hbm:s3], $0xF7A  }
0x26: {  	[smem:$0x3F99] =	sst s1;
	(tag) =	ssettag s2;
	_ =	strace s9  }
0x27: {  	s1 =	sld [smem:$0x3FA9]  }
0x28: {  	s2 =	sld [smem:$0x3FAA]  }
0x29: {  	s4 =	sld [smem:$0x3FAC]  }
0x2a: {  	p0 =	seq.s32 s5, $0x0;
	s5 =	sld [smem:$0x3FAD]  }
0x2b: {  	s6 =	sld [smem:$0x3FAE]  }
0x2c: {  	s7 =	sld [smem:$0x3FAF]  }
0x2d: {  	s3 =	simm.s32 $0x108;
	s8 =	sld [smem:$0x3FB0]  }
0x2e: {  	s3 =	simm.s32 @!p0 $0x1082;
	s9 =	sld [smem:$0x3FB1]  }
0x2f: {  	lr =	sadd.s32 s0, s3;
	s0 =	sld [smem:$0x3FA8]  }
0x30: {  	s3 =	sld [smem:$0x3FAB]  }
0x31: {  	[smem:$0x3FB4] =	sst s10  }
0x32: {  	s10 =	sld [smem:$0x3FB2];
	_ =	sdelay $0x3  }
0x33: {  	p0 =	seq.s32 s10, $0x1;
	s10 =	sld [smem:$0x3FB4];
	_ =	sdelay $0x3  }
0x34: {  	[smem:$0x3FB4] =	sst s10  }
0x35: {  	s10 =	sld [smem:$0x3FB3];
	_ =	sdelay $0x3  }
0x36: {  	p1 =	seq.s32 s10, $0x1;
	s10 =	sld [smem:$0x3FB4];
	_ =	sdelay $0x3  }
0x37: {  	[smem:$0x3FB4] =	sst s10  }
0x38: {  	s10 =	sld [smem:$0x3FB5]  }
0x39: {  	_ = 	snop;
	(pc) =	sbr.ind lr, $3  }
0x3a: {  	_ = 	snop  }
0x3b: {  	_ = 	snop  }
0x3c: {  	p2 =	seq.s32 s10, $0x1;
	s10 =	sld [smem:$0x3FB4]  }
0x3d: {  	_ =	shalt  }
0x3e: {  	_ =	shalt  }
0x3f: {  	_ =	shalt  }
0x40: {  	_ =	shalt  }
0x41: {  	_ =	shalt  }
0x42: {  	_ =	shalt  }
0x43: {  	_ =	shalt  }
0x44: {  	_ =	shalt  }
0x45: {  	_ =	shalt  }
0x46: {  	_ =	shalt  }
0x47: {  	_ =	shalt  }
0x48: {  	_ =	shalt  }
0x49: {  	_ =	shalt  }
0x4a: {  	_ =	shalt  }
0x4b: {  	_ =	shalt  }
0x4c: {  	_ =	shalt  }
0x4d: {  	_ =	shalt  }
0x4e: {  	_ =	shalt  }
0x4f: {  	_ =	shalt  }
0x50: {  	_ =	shalt  }
0x51: {  	_ =	shalt  }
0x52: {  	_ =	shalt  }
0x53: {  	_ =	shalt  }
0x54: {  	_ =	shalt  }
0x55: {  	_ =	shalt  }
0x56: {  	_ =	shalt  }
0x57: {  	_ =	shalt  }
0x58: {  	_ =	shalt  }
0x59: {  	_ =	shalt  }
0x5a: {  	_ =	shalt  }
0x5b: {  	_ =	shalt  }
0x5c: {  	_ =	shalt  }
0x5d: {  	_ =	shalt  }
0x5e: {  	_ =	shalt  }
0x5f: {  	_ =	shalt  }
0x60: {  	_ =	shalt  }
0x61: {  	_ =	shalt  }
0x62: {  	_ =	shalt  }
0x63: {  	_ =	shalt  }
0x64: {  	_ =	shalt  }
0x65: {  	_ =	shalt  }
0x66: {  	_ =	shalt  }
0x67: {  	_ =	shalt  }
0x68: {  	_ =	shalt  }
0x69: {  	_ =	shalt  }
0x6a: {  	_ =	shalt  }
0x6b: {  	_ =	shalt  }
0x6c: {  	_ =	shalt  }
0x6d: {  	_ =	shalt  }
0x6e: {  	_ =	shalt  }
0x6f: {  	_ =	shalt  }
0x70: {  	_ =	shalt  }
0x71: {  	_ =	shalt  }
0x72: {  	_ =	shalt  }
0x73: {  	_ =	shalt  }
0x74: {  	_ =	shalt  }
0x75: {  	_ =	shalt  }
0x76: {  	_ =	shalt  }
0x77: {  	_ =	shalt  }
0x78: {  	_ =	shalt  }
0x79: {  	_ =	shalt  }
0x7a: {  	_ =	shalt  }
0x7b: {  	_ =	shalt  }
0x7c: {  	_ =	shalt  }
0x7d: {  	_ =	shalt  }
0x7e: {  	_ =	shalt  }
0x7f: {  	_ =	shalt  }
0x80: {  	_ =	shalt  }
0x81: {  	_ =	shalt  }
0x82: {  	_ =	shalt  }
0x83: {  	_ =	shalt  }
0x84: {  	_ =	shalt  }
0x85: {  	_ =	shalt  }
0x86: {  	_ =	shalt  }
0x87: {  	_ =	shalt  }
.Lfunc_end0:
.L_simem_size_0:
called_computation.1_lowered:
.L_overlay_start_0:
0x88: {  	s2 =	sld [smem:$0x3FD9]  }
0x89: {  	s3 =	sld [smem:$0x3FFE];
	_ =	sdelay $0x1  }
0x8a: {  	s1 =	srdreg.scid  }
0x8b: {  	s0 =	sand.u32 $0x1, s1  }
0x8c: {  	s17 =	sshll.u32 s0, $0xA;
	s2 =	sadd.s32 s3, s2  }
0x8d: {  	s2 =	sadd.s32 s2, s17  }
0x8e: {  	[smem:$0x3FC0] =	sst s2  }
0x8f: {  	_ = 	snop  }
0x90: {  	s2 =	sld [smem:$0x3FC7]  }
0x91: {  	s18 =	sld [smem:$0x3FC6]  }
0x92: {  	s4 =	sld [smem:$0x3FD0];
	(tm) =	ssettm $0x1  }
0x93: {  	s5 =	sld [smem:$0x3FFB];
	_ =	sdelay $0x3  }
0x94: {  	_ =	strace s5  }
0x95: {  	s5 =	sld [smem:$0x3FFC];
	_ =	sdelay $0x3  }
0x96: {  	_ =	strace s5  }
0x97: {  	s5 =	sld [smem:$0x3FFD];
	_ =	sdelay $0x3  }
0x98: {  	_ =	strace s5  }
0x99: {  	_ =	strace $0x8FFFFFFF  }
0x9a: {  	s19 =	sld [smem:$0x3FDB];
	_ =	sdelay $0x1  }
0x9b: {  	s6 =	simm.s32 $_scs_section_size  }
0x9c: {  	s7 =	simm.s32 $_size__tile_overlayer_lowered;
	s8 =	simm.s32 $_tile_overlayer_lowered  }
0x9d: {  	s22 =	simm.s32 $0x1BFF;
	s21 =	sshll.u32 s8, $0x1;
	s5 =	sadd.s32 s6, s19  }
0x9e: {  	s9 =	simm.s32 $0x0;
	s20 =	sshll.u32 s7, $0x1;
	s7 =	sadd.s32 s21, s5  }
0x9f: {  	[timem:s9], [sflag:s22] =	dma.local [hbm:s7], s20  }
0xa0: {  	_ =	swait.ge [sflag:s22], s20  }
0xa1: {  	s6 =	ssub.s32 $0x0, s20;
	[sflag:s22] =	ssyncset.done $0x0  }
0xa2: {  	[sflag:s22] =	ssyncadd.s32 s6;
	_ =	sdelay $0x1  }
0xa3: {  	s23 =	simm.s32 $0x1B8B  }
0xa4: {  	_ =	swait.ge [sflag:s23], $0x1  }
0xa5: {  	[sflag:s23] =	ssyncset.done $0x0  }
0xa6: {  	s25 =	simm.s32 $0x1B8E;
	s24 =	sld [smem:$0x3FFE];
	[sflag:s23] =	ssyncadd.s32 $0xFFFFFFFF  }
0xa7: {  	s26 =	simm.s32 $execute0_lowered;
	[smem:$0x3FD2] =	sst s25  }
0xa8: {  	s7 =	sshll.u32 s26, $0x1;
	_ =	strace $0x80000049;
	[dreg:$0x1] =	wrdreg $0xFFFFFFFF  }
0xa9: {  	s28 =	simm.s32 $_size_execute0_lowered;
	s5 =	sadd.s32 s5, s7;
	[dreg:$0x0] =	wrdreg $0x0  }
0xaa: {  	s7 =	sshll.u32 s28, $0x1;
	[dreg:$0x2] =	wrdreg s5  }
0xab: {  	[dreg:$0x3] =	wrdreg s7  }
0xac: {  	[dreg:$0x4] =	wrdreg $0xC0  }
0xad: {  	_ =	task [dreg:s9], $0x5FFFF  }
0xae: {  	[dreg:$0x1] =	wrdreg $0xFFFFFFFF  }
0xaf: {  	[dreg:$0x0] =	wrdreg $0x60  }
0xb0: {  	[dreg:$0x2] =	wrdreg s24  }
0xb1: {  	[dreg:$0x3] =	wrdreg s2  }
0xb2: {  	[dreg:$0x4] =	wrdreg s18  }
0xb3: {  	[dreg:$0x5] =	wrdreg s4  }
0xb4: {  	[dreg:$0x6] =	wrdreg $0xC4900  }
0xb5: {  	[dreg:$0x7] =	wrdreg $0x9  }
0xb6: {  	_ =	task.clear_ibuf [dreg:s9], $0x8FFFF;
	_ =	strace $0x90000049  }
0xb7: {  	s29 =	simm.s32 $0x9;
	_ =	strace $0x8000004B  }
0xb8: {  	_ =	swait.ge [sflag:s29], $0x1  }
0xb9: {  	[sflag:s29] =	ssyncadd.s32 $0xFFFFFFFF  }
0xba: {  	_ =	strace $0x9000004B  }
0xbb: {  	_ =	sfence  }
0xbc: {  	s30 =	sld [smem:$0x0];
	_ =	sdelay $0x2  }
0xbd: {  	s31 =	sshll.u32 s1, $0xD;
	s1 =	sshrl.u32 s1, $0x2  }
0xbe: {  	s3 =	sand.u32 $0x4000, s31;
	s1 =	sadd.s32 s1, s30  }
0xbf: {  	s0 =	sor.u32 s3, s0;
	s1 =	sshll.u32 s1, $0x11  }
0xc0: {  	s0 =	sor.u32 s1, s0  }
0xc1: {  	s0 =	sadd.s32 $0x8F2B, s0  }
0xc2: {  	[sflag:s0] =	ssyncadd.remote.s32 $0x1  }
0xc3: {  	_ =	sfence.sel $0xFFFF  }
0xc4: {  	[dreg:$0x0] =	wrdreg $0xFFFFFFFF;
	(pc) =	sbr.abs _section_cstart, $3  }
0xc5: {  	[dreg:$0x1] =	wrdreg $0xFFFFFFFF  }
0xc6: {  	_ =	task.clear_ibuf [dreg:s9], $0x2FFFF;
	_ =	strace $0x9FFFFFFF  }
0xc7: {  	(tm) =	ssettm $0x7FFFFFFF  }
tec
execute0_lowered:
.L_overlay_start_1:
0x0: {  	(tag) =	ssettag $0x1  }
0x1: {  	s5 =	rddreg [dreg:$0x0]  }
0x2: {  	s7 =	rddreg [dreg:$0x1]  }
0x3: {  	s0 =	rddreg [dreg:$0x2]  }
0x4: {  	s8 =	rddreg [dreg:$0x3];
	s1 =	srdreg.scid  }
0x5: {  	s10 =	stileid.u32;
	s2 =	rddreg [dreg:$0x4];
	s3 =	simm.s32 $0x0  }
0x6: {  	s14 =	simm.s32 $0x9C40;
	s15 =	simm.s32 $0x50;
	s16 =	simm.s32 $0xC3F0  }
0x7: {  	s17 =	simm.s32 $0xC350;
	s18 =	simm.s32 $0xC440;
	s19 =	simm.s32 $0xC3A0  }
0x8: {  	s20 =	simm.s32 $0x1;
	s21 =	simm.s32 $0x2;
	s23 =	simm.s32 $0x0  }
0x9: {  	s9 =	sand.u32 $0x1, s1;
	s4 =	sshll.u32 s10, $0x1;
	s1 =	rddreg [dreg:$0x5]  }
0xa: {  	[smem:$0x7FF] =	sst s3;
	p0 =	sne.s32 s10, $0x0;
	s10 =	simm.s32 $0x3  }
0xb: {  	s4 =	sor.u32 s9, s4;
	s6 =	ssub.s32 $0x2, s9;
	_ =	strace $0x8000004A  }
0xc: {  	s9 =	sshll.u32 s9, $0x3;
	s22 =	sshrl.u32 @!p0 s2, $0x3;
	s11 =	smul.u32 $0x4E2, s4  }
0xd: {  	s12 =	sshrl.u32 s6, $0x1;
	s4 =	sadd.s32 $0x14200, s5;
	s8 =	sadd.s32 s8, s9  }
0xe: {  	s12 =	ssub.s32 s6, s12;
	s13 =	sadd.s32 s11, s5;
	s7 =	sadd.s32 s7, s11  }
0xf: {  	s9 =	smax.u32 s12, $0x1;
	s11 =	simm.s32 $0x2710;
	s12 =	simm.s32 $0x4E20  }
0x10: {  	v0 =	vimm.f32 $0.0e+00;
	s5 =	sadd.s32 $0xA400, s13;
	s6 =	sadd.s32 $0x600, s13;
	s13 =	simm.s32 $0x7530  }
.LBB2_1:
0x11: {  	[tilespmem:s3], [sflag:$0x3] =	stream.linear.gather [hbm4b:s4+s3], $0x2710, $0x38;
	[tilespmem:$0xC498] =	vst v63  }
0x12: {  	_ =	swait.ge [sflag:s10], $0x2710  }
0x13: {  	[sflag:s10] =	ssyncset.done $0x0  }
0x14: {  	[sflag:s10] =	ssyncadd.s32 $0xFFFFD8F0  }
0x15: {  	[tilespmem:s11], [sflag:$0x3] =	stream.linear.gather [hbm4b:s0+s3], $0x2710, $0x38;
	[tilespmem:$0xC498] =	vst v63  }
0x16: {  	_ =	swait.ge [sflag:s10], $0x2710  }
0x17: {  	[sflag:s10] =	ssyncset.done $0x0  }
0x18: {  	[sflag:s10] =	ssyncadd.s32 $0xFFFFD8F0  }
0x19: {  	[tilespmem:s12], [sflag:$0x3] =	stream.linear.gather [hbm4b:s5+s3], $0x2710, $0x38;
	[tilespmem:$0xC498] =	vst v63  }
0x1a: {  	_ =	swait.ge [sflag:s10], $0x2710  }
0x1b: {  	[sflag:s10] =	ssyncset.done $0x0  }
0x1c: {  	[sflag:s10] =	ssyncadd.s32 $0xFFFFD8F0  }
0x1d: {  	[tilespmem:s13], [sflag:$0x3] =	stream.linear.gather [hbm4b:s6+s3], $0x2710, $0x38;
	[tilespmem:$0xC498] =	vst v63  }
0x1e: {  	_ =	swait.ge [sflag:s10], $0x2710  }
0x1f: {  	[sflag:s10] =	ssyncset.done $0x0  }
0x20: {  	[sflag:s10] =	ssyncadd.s32 $0xFFFFD8F0  }
0x21: {  	[tilespmem:s14], [sflag:$0x3] =	stream.linear.gather [hbm4b:s7+s3], $0x2710, $0x38;
	[tilespmem:$0xC498] =	vst v63  }
0x22: {  	_ =	swait.ge [sflag:s10], $0x2710  }
0x23: {  	[sflag:s10] =	ssyncset.done $0x0  }
0x24: {  	[sflag:s10] =	ssyncadd.s32 $0xFFFFD8F0  }
0x25: {  	[tilespmem:$0xC350] =	vst v0  }
0x26: {  	[tilespmem:$0xC360] =	vst v0  }
0x27: {  	[tilespmem:$0xC370] =	vst v0  }
0x28: {  	s24 =	simm.s32 @!p0 $0xC350;
	[tilespmem:$0xC380] =	vst v0  }
0x29: {  	[spmem:s2] =	stream.linear.scatter @!p0 [tilespmem:s24], [sflag:$0x3], $0x40, $0x38;
	[tilespmem:$0xC498] =	vst v63  }
0x2a: {  	s24 =	simm.s32 @!p0 $0x3  }
0x2b: {  	_ =	swait.ge @!p0 [sflag:s24], $0x40  }
0x2c: {  	[sflag:s24] =	ssyncset.done @!p0 $0x0  }
0x2d: {  	[sflag:s24] =	ssyncadd.s32 @!p0 $0xFFFFFFC0  }
0x2e: {  	s24 =	simm.s32 $0x0;
	[bflag:$0x0] =	sbarrier.arrive $0xFFFF  }
.LBB2_2:
0x2f: {  	p1 =	seq.s32 s24, $0x0  }
0x30: {  	s25 =	simm.s32 @!p1 $0x1  }
0x31: {  	_ =	swait.ge @!p1 [sflag:s25], $0x50  }
0x32: {  	[sflag:s25] =	ssyncset.done @!p1 $0x0  }
0x33: {  	s31 =	sshra.s32 s24, $0x2;
	[sflag:s25] =	ssyncadd.s32 @!p1 $0xFFFFFFB0  }
0x34: {  	v1 =	vld [tilespmem:s31+$0x4E20];
	_ =	sdelay $0x5  }
0x35: {  	v2 =	vld [tilespmem:s31+$0x7530]  }
0x36: {  	v3 =	vld [tilespmem:s31+$0x9C40]  }
0x37: {  	v1 =	vld.idx.msk [tilespmem:v1+s3+$0x0], $0xffff;
	_ =	sdelay $0x4  }
0x38: {  	v1 =	vmul.f32 v3, v1;
	_ =	sdelay $0x1  }
0x39: {  	[tilespmem:$0xC350] =	vst v1  }
0x3a: {  	v1 =	vld.idx.msk [tilespmem:v2+s11+$0x0], $0xffff;
	_ =	sdelay $0x4  }
0x3b: {  	[tilespmem:$0xC3F0] =	vst v1  }
0x3c: {  	v1 =	vld [tilespmem:s31+$0x4E30];
	_ =	sdelay $0x5  }
0x3d: {  	v2 =	vld [tilespmem:s31+$0x7540]  }
0x3e: {  	v3 =	vld [tilespmem:s31+$0x9C50]  }
0x3f: {  	v1 =	vld.idx.msk [tilespmem:v1+s3+$0x0], $0xffff;
	_ =	sdelay $0x4  }
0x40: {  	v1 =	vmul.f32 v3, v1;
	_ =	sdelay $0x1  }
0x41: {  	[tilespmem:$0xC360] =	vst v1  }
0x42: {  	v1 =	vld.idx.msk [tilespmem:v2+s11+$0x0], $0xffff;
	_ =	sdelay $0x4  }
0x43: {  	[tilespmem:$0xC400] =	vst v1  }
0x44: {  	v1 =	vld [tilespmem:s31+$0x4E40];
	_ =	sdelay $0x5  }
0x45: {  	v2 =	vld [tilespmem:s31+$0x7550]  }
0x46: {  	v3 =	vld [tilespmem:s31+$0x9C60]  }
0x47: {  	v1 =	vld.idx.msk [tilespmem:v1+s3+$0x0], $0xffff;
	_ =	sdelay $0x4  }
0x48: {  	v1 =	vmul.f32 v3, v1;
	_ =	sdelay $0x1  }
0x49: {  	[tilespmem:$0xC370] =	vst v1  }
0x4a: {  	v1 =	vld.idx.msk [tilespmem:v2+s11+$0x0], $0xffff;
	_ =	sdelay $0x4  }
0x4b: {  	[tilespmem:$0xC410] =	vst v1  }
0x4c: {  	v1 =	vld [tilespmem:s31+$0x4E50];
	_ =	sdelay $0x5  }
0x4d: {  	v2 =	vld [tilespmem:s31+$0x7560]  }
0x4e: {  	v3 =	vld [tilespmem:s31+$0x9C70]  }
0x4f: {  	v1 =	vld.idx.msk [tilespmem:v1+s3+$0x0], $0xffff;
	_ =	sdelay $0x4  }
0x50: {  	v1 =	vmul.f32 v3, v1;
	_ =	sdelay $0x1  }
0x51: {  	[tilespmem:$0xC380] =	vst v1  }
0x52: {  	v1 =	vld.idx.msk [tilespmem:v2+s11+$0x0], $0xffff;
	_ =	sdelay $0x4  }
0x53: {  	[tilespmem:$0xC420] =	vst v1  }
0x54: {  	v1 =	vld [tilespmem:s31+$0x4E60];
	_ =	sdelay $0x5  }
0x55: {  	v2 =	vld [tilespmem:s31+$0x7570]  }
0x56: {  	v3 =	vld [tilespmem:s31+$0x9C80]  }
0x57: {  	v1 =	vld.idx.msk [tilespmem:v1+s3+$0x0], $0xffff;
	_ =	sdelay $0x4  }
0x58: {  	v1 =	vmul.f32 v3, v1;
	_ =	sdelay $0x1  }
0x59: {  	[tilespmem:$0xC390] =	vst v1  }
0x5a: {  	v1 =	vld.idx.msk [tilespmem:v2+s11+$0x0], $0xffff;
	_ =	sdelay $0x4  }
0x5b: {  	s26 =	simm.s32 @!p1 $0x2;
	[tilespmem:$0xC430] =	vst v1  }
0x5c: {  	[spmem:s2] =	stream.indirect.scatter.add.f32 [tilespmem:s17], [sflag:$0x1], $0x1, s16, s15, $0xb8;
	[tilespmem:$0xC498] =	vst v63  }
0x5d: {  	_ =	swait.ge @!p1 [sflag:s26], $0x50  }
0x5e: {  	[sflag:s26] =	ssyncset.done @!p1 $0x0  }
0x5f: {  	[sflag:s26] =	ssyncadd.s32 @!p1 $0xFFFFFFB0  }
0x60: {  	v1 =	vld [tilespmem:s31+$0x4E70];
	_ =	sdelay $0x5  }
0x61: {  	v2 =	vld [tilespmem:s31+$0x7580]  }
0x62: {  	v3 =	vld [tilespmem:s31+$0x9C90]  }
0x63: {  	v1 =	vld.idx.msk [tilespmem:v1+s3+$0x0], $0xffff;
	_ =	sdelay $0x4  }
0x64: {  	v1 =	vmul.f32 v3, v1;
	_ =	sdelay $0x1  }
0x65: {  	[tilespmem:$0xC3A0] =	vst v1  }
0x66: {  	v1 =	vld.idx.msk [tilespmem:v2+s11+$0x0], $0xffff;
	_ =	sdelay $0x4  }
0x67: {  	[tilespmem:$0xC440] =	vst v1  }
0x68: {  	v1 =	vld [tilespmem:s31+$0x4E80];
	_ =	sdelay $0x5  }
0x69: {  	v2 =	vld [tilespmem:s31+$0x7590]  }
0x6a: {  	v3 =	vld [tilespmem:s31+$0x9CA0]  }
0x6b: {  	v1 =	vld.idx.msk [tilespmem:v1+s3+$0x0], $0xffff;
	_ =	sdelay $0x4  }
0x6c: {  	v1 =	vmul.f32 v3, v1;
	_ =	sdelay $0x1  }
0x6d: {  	[tilespmem:$0xC3B0] =	vst v1  }
0x6e: {  	v1 =	vld.idx.msk [tilespmem:v2+s11+$0x0], $0xffff;
	_ =	sdelay $0x4  }
0x6f: {  	[tilespmem:$0xC450] =	vst v1  }
0x70: {  	v1 =	vld [tilespmem:s31+$0x4E90];
	_ =	sdelay $0x5  }
0x71: {  	v2 =	vld [tilespmem:s31+$0x75A0]  }
0x72: {  	v3 =	vld [tilespmem:s31+$0x9CB0]  }
0x73: {  	v1 =	vld.idx.msk [tilespmem:v1+s3+$0x0], $0xffff;
	_ =	sdelay $0x4  }
0x74: {  	v1 =	vmul.f32 v3, v1;
	_ =	sdelay $0x1  }
0x75: {  	[tilespmem:$0xC3C0] =	vst v1  }
0x76: {  	v1 =	vld.idx.msk [tilespmem:v2+s11+$0x0], $0xffff;
	_ =	sdelay $0x4  }
0x77: {  	[tilespmem:$0xC460] =	vst v1  }
0x78: {  	v1 =	vld [tilespmem:s31+$0x4EA0];
	_ =	sdelay $0x5  }
0x79: {  	v2 =	vld [tilespmem:s31+$0x75B0]  }
0x7a: {  	v3 =	vld [tilespmem:s31+$0x9CC0]  }
0x7b: {  	v1 =	vld.idx.msk [tilespmem:v1+s3+$0x0], $0xffff;
	_ =	sdelay $0x4  }
0x7c: {  	v1 =	vmul.f32 v3, v1;
	_ =	sdelay $0x1  }
0x7d: {  	[tilespmem:$0xC3D0] =	vst v1  }
0x7e: {  	v1 =	vld.idx.msk [tilespmem:v2+s11+$0x0], $0xffff;
	_ =	sdelay $0x4  }
0x7f: {  	[tilespmem:$0xC470] =	vst v1  }
0x80: {  	v1 =	vld [tilespmem:s31+$0x4EB0];
	_ =	sdelay $0x5  }
0x81: {  	v2 =	vld [tilespmem:s31+$0x75C0]  }
0x82: {  	v3 =	vld [tilespmem:s31+$0x9CD0]  }
0x83: {  	v1 =	vld.idx.msk [tilespmem:v1+s3+$0x0], $0xffff;
	_ =	sdelay $0x4  }
0x84: {  	v1 =	vmul.f32 v3, v1;
	_ =	sdelay $0x1  }
0x85: {  	[tilespmem:$0xC3E0] =	vst v1  }
0x86: {  	s24 =	sadd.s32 $0x280, s24;
	v1 =	vld.idx.msk [tilespmem:v2+s11+$0x0], $0xffff  }
0x87: {  	p1 =	sne.s32 s24, $0x9B00  }
.Ltmp0:
0x88: {  	_ = 	snop;
	(pc) =	sbr.rel @p1 .LBB2_2-.Ltmp0, $3  }
0x89: {  	_ =	sdelay $0x1  }
0x8a: {  	[tilespmem:$0xC480] =	vst v1  }
0x8b: {  	[spmem:s2] =	stream.indirect.scatter.add.f32 [tilespmem:s19], [sflag:$0x2], $0x1, s18, s15, $0xb8;
	[tilespmem:$0xC498] =	vst v63  }
0x8c: {  	_ =	swait.ge [sflag:s20], $0x50  }
0x8d: {  	[sflag:s20] =	ssyncset.done $0x0  }
0x8e: {  	[sflag:s20] =	ssyncadd.s32 $0xFFFFFFB0  }
0x8f: {  	v1 =	vld [tilespmem:$0x74E0];
	_ =	sdelay $0x5  }
0x90: {  	v2 =	vld [tilespmem:$0x9BF0]  }
0x91: {  	v3 =	vld [tilespmem:$0xC300]  }
0x92: {  	v1 =	vld.idx.msk [tilespmem:v1+s3+$0x0], $0xffff;
	_ =	sdelay $0x4  }
0x93: {  	v1 =	vmul.f32 v3, v1  }
0x94: {  	v3 =	vld [tilespmem:$0x74F0]  }
0x95: {  	[tilespmem:$0xC350] =	vst v1  }
0x96: {  	v1 =	vld.idx.msk [tilespmem:v2+s11+$0x0], $0xffff;
	_ =	sdelay $0x4  }
0x97: {  	[tilespmem:$0xC3F0] =	vst v1;
	v1 =	vld [tilespmem:$0x9C00]  }
0x98: {  	v2 =	vld.idx.msk [tilespmem:v3+s3+$0x0], $0xffff  }
0x99: {  	v3 =	vld [tilespmem:$0xC310];
	_ =	sdelay $0x4  }
0x9a: {  	v2 =	vmul.f32 v3, v2  }
0x9b: {  	v3 =	vld [tilespmem:$0x7500]  }
0x9c: {  	[tilespmem:$0xC360] =	vst v2  }
0x9d: {  	v1 =	vld.idx.msk [tilespmem:v1+s11+$0x0], $0xffff;
	_ =	sdelay $0x4  }
0x9e: {  	[tilespmem:$0xC400] =	vst v1;
	v1 =	vld [tilespmem:$0x9C10]  }
0x9f: {  	v2 =	vld.idx.msk [tilespmem:v3+s3+$0x0], $0xffff  }
0xa0: {  	v3 =	vld [tilespmem:$0xC320];
	_ =	sdelay $0x4  }
0xa1: {  	v2 =	vmul.f32 v3, v2  }
0xa2: {  	v3 =	vld [tilespmem:$0x7510]  }
0xa3: {  	[tilespmem:$0xC370] =	vst v2  }
0xa4: {  	v1 =	vld.idx.msk [tilespmem:v1+s11+$0x0], $0xffff;
	_ =	sdelay $0x4  }
0xa5: {  	[tilespmem:$0xC410] =	vst v1;
	v1 =	vld [tilespmem:$0x9C20]  }
0xa6: {  	v2 =	vld.idx.msk [tilespmem:v3+s3+$0x0], $0xffff  }
0xa7: {  	v3 =	vld [tilespmem:$0xC330];
	_ =	sdelay $0x4  }
0xa8: {  	v2 =	vmul.f32 v3, v2  }
0xa9: {  	v3 =	vld [tilespmem:$0x7520]  }
0xaa: {  	[tilespmem:$0xC380] =	vst v2  }
0xab: {  	v1 =	vld.idx.msk [tilespmem:v1+s11+$0x0], $0xffff;
	_ =	sdelay $0x4  }
0xac: {  	[tilespmem:$0xC420] =	vst v1;
	v1 =	vld [tilespmem:$0x9C30]  }
0xad: {  	v2 =	vld.idx.msk [tilespmem:v3+s3+$0x0], $0xffff  }
0xae: {  	v3 =	vld [tilespmem:$0xC340];
	_ =	sdelay $0x4  }
0xaf: {  	v2 =	vmul.f32 v3, v2;
	_ =	sdelay $0x1  }
0xb0: {  	[tilespmem:$0xC390] =	vst v2  }
0xb1: {  	v1 =	vld.idx.msk [tilespmem:v1+s11+$0x0], $0xffff;
	_ =	sdelay $0x4  }
0xb2: {  	[tilespmem:$0xC430] =	vst v1  }
0xb3: {  	[spmem:s2] =	stream.indirect.scatter.add.f32 [tilespmem:s17], [sflag:$0x1], $0x1, s16, s15, $0xb8;
	[tilespmem:$0xC498] =	vst v63  }
0xb4: {  	_ =	swait.ge [sflag:s21], $0x50  }
0xb5: {  	[sflag:s21] =	ssyncset.done $0x0  }
0xb6: {  	[sflag:s21] =	ssyncadd.s32 $0xFFFFFFB0  }
0xb7: {  	_ =	swait.ge [sflag:s20], $0x50  }
0xb8: {  	[sflag:s20] =	ssyncset.done $0x0  }
0xb9: {  	s23 =	sadd.s32 $0x1, s23;
	[sflag:s20] =	ssyncadd.s32 $0xFFFFFFB0  }
0xba: {  	s24 =	simm.s32 @!p0 $0x1C03;
	p1 =	sne.s32 s23, s9;
	[bflag:$0x0] =	sbarrier.arrive $0xFFFF  }
0xbb: {  	[hbm:s8], [sflag:s24] =	dma.local @!p0 [spmem:s22], $0x8  }
.Ltmp1:
0xbc: {  	_ = 	snop;
	(pc) =	sbr.rel @p1 .LBB2_1-.Ltmp1, $4  }
0xbd: {  	s24 =	simm.s32 @!p0 $0x3  }
0xbe: {  	_ =	swait.ge @!p0 [sflag:s24], $0x8  }
0xbf: {  	[sflag:s24] =	ssyncset.done @!p0 $0x0  }
0xc0: {  	[sflag:s24] =	ssyncadd.s32 @!p0 $0xFFFFFFF8  }
0xc1: {  	_ =	sfence.sel $0x180000  }
0xc2: {  	[bflag:$0x0] =	sbarrier.arrive $0xFFFF  }
0xc3: {  	_ =	strace $0x9000004A  }
0xc4: {  	s0 =	sadd.s32 @!p0 $0x100000, s1;
	[bflag:$0x2] =	sbarrier.arrive $0xFFFF  }
0xc5: {  	[sflag:s0] =	ssyncadd.tile.s32 @!p0 $0x1;
	_ =	shalt  }
.Lfunc_end2:
_tile_overlayer_lowered:
.L_overlay_start_2:
0xc6: {  	(tag) =	ssettag $0x2  }
0xc7: {  	s0 =	rddreg [dreg:$0x0];
	s2 =	stileid.u32  }
0xc8: {  	s1 =	rddreg [dreg:$0x1];
	p0 =	sne.s32 s2, $0x0  }
0xc9: {  	s3 =	rddreg [dreg:$0x2];
	[bflag:$0x3] =	sbarrier.arrive $0xFFFF;
	s2 =	simm.s32 @!p0 $0x1C03  }
0xca: {  	[timem:s3], [sflag:s2] =	dma.local @!p0 [hbm:s0], s1  }
0xcb: {  	s0 =	simm.s32 @!p0 $0x3  }
0xcc: {  	_ =	swait.ge @!p0 [sflag:s0], s1  }
0xcd: {  	s1 =	ssub.s32 @!p0 $0x0, s1;
	[sflag:s0] =	ssyncset.done @!p0 $0x0  }
0xce: {  	[sflag:s0] =	ssyncadd.s32 @!p0 s1  }
0xcf: {  	[bflag:$0x3] =	sbarrier.arrive $0xFFFF  }
0xd0: {  	_ =	shalt  }

</sc_bundles>
